<compile_context>
chip_gen: v7x
topology: tpu7x:2x2x1
jax: 0.10.2.dev20260603
libtpu: 0.0.44.dev20260713+nightly
codegen_flags: <defaults>
</compile_context>

<pallas_src>
import functools

import jax
import jax.numpy as jnp
from jax import lax
from jax.experimental import pallas as pl
from jax.experimental.pallas import tpu as pltpu
from jax.experimental.pallas import tpu_sc as plsc

N = 262144
MAX_RES = 512
MIN_RES = 16
MIN_R = 0.08
MAX_R = 0.5
L = 6

_DIFF_OFF = 2096640
_TTOT = 2098176
_T3 = 3 * _TTOT
_SIZES3 = [6 * (512 >> l) * (512 >> l) * 3 for l in range(L)] + [4608]
_OFFS3 = [3 * (2097152 - (2097152 >> (2 * l))) for l in range(L)] + [3 * _DIFF_OFF]

NW = 32
RAYS_PER_W = N // NW
C = 256
NG = C // 16
NCHUNK = RAYS_PER_W // C
ISLOTS = 12 * C
GSLOTS = 36 * C
DMA_B = 512
NDMA = ISLOTS // DMA_B


def _face_uv(x, y, z):
    ax, ay, az = jnp.abs(x), jnp.abs(y), jnp.abs(z)
    cx = (ax >= ay) & (ax >= az)
    cy = ((ax < ay) | (ax < az)) & (ay >= az)
    ma = jnp.maximum(jnp.where(cx, ax, jnp.where(cy, ay, az)), 1e-12)
    face = jnp.where(cx, jnp.where(x > 0, 0, 1),
                     jnp.where(cy, jnp.where(y > 0, 2, 3),
                               jnp.where(z > 0, 4, 5))).astype(jnp.int32)
    sc = jnp.where(cx, jnp.where(x > 0, -z, z),
                   jnp.where(cy, x, jnp.where(z > 0, x, -x)))
    tc = jnp.where(cx, -y, jnp.where(cy, jnp.where(y > 0, z, -z), -y))
    u = 0.5 * (sc / ma + 1.0)
    v = 0.5 * (tc / ma + 1.0)
    return face, u, v


def _bilerp_diffuse_idx(face, u, v):
    R = 16
    fu = u * float(R) - 0.5
    fv = v * float(R) - 0.5
    u0 = jnp.clip(fu.astype(jnp.int32), 0, R - 1)
    v0 = jnp.clip(fv.astype(jnp.int32), 0, R - 1)
    du = jnp.minimum(u0 + 1, R - 1) - u0
    dv = jnp.minimum(v0 + 1, R - 1) - v0
    wu = jnp.clip(fu - u0.astype(jnp.float32), 0.0, 1.0)
    wv = jnp.clip(fv - v0.astype(jnp.float32), 0.0, 1.0)
    i00 = _DIFF_OFF + face * (R * R) + v0 * R + u0
    i01 = i00 + du
    i10 = i00 + dv * R
    i11 = i10 + du
    return i00, i01, i10, i11, wu, wv


def _bilerp_mip_idx(face, u, v, lvl):
    sh1 = 9 - lvl
    sh2 = 18 - 2 * lvl
    Ri = jnp.left_shift(1, sh1)
    Rm1 = Ri - 1
    Rf = Ri.astype(jnp.float32)
    fu = u * Rf - 0.5
    fv = v * Rf - 0.5
    u0 = jnp.clip(fu.astype(jnp.int32), 0, Rm1)
    v0 = jnp.clip(fv.astype(jnp.int32), 0, Rm1)
    du = jnp.minimum(u0 + 1, Rm1) - u0
    dv = jnp.minimum(v0 + 1, Rm1) - v0
    wu = jnp.clip(fu - u0.astype(jnp.float32), 0.0, 1.0)
    wv = jnp.clip(fv - v0.astype(jnp.float32), 0.0, 1.0)
    off = 2097152 - jnp.right_shift(2097152, 2 * lvl)
    i00 = off + jnp.left_shift(face, sh2) + jnp.left_shift(v0, sh1) + u0
    i01 = i00 + du
    i10 = i00 + jnp.left_shift(dv, sh1)
    i11 = i10 + du
    return i00, i01, i10, i11, wu, wv


def _get_mip(r):
    return jnp.where(
        r < MAX_R,
        (jnp.clip(r, MIN_R, MAX_R) - MIN_R) / (MAX_R - MIN_R) * (L - 2),
        (jnp.clip(r, MAX_R, 1.0) - MAX_R) / (1.0 - MAX_R) + (L - 2))


def _sc_body(rays_hbm, tab_r, tab_g, tab_b, out_hbm,
             rays_v0, rays_v1, idx_v0, idx_v1, rows_v0, rows_v1,
             w_v0, w_v1, out_v0, out_v1, gsem0, gsem1):
    core = lax.axis_index("c")
    sub = lax.axis_index("s")
    wid = sub * 2 + core
    base0 = wid * RAYS_PER_W
    rays_vs = (rays_v0, rays_v1)
    idx_vs = (idx_v0, idx_v1)
    rows_vs = (rows_v0, rows_v1)
    w_vs = (w_v0, w_v1)
    out_vs = (out_v0, out_v1)
    gsems = (gsem0, gsem1)

    def run_stage1(b):
        rays_v, idx_v, w_v = rays_vs[b], idx_vs[b], w_vs[b]

        def stage1(g, carry):
            s = g * 16

            def put(t, texel_idx):
                idx_v[pl.ds(t * C + s, 16)] = texel_idx

            nx = rays_v[0, pl.ds(s, 16)]
            ny = rays_v[1, pl.ds(s, 16)]
            nz = rays_v[2, pl.ds(s, 16)]
            fd, ud, vd = _face_uv(nx, ny, nz)
            d00, d01, d10, d11, wud, wvd = _bilerp_diffuse_idx(fd, ud, vd)
            put(0, d00)
            put(1, d01)
            put(2, d10)
            put(3, d11)
            w_v[0, pl.ds(s, 16)] = wud
            w_v[1, pl.ds(s, 16)] = wvd

            rx = rays_v[3, pl.ds(s, 16)]
            ry = rays_v[4, pl.ds(s, 16)]
            rz = rays_v[5, pl.ds(s, 16)]
            rough = rays_v[6, pl.ds(s, 16)]
            fs, us, vs = _face_uv(rx, ry, rz)
            mip = _get_mip(rough)
            l0 = jnp.minimum(mip.astype(jnp.int32), L - 1)
            frac = mip - l0.astype(jnp.float32)
            l1 = jnp.minimum(l0 + 1, L - 1)
            a00, a01, a10, a11, wu0, wv0 = _bilerp_mip_idx(fs, us, vs, l0)
            put(4, a00)
            put(5, a01)
            put(6, a10)
            put(7, a11)
            b00, b01, b10, b11, wu1, wv1 = _bilerp_mip_idx(fs, us, vs, l1)
            put(8, b00)
            put(9, b01)
            put(10, b10)
            put(11, b11)
            w_v[2, pl.ds(s, 16)] = wu0
            w_v[3, pl.ds(s, 16)] = wv0
            w_v[4, pl.ds(s, 16)] = wu1
            w_v[5, pl.ds(s, 16)] = wv1
            w_v[6, pl.ds(s, 16)] = frac
            return carry

        lax.fori_loop(0, NG, stage1, 0)

    def issue_gathers(b):
        idx_v, rows_v, gsem = idx_vs[b], rows_vs[b], gsems[b]
        return [
            pltpu.async_copy(
                tab.at[idx_v.at[pl.ds(j * DMA_B, DMA_B)]],
                rows_v.at[pl.ds(ch * ISLOTS + j * DMA_B, DMA_B)], gsem)
            for ch, tab in enumerate((tab_r, tab_g, tab_b))
            for j in range(NDMA)
        ]

    def run_stage2(b):
        rows_v, w_v, out_v = rows_vs[b], w_vs[b], out_vs[b]

        def stage2(g, carry):
            s = g * 16
            wud = w_v[0, pl.ds(s, 16)]
            wvd = w_v[1, pl.ds(s, 16)]
            wu0 = w_v[2, pl.ds(s, 16)]
            wv0 = w_v[3, pl.ds(s, 16)]
            wu1 = w_v[4, pl.ds(s, 16)]
            wv1 = w_v[5, pl.ds(s, 16)]
            frac = w_v[6, pl.ds(s, 16)]
            for c in range(3):

                def tap(t):
                    return rows_v[pl.ds(c * ISLOTS + t * C + s, 16)]

                q00, q01, q10, q11 = tap(0), tap(1), tap(2), tap(3)
                top = q00 * (1.0 - wud) + q01 * wud
                bot = q10 * (1.0 - wud) + q11 * wud
                out_v[c, pl.ds(s, 16)] = top * (1.0 - wvd) + bot * wvd

                q00, q01, q10, q11 = tap(4), tap(5), tap(6), tap(7)
                top = q00 * (1.0 - wu0) + q01 * wu0
                bot = q10 * (1.0 - wu0) + q11 * wu0
                s0 = top * (1.0 - wv0) + bot * wv0
                q00, q01, q10, q11 = tap(8), tap(9), tap(10), tap(11)
                top = q00 * (1.0 - wu1) + q01 * wu1
                bot = q10 * (1.0 - wu1) + q11 * wu1
                s1 = top * (1.0 - wv1) + bot * wv1
                out_v[3 + c, pl.ds(s, 16)] = s0 * (1.0 - frac) + s1 * frac
            return carry

        lax.fori_loop(0, NG, stage2, 0)

    def pair_body(ci, carry):
        i0 = 2 * ci
        pltpu.sync_copy(rays_hbm.at[:, pl.ds(base0 + i0 * C, C)],
                        rays_vs[0])
        run_stage1(0)
        cps0 = issue_gathers(0)
        pltpu.sync_copy(rays_hbm.at[:, pl.ds(base0 + (i0 + 1) * C, C)],
                        rays_vs[1])
        run_stage1(1)
        cps1 = issue_gathers(1)
        for cp in cps0:
            cp.wait()
        run_stage2(0)
        pltpu.sync_copy(out_vs[0], out_hbm.at[:, pl.ds(base0 + i0 * C, C)])
        for cp in cps1:
            cp.wait()
        run_stage2(1)
        pltpu.sync_copy(out_vs[1],
                        out_hbm.at[:, pl.ds(base0 + (i0 + 1) * C, C)])
        return carry

    lax.fori_loop(0, NCHUNK // 2, pair_body, 0)


@functools.cache
def _sc_lookup():
    return pl.kernel(
        _sc_body,
        mesh=plsc.VectorSubcoreMesh(core_axis_name="c", subcore_axis_name="s"),
        out_type=jax.ShapeDtypeStruct((6, N), jnp.float32),
        scratch_types=[
            pltpu.VMEM((7, C), jnp.float32),
            pltpu.VMEM((7, C), jnp.float32),
            pltpu.VMEM((ISLOTS,), jnp.int32),
            pltpu.VMEM((ISLOTS,), jnp.int32),
            pltpu.VMEM((GSLOTS,), jnp.float32),
            pltpu.VMEM((GSLOTS,), jnp.float32),
            pltpu.VMEM((7, C), jnp.float32),
            pltpu.VMEM((7, C), jnp.float32),
            pltpu.VMEM((6, C), jnp.float32),
            pltpu.VMEM((6, C), jnp.float32),
            pltpu.SemaphoreType.DMA,
            pltpu.SemaphoreType.DMA,
        ],
    )


def _face_dirs(R):
    g = (jnp.arange(R, dtype=jnp.float32) + 0.5) / R * 2.0 - 1.0
    tc, sc = jnp.meshgrid(g, g, indexing='ij')
    one = jnp.ones_like(sc)
    d0 = jnp.stack([one, -tc, -sc], -1)
    d1 = jnp.stack([-one, -tc, sc], -1)
    d2 = jnp.stack([sc, one, tc], -1)
    d3 = jnp.stack([sc, -one, -tc], -1)
    d4 = jnp.stack([sc, -tc, one], -1)
    d5 = jnp.stack([-sc, -tc, -one], -1)
    dirs = jnp.stack([d0, d1, d2, d3, d4, d5], 0)
    w = 1.0 / (sc ** 2 + tc ** 2 + 1.0) ** 1.5
    w6 = jnp.broadcast_to(w, (6, R, R))
    n = dirs / jnp.linalg.norm(dirs, axis=-1, keepdims=True)
    return n.reshape(-1, 3), w6.reshape(-1)


def _diffuse_cubemap(tex):
    R = tex.shape[1]
    dirs, w = _face_dirs(R)
    Cm = tex.reshape(-1, 3)
    cos = jnp.maximum(dirs @ dirs.T, 0.0)
    cw = cos * w[None, :]
    return ((cw @ Cm) / jnp.maximum(cw.sum(-1, keepdims=True), 1e-8)
            ).reshape(6, R, R, 3)


def _build_mips(base):
    mips = [base]
    while mips[-1].shape[1] > MIN_RES:
        m = mips[-1]
        R = m.shape[1]
        mips.append(m.reshape(6, R // 2, 2, R // 2, 2, 3).mean(axis=(2, 4)))
    diffuse = _diffuse_cubemap(mips[-1])
    return mips, diffuse


def kernel(shading_normal, reflective, roughness, base):
    mips, diffuse = _build_mips(base)
    rows3 = jnp.concatenate(
        [m.reshape(-1, 3) for m in mips] + [diffuse.reshape(-1, 3)], 0)
    planes = rows3.T
    rays = jnp.concatenate(
        [shading_normal.T, reflective.T, roughness.T], 0)
    out6 = _sc_lookup()(rays, planes[0], planes[1], planes[2])
    return out6[0:3].T, out6[3:6].T

# --- scband reference (transcript-rebuilt; emitter-appended) ---
"""Pipeline reference for scband-env-light-59193239274073 (READ-ONLY COPY).

The authoritative reference and input builder live on the scoring server;
editing this copy changes nothing except your own understanding.
"""

import jax, jax.numpy as jnp
import numpy as np

N = 262144
MAX_RES = 512
MIN_RES = 16
MIN_R = 0.08
MAX_R = 0.5


def cubemap_lookup(tex, d):
    # tex: [6, R, R, 3], d: [N, 3] direction vectors
    x, y, z = d[..., 0], d[..., 1], d[..., 2]
    ax, ay, az = jnp.abs(x), jnp.abs(y), jnp.abs(z)
    cx = (ax >= ay) & (ax >= az)
    cy = (~cx) & (ay >= az)
    ma = jnp.where(cx, ax, jnp.where(cy, ay, az))
    ma = jnp.maximum(ma, 1e-12)
    face = jnp.where(cx, jnp.where(x > 0, 0, 1),
                     jnp.where(cy, jnp.where(y > 0, 2, 3),
                               jnp.where(z > 0, 4, 5))).astype(jnp.int32)
    sc = jnp.where(cx, jnp.where(x > 0, -z, z),
                   jnp.where(cy, x, jnp.where(z > 0, x, -x)))
    tc = jnp.where(cx, -y, jnp.where(cy, jnp.where(y > 0, z, -z), -y))
    u = 0.5 * (sc / ma + 1.0)
    v = 0.5 * (tc / ma + 1.0)
    R = tex.shape[1]
    fu = u * R - 0.5
    fv = v * R - 0.5
    u0 = jnp.clip(jnp.floor(fu), 0, R - 1).astype(jnp.int32)
    v0 = jnp.clip(jnp.floor(fv), 0, R - 1).astype(jnp.int32)
    u1 = jnp.clip(u0 + 1, 0, R - 1)
    v1 = jnp.clip(v0 + 1, 0, R - 1)
    wu = jnp.clip(fu - u0.astype(fu.dtype), 0.0, 1.0)[..., None]
    wv = jnp.clip(fv - v0.astype(fv.dtype), 0.0, 1.0)[..., None]
    c00 = tex[face, v0, u0]
    c01 = tex[face, v0, u1]
    c10 = tex[face, v1, u0]
    c11 = tex[face, v1, u1]
    top = c00 * (1.0 - wu) + c01 * wu
    bot = c10 * (1.0 - wu) + c11 * wu
    return top * (1.0 - wv) + bot * wv


def face_dirs(R):
    g = (jnp.arange(R, dtype=jnp.float32) + 0.5) / R * 2.0 - 1.0
    tc, sc = jnp.meshgrid(g, g, indexing='ij')  # rows=v->tc, cols=u->sc
    one = jnp.ones_like(sc)
    d0 = jnp.stack([one, -tc, -sc], -1)
    d1 = jnp.stack([-one, -tc, sc], -1)
    d2 = jnp.stack([sc, one, tc], -1)
    d3 = jnp.stack([sc, -one, -tc], -1)
    d4 = jnp.stack([sc, -tc, one], -1)
    d5 = jnp.stack([-sc, -tc, -one], -1)
    dirs = jnp.stack([d0, d1, d2, d3, d4, d5], 0)
    w = 1.0 / (sc ** 2 + tc ** 2 + 1.0) ** 1.5
    w6 = jnp.broadcast_to(w, (6, R, R))
    n = dirs / jnp.linalg.norm(dirs, axis=-1, keepdims=True)
    return n.reshape(-1, 3), w6.reshape(-1)


def diffuse_cubemap(tex):
    R = tex.shape[1]
    dirs, w = face_dirs(R)
    C = tex.reshape(-1, 3)
    cos = jnp.maximum(dirs @ dirs.T, 0.0)
    cw = cos * w[None, :]
    out = (cw @ C) / jnp.maximum(cw.sum(-1, keepdims=True), 1e-8)
    return out.reshape(6, R, R, 3)


def build_mips(base):
    mips = [base]
    while mips[-1].shape[1] > MIN_RES:
        m = mips[-1]
        R = m.shape[1]
        mips.append(m.reshape(6, R // 2, 2, R // 2, 2, 3).mean(axis=(2, 4)))
    diffuse = diffuse_cubemap(mips[-1])
    return mips, diffuse


def get_mip(r, L):
    return jnp.where(
        r < MAX_R,
        (jnp.clip(r, MIN_R, MAX_R) - MIN_R) / (MAX_R - MIN_R) * (L - 2),
        (jnp.clip(r, MAX_R, 1.0) - MAX_R) / (1.0 - MAX_R) + (L - 2))


def _forward(shading_normal, reflective, roughness, base):
    mips, diffuse = build_mips(base)
    L = len(mips)
    n = shading_normal / jnp.maximum(jnp.linalg.norm(shading_normal, axis=-1, keepdims=True), 1e-8)
    diffuse_light = cubemap_lookup(diffuse, n)
    refl = reflective / jnp.maximum(jnp.linalg.norm(reflective, axis=-1, keepdims=True), 1e-8)
    mip = get_mip(roughness, L)[:, 0]
    samples = jnp.stack([cubemap_lookup(m, refl) for m in mips], 0)  # [L, N, 3]
    idx = jnp.arange(L, dtype=jnp.float32)[:, None]
    w = jnp.clip(1.0 - jnp.abs(mip[None, :] - idx), 0.0, 1.0)
    specular_light = (w[..., None] * samples).sum(0)
    return diffuse_light, specular_light


def setup_inputs(seed: int = 0):
    key = jax.random.key(seed)
    k1, k2, k3, k4 = jax.random.split(key, 4)
    sn = jax.random.normal(k1, (N, 3), dtype=jnp.float32)
    sn = sn / jnp.maximum(jnp.linalg.norm(sn, axis=-1, keepdims=True), 1e-8)
    rf = jax.random.normal(k2, (N, 3), dtype=jnp.float32)
    rf = rf / jnp.maximum(jnp.linalg.norm(rf, axis=-1, keepdims=True), 1e-8)
    rough = jax.random.uniform(k3, (N, 1), dtype=jnp.float32)
    base = jax.random.uniform(k4, (6, MAX_RES, MAX_RES, 3), dtype=jnp.float32)
    return {"shading_normal": sn, "reflective": rf, "roughness": rough, "base": base}


def reference(shading_normal, reflective, roughness, base):
    return _forward(shading_normal, reflective, roughness, base)

if __name__ == "__main__":
    import jax
    _d = setup_inputs()
    print(jax.jit(kernel)(*tuple(_d.values())))

</pallas_src>

<mosaic_0001>
#map = affine_map<(d0, d1) -> (0, 0)>
#map1 = affine_map<(d0, d1) -> (0)>
module attributes {stable_mosaic.version = 14 : i64} {
  func.func @_sc_body(%arg0: i32, %arg1: i32, %arg2: memref<7x262144xf32, #tpu.memory_space<hbm>>, %arg3: memref<2098176xf32, #tpu.memory_space<hbm>>, %arg4: memref<2098176xf32, #tpu.memory_space<hbm>>, %arg5: memref<2098176xf32, #tpu.memory_space<hbm>>, %arg6: memref<6x262144xf32, #tpu.memory_space<hbm>>, %arg7: memref<7x256xf32, #tpu.memory_space<vmem>>, %arg8: memref<7x256xf32, #tpu.memory_space<vmem>>, %arg9: memref<3072xi32, #tpu.memory_space<vmem>>, %arg10: memref<3072xi32, #tpu.memory_space<vmem>>, %arg11: memref<9216xf32, #tpu.memory_space<vmem>>, %arg12: memref<9216xf32, #tpu.memory_space<vmem>>, %arg13: memref<7x256xf32, #tpu.memory_space<vmem>>, %arg14: memref<7x256xf32, #tpu.memory_space<vmem>>, %arg15: memref<6x256xf32, #tpu.memory_space<vmem>>, %arg16: memref<6x256xf32, #tpu.memory_space<vmem>>, %arg17: memref<!tpu.dma_semaphore, #tpu.memory_space<semaphore_mem>>, %arg18: memref<!tpu.dma_semaphore, #tpu.memory_space<semaphore_mem>>) attributes {dimension_semantics = [#tpu.dimension_semantics<core_parallel>, #tpu.dimension_semantics<subcore_parallel>], iteration_bounds = array<i64: 2, 16>, scalar_prefetch = 0 : i64, scratch_operands = 12 : i64, tpu.core_type = #tpu.core_type<sc_vector_subcore>, window_params = [{transform_indices = #map}, {transform_indices = #map1}, {transform_indices = #map1}, {transform_indices = #map1}, {transform_indices = #map}]} {
    %mul3A = arith.constant 2 : i32
    %mul3A_0 = arith.muli %arg1, %mul3A : i32
    %add3A = arith.addi %mul3A_0, %arg0 : i32
    %mul3A_1 = arith.constant 8192 : i32
    %mul3A_2 = arith.muli %add3A, %mul3A_1 : i32
    %scan3A = arith.constant 0 : i32
    %scan3A_3 = arith.constant 0 : i32
    %scan3A_4 = arith.constant 16 : i32
    %scan3A_5 = arith.addi %scan3A_3, %scan3A_4 : i32
    %scan3A_6 = arith.constant 1 : i32
    scf.for %scan3A_8 = %scan3A_3 to %scan3A_5 step %scan3A_6  : i32 {
      %mul3A_9 = arith.constant 2 : i32
      %mul3A_10 = arith.muli %mul3A_9, %scan3A_8 : i32
      %mul3A_11 = arith.constant 256 : i32
      %mul3A_12 = arith.muli %mul3A_10, %mul3A_11 : i32
      %add3A_13 = arith.addi %mul3A_2, %mul3A_12 : i32
      "tpu.region"() ({
        %run_scoped3A = tpu.sem_alloc : memref<!tpu.dma_semaphore, #tpu.memory_space<semaphore_mem>>
        %dma_start3A_481 = arith.constant 0 : i32
        %dma_start3A_482 = tpu.memref_slice %arg2[%dma_start3A_481, %add3A_13] : memref<7x262144xf32, #tpu.memory_space<hbm>> -> memref<7x256xf32, #tpu.memory_space<hbm>>
        %dma_start3A_483 = arith.constant 0 : i32
        %dma_start3A_484 = tpu.memref_slice %arg2[%dma_start3A_483, %add3A_13] : memref<7x262144xf32, #tpu.memory_space<hbm>> -> memref<7x256xf32, #tpu.memory_space<hbm>>
        tpu.enqueue_dma source(%dma_start3A_484 : memref<7x256xf32, #tpu.memory_space<hbm>>) target(%arg7 : memref<7x256xf32, #tpu.memory_space<vmem>>) target_semaphore(%run_scoped3A : memref<!tpu.dma_semaphore, #tpu.memory_space<semaphore_mem>>)
        %dma_wait3A_485 = arith.constant 0 : i32
        %dma_wait3A_486 = tpu.memref_slice %arg2[%dma_wait3A_485, %add3A_13] : memref<7x262144xf32, #tpu.memory_space<hbm>> -> memref<7x256xf32, #tpu.memory_space<hbm>>
        %dma_wait3A_487 = arith.constant 0 : i32
        %dma_wait3A_488 = tpu.memref_slice %arg2[%dma_wait3A_487, %add3A_13] : memref<7x262144xf32, #tpu.memory_space<hbm>> -> memref<7x256xf32, #tpu.memory_space<hbm>>
        tpu.wait_dma2 semaphore(%run_scoped3A : memref<!tpu.dma_semaphore, #tpu.memory_space<semaphore_mem>>) src(%dma_wait3A_488 : memref<7x256xf32, #tpu.memory_space<hbm>>) dst(%arg7 : memref<7x256xf32, #tpu.memory_space<vmem>>)
        tpu.yield
      }) : () -> ()
      %scan3A_14 = arith.constant 0 : i32
      %scan3A_15 = arith.constant 0 : i32
      %scan3A_16 = arith.constant 16 : i32
      %scan3A_17 = arith.addi %scan3A_15, %scan3A_16 : i32
      %scan3A_18 = arith.constant 1 : i32
      scf.for %scan3A_481 = %scan3A_15 to %scan3A_17 step %scan3A_18  : i32 {
        %mul3A_482 = arith.constant 16 : i32
        %mul3A_483 = arith.muli %scan3A_481, %mul3A_482 : i32
        %get3A = arith.constant 0 : i32
        %get3A_484 = arith.index_cast %get3A : i32 to index
        %get3A_485 = arith.index_cast %mul3A_483 : i32 to index
        %get3A_486 = tpu.vector_load %arg7[%get3A_484, %get3A_485] {strides = array<i32>} : memref<7x256xf32, #tpu.memory_space<vmem>>, vector<1x16xf32>,
        %get3A_487 = vector.shape_cast %get3A_486 : vector<1x16xf32> to vector<16xf32>
        %get3A_488 = arith.constant 1 : i32
        %get3A_489 = arith.index_cast %get3A_488 : i32 to index
        %get3A_490 = arith.index_cast %mul3A_483 : i32 to index
        %get3A_491 = tpu.vector_load %arg7[%get3A_489, %get3A_490] {strides = array<i32>} : memref<7x256xf32, #tpu.memory_space<vmem>>, vector<1x16xf32>,
        %get3A_492 = vector.shape_cast %get3A_491 : vector<1x16xf32> to vector<16xf32>
        %get3A_493 = arith.constant 2 : i32
        %get3A_494 = arith.index_cast %get3A_493 : i32 to index
        %get3A_495 = arith.index_cast %mul3A_483 : i32 to index
        %get3A_496 = tpu.vector_load %arg7[%get3A_494, %get3A_495] {strides = array<i32>} : memref<7x256xf32, #tpu.memory_space<vmem>>, vector<1x16xf32>,
        %get3A_497 = vector.shape_cast %get3A_496 : vector<1x16xf32> to vector<16xf32>
        %abs3A = math.absf %get3A_487 : vector<16xf32>
        %abs3A_498 = math.absf %get3A_492 : vector<16xf32>
        %abs3A_499 = math.absf %get3A_497 : vector<16xf32>
        %ge3A = arith.cmpf oge, %abs3A, %abs3A_498 : vector<16xf32>
        %ge3A_500 = arith.cmpf oge, %abs3A, %abs3A_499 : vector<16xf32>
        %and3A = arith.andi %ge3A, %ge3A_500 : vector<16xi1>
        %lt3A = arith.cmpf olt, %abs3A, %abs3A_498 : vector<16xf32>
        %lt3A_501 = arith.cmpf olt, %abs3A, %abs3A_499 : vector<16xf32>
        %or3A = arith.ori %lt3A, %lt3A_501 : vector<16xi1>
        %ge3A_502 = arith.cmpf oge, %abs3A_498, %abs3A_499 : vector<16xf32>
        %and3A_503 = arith.andi %or3A, %ge3A_502 : vector<16xi1>
        %select_n3A = arith.select %and3A_503, %abs3A_498, %abs3A_499 : vector<16xi1>, vector<16xf32>
        %select_n3A_504 = arith.select %and3A, %abs3A, %select_n3A : vector<16xi1>, vector<16xf32>
        %max3A = arith.constant 9.99999996E-13 : f32
        %max3A_505 = vector.broadcast %max3A : f32 to vector<16xf32>
        %max3A_506 = arith.maximumf %select_n3A_504, %max3A_505 : vector<16xf32>
        %gt3A = arith.constant 0.000000e+00 : f32
        %gt3A_507 = vector.broadcast %gt3A : f32 to vector<16xf32>
        %gt3A_508 = arith.cmpf ogt, %get3A_487, %gt3A_507 : vector<16xf32>
        %jit3A = arith.constant 0 : i32
        %jit3A_509 = arith.constant 1 : i32
        %broadcast_in_dim3A = vector.broadcast %jit3A : i32 to vector<16xi32>
        %broadcast_in_dim3A_510 = vector.broadcast %jit3A_509 : i32 to vector<16xi32>
        %select_n3A_511 = arith.select %gt3A_508, %broadcast_in_dim3A, %broadcast_in_dim3A_510 : vector<16xi1>, vector<16xi32>
        %gt3A_512 = arith.constant 0.000000e+00 : f32
        %gt3A_513 = vector.broadcast %gt3A_512 : f32 to vector<16xf32>
        %gt3A_514 = arith.cmpf ogt, %get3A_492, %gt3A_513 : vector<16xf32>
        %jit3A_515 = arith.constant 2 : i32
        %jit3A_516 = arith.constant 3 : i32
        %broadcast_in_dim3A_517 = vector.broadcast %jit3A_515 : i32 to vector<16xi32>
        %broadcast_in_dim3A_518 = vector.broadcast %jit3A_516 : i32 to vector<16xi32>
        %select_n3A_519 = arith.select %gt3A_514, %broadcast_in_dim3A_517, %broadcast_in_dim3A_518 : vector<16xi1>, vector<16xi32>
        %gt3A_520 = arith.constant 0.000000e+00 : f32
        %gt3A_521 = vector.broadcast %gt3A_520 : f32 to vector<16xf32>
        %gt3A_522 = arith.cmpf ogt, %get3A_497, %gt3A_521 : vector<16xf32>
        %jit3A_523 = arith.constant 4 : i32
        %jit3A_524 = arith.constant 5 : i32
        %broadcast_in_dim3A_525 = vector.broadcast %jit3A_523 : i32 to vector<16xi32>
        %broadcast_in_dim3A_526 = vector.broadcast %jit3A_524 : i32 to vector<16xi32>
        %select_n3A_527 = arith.select %gt3A_522, %broadcast_in_dim3A_525, %broadcast_in_dim3A_526 : vector<16xi1>, vector<16xi32>
        %select_n3A_528 = arith.select %and3A_503, %select_n3A_519, %select_n3A_527 : vector<16xi1>, vector<16xi32>
        %select_n3A_529 = arith.select %and3A, %select_n3A_511, %select_n3A_528 : vector<16xi1>, vector<16xi32>
        %gt3A_530 = arith.constant 0.000000e+00 : f32
        %gt3A_531 = vector.broadcast %gt3A_530 : f32 to vector<16xf32>
        %gt3A_532 = arith.cmpf ogt, %get3A_487, %gt3A_531 : vector<16xf32>
        %neg3A = arith.constant 0.000000e+00 : f32
        %neg3A_533 = vector.broadcast %neg3A : f32 to vector<16xf32>
        %neg3A_534 = arith.subf %neg3A_533, %get3A_497 : vector<16xf32>
        %select_n3A_535 = arith.select %gt3A_532, %neg3A_534, %get3A_497 : vector<16xi1>, vector<16xf32>
        %gt3A_536 = arith.constant 0.000000e+00 : f32
        %gt3A_537 = vector.broadcast %gt3A_536 : f32 to vector<16xf32>
        %gt3A_538 = arith.cmpf ogt, %get3A_497, %gt3A_537 : vector<16xf32>
        %neg3A_539 = arith.constant 0.000000e+00 : f32
        %neg3A_540 = vector.broadcast %neg3A_539 : f32 to vector<16xf32>
        %neg3A_541 = arith.subf %neg3A_540, %get3A_487 : vector<16xf32>
        %select_n3A_542 = arith.select %gt3A_538, %get3A_487, %neg3A_541 : vector<16xi1>, vector<16xf32>
        %select_n3A_543 = arith.select %and3A_503, %get3A_487, %select_n3A_542 : vector<16xi1>, vector<16xf32>
        %select_n3A_544 = arith.select %and3A, %select_n3A_535, %select_n3A_543 : vector<16xi1>, vector<16xf32>
        %neg3A_545 = arith.constant 0.000000e+00 : f32
        %neg3A_546 = vector.broadcast %neg3A_545 : f32 to vector<16xf32>
        %neg3A_547 = arith.subf %neg3A_546, %get3A_492 : vector<16xf32>
        %gt3A_548 = arith.constant 0.000000e+00 : f32
        %gt3A_549 = vector.broadcast %gt3A_548 : f32 to vector<16xf32>
        %gt3A_550 = arith.cmpf ogt, %get3A_492, %gt3A_549 : vector<16xf32>
        %neg3A_551 = arith.constant 0.000000e+00 : f32
        %neg3A_552 = vector.broadcast %neg3A_551 : f32 to vector<16xf32>
        %neg3A_553 = arith.subf %neg3A_552, %get3A_497 : vector<16xf32>
        %select_n3A_554 = arith.select %gt3A_550, %get3A_497, %neg3A_553 : vector<16xi1>, vector<16xf32>
        %neg3A_555 = arith.constant 0.000000e+00 : f32
        %neg3A_556 = vector.broadcast %neg3A_555 : f32 to vector<16xf32>
        %neg3A_557 = arith.subf %neg3A_556, %get3A_492 : vector<16xf32>
        %select_n3A_558 = arith.select %and3A_503, %select_n3A_554, %neg3A_557 : vector<16xi1>, vector<16xf32>
        %select_n3A_559 = arith.select %and3A, %neg3A_547, %select_n3A_558 : vector<16xi1>, vector<16xf32>
        %div3A = arith.divf %select_n3A_544, %max3A_506 : vector<16xf32>
        %add3A_560 = arith.constant 1.000000e+00 : f32
        %add3A_561 = vector.broadcast %add3A_560 : f32 to vector<16xf32>
        %add3A_562 = arith.addf %div3A, %add3A_561 : vector<16xf32>
        %mul3A_563 = arith.constant 5.000000e-01 : f32
        %mul3A_564 = vector.broadcast %mul3A_563 : f32 to vector<16xf32>
        %mul3A_565 = arith.mulf %mul3A_564, %add3A_562 : vector<16xf32>
        %div3A_566 = arith.divf %select_n3A_559, %max3A_506 : vector<16xf32>
        %add3A_567 = arith.constant 1.000000e+00 : f32
        %add3A_568 = vector.broadcast %add3A_567 : f32 to vector<16xf32>
        %add3A_569 = arith.addf %div3A_566, %add3A_568 : vector<16xf32>
        %mul3A_570 = arith.constant 5.000000e-01 : f32
        %mul3A_571 = vector.broadcast %mul3A_570 : f32 to vector<16xf32>
        %mul3A_572 = arith.mulf %mul3A_571, %add3A_569 : vector<16xf32>
        %mul3A_573 = arith.constant 1.600000e+01 : f32
        %mul3A_574 = vector.broadcast %mul3A_573 : f32 to vector<16xf32>
        %mul3A_575 = arith.mulf %mul3A_565, %mul3A_574 : vector<16xf32>
        %sub3A = arith.constant 5.000000e-01 : f32
        %sub3A_576 = vector.broadcast %sub3A : f32 to vector<16xf32>
        %sub3A_577 = arith.subf %mul3A_575, %sub3A_576 : vector<16xf32>
        %mul3A_578 = arith.constant 1.600000e+01 : f32
        %mul3A_579 = vector.broadcast %mul3A_578 : f32 to vector<16xf32>
        %mul3A_580 = arith.mulf %mul3A_572, %mul3A_579 : vector<16xf32>
        %sub3A_581 = arith.constant 5.000000e-01 : f32
        %sub3A_582 = vector.broadcast %sub3A_581 : f32 to vector<16xf32>
        %sub3A_583 = arith.subf %mul3A_580, %sub3A_582 : vector<16xf32>
        %convert_element_type3A = arith.fptosi %sub3A_577 : vector<16xf32> to vector<16xi32>
        %jit3A_584 = arith.constant 0 : i32
        %jit3A_585 = arith.constant 15 : i32
        %max3A_586 = vector.broadcast %jit3A_584 : i32 to vector<16xi32>
        %max3A_587 = arith.maxsi %max3A_586, %convert_element_type3A : vector<16xi32>
        %min3A = vector.broadcast %jit3A_585 : i32 to vector<16xi32>
        %min3A_588 = arith.minsi %min3A, %max3A_587 : vector<16xi32>
        %convert_element_type3A_589 = arith.fptosi %sub3A_583 : vector<16xf32> to vector<16xi32>
        %jit3A_590 = arith.constant 0 : i32
        %jit3A_591 = arith.constant 15 : i32
        %max3A_592 = vector.broadcast %jit3A_590 : i32 to vector<16xi32>
        %max3A_593 = arith.maxsi %max3A_592, %convert_element_type3A_589 : vector<16xi32>
        %min3A_594 = vector.broadcast %jit3A_591 : i32 to vector<16xi32>
        %min3A_595 = arith.minsi %min3A_594, %max3A_593 : vector<16xi32>
        %add3A_596 = arith.constant 1 : i32
        %add3A_597 = vector.broadcast %add3A_596 : i32 to vector<16xi32>
        %add3A_598 = arith.addi %min3A_588, %add3A_597 : vector<16xi32>
        %min3A_599 = arith.constant 15 : i32
        %min3A_600 = vector.broadcast %min3A_599 : i32 to vector<16xi32>
        %min3A_601 = arith.minsi %add3A_598, %min3A_600 : vector<16xi32>
        %sub3A_602 = arith.subi %min3A_601, %min3A_588 : vector<16xi32>
        %add3A_603 = arith.constant 1 : i32
        %add3A_604 = vector.broadcast %add3A_603 : i32 to vector<16xi32>
        %add3A_605 = arith.addi %min3A_595, %add3A_604 : vector<16xi32>
        %min3A_606 = arith.constant 15 : i32
        %min3A_607 = vector.broadcast %min3A_606 : i32 to vector<16xi32>
        %min3A_608 = arith.minsi %add3A_605, %min3A_607 : vector<16xi32>
        %sub3A_609 = arith.subi %min3A_608, %min3A_595 : vector<16xi32>
        %convert_element_type3A_610 = arith.sitofp %min3A_588 : vector<16xi32> to vector<16xf32>
        %sub3A_611 = arith.subf %sub3A_577, %convert_element_type3A_610 : vector<16xf32>
        %jit3A_612 = arith.constant 0.000000e+00 : f32
        %jit3A_613 = arith.constant 1.000000e+00 : f32
        %max3A_614 = vector.broadcast %jit3A_612 : f32 to vector<16xf32>
        %max3A_615 = arith.maximumf %max3A_614, %sub3A_611 : vector<16xf32>
        %min3A_616 = vector.broadcast %jit3A_613 : f32 to vector<16xf32>
        %min3A_617 = arith.minimumf %min3A_616, %max3A_615 : vector<16xf32>
        %convert_element_type3A_618 = arith.sitofp %min3A_595 : vector<16xi32> to vector<16xf32>
        %sub3A_619 = arith.subf %sub3A_583, %convert_element_type3A_618 : vector<16xf32>
        %jit3A_620 = arith.constant 0.000000e+00 : f32
        %jit3A_621 = arith.constant 1.000000e+00 : f32
        %max3A_622 = vector.broadcast %jit3A_620 : f32 to vector<16xf32>
        %max3A_623 = arith.maximumf %max3A_622, %sub3A_619 : vector<16xf32>
        %min3A_624 = vector.broadcast %jit3A_621 : f32 to vector<16xf32>
        %min3A_625 = arith.minimumf %min3A_624, %max3A_623 : vector<16xf32>
        %mul3A_626 = arith.constant 256 : i32
        %mul3A_627 = vector.broadcast %mul3A_626 : i32 to vector<16xi32>
        %mul3A_628 = arith.muli %select_n3A_529, %mul3A_627 : vector<16xi32>
        %add3A_629 = arith.constant 2096640 : i32
        %add3A_630 = vector.broadcast %add3A_629 : i32 to vector<16xi32>
        %add3A_631 = arith.addi %add3A_630, %mul3A_628 : vector<16xi32>
        %mul3A_632 = arith.constant 16 : i32
        %mul3A_633 = vector.broadcast %mul3A_632 : i32 to vector<16xi32>
        %mul3A_634 = arith.muli %min3A_595, %mul3A_633 : vector<16xi32>
        %add3A_635 = arith.addi %add3A_631, %mul3A_634 : vector<16xi32>
        %add3A_636 = arith.addi %add3A_635, %min3A_588 : vector<16xi32>
        %add3A_637 = arith.addi %add3A_636, %sub3A_602 : vector<16xi32>
        %mul3A_638 = arith.constant 16 : i32
        %mul3A_639 = vector.broadcast %mul3A_638 : i32 to vector<16xi32>
        %mul3A_640 = arith.muli %sub3A_609, %mul3A_639 : vector<16xi32>
        %add3A_641 = arith.addi %add3A_636, %mul3A_640 : vector<16xi32>
        %add3A_642 = arith.addi %add3A_641, %sub3A_602 : vector<16xi32>
        %add3A_643 = arith.constant 0 : i32
        %add3A_644 = arith.addi %add3A_643, %mul3A_483 : i32
        %swap3A = arith.index_cast %add3A_644 : i32 to index
        %swap3A_645 = tpu.vector_load %arg9[%swap3A] {strides = array<i32>} : memref<3072xi32, #tpu.memory_space<vmem>>, vector<16xi32>,
        %swap3A_646 = vector.shape_cast %swap3A_645 : vector<16xi32> to vector<16xi32>
        %swap3A_647 = vector.shape_cast %add3A_636 : vector<16xi32> to vector<16xi32>
        tpu.vector_store %arg9[%swap3A], %swap3A_647 {strides = array<i32>} : memref<3072xi32, #tpu.memory_space<vmem>>, vector<16xi32>,
        %add3A_648 = arith.constant 256 : i32
        %add3A_649 = arith.addi %add3A_648, %mul3A_483 : i32
        %swap3A_650 = arith.index_cast %add3A_649 : i32 to index
        %swap3A_651 = tpu.vector_load %arg9[%swap3A_650] {strides = array<i32>} : memref<3072xi32, #tpu.memory_space<vmem>>, vector<16xi32>,
        %swap3A_652 = vector.shape_cast %swap3A_651 : vector<16xi32> to vector<16xi32>
        %swap3A_653 = vector.shape_cast %add3A_637 : vector<16xi32> to vector<16xi32>
        tpu.vector_store %arg9[%swap3A_650], %swap3A_653 {strides = array<i32>} : memref<3072xi32, #tpu.memory_space<vmem>>, vector<16xi32>,
        %add3A_654 = arith.constant 512 : i32
        %add3A_655 = arith.addi %add3A_654, %mul3A_483 : i32
        %swap3A_656 = arith.index_cast %add3A_655 : i32 to index
        %swap3A_657 = tpu.vector_load %arg9[%swap3A_656] {strides = array<i32>} : memref<3072xi32, #tpu.memory_space<vmem>>, vector<16xi32>,
        %swap3A_658 = vector.shape_cast %swap3A_657 : vector<16xi32> to vector<16xi32>
        %swap3A_659 = vector.shape_cast %add3A_641 : vector<16xi32> to vector<16xi32>
        tpu.vector_store %arg9[%swap3A_656], %swap3A_659 {strides = array<i32>} : memref<3072xi32, #tpu.memory_space<vmem>>, vector<16xi32>,
        %add3A_660 = arith.constant 768 : i32
        %add3A_661 = arith.addi %add3A_660, %mul3A_483 : i32
        %swap3A_662 = arith.index_cast %add3A_661 : i32 to index
        %swap3A_663 = tpu.vector_load %arg9[%swap3A_662] {strides = array<i32>} : memref<3072xi32, #tpu.memory_space<vmem>>, vector<16xi32>,
        %swap3A_664 = vector.shape_cast %swap3A_663 : vector<16xi32> to vector<16xi32>
        %swap3A_665 = vector.shape_cast %add3A_642 : vector<16xi32> to vector<16xi32>
        tpu.vector_store %arg9[%swap3A_662], %swap3A_665 {strides = array<i32>} : memref<3072xi32, #tpu.memory_space<vmem>>, vector<16xi32>,
        %swap3A_666 = arith.constant 0 : i32
        %swap3A_667 = arith.index_cast %swap3A_666 : i32 to index
        %swap3A_668 = arith.index_cast %mul3A_483 : i32 to index
        %swap3A_669 = tpu.vector_load %arg13[%swap3A_667, %swap3A_668] {strides = array<i32>} : memref<7x256xf32, #tpu.memory_space<vmem>>, vector<1x16xf32>,
        %swap3A_670 = vector.shape_cast %swap3A_669 : vector<1x16xf32> to vector<16xf32>
        %swap3A_671 = vector.shape_cast %min3A_617 : vector<16xf32> to vector<1x16xf32>
        tpu.vector_store %arg13[%swap3A_667, %swap3A_668], %swap3A_671 {strides = array<i32>} : memref<7x256xf32, #tpu.memory_space<vmem>>, vector<1x16xf32>,
        %swap3A_672 = arith.constant 1 : i32
        %swap3A_673 = arith.index_cast %swap3A_672 : i32 to index
        %swap3A_674 = arith.index_cast %mul3A_483 : i32 to index
        %swap3A_675 = tpu.vector_load %arg13[%swap3A_673, %swap3A_674] {strides = array<i32>} : memref<7x256xf32, #tpu.memory_space<vmem>>, vector<1x16xf32>,
        %swap3A_676 = vector.shape_cast %swap3A_675 : vector<1x16xf32> to vector<16xf32>
        %swap3A_677 = vector.shape_cast %min3A_625 : vector<16xf32> to vector<1x16xf32>
        tpu.vector_store %arg13[%swap3A_673, %swap3A_674], %swap3A_677 {strides = array<i32>} : memref<7x256xf32, #tpu.memory_space<vmem>>, vector<1x16xf32>,
        %get3A_678 = arith.constant 3 : i32
        %get3A_679 = arith.index_cast %get3A_678 : i32 to index
        %get3A_680 = arith.index_cast %mul3A_483 : i32 to index
        %get3A_681 = tpu.vector_load %arg7[%get3A_679, %get3A_680] {strides = array<i32>} : memref<7x256xf32, #tpu.memory_space<vmem>>, vector<1x16xf32>,
        %get3A_682 = vector.shape_cast %get3A_681 : vector<1x16xf32> to vector<16xf32>
        %get3A_683 = arith.constant 4 : i32
        %get3A_684 = arith.index_cast %get3A_683 : i32 to index
        %get3A_685 = arith.index_cast %mul3A_483 : i32 to index
        %get3A_686 = tpu.vector_load %arg7[%get3A_684, %get3A_685] {strides = array<i32>} : memref<7x256xf32, #tpu.memory_space<vmem>>, vector<1x16xf32>,
        %get3A_687 = vector.shape_cast %get3A_686 : vector<1x16xf32> to vector<16xf32>
        %get3A_688 = arith.constant 5 : i32
        %get3A_689 = arith.index_cast %get3A_688 : i32 to index
        %get3A_690 = arith.index_cast %mul3A_483 : i32 to index
        %get3A_691 = tpu.vector_load %arg7[%get3A_689, %get3A_690] {strides = array<i32>} : memref<7x256xf32, #tpu.memory_space<vmem>>, vector<1x16xf32>,
        %get3A_692 = vector.shape_cast %get3A_691 : vector<1x16xf32> to vector<16xf32>
        %get3A_693 = arith.constant 6 : i32
        %get3A_694 = arith.index_cast %get3A_693 : i32 to index
        %get3A_695 = arith.index_cast %mul3A_483 : i32 to index
        %get3A_696 = tpu.vector_load %arg7[%get3A_694, %get3A_695] {strides = array<i32>} : memref<7x256xf32, #tpu.memory_space<vmem>>, vector<1x16xf32>,
        %get3A_697 = vector.shape_cast %get3A_696 : vector<1x16xf32> to vector<16xf32>
        %abs3A_698 = math.absf %get3A_682 : vector<16xf32>
        %abs3A_699 = math.absf %get3A_687 : vector<16xf32>
        %abs3A_700 = math.absf %get3A_692 : vector<16xf32>
        %ge3A_701 = arith.cmpf oge, %abs3A_698, %abs3A_699 : vector<16xf32>
        %ge3A_702 = arith.cmpf oge, %abs3A_698, %abs3A_700 : vector<16xf32>
        %and3A_703 = arith.andi %ge3A_701, %ge3A_702 : vector<16xi1>
        %lt3A_704 = arith.cmpf olt, %abs3A_698, %abs3A_699 : vector<16xf32>
        %lt3A_705 = arith.cmpf olt, %abs3A_698, %abs3A_700 : vector<16xf32>
        %or3A_706 = arith.ori %lt3A_704, %lt3A_705 : vector<16xi1>
        %ge3A_707 = arith.cmpf oge, %abs3A_699, %abs3A_700 : vector<16xf32>
        %and3A_708 = arith.andi %or3A_706, %ge3A_707 : vector<16xi1>
        %select_n3A_709 = arith.select %and3A_708, %abs3A_699, %abs3A_700 : vector<16xi1>, vector<16xf32>
        %select_n3A_710 = arith.select %and3A_703, %abs3A_698, %select_n3A_709 : vector<16xi1>, vector<16xf32>
        %max3A_711 = arith.constant 9.99999996E-13 : f32
        %max3A_712 = vector.broadcast %max3A_711 : f32 to vector<16xf32>
        %max3A_713 = arith.maximumf %select_n3A_710, %max3A_712 : vector<16xf32>
        %gt3A_714 = arith.constant 0.000000e+00 : f32
        %gt3A_715 = vector.broadcast %gt3A_714 : f32 to vector<16xf32>
        %gt3A_716 = arith.cmpf ogt, %get3A_682, %gt3A_715 : vector<16xf32>
        %jit3A_717 = arith.constant 0 : i32
        %jit3A_718 = arith.constant 1 : i32
        %broadcast_in_dim3A_719 = vector.broadcast %jit3A_717 : i32 to vector<16xi32>
        %broadcast_in_dim3A_720 = vector.broadcast %jit3A_718 : i32 to vector<16xi32>
        %select_n3A_721 = arith.select %gt3A_716, %broadcast_in_dim3A_719, %broadcast_in_dim3A_720 : vector<16xi1>, vector<16xi32>
        %gt3A_722 = arith.constant 0.000000e+00 : f32
        %gt3A_723 = vector.broadcast %gt3A_722 : f32 to vector<16xf32>
        %gt3A_724 = arith.cmpf ogt, %get3A_687, %gt3A_723 : vector<16xf32>
        %jit3A_725 = arith.constant 2 : i32
        %jit3A_726 = arith.constant 3 : i32
        %broadcast_in_dim3A_727 = vector.broadcast %jit3A_725 : i32 to vector<16xi32>
        %broadcast_in_dim3A_728 = vector.broadcast %jit3A_726 : i32 to vector<16xi32>
        %select_n3A_729 = arith.select %gt3A_724, %broadcast_in_dim3A_727, %broadcast_in_dim3A_728 : vector<16xi1>, vector<16xi32>
        %gt3A_730 = arith.constant 0.000000e+00 : f32
        %gt3A_731 = vector.broadcast %gt3A_730 : f32 to vector<16xf32>
        %gt3A_732 = arith.cmpf ogt, %get3A_692, %gt3A_731 : vector<16xf32>
        %jit3A_733 = arith.constant 4 : i32
        %jit3A_734 = arith.constant 5 : i32
        %broadcast_in_dim3A_735 = vector.broadcast %jit3A_733 : i32 to vector<16xi32>
        %broadcast_in_dim3A_736 = vector.broadcast %jit3A_734 : i32 to vector<16xi32>
        %select_n3A_737 = arith.select %gt3A_732, %broadcast_in_dim3A_735, %broadcast_in_dim3A_736 : vector<16xi1>, vector<16xi32>
        %select_n3A_738 = arith.select %and3A_708, %select_n3A_729, %select_n3A_737 : vector<16xi1>, vector<16xi32>
        %select_n3A_739 = arith.select %and3A_703, %select_n3A_721, %select_n3A_738 : vector<16xi1>, vector<16xi32>
        %gt3A_740 = arith.constant 0.000000e+00 : f32
        %gt3A_741 = vector.broadcast %gt3A_740 : f32 to vector<16xf32>
        %gt3A_742 = arith.cmpf ogt, %get3A_682, %gt3A_741 : vector<16xf32>
        %neg3A_743 = arith.constant 0.000000e+00 : f32
        %neg3A_744 = vector.broadcast %neg3A_743 : f32 to vector<16xf32>
        %neg3A_745 = arith.subf %neg3A_744, %get3A_692 : vector<16xf32>
        %select_n3A_746 = arith.select %gt3A_742, %neg3A_745, %get3A_692 : vector<16xi1>, vector<16xf32>
        %gt3A_747 = arith.constant 0.000000e+00 : f32
        %gt3A_748 = vector.broadcast %gt3A_747 : f32 to vector<16xf32>
        %gt3A_749 = arith.cmpf ogt, %get3A_692, %gt3A_748 : vector<16xf32>
        %neg3A_750 = arith.constant 0.000000e+00 : f32
        %neg3A_751 = vector.broadcast %neg3A_750 : f32 to vector<16xf32>
        %neg3A_752 = arith.subf %neg3A_751, %get3A_682 : vector<16xf32>
        %select_n3A_753 = arith.select %gt3A_749, %get3A_682, %neg3A_752 : vector<16xi1>, vector<16xf32>
        %select_n3A_754 = arith.select %and3A_708, %get3A_682, %select_n3A_753 : vector<16xi1>, vector<16xf32>
        %select_n3A_755 = arith.select %and3A_703, %select_n3A_746, %select_n3A_754 : vector<16xi1>, vector<16xf32>
        %neg3A_756 = arith.constant 0.000000e+00 : f32
        %neg3A_757 = vector.broadcast %neg3A_756 : f32 to vector<16xf32>
        %neg3A_758 = arith.subf %neg3A_757, %get3A_687 : vector<16xf32>
        %gt3A_759 = arith.constant 0.000000e+00 : f32
        %gt3A_760 = vector.broadcast %gt3A_759 : f32 to vector<16xf32>
        %gt3A_761 = arith.cmpf ogt, %get3A_687, %gt3A_760 : vector<16xf32>
        %neg3A_762 = arith.constant 0.000000e+00 : f32
        %neg3A_763 = vector.broadcast %neg3A_762 : f32 to vector<16xf32>
        %neg3A_764 = arith.subf %neg3A_763, %get3A_692 : vector<16xf32>
        %select_n3A_765 = arith.select %gt3A_761, %get3A_692, %neg3A_764 : vector<16xi1>, vector<16xf32>
        %neg3A_766 = arith.constant 0.000000e+00 : f32
        %neg3A_767 = vector.broadcast %neg3A_766 : f32 to vector<16xf32>
        %neg3A_768 = arith.subf %neg3A_767, %get3A_687 : vector<16xf32>
        %select_n3A_769 = arith.select %and3A_708, %select_n3A_765, %neg3A_768 : vector<16xi1>, vector<16xf32>
        %select_n3A_770 = arith.select %and3A_703, %neg3A_758, %select_n3A_769 : vector<16xi1>, vector<16xf32>
        %div3A_771 = arith.divf %select_n3A_755, %max3A_713 : vector<16xf32>
        %add3A_772 = arith.constant 1.000000e+00 : f32
        %add3A_773 = vector.broadcast %add3A_772 : f32 to vector<16xf32>
        %add3A_774 = arith.addf %div3A_771, %add3A_773 : vector<16xf32>
        %mul3A_775 = arith.constant 5.000000e-01 : f32
        %mul3A_776 = vector.broadcast %mul3A_775 : f32 to vector<16xf32>
        %mul3A_777 = arith.mulf %mul3A_776, %add3A_774 : vector<16xf32>
        %div3A_778 = arith.divf %select_n3A_770, %max3A_713 : vector<16xf32>
        %add3A_779 = arith.constant 1.000000e+00 : f32
        %add3A_780 = vector.broadcast %add3A_779 : f32 to vector<16xf32>
        %add3A_781 = arith.addf %div3A_778, %add3A_780 : vector<16xf32>
        %mul3A_782 = arith.constant 5.000000e-01 : f32
        %mul3A_783 = vector.broadcast %mul3A_782 : f32 to vector<16xf32>
        %mul3A_784 = arith.mulf %mul3A_783, %add3A_781 : vector<16xf32>
        %lt3A_785 = arith.constant 5.000000e-01 : f32
        %lt3A_786 = vector.broadcast %lt3A_785 : f32 to vector<16xf32>
        %lt3A_787 = arith.cmpf olt, %get3A_697, %lt3A_786 : vector<16xf32>
        %jit3A_788 = arith.constant 8.000000e-02 : f32
        %jit3A_789 = arith.constant 5.000000e-01 : f32
        %max3A_790 = vector.broadcast %jit3A_788 : f32 to vector<16xf32>
        %max3A_791 = arith.maximumf %max3A_790, %get3A_697 : vector<16xf32>
        %min3A_792 = vector.broadcast %jit3A_789 : f32 to vector<16xf32>
        %min3A_793 = arith.minimumf %min3A_792, %max3A_791 : vector<16xf32>
        %sub3A_794 = arith.constant 8.000000e-02 : f32
        %sub3A_795 = vector.broadcast %sub3A_794 : f32 to vector<16xf32>
        %sub3A_796 = arith.subf %min3A_793, %sub3A_795 : vector<16xf32>
        %div3A_797 = arith.constant 4.200000e-01 : f32
        %div3A_798 = vector.broadcast %div3A_797 : f32 to vector<16xf32>
        %div3A_799 = arith.divf %sub3A_796, %div3A_798 : vector<16xf32>
        %mul3A_800 = arith.constant 4.000000e+00 : f32
        %mul3A_801 = vector.broadcast %mul3A_800 : f32 to vector<16xf32>
        %mul3A_802 = arith.mulf %div3A_799, %mul3A_801 : vector<16xf32>
        %jit3A_803 = arith.constant 5.000000e-01 : f32
        %jit3A_804 = arith.constant 1.000000e+00 : f32
        %max3A_805 = vector.broadcast %jit3A_803 : f32 to vector<16xf32>
        %max3A_806 = arith.maximumf %max3A_805, %get3A_697 : vector<16xf32>
        %min3A_807 = vector.broadcast %jit3A_804 : f32 to vector<16xf32>
        %min3A_808 = arith.minimumf %min3A_807, %max3A_806 : vector<16xf32>
        %sub3A_809 = arith.constant 5.000000e-01 : f32
        %sub3A_810 = vector.broadcast %sub3A_809 : f32 to vector<16xf32>
        %sub3A_811 = arith.subf %min3A_808, %sub3A_810 : vector<16xf32>
        %div3A_812 = arith.constant 5.000000e-01 : f32
        %div3A_813 = vector.broadcast %div3A_812 : f32 to vector<16xf32>
        %div3A_814 = arith.divf %sub3A_811, %div3A_813 : vector<16xf32>
        %add3A_815 = arith.constant 4.000000e+00 : f32
        %add3A_816 = vector.broadcast %add3A_815 : f32 to vector<16xf32>
        %add3A_817 = arith.addf %div3A_814, %add3A_816 : vector<16xf32>
        %select_n3A_818 = arith.select %lt3A_787, %mul3A_802, %add3A_817 : vector<16xi1>, vector<16xf32>
        %convert_element_type3A_819 = arith.fptosi %select_n3A_818 : vector<16xf32> to vector<16xi32>
        %min3A_820 = arith.constant 5 : i32
        %min3A_821 = vector.broadcast %min3A_820 : i32 to vector<16xi32>
        %min3A_822 = arith.minsi %convert_element_type3A_819, %min3A_821 : vector<16xi32>
        %convert_element_type3A_823 = arith.sitofp %min3A_822 : vector<16xi32> to vector<16xf32>
        %sub3A_824 = arith.subf %select_n3A_818, %convert_element_type3A_823 : vector<16xf32>
        %add3A_825 = arith.constant 1 : i32
        %add3A_826 = vector.broadcast %add3A_825 : i32 to vector<16xi32>
        %add3A_827 = arith.addi %min3A_822, %add3A_826 : vector<16xi32>
        %min3A_828 = arith.constant 5 : i32
        %min3A_829 = vector.broadcast %min3A_828 : i32 to vector<16xi32>
        %min3A_830 = arith.minsi %add3A_827, %min3A_829 : vector<16xi32>
        %sub3A_831 = arith.constant 9 : i32
        %sub3A_832 = vector.broadcast %sub3A_831 : i32 to vector<16xi32>
        %sub3A_833 = arith.subi %sub3A_832, %min3A_822 : vector<16xi32>
        %mul3A_834 = arith.constant 2 : i32
        %mul3A_835 = vector.broadcast %mul3A_834 : i32 to vector<16xi32>
        %mul3A_836 = arith.muli %mul3A_835, %min3A_822 : vector<16xi32>
        %sub3A_837 = arith.constant 18 : i32
        %sub3A_838 = vector.broadcast %sub3A_837 : i32 to vector<16xi32>
        %sub3A_839 = arith.subi %sub3A_838, %mul3A_836 : vector<16xi32>
        %shift_left3A = arith.constant 1 : i32
        %shift_left3A_840 = vector.broadcast %shift_left3A : i32 to vector<16xi32>
        %shift_left3A_841 = arith.shli %shift_left3A_840, %sub3A_833 : vector<16xi32>
        %sub3A_842 = arith.constant 1 : i32
        %sub3A_843 = vector.broadcast %sub3A_842 : i32 to vector<16xi32>
        %sub3A_844 = arith.subi %shift_left3A_841, %sub3A_843 : vector<16xi32>
        %convert_element_type3A_845 = arith.sitofp %shift_left3A_841 : vector<16xi32> to vector<16xf32>
        %mul3A_846 = arith.mulf %mul3A_777, %convert_element_type3A_845 : vector<16xf32>
        %sub3A_847 = arith.constant 5.000000e-01 : f32
        %sub3A_848 = vector.broadcast %sub3A_847 : f32 to vector<16xf32>
        %sub3A_849 = arith.subf %mul3A_846, %sub3A_848 : vector<16xf32>
        %mul3A_850 = arith.mulf %mul3A_784, %convert_element_type3A_845 : vector<16xf32>
        %sub3A_851 = arith.constant 5.000000e-01 : f32
        %sub3A_852 = vector.broadcast %sub3A_851 : f32 to vector<16xf32>
        %sub3A_853 = arith.subf %mul3A_850, %sub3A_852 : vector<16xf32>
        %convert_element_type3A_854 = arith.fptosi %sub3A_849 : vector<16xf32> to vector<16xi32>
        %jit3A_855 = arith.constant 0 : i32
        %max3A_856 = vector.broadcast %jit3A_855 : i32 to vector<16xi32>
        %max3A_857 = arith.maxsi %max3A_856, %convert_element_type3A_854 : vector<16xi32>
        %min3A_858 = arith.minsi %sub3A_844, %max3A_857 : vector<16xi32>
        %convert_element_type3A_859 = arith.fptosi %sub3A_853 : vector<16xf32> to vector<16xi32>
        %jit3A_860 = arith.constant 0 : i32
        %max3A_861 = vector.broadcast %jit3A_860 : i32 to vector<16xi32>
        %max3A_862 = arith.maxsi %max3A_861, %convert_element_type3A_859 : vector<16xi32>
        %min3A_863 = arith.minsi %sub3A_844, %max3A_862 : vector<16xi32>
        %add3A_864 = arith.constant 1 : i32
        %add3A_865 = vector.broadcast %add3A_864 : i32 to vector<16xi32>
        %add3A_866 = arith.addi %min3A_858, %add3A_865 : vector<16xi32>
        %min3A_867 = arith.minsi %add3A_866, %sub3A_844 : vector<16xi32>
        %sub3A_868 = arith.subi %min3A_867, %min3A_858 : vector<16xi32>
        %add3A_869 = arith.constant 1 : i32
        %add3A_870 = vector.broadcast %add3A_869 : i32 to vector<16xi32>
        %add3A_871 = arith.addi %min3A_863, %add3A_870 : vector<16xi32>
        %min3A_872 = arith.minsi %add3A_871, %sub3A_844 : vector<16xi32>
        %sub3A_873 = arith.subi %min3A_872, %min3A_863 : vector<16xi32>
        %convert_element_type3A_874 = arith.sitofp %min3A_858 : vector<16xi32> to vector<16xf32>
        %sub3A_875 = arith.subf %sub3A_849, %convert_element_type3A_874 : vector<16xf32>
        %jit3A_876 = arith.constant 0.000000e+00 : f32
        %jit3A_877 = arith.constant 1.000000e+00 : f32
        %max3A_878 = vector.broadcast %jit3A_876 : f32 to vector<16xf32>
        %max3A_879 = arith.maximumf %max3A_878, %sub3A_875 : vector<16xf32>
        %min3A_880 = vector.broadcast %jit3A_877 : f32 to vector<16xf32>
        %min3A_881 = arith.minimumf %min3A_880, %max3A_879 : vector<16xf32>
        %convert_element_type3A_882 = arith.sitofp %min3A_863 : vector<16xi32> to vector<16xf32>
        %sub3A_883 = arith.subf %sub3A_853, %convert_element_type3A_882 : vector<16xf32>
        %jit3A_884 = arith.constant 0.000000e+00 : f32
        %jit3A_885 = arith.constant 1.000000e+00 : f32
        %max3A_886 = vector.broadcast %jit3A_884 : f32 to vector<16xf32>
        %max3A_887 = arith.maximumf %max3A_886, %sub3A_883 : vector<16xf32>
        %min3A_888 = vector.broadcast %jit3A_885 : f32 to vector<16xf32>
        %min3A_889 = arith.minimumf %min3A_888, %max3A_887 : vector<16xf32>
        %mul3A_890 = arith.constant 2 : i32
        %mul3A_891 = vector.broadcast %mul3A_890 : i32 to vector<16xi32>
        %mul3A_892 = arith.muli %mul3A_891, %min3A_822 : vector<16xi32>
        %shift_right_arithmetic3A = arith.constant 2097152 : i32
        %shift_right_arithmetic3A_893 = vector.broadcast %shift_right_arithmetic3A : i32 to vector<16xi32>
        %shift_right_arithmetic3A_894 = arith.shrsi %shift_right_arithmetic3A_893, %mul3A_892 : vector<16xi32>
        %sub3A_895 = arith.constant 2097152 : i32
        %sub3A_896 = vector.broadcast %sub3A_895 : i32 to vector<16xi32>
        %sub3A_897 = arith.subi %sub3A_896, %shift_right_arithmetic3A_894 : vector<16xi32>
        %shift_left3A_898 = arith.shli %select_n3A_739, %sub3A_839 : vector<16xi32>
        %add3A_899 = arith.addi %sub3A_897, %shift_left3A_898 : vector<16xi32>
        %shift_left3A_900 = arith.shli %min3A_863, %sub3A_833 : vector<16xi32>
        %add3A_901 = arith.addi %add3A_899, %shift_left3A_900 : vector<16xi32>
        %add3A_902 = arith.addi %add3A_901, %min3A_858 : vector<16xi32>
        %add3A_903 = arith.addi %add3A_902, %sub3A_868 : vector<16xi32>
        %shift_left3A_904 = arith.shli %sub3A_873, %sub3A_833 : vector<16xi32>
        %add3A_905 = arith.addi %add3A_902, %shift_left3A_904 : vector<16xi32>
        %add3A_906 = arith.addi %add3A_905, %sub3A_868 : vector<16xi32>
        %add3A_907 = arith.constant 1024 : i32
        %add3A_908 = arith.addi %add3A_907, %mul3A_483 : i32
        %swap3A_909 = arith.index_cast %add3A_908 : i32 to index
        %swap3A_910 = tpu.vector_load %arg9[%swap3A_909] {strides = array<i32>} : memref<3072xi32, #tpu.memory_space<vmem>>, vector<16xi32>,
        %swap3A_911 = vector.shape_cast %swap3A_910 : vector<16xi32> to vector<16xi32>
        %swap3A_912 = vector.shape_cast %add3A_902 : vector<16xi32> to vector<16xi32>
        tpu.vector_store %arg9[%swap3A_909], %swap3A_912 {strides = array<i32>} : memref<3072xi32, #tpu.memory_space<vmem>>, vector<16xi32>,
        %add3A_913 = arith.constant 1280 : i32
        %add3A_914 = arith.addi %add3A_913, %mul3A_483 : i32
        %swap3A_915 = arith.index_cast %add3A_914 : i32 to index
        %swap3A_916 = tpu.vector_load %arg9[%swap3A_915] {strides = array<i32>} : memref<3072xi32, #tpu.memory_space<vmem>>, vector<16xi32>,
        %swap3A_917 = vector.shape_cast %swap3A_916 : vector<16xi32> to vector<16xi32>
        %swap3A_918 = vector.shape_cast %add3A_903 : vector<16xi32> to vector<16xi32>
        tpu.vector_store %arg9[%swap3A_915], %swap3A_918 {strides = array<i32>} : memref<3072xi32, #tpu.memory_space<vmem>>, vector<16xi32>,
        %add3A_919 = arith.constant 1536 : i32
        %add3A_920 = arith.addi %add3A_919, %mul3A_483 : i32
        %swap3A_921 = arith.index_cast %add3A_920 : i32 to index
        %swap3A_922 = tpu.vector_load %arg9[%swap3A_921] {strides = array<i32>} : memref<3072xi32, #tpu.memory_space<vmem>>, vector<16xi32>,
        %swap3A_923 = vector.shape_cast %swap3A_922 : vector<16xi32> to vector<16xi32>
        %swap3A_924 = vector.shape_cast %add3A_905 : vector<16xi32> to vector<16xi32>
        tpu.vector_store %arg9[%swap3A_921], %swap3A_924 {strides = array<i32>} : memref<3072xi32, #tpu.memory_space<vmem>>, vector<16xi32>,
        %add3A_925 = arith.constant 1792 : i32
        %add3A_926 = arith.addi %add3A_925, %mul3A_483 : i32
        %swap3A_927 = arith.index_cast %add3A_926 : i32 to index
        %swap3A_928 = tpu.vector_load %arg9[%swap3A_927] {strides = array<i32>} : memref<3072xi32, #tpu.memory_space<vmem>>, vector<16xi32>,
        %swap3A_929 = vector.shape_cast %swap3A_928 : vector<16xi32> to vector<16xi32>
        %swap3A_930 = vector.shape_cast %add3A_906 : vector<16xi32> to vector<16xi32>
        tpu.vector_store %arg9[%swap3A_927], %swap3A_930 {strides = array<i32>} : memref<3072xi32, #tpu.memory_space<vmem>>, vector<16xi32>,
        %sub3A_931 = arith.constant 9 : i32
        %sub3A_932 = vector.broadcast %sub3A_931 : i32 to vector<16xi32>
        %sub3A_933 = arith.subi %sub3A_932, %min3A_830 : vector<16xi32>
        %mul3A_934 = arith.constant 2 : i32
        %mul3A_935 = vector.broadcast %mul3A_934 : i32 to vector<16xi32>
        %mul3A_936 = arith.muli %mul3A_935, %min3A_830 : vector<16xi32>
        %sub3A_937 = arith.constant 18 : i32
        %sub3A_938 = vector.broadcast %sub3A_937 : i32 to vector<16xi32>
        %sub3A_939 = arith.subi %sub3A_938, %mul3A_936 : vector<16xi32>
        %shift_left3A_940 = arith.constant 1 : i32
        %shift_left3A_941 = vector.broadcast %shift_left3A_940 : i32 to vector<16xi32>
        %shift_left3A_942 = arith.shli %shift_left3A_941, %sub3A_933 : vector<16xi32>
        %sub3A_943 = arith.constant 1 : i32
        %sub3A_944 = vector.broadcast %sub3A_943 : i32 to vector<16xi32>
        %sub3A_945 = arith.subi %shift_left3A_942, %sub3A_944 : vector<16xi32>
        %convert_element_type3A_946 = arith.sitofp %shift_left3A_942 : vector<16xi32> to vector<16xf32>
        %mul3A_947 = arith.mulf %mul3A_777, %convert_element_type3A_946 : vector<16xf32>
        %sub3A_948 = arith.constant 5.000000e-01 : f32
        %sub3A_949 = vector.broadcast %sub3A_948 : f32 to vector<16xf32>
        %sub3A_950 = arith.subf %mul3A_947, %sub3A_949 : vector<16xf32>
        %mul3A_951 = arith.mulf %mul3A_784, %convert_element_type3A_946 : vector<16xf32>
        %sub3A_952 = arith.constant 5.000000e-01 : f32
        %sub3A_953 = vector.broadcast %sub3A_952 : f32 to vector<16xf32>
        %sub3A_954 = arith.subf %mul3A_951, %sub3A_953 : vector<16xf32>
        %convert_element_type3A_955 = arith.fptosi %sub3A_950 : vector<16xf32> to vector<16xi32>
        %jit3A_956 = arith.constant 0 : i32
        %max3A_957 = vector.broadcast %jit3A_956 : i32 to vector<16xi32>
        %max3A_958 = arith.maxsi %max3A_957, %convert_element_type3A_955 : vector<16xi32>
        %min3A_959 = arith.minsi %sub3A_945, %max3A_958 : vector<16xi32>
        %convert_element_type3A_960 = arith.fptosi %sub3A_954 : vector<16xf32> to vector<16xi32>
        %jit3A_961 = arith.constant 0 : i32
        %max3A_962 = vector.broadcast %jit3A_961 : i32 to vector<16xi32>
        %max3A_963 = arith.maxsi %max3A_962, %convert_element_type3A_960 : vector<16xi32>
        %min3A_964 = arith.minsi %sub3A_945, %max3A_963 : vector<16xi32>
        %add3A_965 = arith.constant 1 : i32
        %add3A_966 = vector.broadcast %add3A_965 : i32 to vector<16xi32>
        %add3A_967 = arith.addi %min3A_959, %add3A_966 : vector<16xi32>
        %min3A_968 = arith.minsi %add3A_967, %sub3A_945 : vector<16xi32>
        %sub3A_969 = arith.subi %min3A_968, %min3A_959 : vector<16xi32>
        %add3A_970 = arith.constant 1 : i32
        %add3A_971 = vector.broadcast %add3A_970 : i32 to vector<16xi32>
        %add3A_972 = arith.addi %min3A_964, %add3A_971 : vector<16xi32>
        %min3A_973 = arith.minsi %add3A_972, %sub3A_945 : vector<16xi32>
        %sub3A_974 = arith.subi %min3A_973, %min3A_964 : vector<16xi32>
        %convert_element_type3A_975 = arith.sitofp %min3A_959 : vector<16xi32> to vector<16xf32>
        %sub3A_976 = arith.subf %sub3A_950, %convert_element_type3A_975 : vector<16xf32>
        %jit3A_977 = arith.constant 0.000000e+00 : f32
        %jit3A_978 = arith.constant 1.000000e+00 : f32
        %max3A_979 = vector.broadcast %jit3A_977 : f32 to vector<16xf32>
        %max3A_980 = arith.maximumf %max3A_979, %sub3A_976 : vector<16xf32>
        %min3A_981 = vector.broadcast %jit3A_978 : f32 to vector<16xf32>
        %min3A_982 = arith.minimumf %min3A_981, %max3A_980 : vector<16xf32>
        %convert_element_type3A_983 = arith.sitofp %min3A_964 : vector<16xi32> to vector<16xf32>
        %sub3A_984 = arith.subf %sub3A_954, %convert_element_type3A_983 : vector<16xf32>
        %jit3A_985 = arith.constant 0.000000e+00 : f32
        %jit3A_986 = arith.constant 1.000000e+00 : f32
        %max3A_987 = vector.broadcast %jit3A_985 : f32 to vector<16xf32>
        %max3A_988 = arith.maximumf %max3A_987, %sub3A_984 : vector<16xf32>
        %min3A_989 = vector.broadcast %jit3A_986 : f32 to vector<16xf32>
        %min3A_990 = arith.minimumf %min3A_989, %max3A_988 : vector<16xf32>
        %mul3A_991 = arith.constant 2 : i32
        %mul3A_992 = vector.broadcast %mul3A_991 : i32 to vector<16xi32>
        %mul3A_993 = arith.muli %mul3A_992, %min3A_830 : vector<16xi32>
        %shift_right_arithmetic3A_994 = arith.constant 2097152 : i32
        %shift_right_arithmetic3A_995 = vector.broadcast %shift_right_arithmetic3A_994 : i32 to vector<16xi32>
        %shift_right_arithmetic3A_996 = arith.shrsi %shift_right_arithmetic3A_995, %mul3A_993 : vector<16xi32>
        %sub3A_997 = arith.constant 2097152 : i32
        %sub3A_998 = vector.broadcast %sub3A_997 : i32 to vector<16xi32>
        %sub3A_999 = arith.subi %sub3A_998, %shift_right_arithmetic3A_996 : vector<16xi32>
        %shift_left3A_1000 = arith.shli %select_n3A_739, %sub3A_939 : vector<16xi32>
        %add3A_1001 = arith.addi %sub3A_999, %shift_left3A_1000 : vector<16xi32>
        %shift_left3A_1002 = arith.shli %min3A_964, %sub3A_933 : vector<16xi32>
        %add3A_1003 = arith.addi %add3A_1001, %shift_left3A_1002 : vector<16xi32>
        %add3A_1004 = arith.addi %add3A_1003, %min3A_959 : vector<16xi32>
        %add3A_1005 = arith.addi %add3A_1004, %sub3A_969 : vector<16xi32>
        %shift_left3A_1006 = arith.shli %sub3A_974, %sub3A_933 : vector<16xi32>
        %add3A_1007 = arith.addi %add3A_1004, %shift_left3A_1006 : vector<16xi32>
        %add3A_1008 = arith.addi %add3A_1007, %sub3A_969 : vector<16xi32>
        %add3A_1009 = arith.constant 2048 : i32
        %add3A_1010 = arith.addi %add3A_1009, %mul3A_483 : i32
        %swap3A_1011 = arith.index_cast %add3A_1010 : i32 to index
        %swap3A_1012 = tpu.vector_load %arg9[%swap3A_1011] {strides = array<i32>} : memref<3072xi32, #tpu.memory_space<vmem>>, vector<16xi32>,
        %swap3A_1013 = vector.shape_cast %swap3A_1012 : vector<16xi32> to vector<16xi32>
        %swap3A_1014 = vector.shape_cast %add3A_1004 : vector<16xi32> to vector<16xi32>
        tpu.vector_store %arg9[%swap3A_1011], %swap3A_1014 {strides = array<i32>} : memref<3072xi32, #tpu.memory_space<vmem>>, vector<16xi32>,
        %add3A_1015 = arith.constant 2304 : i32
        %add3A_1016 = arith.addi %add3A_1015, %mul3A_483 : i32
        %swap3A_1017 = arith.index_cast %add3A_1016 : i32 to index
        %swap3A_1018 = tpu.vector_load %arg9[%swap3A_1017] {strides = array<i32>} : memref<3072xi32, #tpu.memory_space<vmem>>, vector<16xi32>,
        %swap3A_1019 = vector.shape_cast %swap3A_1018 : vector<16xi32> to vector<16xi32>
        %swap3A_1020 = vector.shape_cast %add3A_1005 : vector<16xi32> to vector<16xi32>
        tpu.vector_store %arg9[%swap3A_1017], %swap3A_1020 {strides = array<i32>} : memref<3072xi32, #tpu.memory_space<vmem>>, vector<16xi32>,
        %add3A_1021 = arith.constant 2560 : i32
        %add3A_1022 = arith.addi %add3A_1021, %mul3A_483 : i32
        %swap3A_1023 = arith.index_cast %add3A_1022 : i32 to index
        %swap3A_1024 = tpu.vector_load %arg9[%swap3A_1023] {strides = array<i32>} : memref<3072xi32, #tpu.memory_space<vmem>>, vector<16xi32>,
        %swap3A_1025 = vector.shape_cast %swap3A_1024 : vector<16xi32> to vector<16xi32>
        %swap3A_1026 = vector.shape_cast %add3A_1007 : vector<16xi32> to vector<16xi32>
        tpu.vector_store %arg9[%swap3A_1023], %swap3A_1026 {strides = array<i32>} : memref<3072xi32, #tpu.memory_space<vmem>>, vector<16xi32>,
        %add3A_1027 = arith.constant 2816 : i32
        %add3A_1028 = arith.addi %add3A_1027, %mul3A_483 : i32
        %swap3A_1029 = arith.index_cast %add3A_1028 : i32 to index
        %swap3A_1030 = tpu.vector_load %arg9[%swap3A_1029] {strides = array<i32>} : memref<3072xi32, #tpu.memory_space<vmem>>, vector<16xi32>,
        %swap3A_1031 = vector.shape_cast %swap3A_1030 : vector<16xi32> to vector<16xi32>
        %swap3A_1032 = vector.shape_cast %add3A_1008 : vector<16xi32> to vector<16xi32>
        tpu.vector_store %arg9[%swap3A_1029], %swap3A_1032 {strides = array<i32>} : memref<3072xi32, #tpu.memory_space<vmem>>, vector<16xi32>,
        %swap3A_1033 = arith.constant 2 : i32
        %swap3A_1034 = arith.index_cast %swap3A_1033 : i32 to index
        %swap3A_1035 = arith.index_cast %mul3A_483 : i32 to index
        %swap3A_1036 = tpu.vector_load %arg13[%swap3A_1034, %swap3A_1035] {strides = array<i32>} : memref<7x256xf32, #tpu.memory_space<vmem>>, vector<1x16xf32>,
        %swap3A_1037 = vector.shape_cast %swap3A_1036 : vector<1x16xf32> to vector<16xf32>
        %swap3A_1038 = vector.shape_cast %min3A_881 : vector<16xf32> to vector<1x16xf32>
        tpu.vector_store %arg13[%swap3A_1034, %swap3A_1035], %swap3A_1038 {strides = array<i32>} : memref<7x256xf32, #tpu.memory_space<vmem>>, vector<1x16xf32>,
        %swap3A_1039 = arith.constant 3 : i32
        %swap3A_1040 = arith.index_cast %swap3A_1039 : i32 to index
        %swap3A_1041 = arith.index_cast %mul3A_483 : i32 to index
        %swap3A_1042 = tpu.vector_load %arg13[%swap3A_1040, %swap3A_1041] {strides = array<i32>} : memref<7x256xf32, #tpu.memory_space<vmem>>, vector<1x16xf32>,
        %swap3A_1043 = vector.shape_cast %swap3A_1042 : vector<1x16xf32> to vector<16xf32>
        %swap3A_1044 = vector.shape_cast %min3A_889 : vector<16xf32> to vector<1x16xf32>
        tpu.vector_store %arg13[%swap3A_1040, %swap3A_1041], %swap3A_1044 {strides = array<i32>} : memref<7x256xf32, #tpu.memory_space<vmem>>, vector<1x16xf32>,
        %swap3A_1045 = arith.constant 4 : i32
        %swap3A_1046 = arith.index_cast %swap3A_1045 : i32 to index
        %swap3A_1047 = arith.index_cast %mul3A_483 : i32 to index
        %swap3A_1048 = tpu.vector_load %arg13[%swap3A_1046, %swap3A_1047] {strides = array<i32>} : memref<7x256xf32, #tpu.memory_space<vmem>>, vector<1x16xf32>,
        %swap3A_1049 = vector.shape_cast %swap3A_1048 : vector<1x16xf32> to vector<16xf32>
        %swap3A_1050 = vector.shape_cast %min3A_982 : vector<16xf32> to vector<1x16xf32>
        tpu.vector_store %arg13[%swap3A_1046, %swap3A_1047], %swap3A_1050 {strides = array<i32>} : memref<7x256xf32, #tpu.memory_space<vmem>>, vector<1x16xf32>,
        %swap3A_1051 = arith.constant 5 : i32
        %swap3A_1052 = arith.index_cast %swap3A_1051 : i32 to index
        %swap3A_1053 = arith.index_cast %mul3A_483 : i32 to index
        %swap3A_1054 = tpu.vector_load %arg13[%swap3A_1052, %swap3A_1053] {strides = array<i32>} : memref<7x256xf32, #tpu.memory_space<vmem>>, vector<1x16xf32>,
        %swap3A_1055 = vector.shape_cast %swap3A_1054 : vector<1x16xf32> to vector<16xf32>
        %swap3A_1056 = vector.shape_cast %min3A_990 : vector<16xf32> to vector<1x16xf32>
        tpu.vector_store %arg13[%swap3A_1052, %swap3A_1053], %swap3A_1056 {strides = array<i32>} : memref<7x256xf32, #tpu.memory_space<vmem>>, vector<1x16xf32>,
        %swap3A_1057 = arith.constant 6 : i32
        %swap3A_1058 = arith.index_cast %swap3A_1057 : i32 to index
        %swap3A_1059 = arith.index_cast %mul3A_483 : i32 to index
        %swap3A_1060 = tpu.vector_load %arg13[%swap3A_1058, %swap3A_1059] {strides = array<i32>} : memref<7x256xf32, #tpu.memory_space<vmem>>, vector<1x16xf32>,
        %swap3A_1061 = vector.shape_cast %swap3A_1060 : vector<1x16xf32> to vector<16xf32>
        %swap3A_1062 = vector.shape_cast %sub3A_824 : vector<16xf32> to vector<1x16xf32>
        tpu.vector_store %arg13[%swap3A_1058, %swap3A_1059], %swap3A_1062 {strides = array<i32>} : memref<7x256xf32, #tpu.memory_space<vmem>>, vector<1x16xf32>,
      }
      %scan3A_19 = arith.constant 16 : i32
      %dma_start3A = arith.constant 0 : i32
      %dma_start3A_20 = tpu.memref_slice %arg11[%dma_start3A] : memref<9216xf32, #tpu.memory_space<vmem>> -> memref<512xf32, #tpu.memory_space<vmem>>
      %dma_start3A_21 = arith.constant 0 : i32
      %dma_start3A_22 = tpu.memref_slice %arg9[%dma_start3A_21] : memref<3072xi32, #tpu.memory_space<vmem>> -> memref<512xi32, #tpu.memory_space<vmem>>
      %dma_start3A_23 = arith.constant 0 : i32
      %dma_start3A_24 = tpu.memref_slice %arg3[%dma_start3A_23] : memref<2098176xf32, #tpu.memory_space<hbm>> -> memref<2098176xf32, #tpu.memory_space<hbm>>
      tpu.enqueue_indirect_dma source(%dma_start3A_24 : memref<2098176xf32, #tpu.memory_space<hbm>>) target(%dma_start3A_20 : memref<512xf32, #tpu.memory_space<vmem>>) offsets(%dma_start3A_22 : memref<512xi32, #tpu.memory_space<vmem>>) semaphore(%arg17 : memref<!tpu.dma_semaphore, #tpu.memory_space<semaphore_mem>>)
      %dma_start3A_25 = arith.constant 512 : i32
      %dma_start3A_26 = tpu.memref_slice %arg11[%dma_start3A_25] : memref<9216xf32, #tpu.memory_space<vmem>> -> memref<512xf32, #tpu.memory_space<vmem>>
      %dma_start3A_27 = arith.constant 512 : i32
      %dma_start3A_28 = tpu.memref_slice %arg9[%dma_start3A_27] : memref<3072xi32, #tpu.memory_space<vmem>> -> memref<512xi32, #tpu.memory_space<vmem>>
      %dma_start3A_29 = arith.constant 0 : i32
      %dma_start3A_30 = tpu.memref_slice %arg3[%dma_start3A_29] : memref<2098176xf32, #tpu.memory_space<hbm>> -> memref<2098176xf32, #tpu.memory_space<hbm>>
      tpu.enqueue_indirect_dma source(%dma_start3A_30 : memref<2098176xf32, #tpu.memory_space<hbm>>) target(%dma_start3A_26 : memref<512xf32, #tpu.memory_space<vmem>>) offsets(%dma_start3A_28 : memref<512xi32, #tpu.memory_space<vmem>>) semaphore(%arg17 : memref<!tpu.dma_semaphore, #tpu.memory_space<semaphore_mem>>)
      %dma_start3A_31 = arith.constant 1024 : i32
      %dma_start3A_32 = tpu.memref_slice %arg11[%dma_start3A_31] : memref<9216xf32, #tpu.memory_space<vmem>> -> memref<512xf32, #tpu.memory_space<vmem>>
      %dma_start3A_33 = arith.constant 1024 : i32
      %dma_start3A_34 = tpu.memref_slice %arg9[%dma_start3A_33] : memref<3072xi32, #tpu.memory_space<vmem>> -> memref<512xi32, #tpu.memory_space<vmem>>
      %dma_start3A_35 = arith.constant 0 : i32
      %dma_start3A_36 = tpu.memref_slice %arg3[%dma_start3A_35] : memref<2098176xf32, #tpu.memory_space<hbm>> -> memref<2098176xf32, #tpu.memory_space<hbm>>
      tpu.enqueue_indirect_dma source(%dma_start3A_36 : memref<2098176xf32, #tpu.memory_space<hbm>>) target(%dma_start3A_32 : memref<512xf32, #tpu.memory_space<vmem>>) offsets(%dma_start3A_34 : memref<512xi32, #tpu.memory_space<vmem>>) semaphore(%arg17 : memref<!tpu.dma_semaphore, #tpu.memory_space<semaphore_mem>>)
      %dma_start3A_37 = arith.constant 1536 : i32
      %dma_start3A_38 = tpu.memref_slice %arg11[%dma_start3A_37] : memref<9216xf32, #tpu.memory_space<vmem>> -> memref<512xf32, #tpu.memory_space<vmem>>
      %dma_start3A_39 = arith.constant 1536 : i32
      %dma_start3A_40 = tpu.memref_slice %arg9[%dma_start3A_39] : memref<3072xi32, #tpu.memory_space<vmem>> -> memref<512xi32, #tpu.memory_space<vmem>>
      %dma_start3A_41 = arith.constant 0 : i32
      %dma_start3A_42 = tpu.memref_slice %arg3[%dma_start3A_41] : memref<2098176xf32, #tpu.memory_space<hbm>> -> memref<2098176xf32, #tpu.memory_space<hbm>>
      tpu.enqueue_indirect_dma source(%dma_start3A_42 : memref<2098176xf32, #tpu.memory_space<hbm>>) target(%dma_start3A_38 : memref<512xf32, #tpu.memory_space<vmem>>) offsets(%dma_start3A_40 : memref<512xi32, #tpu.memory_space<vmem>>) semaphore(%arg17 : memref<!tpu.dma_semaphore, #tpu.memory_space<semaphore_mem>>)
      %dma_start3A_43 = arith.constant 2048 : i32
      %dma_start3A_44 = tpu.memref_slice %arg11[%dma_start3A_43] : memref<9216xf32, #tpu.memory_space<vmem>> -> memref<512xf32, #tpu.memory_space<vmem>>
      %dma_start3A_45 = arith.constant 2048 : i32
      %dma_start3A_46 = tpu.memref_slice %arg9[%dma_start3A_45] : memref<3072xi32, #tpu.memory_space<vmem>> -> memref<512xi32, #tpu.memory_space<vmem>>
      %dma_start3A_47 = arith.constant 0 : i32
      %dma_start3A_48 = tpu.memref_slice %arg3[%dma_start3A_47] : memref<2098176xf32, #tpu.memory_space<hbm>> -> memref<2098176xf32, #tpu.memory_space<hbm>>
      tpu.enqueue_indirect_dma source(%dma_start3A_48 : memref<2098176xf32, #tpu.memory_space<hbm>>) target(%dma_start3A_44 : memref<512xf32, #tpu.memory_space<vmem>>) offsets(%dma_start3A_46 : memref<512xi32, #tpu.memory_space<vmem>>) semaphore(%arg17 : memref<!tpu.dma_semaphore, #tpu.memory_space<semaphore_mem>>)
      %dma_start3A_49 = arith.constant 2560 : i32
      %dma_start3A_50 = tpu.memref_slice %arg11[%dma_start3A_49] : memref<9216xf32, #tpu.memory_space<vmem>> -> memref<512xf32, #tpu.memory_space<vmem>>
      %dma_start3A_51 = arith.constant 2560 : i32
      %dma_start3A_52 = tpu.memref_slice %arg9[%dma_start3A_51] : memref<3072xi32, #tpu.memory_space<vmem>> -> memref<512xi32, #tpu.memory_space<vmem>>
      %dma_start3A_53 = arith.constant 0 : i32
      %dma_start3A_54 = tpu.memref_slice %arg3[%dma_start3A_53] : memref<2098176xf32, #tpu.memory_space<hbm>> -> memref<2098176xf32, #tpu.memory_space<hbm>>
      tpu.enqueue_indirect_dma source(%dma_start3A_54 : memref<2098176xf32, #tpu.memory_space<hbm>>) target(%dma_start3A_50 : memref<512xf32, #tpu.memory_space<vmem>>) offsets(%dma_start3A_52 : memref<512xi32, #tpu.memory_space<vmem>>) semaphore(%arg17 : memref<!tpu.dma_semaphore, #tpu.memory_space<semaphore_mem>>)
      %dma_start3A_55 = arith.constant 3072 : i32
      %dma_start3A_56 = tpu.memref_slice %arg11[%dma_start3A_55] : memref<9216xf32, #tpu.memory_space<vmem>> -> memref<512xf32, #tpu.memory_space<vmem>>
      %dma_start3A_57 = arith.constant 0 : i32
      %dma_start3A_58 = tpu.memref_slice %arg9[%dma_start3A_57] : memref<3072xi32, #tpu.memory_space<vmem>> -> memref<512xi32, #tpu.memory_space<vmem>>
      %dma_start3A_59 = arith.constant 0 : i32
      %dma_start3A_60 = tpu.memref_slice %arg4[%dma_start3A_59] : memref<2098176xf32, #tpu.memory_space<hbm>> -> memref<2098176xf32, #tpu.memory_space<hbm>>
      tpu.enqueue_indirect_dma source(%dma_start3A_60 : memref<2098176xf32, #tpu.memory_space<hbm>>) target(%dma_start3A_56 : memref<512xf32, #tpu.memory_space<vmem>>) offsets(%dma_start3A_58 : memref<512xi32, #tpu.memory_space<vmem>>) semaphore(%arg17 : memref<!tpu.dma_semaphore, #tpu.memory_space<semaphore_mem>>)
      %dma_start3A_61 = arith.constant 3584 : i32
      %dma_start3A_62 = tpu.memref_slice %arg11[%dma_start3A_61] : memref<9216xf32, #tpu.memory_space<vmem>> -> memref<512xf32, #tpu.memory_space<vmem>>
      %dma_start3A_63 = arith.constant 512 : i32
      %dma_start3A_64 = tpu.memref_slice %arg9[%dma_start3A_63] : memref<3072xi32, #tpu.memory_space<vmem>> -> memref<512xi32, #tpu.memory_space<vmem>>
      %dma_start3A_65 = arith.constant 0 : i32
      %dma_start3A_66 = tpu.memref_slice %arg4[%dma_start3A_65] : memref<2098176xf32, #tpu.memory_space<hbm>> -> memref<2098176xf32, #tpu.memory_space<hbm>>
      tpu.enqueue_indirect_dma source(%dma_start3A_66 : memref<2098176xf32, #tpu.memory_space<hbm>>) target(%dma_start3A_62 : memref<512xf32, #tpu.memory_space<vmem>>) offsets(%dma_start3A_64 : memref<512xi32, #tpu.memory_space<vmem>>) semaphore(%arg17 : memref<!tpu.dma_semaphore, #tpu.memory_space<semaphore_mem>>)
      %dma_start3A_67 = arith.constant 4096 : i32
      %dma_start3A_68 = tpu.memref_slice %arg11[%dma_start3A_67] : memref<9216xf32, #tpu.memory_space<vmem>> -> memref<512xf32, #tpu.memory_space<vmem>>
      %dma_start3A_69 = arith.constant 1024 : i32
      %dma_start3A_70 = tpu.memref_slice %arg9[%dma_start3A_69] : memref<3072xi32, #tpu.memory_space<vmem>> -> memref<512xi32, #tpu.memory_space<vmem>>
      %dma_start3A_71 = arith.constant 0 : i32
      %dma_start3A_72 = tpu.memref_slice %arg4[%dma_start3A_71] : memref<2098176xf32, #tpu.memory_space<hbm>> -> memref<2098176xf32, #tpu.memory_space<hbm>>
      tpu.enqueue_indirect_dma source(%dma_start3A_72 : memref<2098176xf32, #tpu.memory_space<hbm>>) target(%dma_start3A_68 : memref<512xf32, #tpu.memory_space<vmem>>) offsets(%dma_start3A_70 : memref<512xi32, #tpu.memory_space<vmem>>) semaphore(%arg17 : memref<!tpu.dma_semaphore, #tpu.memory_space<semaphore_mem>>)
      %dma_start3A_73 = arith.constant 4608 : i32
      %dma_start3A_74 = tpu.memref_slice %arg11[%dma_start3A_73] : memref<9216xf32, #tpu.memory_space<vmem>> -> memref<512xf32, #tpu.memory_space<vmem>>
      %dma_start3A_75 = arith.constant 1536 : i32
      %dma_start3A_76 = tpu.memref_slice %arg9[%dma_start3A_75] : memref<3072xi32, #tpu.memory_space<vmem>> -> memref<512xi32, #tpu.memory_space<vmem>>
      %dma_start3A_77 = arith.constant 0 : i32
      %dma_start3A_78 = tpu.memref_slice %arg4[%dma_start3A_77] : memref<2098176xf32, #tpu.memory_space<hbm>> -> memref<2098176xf32, #tpu.memory_space<hbm>>
      tpu.enqueue_indirect_dma source(%dma_start3A_78 : memref<2098176xf32, #tpu.memory_space<hbm>>) target(%dma_start3A_74 : memref<512xf32, #tpu.memory_space<vmem>>) offsets(%dma_start3A_76 : memref<512xi32, #tpu.memory_space<vmem>>) semaphore(%arg17 : memref<!tpu.dma_semaphore, #tpu.memory_space<semaphore_mem>>)
      %dma_start3A_79 = arith.constant 5120 : i32
      %dma_start3A_80 = tpu.memref_slice %arg11[%dma_start3A_79] : memref<9216xf32, #tpu.memory_space<vmem>> -> memref<512xf32, #tpu.memory_space<vmem>>
      %dma_start3A_81 = arith.constant 2048 : i32
      %dma_start3A_82 = tpu.memref_slice %arg9[%dma_start3A_81] : memref<3072xi32, #tpu.memory_space<vmem>> -> memref<512xi32, #tpu.memory_space<vmem>>
      %dma_start3A_83 = arith.constant 0 : i32
      %dma_start3A_84 = tpu.memref_slice %arg4[%dma_start3A_83] : memref<2098176xf32, #tpu.memory_space<hbm>> -> memref<2098176xf32, #tpu.memory_space<hbm>>
      tpu.enqueue_indirect_dma source(%dma_start3A_84 : memref<2098176xf32, #tpu.memory_space<hbm>>) target(%dma_start3A_80 : memref<512xf32, #tpu.memory_space<vmem>>) offsets(%dma_start3A_82 : memref<512xi32, #tpu.memory_space<vmem>>) semaphore(%arg17 : memref<!tpu.dma_semaphore, #tpu.memory_space<semaphore_mem>>)
      %dma_start3A_85 = arith.constant 5632 : i32
      %dma_start3A_86 = tpu.memref_slice %arg11[%dma_start3A_85] : memref<9216xf32, #tpu.memory_space<vmem>> -> memref<512xf32, #tpu.memory_space<vmem>>
      %dma_start3A_87 = arith.constant 2560 : i32
      %dma_start3A_88 = tpu.memref_slice %arg9[%dma_start3A_87] : memref<3072xi32, #tpu.memory_space<vmem>> -> memref<512xi32, #tpu.memory_space<vmem>>
      %dma_start3A_89 = arith.constant 0 : i32
      %dma_start3A_90 = tpu.memref_slice %arg4[%dma_start3A_89] : memref<2098176xf32, #tpu.memory_space<hbm>> -> memref<2098176xf32, #tpu.memory_space<hbm>>
      tpu.enqueue_indirect_dma source(%dma_start3A_90 : memref<2098176xf32, #tpu.memory_space<hbm>>) target(%dma_start3A_86 : memref<512xf32, #tpu.memory_space<vmem>>) offsets(%dma_start3A_88 : memref<512xi32, #tpu.memory_space<vmem>>) semaphore(%arg17 : memref<!tpu.dma_semaphore, #tpu.memory_space<semaphore_mem>>)
      %dma_start3A_91 = arith.constant 6144 : i32
      %dma_start3A_92 = tpu.memref_slice %arg11[%dma_start3A_91] : memref<9216xf32, #tpu.memory_space<vmem>> -> memref<512xf32, #tpu.memory_space<vmem>>
      %dma_start3A_93 = arith.constant 0 : i32
      %dma_start3A_94 = tpu.memref_slice %arg9[%dma_start3A_93] : memref<3072xi32, #tpu.memory_space<vmem>> -> memref<512xi32, #tpu.memory_space<vmem>>
      %dma_start3A_95 = arith.constant 0 : i32
      %dma_start3A_96 = tpu.memref_slice %arg5[%dma_start3A_95] : memref<2098176xf32, #tpu.memory_space<hbm>> -> memref<2098176xf32, #tpu.memory_space<hbm>>
      tpu.enqueue_indirect_dma source(%dma_start3A_96 : memref<2098176xf32, #tpu.memory_space<hbm>>) target(%dma_start3A_92 : memref<512xf32, #tpu.memory_space<vmem>>) offsets(%dma_start3A_94 : memref<512xi32, #tpu.memory_space<vmem>>) semaphore(%arg17 : memref<!tpu.dma_semaphore, #tpu.memory_space<semaphore_mem>>)
      %dma_start3A_97 = arith.constant 6656 : i32
      %dma_start3A_98 = tpu.memref_slice %arg11[%dma_start3A_97] : memref<9216xf32, #tpu.memory_space<vmem>> -> memref<512xf32, #tpu.memory_space<vmem>>
      %dma_start3A_99 = arith.constant 512 : i32
      %dma_start3A_100 = tpu.memref_slice %arg9[%dma_start3A_99] : memref<3072xi32, #tpu.memory_space<vmem>> -> memref<512xi32, #tpu.memory_space<vmem>>
      %dma_start3A_101 = arith.constant 0 : i32
      %dma_start3A_102 = tpu.memref_slice %arg5[%dma_start3A_101] : memref<2098176xf32, #tpu.memory_space<hbm>> -> memref<2098176xf32, #tpu.memory_space<hbm>>
      tpu.enqueue_indirect_dma source(%dma_start3A_102 : memref<2098176xf32, #tpu.memory_space<hbm>>) target(%dma_start3A_98 : memref<512xf32, #tpu.memory_space<vmem>>) offsets(%dma_start3A_100 : memref<512xi32, #tpu.memory_space<vmem>>) semaphore(%arg17 : memref<!tpu.dma_semaphore, #tpu.memory_space<semaphore_mem>>)
      %dma_start3A_103 = arith.constant 7168 : i32
      %dma_start3A_104 = tpu.memref_slice %arg11[%dma_start3A_103] : memref<9216xf32, #tpu.memory_space<vmem>> -> memref<512xf32, #tpu.memory_space<vmem>>
      %dma_start3A_105 = arith.constant 1024 : i32
      %dma_start3A_106 = tpu.memref_slice %arg9[%dma_start3A_105] : memref<3072xi32, #tpu.memory_space<vmem>> -> memref<512xi32, #tpu.memory_space<vmem>>
      %dma_start3A_107 = arith.constant 0 : i32
      %dma_start3A_108 = tpu.memref_slice %arg5[%dma_start3A_107] : memref<2098176xf32, #tpu.memory_space<hbm>> -> memref<2098176xf32, #tpu.memory_space<hbm>>
      tpu.enqueue_indirect_dma source(%dma_start3A_108 : memref<2098176xf32, #tpu.memory_space<hbm>>) target(%dma_start3A_104 : memref<512xf32, #tpu.memory_space<vmem>>) offsets(%dma_start3A_106 : memref<512xi32, #tpu.memory_space<vmem>>) semaphore(%arg17 : memref<!tpu.dma_semaphore, #tpu.memory_space<semaphore_mem>>)
      %dma_start3A_109 = arith.constant 7680 : i32
      %dma_start3A_110 = tpu.memref_slice %arg11[%dma_start3A_109] : memref<9216xf32, #tpu.memory_space<vmem>> -> memref<512xf32, #tpu.memory_space<vmem>>
      %dma_start3A_111 = arith.constant 1536 : i32
      %dma_start3A_112 = tpu.memref_slice %arg9[%dma_start3A_111] : memref<3072xi32, #tpu.memory_space<vmem>> -> memref<512xi32, #tpu.memory_space<vmem>>
      %dma_start3A_113 = arith.constant 0 : i32
      %dma_start3A_114 = tpu.memref_slice %arg5[%dma_start3A_113] : memref<2098176xf32, #tpu.memory_space<hbm>> -> memref<2098176xf32, #tpu.memory_space<hbm>>
      tpu.enqueue_indirect_dma source(%dma_start3A_114 : memref<2098176xf32, #tpu.memory_space<hbm>>) target(%dma_start3A_110 : memref<512xf32, #tpu.memory_space<vmem>>) offsets(%dma_start3A_112 : memref<512xi32, #tpu.memory_space<vmem>>) semaphore(%arg17 : memref<!tpu.dma_semaphore, #tpu.memory_space<semaphore_mem>>)
      %dma_start3A_115 = arith.constant 8192 : i32
      %dma_start3A_116 = tpu.memref_slice %arg11[%dma_start3A_115] : memref<9216xf32, #tpu.memory_space<vmem>> -> memref<512xf32, #tpu.memory_space<vmem>>
      %dma_start3A_117 = arith.constant 2048 : i32
      %dma_start3A_118 = tpu.memref_slice %arg9[%dma_start3A_117] : memref<3072xi32, #tpu.memory_space<vmem>> -> memref<512xi32, #tpu.memory_space<vmem>>
      %dma_start3A_119 = arith.constant 0 : i32
      %dma_start3A_120 = tpu.memref_slice %arg5[%dma_start3A_119] : memref<2098176xf32, #tpu.memory_space<hbm>> -> memref<2098176xf32, #tpu.memory_space<hbm>>
      tpu.enqueue_indirect_dma source(%dma_start3A_120 : memref<2098176xf32, #tpu.memory_space<hbm>>) target(%dma_start3A_116 : memref<512xf32, #tpu.memory_space<vmem>>) offsets(%dma_start3A_118 : memref<512xi32, #tpu.memory_space<vmem>>) semaphore(%arg17 : memref<!tpu.dma_semaphore, #tpu.memory_space<semaphore_mem>>)
      %dma_start3A_121 = arith.constant 8704 : i32
      %dma_start3A_122 = tpu.memref_slice %arg11[%dma_start3A_121] : memref<9216xf32, #tpu.memory_space<vmem>> -> memref<512xf32, #tpu.memory_space<vmem>>
      %dma_start3A_123 = arith.constant 2560 : i32
      %dma_start3A_124 = tpu.memref_slice %arg9[%dma_start3A_123] : memref<3072xi32, #tpu.memory_space<vmem>> -> memref<512xi32, #tpu.memory_space<vmem>>
      %dma_start3A_125 = arith.constant 0 : i32
      %dma_start3A_126 = tpu.memref_slice %arg5[%dma_start3A_125] : memref<2098176xf32, #tpu.memory_space<hbm>> -> memref<2098176xf32, #tpu.memory_space<hbm>>
      tpu.enqueue_indirect_dma source(%dma_start3A_126 : memref<2098176xf32, #tpu.memory_space<hbm>>) target(%dma_start3A_122 : memref<512xf32, #tpu.memory_space<vmem>>) offsets(%dma_start3A_124 : memref<512xi32, #tpu.memory_space<vmem>>) semaphore(%arg17 : memref<!tpu.dma_semaphore, #tpu.memory_space<semaphore_mem>>)
      %add3A_127 = arith.constant 1 : i32
      %add3A_128 = arith.addi %mul3A_10, %add3A_127 : i32
      %mul3A_129 = arith.constant 256 : i32
      %mul3A_130 = arith.muli %add3A_128, %mul3A_129 : i32
      %add3A_131 = arith.addi %mul3A_2, %mul3A_130 : i32
      "tpu.region"() ({
        %run_scoped3A = tpu.sem_alloc : memref<!tpu.dma_semaphore, #tpu.memory_space<semaphore_mem>>
        %dma_start3A_481 = arith.constant 0 : i32
        %dma_start3A_482 = tpu.memref_slice %arg2[%dma_start3A_481, %add3A_131] : memref<7x262144xf32, #tpu.memory_space<hbm>> -> memref<7x256xf32, #tpu.memory_space<hbm>>
        %dma_start3A_483 = arith.constant 0 : i32
        %dma_start3A_484 = tpu.memref_slice %arg2[%dma_start3A_483, %add3A_131] : memref<7x262144xf32, #tpu.memory_space<hbm>> -> memref<7x256xf32, #tpu.memory_space<hbm>>
        tpu.enqueue_dma source(%dma_start3A_484 : memref<7x256xf32, #tpu.memory_space<hbm>>) target(%arg8 : memref<7x256xf32, #tpu.memory_space<vmem>>) target_semaphore(%run_scoped3A : memref<!tpu.dma_semaphore, #tpu.memory_space<semaphore_mem>>)
        %dma_wait3A_485 = arith.constant 0 : i32
        %dma_wait3A_486 = tpu.memref_slice %arg2[%dma_wait3A_485, %add3A_131] : memref<7x262144xf32, #tpu.memory_space<hbm>> -> memref<7x256xf32, #tpu.memory_space<hbm>>
        %dma_wait3A_487 = arith.constant 0 : i32
        %dma_wait3A_488 = tpu.memref_slice %arg2[%dma_wait3A_487, %add3A_131] : memref<7x262144xf32, #tpu.memory_space<hbm>> -> memref<7x256xf32, #tpu.memory_space<hbm>>
        tpu.wait_dma2 semaphore(%run_scoped3A : memref<!tpu.dma_semaphore, #tpu.memory_space<semaphore_mem>>) src(%dma_wait3A_488 : memref<7x256xf32, #tpu.memory_space<hbm>>) dst(%arg8 : memref<7x256xf32, #tpu.memory_space<vmem>>)
        tpu.yield
      }) : () -> ()
      %scan3A_132 = arith.constant 0 : i32
      %scan3A_133 = arith.constant 0 : i32
      %scan3A_134 = arith.constant 16 : i32
      %scan3A_135 = arith.addi %scan3A_133, %scan3A_134 : i32
      %scan3A_136 = arith.constant 1 : i32
      scf.for %scan3A_481 = %scan3A_133 to %scan3A_135 step %scan3A_136  : i32 {
        %mul3A_482 = arith.constant 16 : i32
        %mul3A_483 = arith.muli %scan3A_481, %mul3A_482 : i32
        %get3A = arith.constant 0 : i32
        %get3A_484 = arith.index_cast %get3A : i32 to index
        %get3A_485 = arith.index_cast %mul3A_483 : i32 to index
        %get3A_486 = tpu.vector_load %arg8[%get3A_484, %get3A_485] {strides = array<i32>} : memref<7x256xf32, #tpu.memory_space<vmem>>, vector<1x16xf32>,
        %get3A_487 = vector.shape_cast %get3A_486 : vector<1x16xf32> to vector<16xf32>
        %get3A_488 = arith.constant 1 : i32
        %get3A_489 = arith.index_cast %get3A_488 : i32 to index
        %get3A_490 = arith.index_cast %mul3A_483 : i32 to index
        %get3A_491 = tpu.vector_load %arg8[%get3A_489, %get3A_490] {strides = array<i32>} : memref<7x256xf32, #tpu.memory_space<vmem>>, vector<1x16xf32>,
        %get3A_492 = vector.shape_cast %get3A_491 : vector<1x16xf32> to vector<16xf32>
        %get3A_493 = arith.constant 2 : i32
        %get3A_494 = arith.index_cast %get3A_493 : i32 to index
        %get3A_495 = arith.index_cast %mul3A_483 : i32 to index
        %get3A_496 = tpu.vector_load %arg8[%get3A_494, %get3A_495] {strides = array<i32>} : memref<7x256xf32, #tpu.memory_space<vmem>>, vector<1x16xf32>,
        %get3A_497 = vector.shape_cast %get3A_496 : vector<1x16xf32> to vector<16xf32>
        %abs3A = math.absf %get3A_487 : vector<16xf32>
        %abs3A_498 = math.absf %get3A_492 : vector<16xf32>
        %abs3A_499 = math.absf %get3A_497 : vector<16xf32>
        %ge3A = arith.cmpf oge, %abs3A, %abs3A_498 : vector<16xf32>
        %ge3A_500 = arith.cmpf oge, %abs3A, %abs3A_499 : vector<16xf32>
        %and3A = arith.andi %ge3A, %ge3A_500 : vector<16xi1>
        %lt3A = arith.cmpf olt, %abs3A, %abs3A_498 : vector<16xf32>
        %lt3A_501 = arith.cmpf olt, %abs3A, %abs3A_499 : vector<16xf32>
        %or3A = arith.ori %lt3A, %lt3A_501 : vector<16xi1>
        %ge3A_502 = arith.cmpf oge, %abs3A_498, %abs3A_499 : vector<16xf32>
        %and3A_503 = arith.andi %or3A, %ge3A_502 : vector<16xi1>
        %select_n3A = arith.select %and3A_503, %abs3A_498, %abs3A_499 : vector<16xi1>, vector<16xf32>
        %select_n3A_504 = arith.select %and3A, %abs3A, %select_n3A : vector<16xi1>, vector<16xf32>
        %max3A = arith.constant 9.99999996E-13 : f32
        %max3A_505 = vector.broadcast %max3A : f32 to vector<16xf32>
        %max3A_506 = arith.maximumf %select_n3A_504, %max3A_505 : vector<16xf32>
        %gt3A = arith.constant 0.000000e+00 : f32
        %gt3A_507 = vector.broadcast %gt3A : f32 to vector<16xf32>
        %gt3A_508 = arith.cmpf ogt, %get3A_487, %gt3A_507 : vector<16xf32>
        %jit3A = arith.constant 0 : i32
        %jit3A_509 = arith.constant 1 : i32
        %broadcast_in_dim3A = vector.broadcast %jit3A : i32 to vector<16xi32>
        %broadcast_in_dim3A_510 = vector.broadcast %jit3A_509 : i32 to vector<16xi32>
        %select_n3A_511 = arith.select %gt3A_508, %broadcast_in_dim3A, %broadcast_in_dim3A_510 : vector<16xi1>, vector<16xi32>
        %gt3A_512 = arith.constant 0.000000e+00 : f32
        %gt3A_513 = vector.broadcast %gt3A_512 : f32 to vector<16xf32>
        %gt3A_514 = arith.cmpf ogt, %get3A_492, %gt3A_513 : vector<16xf32>
        %jit3A_515 = arith.constant 2 : i32
        %jit3A_516 = arith.constant 3 : i32
        %broadcast_in_dim3A_517 = vector.broadcast %jit3A_515 : i32 to vector<16xi32>
        %broadcast_in_dim3A_518 = vector.broadcast %jit3A_516 : i32 to vector<16xi32>
        %select_n3A_519 = arith.select %gt3A_514, %broadcast_in_dim3A_517, %broadcast_in_dim3A_518 : vector<16xi1>, vector<16xi32>
        %gt3A_520 = arith.constant 0.000000e+00 : f32
        %gt3A_521 = vector.broadcast %gt3A_520 : f32 to vector<16xf32>
        %gt3A_522 = arith.cmpf ogt, %get3A_497, %gt3A_521 : vector<16xf32>
        %jit3A_523 = arith.constant 4 : i32
        %jit3A_524 = arith.constant 5 : i32
        %broadcast_in_dim3A_525 = vector.broadcast %jit3A_523 : i32 to vector<16xi32>
        %broadcast_in_dim3A_526 = vector.broadcast %jit3A_524 : i32 to vector<16xi32>
        %select_n3A_527 = arith.select %gt3A_522, %broadcast_in_dim3A_525, %broadcast_in_dim3A_526 : vector<16xi1>, vector<16xi32>
        %select_n3A_528 = arith.select %and3A_503, %select_n3A_519, %select_n3A_527 : vector<16xi1>, vector<16xi32>
        %select_n3A_529 = arith.select %and3A, %select_n3A_511, %select_n3A_528 : vector<16xi1>, vector<16xi32>
        %gt3A_530 = arith.constant 0.000000e+00 : f32
        %gt3A_531 = vector.broadcast %gt3A_530 : f32 to vector<16xf32>
        %gt3A_532 = arith.cmpf ogt, %get3A_487, %gt3A_531 : vector<16xf32>
        %neg3A = arith.constant 0.000000e+00 : f32
        %neg3A_533 = vector.broadcast %neg3A : f32 to vector<16xf32>
        %neg3A_534 = arith.subf %neg3A_533, %get3A_497 : vector<16xf32>
        %select_n3A_535 = arith.select %gt3A_532, %neg3A_534, %get3A_497 : vector<16xi1>, vector<16xf32>
        %gt3A_536 = arith.constant 0.000000e+00 : f32
        %gt3A_537 = vector.broadcast %gt3A_536 : f32 to vector<16xf32>
        %gt3A_538 = arith.cmpf ogt, %get3A_497, %gt3A_537 : vector<16xf32>
        %neg3A_539 = arith.constant 0.000000e+00 : f32
        %neg3A_540 = vector.broadcast %neg3A_539 : f32 to vector<16xf32>
        %neg3A_541 = arith.subf %neg3A_540, %get3A_487 : vector<16xf32>
        %select_n3A_542 = arith.select %gt3A_538, %get3A_487, %neg3A_541 : vector<16xi1>, vector<16xf32>
        %select_n3A_543 = arith.select %and3A_503, %get3A_487, %select_n3A_542 : vector<16xi1>, vector<16xf32>
        %select_n3A_544 = arith.select %and3A, %select_n3A_535, %select_n3A_543 : vector<16xi1>, vector<16xf32>
        %neg3A_545 = arith.constant 0.000000e+00 : f32
        %neg3A_546 = vector.broadcast %neg3A_545 : f32 to vector<16xf32>
        %neg3A_547 = arith.subf %neg3A_546, %get3A_492 : vector<16xf32>
        %gt3A_548 = arith.constant 0.000000e+00 : f32
        %gt3A_549 = vector.broadcast %gt3A_548 : f32 to vector<16xf32>
        %gt3A_550 = arith.cmpf ogt, %get3A_492, %gt3A_549 : vector<16xf32>
        %neg3A_551 = arith.constant 0.000000e+00 : f32
        %neg3A_552 = vector.broadcast %neg3A_551 : f32 to vector<16xf32>
        %neg3A_553 = arith.subf %neg3A_552, %get3A_497 : vector<16xf32>
        %select_n3A_554 = arith.select %gt3A_550, %get3A_497, %neg3A_553 : vector<16xi1>, vector<16xf32>
        %neg3A_555 = arith.constant 0.000000e+00 : f32
        %neg3A_556 = vector.broadcast %neg3A_555 : f32 to vector<16xf32>
        %neg3A_557 = arith.subf %neg3A_556, %get3A_492 : vector<16xf32>
        %select_n3A_558 = arith.select %and3A_503, %select_n3A_554, %neg3A_557 : vector<16xi1>, vector<16xf32>
        %select_n3A_559 = arith.select %and3A, %neg3A_547, %select_n3A_558 : vector<16xi1>, vector<16xf32>
        %div3A = arith.divf %select_n3A_544, %max3A_506 : vector<16xf32>
        %add3A_560 = arith.constant 1.000000e+00 : f32
        %add3A_561 = vector.broadcast %add3A_560 : f32 to vector<16xf32>
        %add3A_562 = arith.addf %div3A, %add3A_561 : vector<16xf32>
        %mul3A_563 = arith.constant 5.000000e-01 : f32
        %mul3A_564 = vector.broadcast %mul3A_563 : f32 to vector<16xf32>
        %mul3A_565 = arith.mulf %mul3A_564, %add3A_562 : vector<16xf32>
        %div3A_566 = arith.divf %select_n3A_559, %max3A_506 : vector<16xf32>
        %add3A_567 = arith.constant 1.000000e+00 : f32
        %add3A_568 = vector.broadcast %add3A_567 : f32 to vector<16xf32>
        %add3A_569 = arith.addf %div3A_566, %add3A_568 : vector<16xf32>
        %mul3A_570 = arith.constant 5.000000e-01 : f32
        %mul3A_571 = vector.broadcast %mul3A_570 : f32 to vector<16xf32>
        %mul3A_572 = arith.mulf %mul3A_571, %add3A_569 : vector<16xf32>
        %mul3A_573 = arith.constant 1.600000e+01 : f32
        %mul3A_574 = vector.broadcast %mul3A_573 : f32 to vector<16xf32>
        %mul3A_575 = arith.mulf %mul3A_565, %mul3A_574 : vector<16xf32>
        %sub3A = arith.constant 5.000000e-01 : f32
        %sub3A_576 = vector.broadcast %sub3A : f32 to vector<16xf32>
        %sub3A_577 = arith.subf %mul3A_575, %sub3A_576 : vector<16xf32>
        %mul3A_578 = arith.constant 1.600000e+01 : f32
        %mul3A_579 = vector.broadcast %mul3A_578 : f32 to vector<16xf32>
        %mul3A_580 = arith.mulf %mul3A_572, %mul3A_579 : vector<16xf32>
        %sub3A_581 = arith.constant 5.000000e-01 : f32
        %sub3A_582 = vector.broadcast %sub3A_581 : f32 to vector<16xf32>
        %sub3A_583 = arith.subf %mul3A_580, %sub3A_582 : vector<16xf32>
        %convert_element_type3A = arith.fptosi %sub3A_577 : vector<16xf32> to vector<16xi32>
        %jit3A_584 = arith.constant 0 : i32
        %jit3A_585 = arith.constant 15 : i32
        %max3A_586 = vector.broadcast %jit3A_584 : i32 to vector<16xi32>
        %max3A_587 = arith.maxsi %max3A_586, %convert_element_type3A : vector<16xi32>
        %min3A = vector.broadcast %jit3A_585 : i32 to vector<16xi32>
        %min3A_588 = arith.minsi %min3A, %max3A_587 : vector<16xi32>
        %convert_element_type3A_589 = arith.fptosi %sub3A_583 : vector<16xf32> to vector<16xi32>
        %jit3A_590 = arith.constant 0 : i32
        %jit3A_591 = arith.constant 15 : i32
        %max3A_592 = vector.broadcast %jit3A_590 : i32 to vector<16xi32>
        %max3A_593 = arith.maxsi %max3A_592, %convert_element_type3A_589 : vector<16xi32>
        %min3A_594 = vector.broadcast %jit3A_591 : i32 to vector<16xi32>
        %min3A_595 = arith.minsi %min3A_594, %max3A_593 : vector<16xi32>
        %add3A_596 = arith.constant 1 : i32
        %add3A_597 = vector.broadcast %add3A_596 : i32 to vector<16xi32>
        %add3A_598 = arith.addi %min3A_588, %add3A_597 : vector<16xi32>
        %min3A_599 = arith.constant 15 : i32
        %min3A_600 = vector.broadcast %min3A_599 : i32 to vector<16xi32>
        %min3A_601 = arith.minsi %add3A_598, %min3A_600 : vector<16xi32>
        %sub3A_602 = arith.subi %min3A_601, %min3A_588 : vector<16xi32>
        %add3A_603 = arith.constant 1 : i32
        %add3A_604 = vector.broadcast %add3A_603 : i32 to vector<16xi32>
        %add3A_605 = arith.addi %min3A_595, %add3A_604 : vector<16xi32>
        %min3A_606 = arith.constant 15 : i32
        %min3A_607 = vector.broadcast %min3A_606 : i32 to vector<16xi32>
        %min3A_608 = arith.minsi %add3A_605, %min3A_607 : vector<16xi32>
        %sub3A_609 = arith.subi %min3A_608, %min3A_595 : vector<16xi32>
        %convert_element_type3A_610 = arith.sitofp %min3A_588 : vector<16xi32> to vector<16xf32>
        %sub3A_611 = arith.subf %sub3A_577, %convert_element_type3A_610 : vector<16xf32>
        %jit3A_612 = arith.constant 0.000000e+00 : f32
        %jit3A_613 = arith.constant 1.000000e+00 : f32
        %max3A_614 = vector.broadcast %jit3A_612 : f32 to vector<16xf32>
        %max3A_615 = arith.maximumf %max3A_614, %sub3A_611 : vector<16xf32>
        %min3A_616 = vector.broadcast %jit3A_613 : f32 to vector<16xf32>
        %min3A_617 = arith.minimumf %min3A_616, %max3A_615 : vector<16xf32>
        %convert_element_type3A_618 = arith.sitofp %min3A_595 : vector<16xi32> to vector<16xf32>
        %sub3A_619 = arith.subf %sub3A_583, %convert_element_type3A_618 : vector<16xf32>
        %jit3A_620 = arith.constant 0.000000e+00 : f32
        %jit3A_621 = arith.constant 1.000000e+00 : f32
        %max3A_622 = vector.broadcast %jit3A_620 : f32 to vector<16xf32>
        %max3A_623 = arith.maximumf %max3A_622, %sub3A_619 : vector<16xf32>
        %min3A_624 = vector.broadcast %jit3A_621 : f32 to vector<16xf32>
        %min3A_625 = arith.minimumf %min3A_624, %max3A_623 : vector<16xf32>
        %mul3A_626 = arith.constant 256 : i32
        %mul3A_627 = vector.broadcast %mul3A_626 : i32 to vector<16xi32>
        %mul3A_628 = arith.muli %select_n3A_529, %mul3A_627 : vector<16xi32>
        %add3A_629 = arith.constant 2096640 : i32
        %add3A_630 = vector.broadcast %add3A_629 : i32 to vector<16xi32>
        %add3A_631 = arith.addi %add3A_630, %mul3A_628 : vector<16xi32>
        %mul3A_632 = arith.constant 16 : i32
        %mul3A_633 = vector.broadcast %mul3A_632 : i32 to vector<16xi32>
        %mul3A_634 = arith.muli %min3A_595, %mul3A_633 : vector<16xi32>
        %add3A_635 = arith.addi %add3A_631, %mul3A_634 : vector<16xi32>
        %add3A_636 = arith.addi %add3A_635, %min3A_588 : vector<16xi32>
        %add3A_637 = arith.addi %add3A_636, %sub3A_602 : vector<16xi32>
        %mul3A_638 = arith.constant 16 : i32
        %mul3A_639 = vector.broadcast %mul3A_638 : i32 to vector<16xi32>
        %mul3A_640 = arith.muli %sub3A_609, %mul3A_639 : vector<16xi32>
        %add3A_641 = arith.addi %add3A_636, %mul3A_640 : vector<16xi32>
        %add3A_642 = arith.addi %add3A_641, %sub3A_602 : vector<16xi32>
        %add3A_643 = arith.constant 0 : i32
        %add3A_644 = arith.addi %add3A_643, %mul3A_483 : i32
        %swap3A = arith.index_cast %add3A_644 : i32 to index
        %swap3A_645 = tpu.vector_load %arg10[%swap3A] {strides = array<i32>} : memref<3072xi32, #tpu.memory_space<vmem>>, vector<16xi32>,
        %swap3A_646 = vector.shape_cast %swap3A_645 : vector<16xi32> to vector<16xi32>
        %swap3A_647 = vector.shape_cast %add3A_636 : vector<16xi32> to vector<16xi32>
        tpu.vector_store %arg10[%swap3A], %swap3A_647 {strides = array<i32>} : memref<3072xi32, #tpu.memory_space<vmem>>, vector<16xi32>,
        %add3A_648 = arith.constant 256 : i32
        %add3A_649 = arith.addi %add3A_648, %mul3A_483 : i32
        %swap3A_650 = arith.index_cast %add3A_649 : i32 to index
        %swap3A_651 = tpu.vector_load %arg10[%swap3A_650] {strides = array<i32>} : memref<3072xi32, #tpu.memory_space<vmem>>, vector<16xi32>,
        %swap3A_652 = vector.shape_cast %swap3A_651 : vector<16xi32> to vector<16xi32>
        %swap3A_653 = vector.shape_cast %add3A_637 : vector<16xi32> to vector<16xi32>
        tpu.vector_store %arg10[%swap3A_650], %swap3A_653 {strides = array<i32>} : memref<3072xi32, #tpu.memory_space<vmem>>, vector<16xi32>,
        %add3A_654 = arith.constant 512 : i32
        %add3A_655 = arith.addi %add3A_654, %mul3A_483 : i32
        %swap3A_656 = arith.index_cast %add3A_655 : i32 to index
        %swap3A_657 = tpu.vector_load %arg10[%swap3A_656] {strides = array<i32>} : memref<3072xi32, #tpu.memory_space<vmem>>, vector<16xi32>,
        %swap3A_658 = vector.shape_cast %swap3A_657 : vector<16xi32> to vector<16xi32>
        %swap3A_659 = vector.shape_cast %add3A_641 : vector<16xi32> to vector<16xi32>
        tpu.vector_store %arg10[%swap3A_656], %swap3A_659 {strides = array<i32>} : memref<3072xi32, #tpu.memory_space<vmem>>, vector<16xi32>,
        %add3A_660 = arith.constant 768 : i32
        %add3A_661 = arith.addi %add3A_660, %mul3A_483 : i32
        %swap3A_662 = arith.index_cast %add3A_661 : i32 to index
        %swap3A_663 = tpu.vector_load %arg10[%swap3A_662] {strides = array<i32>} : memref<3072xi32, #tpu.memory_space<vmem>>, vector<16xi32>,
        %swap3A_664 = vector.shape_cast %swap3A_663 : vector<16xi32> to vector<16xi32>
        %swap3A_665 = vector.shape_cast %add3A_642 : vector<16xi32> to vector<16xi32>
        tpu.vector_store %arg10[%swap3A_662], %swap3A_665 {strides = array<i32>} : memref<3072xi32, #tpu.memory_space<vmem>>, vector<16xi32>,
        %swap3A_666 = arith.constant 0 : i32
        %swap3A_667 = arith.index_cast %swap3A_666 : i32 to index
        %swap3A_668 = arith.index_cast %mul3A_483 : i32 to index
        %swap3A_669 = tpu.vector_load %arg14[%swap3A_667, %swap3A_668] {strides = array<i32>} : memref<7x256xf32, #tpu.memory_space<vmem>>, vector<1x16xf32>,
        %swap3A_670 = vector.shape_cast %swap3A_669 : vector<1x16xf32> to vector<16xf32>
        %swap3A_671 = vector.shape_cast %min3A_617 : vector<16xf32> to vector<1x16xf32>
        tpu.vector_store %arg14[%swap3A_667, %swap3A_668], %swap3A_671 {strides = array<i32>} : memref<7x256xf32, #tpu.memory_space<vmem>>, vector<1x16xf32>,
        %swap3A_672 = arith.constant 1 : i32
        %swap3A_673 = arith.index_cast %swap3A_672 : i32 to index
        %swap3A_674 = arith.index_cast %mul3A_483 : i32 to index
        %swap3A_675 = tpu.vector_load %arg14[%swap3A_673, %swap3A_674] {strides = array<i32>} : memref<7x256xf32, #tpu.memory_space<vmem>>, vector<1x16xf32>,
        %swap3A_676 = vector.shape_cast %swap3A_675 : vector<1x16xf32> to vector<16xf32>
        %swap3A_677 = vector.shape_cast %min3A_625 : vector<16xf32> to vector<1x16xf32>
        tpu.vector_store %arg14[%swap3A_673, %swap3A_674], %swap3A_677 {strides = array<i32>} : memref<7x256xf32, #tpu.memory_space<vmem>>, vector<1x16xf32>,
        %get3A_678 = arith.constant 3 : i32
        %get3A_679 = arith.index_cast %get3A_678 : i32 to index
        %get3A_680 = arith.index_cast %mul3A_483 : i32 to index
        %get3A_681 = tpu.vector_load %arg8[%get3A_679, %get3A_680] {strides = array<i32>} : memref<7x256xf32, #tpu.memory_space<vmem>>, vector<1x16xf32>,
        %get3A_682 = vector.shape_cast %get3A_681 : vector<1x16xf32> to vector<16xf32>
        %get3A_683 = arith.constant 4 : i32
        %get3A_684 = arith.index_cast %get3A_683 : i32 to index
        %get3A_685 = arith.index_cast %mul3A_483 : i32 to index
        %get3A_686 = tpu.vector_load %arg8[%get3A_684, %get3A_685] {strides = array<i32>} : memref<7x256xf32, #tpu.memory_space<vmem>>, vector<1x16xf32>,
        %get3A_687 = vector.shape_cast %get3A_686 : vector<1x16xf32> to vector<16xf32>
        %get3A_688 = arith.constant 5 : i32
        %get3A_689 = arith.index_cast %get3A_688 : i32 to index
        %get3A_690 = arith.index_cast %mul3A_483 : i32 to index
        %get3A_691 = tpu.vector_load %arg8[%get3A_689, %get3A_690] {strides = array<i32>} : memref<7x256xf32, #tpu.memory_space<vmem>>, vector<1x16xf32>,
        %get3A_692 = vector.shape_cast %get3A_691 : vector<1x16xf32> to vector<16xf32>
        %get3A_693 = arith.constant 6 : i32
        %get3A_694 = arith.index_cast %get3A_693 : i32 to index
        %get3A_695 = arith.index_cast %mul3A_483 : i32 to index
        %get3A_696 = tpu.vector_load %arg8[%get3A_694, %get3A_695] {strides = array<i32>} : memref<7x256xf32, #tpu.memory_space<vmem>>, vector<1x16xf32>,
        %get3A_697 = vector.shape_cast %get3A_696 : vector<1x16xf32> to vector<16xf32>
        %abs3A_698 = math.absf %get3A_682 : vector<16xf32>
        %abs3A_699 = math.absf %get3A_687 : vector<16xf32>
        %abs3A_700 = math.absf %get3A_692 : vector<16xf32>
        %ge3A_701 = arith.cmpf oge, %abs3A_698, %abs3A_699 : vector<16xf32>
        %ge3A_702 = arith.cmpf oge, %abs3A_698, %abs3A_700 : vector<16xf32>
        %and3A_703 = arith.andi %ge3A_701, %ge3A_702 : vector<16xi1>
        %lt3A_704 = arith.cmpf olt, %abs3A_698, %abs3A_699 : vector<16xf32>
        %lt3A_705 = arith.cmpf olt, %abs3A_698, %abs3A_700 : vector<16xf32>
        %or3A_706 = arith.ori %lt3A_704, %lt3A_705 : vector<16xi1>
        %ge3A_707 = arith.cmpf oge, %abs3A_699, %abs3A_700 : vector<16xf32>
        %and3A_708 = arith.andi %or3A_706, %ge3A_707 : vector<16xi1>
        %select_n3A_709 = arith.select %and3A_708, %abs3A_699, %abs3A_700 : vector<16xi1>, vector<16xf32>
        %select_n3A_710 = arith.select %and3A_703, %abs3A_698, %select_n3A_709 : vector<16xi1>, vector<16xf32>
        %max3A_711 = arith.constant 9.99999996E-13 : f32
        %max3A_712 = vector.broadcast %max3A_711 : f32 to vector<16xf32>
        %max3A_713 = arith.maximumf %select_n3A_710, %max3A_712 : vector<16xf32>
        %gt3A_714 = arith.constant 0.000000e+00 : f32
        %gt3A_715 = vector.broadcast %gt3A_714 : f32 to vector<16xf32>
        %gt3A_716 = arith.cmpf ogt, %get3A_682, %gt3A_715 : vector<16xf32>
        %jit3A_717 = arith.constant 0 : i32
        %jit3A_718 = arith.constant 1 : i32
        %broadcast_in_dim3A_719 = vector.broadcast %jit3A_717 : i32 to vector<16xi32>
        %broadcast_in_dim3A_720 = vector.broadcast %jit3A_718 : i32 to vector<16xi32>
        %select_n3A_721 = arith.select %gt3A_716, %broadcast_in_dim3A_719, %broadcast_in_dim3A_720 : vector<16xi1>, vector<16xi32>
        %gt3A_722 = arith.constant 0.000000e+00 : f32
        %gt3A_723 = vector.broadcast %gt3A_722 : f32 to vector<16xf32>
        %gt3A_724 = arith.cmpf ogt, %get3A_687, %gt3A_723 : vector<16xf32>
        %jit3A_725 = arith.constant 2 : i32
        %jit3A_726 = arith.constant 3 : i32
        %broadcast_in_dim3A_727 = vector.broadcast %jit3A_725 : i32 to vector<16xi32>
        %broadcast_in_dim3A_728 = vector.broadcast %jit3A_726 : i32 to vector<16xi32>
        %select_n3A_729 = arith.select %gt3A_724, %broadcast_in_dim3A_727, %broadcast_in_dim3A_728 : vector<16xi1>, vector<16xi32>
        %gt3A_730 = arith.constant 0.000000e+00 : f32
        %gt3A_731 = vector.broadcast %gt3A_730 : f32 to vector<16xf32>
        %gt3A_732 = arith.cmpf ogt, %get3A_692, %gt3A_731 : vector<16xf32>
        %jit3A_733 = arith.constant 4 : i32
        %jit3A_734 = arith.constant 5 : i32
        %broadcast_in_dim3A_735 = vector.broadcast %jit3A_733 : i32 to vector<16xi32>
        %broadcast_in_dim3A_736 = vector.broadcast %jit3A_734 : i32 to vector<16xi32>
        %select_n3A_737 = arith.select %gt3A_732, %broadcast_in_dim3A_735, %broadcast_in_dim3A_736 : vector<16xi1>, vector<16xi32>
        %select_n3A_738 = arith.select %and3A_708, %select_n3A_729, %select_n3A_737 : vector<16xi1>, vector<16xi32>
        %select_n3A_739 = arith.select %and3A_703, %select_n3A_721, %select_n3A_738 : vector<16xi1>, vector<16xi32>
        %gt3A_740 = arith.constant 0.000000e+00 : f32
        %gt3A_741 = vector.broadcast %gt3A_740 : f32 to vector<16xf32>
        %gt3A_742 = arith.cmpf ogt, %get3A_682, %gt3A_741 : vector<16xf32>
        %neg3A_743 = arith.constant 0.000000e+00 : f32
        %neg3A_744 = vector.broadcast %neg3A_743 : f32 to vector<16xf32>
        %neg3A_745 = arith.subf %neg3A_744, %get3A_692 : vector<16xf32>
        %select_n3A_746 = arith.select %gt3A_742, %neg3A_745, %get3A_692 : vector<16xi1>, vector<16xf32>
        %gt3A_747 = arith.constant 0.000000e+00 : f32
        %gt3A_748 = vector.broadcast %gt3A_747 : f32 to vector<16xf32>
        %gt3A_749 = arith.cmpf ogt, %get3A_692, %gt3A_748 : vector<16xf32>
        %neg3A_750 = arith.constant 0.000000e+00 : f32
        %neg3A_751 = vector.broadcast %neg3A_750 : f32 to vector<16xf32>
        %neg3A_752 = arith.subf %neg3A_751, %get3A_682 : vector<16xf32>
        %select_n3A_753 = arith.select %gt3A_749, %get3A_682, %neg3A_752 : vector<16xi1>, vector<16xf32>
        %select_n3A_754 = arith.select %and3A_708, %get3A_682, %select_n3A_753 : vector<16xi1>, vector<16xf32>
        %select_n3A_755 = arith.select %and3A_703, %select_n3A_746, %select_n3A_754 : vector<16xi1>, vector<16xf32>
        %neg3A_756 = arith.constant 0.000000e+00 : f32
        %neg3A_757 = vector.broadcast %neg3A_756 : f32 to vector<16xf32>
        %neg3A_758 = arith.subf %neg3A_757, %get3A_687 : vector<16xf32>
        %gt3A_759 = arith.constant 0.000000e+00 : f32
        %gt3A_760 = vector.broadcast %gt3A_759 : f32 to vector<16xf32>
        %gt3A_761 = arith.cmpf ogt, %get3A_687, %gt3A_760 : vector<16xf32>
        %neg3A_762 = arith.constant 0.000000e+00 : f32
        %neg3A_763 = vector.broadcast %neg3A_762 : f32 to vector<16xf32>
        %neg3A_764 = arith.subf %neg3A_763, %get3A_692 : vector<16xf32>
        %select_n3A_765 = arith.select %gt3A_761, %get3A_692, %neg3A_764 : vector<16xi1>, vector<16xf32>
        %neg3A_766 = arith.constant 0.000000e+00 : f32
        %neg3A_767 = vector.broadcast %neg3A_766 : f32 to vector<16xf32>
        %neg3A_768 = arith.subf %neg3A_767, %get3A_687 : vector<16xf32>
        %select_n3A_769 = arith.select %and3A_708, %select_n3A_765, %neg3A_768 : vector<16xi1>, vector<16xf32>
        %select_n3A_770 = arith.select %and3A_703, %neg3A_758, %select_n3A_769 : vector<16xi1>, vector<16xf32>
        %div3A_771 = arith.divf %select_n3A_755, %max3A_713 : vector<16xf32>
        %add3A_772 = arith.constant 1.000000e+00 : f32
        %add3A_773 = vector.broadcast %add3A_772 : f32 to vector<16xf32>
        %add3A_774 = arith.addf %div3A_771, %add3A_773 : vector<16xf32>
        %mul3A_775 = arith.constant 5.000000e-01 : f32
        %mul3A_776 = vector.broadcast %mul3A_775 : f32 to vector<16xf32>
        %mul3A_777 = arith.mulf %mul3A_776, %add3A_774 : vector<16xf32>
        %div3A_778 = arith.divf %select_n3A_770, %max3A_713 : vector<16xf32>
        %add3A_779 = arith.constant 1.000000e+00 : f32
        %add3A_780 = vector.broadcast %add3A_779 : f32 to vector<16xf32>
        %add3A_781 = arith.addf %div3A_778, %add3A_780 : vector<16xf32>
        %mul3A_782 = arith.constant 5.000000e-01 : f32
        %mul3A_783 = vector.broadcast %mul3A_782 : f32 to vector<16xf32>
        %mul3A_784 = arith.mulf %mul3A_783, %add3A_781 : vector<16xf32>
        %lt3A_785 = arith.constant 5.000000e-01 : f32
        %lt3A_786 = vector.broadcast %lt3A_785 : f32 to vector<16xf32>
        %lt3A_787 = arith.cmpf olt, %get3A_697, %lt3A_786 : vector<16xf32>
        %jit3A_788 = arith.constant 8.000000e-02 : f32
        %jit3A_789 = arith.constant 5.000000e-01 : f32
        %max3A_790 = vector.broadcast %jit3A_788 : f32 to vector<16xf32>
        %max3A_791 = arith.maximumf %max3A_790, %get3A_697 : vector<16xf32>
        %min3A_792 = vector.broadcast %jit3A_789 : f32 to vector<16xf32>
        %min3A_793 = arith.minimumf %min3A_792, %max3A_791 : vector<16xf32>
        %sub3A_794 = arith.constant 8.000000e-02 : f32
        %sub3A_795 = vector.broadcast %sub3A_794 : f32 to vector<16xf32>
        %sub3A_796 = arith.subf %min3A_793, %sub3A_795 : vector<16xf32>
        %div3A_797 = arith.constant 4.200000e-01 : f32
        %div3A_798 = vector.broadcast %div3A_797 : f32 to vector<16xf32>
        %div3A_799 = arith.divf %sub3A_796, %div3A_798 : vector<16xf32>
        %mul3A_800 = arith.constant 4.000000e+00 : f32
        %mul3A_801 = vector.broadcast %mul3A_800 : f32 to vector<16xf32>
        %mul3A_802 = arith.mulf %div3A_799, %mul3A_801 : vector<16xf32>
        %jit3A_803 = arith.constant 5.000000e-01 : f32
        %jit3A_804 = arith.constant 1.000000e+00 : f32
        %max3A_805 = vector.broadcast %jit3A_803 : f32 to vector<16xf32>
        %max3A_806 = arith.maximumf %max3A_805, %get3A_697 : vector<16xf32>
        %min3A_807 = vector.broadcast %jit3A_804 : f32 to vector<16xf32>
        %min3A_808 = arith.minimumf %min3A_807, %max3A_806 : vector<16xf32>
        %sub3A_809 = arith.constant 5.000000e-01 : f32
        %sub3A_810 = vector.broadcast %sub3A_809 : f32 to vector<16xf32>
        %sub3A_811 = arith.subf %min3A_808, %sub3A_810 : vector<16xf32>
        %div3A_812 = arith.constant 5.000000e-01 : f32
        %div3A_813 = vector.broadcast %div3A_812 : f32 to vector<16xf32>
        %div3A_814 = arith.divf %sub3A_811, %div3A_813 : vector<16xf32>
        %add3A_815 = arith.constant 4.000000e+00 : f32
        %add3A_816 = vector.broadcast %add3A_815 : f32 to vector<16xf32>
        %add3A_817 = arith.addf %div3A_814, %add3A_816 : vector<16xf32>
        %select_n3A_818 = arith.select %lt3A_787, %mul3A_802, %add3A_817 : vector<16xi1>, vector<16xf32>
        %convert_element_type3A_819 = arith.fptosi %select_n3A_818 : vector<16xf32> to vector<16xi32>
        %min3A_820 = arith.constant 5 : i32
        %min3A_821 = vector.broadcast %min3A_820 : i32 to vector<16xi32>
        %min3A_822 = arith.minsi %convert_element_type3A_819, %min3A_821 : vector<16xi32>
        %convert_element_type3A_823 = arith.sitofp %min3A_822 : vector<16xi32> to vector<16xf32>
        %sub3A_824 = arith.subf %select_n3A_818, %convert_element_type3A_823 : vector<16xf32>
        %add3A_825 = arith.constant 1 : i32
        %add3A_826 = vector.broadcast %add3A_825 : i32 to vector<16xi32>
        %add3A_827 = arith.addi %min3A_822, %add3A_826 : vector<16xi32>
        %min3A_828 = arith.constant 5 : i32
        %min3A_829 = vector.broadcast %min3A_828 : i32 to vector<16xi32>
        %min3A_830 = arith.minsi %add3A_827, %min3A_829 : vector<16xi32>
        %sub3A_831 = arith.constant 9 : i32
        %sub3A_832 = vector.broadcast %sub3A_831 : i32 to vector<16xi32>
        %sub3A_833 = arith.subi %sub3A_832, %min3A_822 : vector<16xi32>
        %mul3A_834 = arith.constant 2 : i32
        %mul3A_835 = vector.broadcast %mul3A_834 : i32 to vector<16xi32>
        %mul3A_836 = arith.muli %mul3A_835, %min3A_822 : vector<16xi32>
        %sub3A_837 = arith.constant 18 : i32
        %sub3A_838 = vector.broadcast %sub3A_837 : i32 to vector<16xi32>
        %sub3A_839 = arith.subi %sub3A_838, %mul3A_836 : vector<16xi32>
        %shift_left3A = arith.constant 1 : i32
        %shift_left3A_840 = vector.broadcast %shift_left3A : i32 to vector<16xi32>
        %shift_left3A_841 = arith.shli %shift_left3A_840, %sub3A_833 : vector<16xi32>
        %sub3A_842 = arith.constant 1 : i32
        %sub3A_843 = vector.broadcast %sub3A_842 : i32 to vector<16xi32>
        %sub3A_844 = arith.subi %shift_left3A_841, %sub3A_843 : vector<16xi32>
        %convert_element_type3A_845 = arith.sitofp %shift_left3A_841 : vector<16xi32> to vector<16xf32>
        %mul3A_846 = arith.mulf %mul3A_777, %convert_element_type3A_845 : vector<16xf32>
        %sub3A_847 = arith.constant 5.000000e-01 : f32
        %sub3A_848 = vector.broadcast %sub3A_847 : f32 to vector<16xf32>
        %sub3A_849 = arith.subf %mul3A_846, %sub3A_848 : vector<16xf32>
        %mul3A_850 = arith.mulf %mul3A_784, %convert_element_type3A_845 : vector<16xf32>
        %sub3A_851 = arith.constant 5.000000e-01 : f32
        %sub3A_852 = vector.broadcast %sub3A_851 : f32 to vector<16xf32>
        %sub3A_853 = arith.subf %mul3A_850, %sub3A_852 : vector<16xf32>
        %convert_element_type3A_854 = arith.fptosi %sub3A_849 : vector<16xf32> to vector<16xi32>
        %jit3A_855 = arith.constant 0 : i32
        %max3A_856 = vector.broadcast %jit3A_855 : i32 to vector<16xi32>
        %max3A_857 = arith.maxsi %max3A_856, %convert_element_type3A_854 : vector<16xi32>
        %min3A_858 = arith.minsi %sub3A_844, %max3A_857 : vector<16xi32>
        %convert_element_type3A_859 = arith.fptosi %sub3A_853 : vector<16xf32> to vector<16xi32>
        %jit3A_860 = arith.constant 0 : i32
        %max3A_861 = vector.broadcast %jit3A_860 : i32 to vector<16xi32>
        %max3A_862 = arith.maxsi %max3A_861, %convert_element_type3A_859 : vector<16xi32>
        %min3A_863 = arith.minsi %sub3A_844, %max3A_862 : vector<16xi32>
        %add3A_864 = arith.constant 1 : i32
        %add3A_865 = vector.broadcast %add3A_864 : i32 to vector<16xi32>
        %add3A_866 = arith.addi %min3A_858, %add3A_865 : vector<16xi32>
        %min3A_867 = arith.minsi %add3A_866, %sub3A_844 : vector<16xi32>
        %sub3A_868 = arith.subi %min3A_867, %min3A_858 : vector<16xi32>
        %add3A_869 = arith.constant 1 : i32
        %add3A_870 = vector.broadcast %add3A_869 : i32 to vector<16xi32>
        %add3A_871 = arith.addi %min3A_863, %add3A_870 : vector<16xi32>
        %min3A_872 = arith.minsi %add3A_871, %sub3A_844 : vector<16xi32>
        %sub3A_873 = arith.subi %min3A_872, %min3A_863 : vector<16xi32>
        %convert_element_type3A_874 = arith.sitofp %min3A_858 : vector<16xi32> to vector<16xf32>
        %sub3A_875 = arith.subf %sub3A_849, %convert_element_type3A_874 : vector<16xf32>
        %jit3A_876 = arith.constant 0.000000e+00 : f32
        %jit3A_877 = arith.constant 1.000000e+00 : f32
        %max3A_878 = vector.broadcast %jit3A_876 : f32 to vector<16xf32>
        %max3A_879 = arith.maximumf %max3A_878, %sub3A_875 : vector<16xf32>
        %min3A_880 = vector.broadcast %jit3A_877 : f32 to vector<16xf32>
        %min3A_881 = arith.minimumf %min3A_880, %max3A_879 : vector<16xf32>
        %convert_element_type3A_882 = arith.sitofp %min3A_863 : vector<16xi32> to vector<16xf32>
        %sub3A_883 = arith.subf %sub3A_853, %convert_element_type3A_882 : vector<16xf32>
        %jit3A_884 = arith.constant 0.000000e+00 : f32
        %jit3A_885 = arith.constant 1.000000e+00 : f32
        %max3A_886 = vector.broadcast %jit3A_884 : f32 to vector<16xf32>
        %max3A_887 = arith.maximumf %max3A_886, %sub3A_883 : vector<16xf32>
        %min3A_888 = vector.broadcast %jit3A_885 : f32 to vector<16xf32>
        %min3A_889 = arith.minimumf %min3A_888, %max3A_887 : vector<16xf32>
        %mul3A_890 = arith.constant 2 : i32
        %mul3A_891 = vector.broadcast %mul3A_890 : i32 to vector<16xi32>
        %mul3A_892 = arith.muli %mul3A_891, %min3A_822 : vector<16xi32>
        %shift_right_arithmetic3A = arith.constant 2097152 : i32
        %shift_right_arithmetic3A_893 = vector.broadcast %shift_right_arithmetic3A : i32 to vector<16xi32>
        %shift_right_arithmetic3A_894 = arith.shrsi %shift_right_arithmetic3A_893, %mul3A_892 : vector<16xi32>
        %sub3A_895 = arith.constant 2097152 : i32
        %sub3A_896 = vector.broadcast %sub3A_895 : i32 to vector<16xi32>
        %sub3A_897 = arith.subi %sub3A_896, %shift_right_arithmetic3A_894 : vector<16xi32>
        %shift_left3A_898 = arith.shli %select_n3A_739, %sub3A_839 : vector<16xi32>
        %add3A_899 = arith.addi %sub3A_897, %shift_left3A_898 : vector<16xi32>
        %shift_left3A_900 = arith.shli %min3A_863, %sub3A_833 : vector<16xi32>
        %add3A_901 = arith.addi %add3A_899, %shift_left3A_900 : vector<16xi32>
        %add3A_902 = arith.addi %add3A_901, %min3A_858 : vector<16xi32>
        %add3A_903 = arith.addi %add3A_902, %sub3A_868 : vector<16xi32>
        %shift_left3A_904 = arith.shli %sub3A_873, %sub3A_833 : vector<16xi32>
        %add3A_905 = arith.addi %add3A_902, %shift_left3A_904 : vector<16xi32>
        %add3A_906 = arith.addi %add3A_905, %sub3A_868 : vector<16xi32>
        %add3A_907 = arith.constant 1024 : i32
        %add3A_908 = arith.addi %add3A_907, %mul3A_483 : i32
        %swap3A_909 = arith.index_cast %add3A_908 : i32 to index
        %swap3A_910 = tpu.vector_load %arg10[%swap3A_909] {strides = array<i32>} : memref<3072xi32, #tpu.memory_space<vmem>>, vector<16xi32>,
        %swap3A_911 = vector.shape_cast %swap3A_910 : vector<16xi32> to vector<16xi32>
        %swap3A_912 = vector.shape_cast %add3A_902 : vector<16xi32> to vector<16xi32>
        tpu.vector_store %arg10[%swap3A_909], %swap3A_912 {strides = array<i32>} : memref<3072xi32, #tpu.memory_space<vmem>>, vector<16xi32>,
        %add3A_913 = arith.constant 1280 : i32
        %add3A_914 = arith.addi %add3A_913, %mul3A_483 : i32
        %swap3A_915 = arith.index_cast %add3A_914 : i32 to index
        %swap3A_916 = tpu.vector_load %arg10[%swap3A_915] {strides = array<i32>} : memref<3072xi32, #tpu.memory_space<vmem>>, vector<16xi32>,
        %swap3A_917 = vector.shape_cast %swap3A_916 : vector<16xi32> to vector<16xi32>
        %swap3A_918 = vector.shape_cast %add3A_903 : vector<16xi32> to vector<16xi32>
        tpu.vector_store %arg10[%swap3A_915], %swap3A_918 {strides = array<i32>} : memref<3072xi32, #tpu.memory_space<vmem>>, vector<16xi32>,
        %add3A_919 = arith.constant 1536 : i32
        %add3A_920 = arith.addi %add3A_919, %mul3A_483 : i32
        %swap3A_921 = arith.index_cast %add3A_920 : i32 to index
        %swap3A_922 = tpu.vector_load %arg10[%swap3A_921] {strides = array<i32>} : memref<3072xi32, #tpu.memory_space<vmem>>, vector<16xi32>,
        %swap3A_923 = vector.shape_cast %swap3A_922 : vector<16xi32> to vector<16xi32>
        %swap3A_924 = vector.shape_cast %add3A_905 : vector<16xi32> to vector<16xi32>
        tpu.vector_store %arg10[%swap3A_921], %swap3A_924 {strides = array<i32>} : memref<3072xi32, #tpu.memory_space<vmem>>, vector<16xi32>,
        %add3A_925 = arith.constant 1792 : i32
        %add3A_926 = arith.addi %add3A_925, %mul3A_483 : i32
        %swap3A_927 = arith.index_cast %add3A_926 : i32 to index
        %swap3A_928 = tpu.vector_load %arg10[%swap3A_927] {strides = array<i32>} : memref<3072xi32, #tpu.memory_space<vmem>>, vector<16xi32>,
        %swap3A_929 = vector.shape_cast %swap3A_928 : vector<16xi32> to vector<16xi32>
        %swap3A_930 = vector.shape_cast %add3A_906 : vector<16xi32> to vector<16xi32>
        tpu.vector_store %arg10[%swap3A_927], %swap3A_930 {strides = array<i32>} : memref<3072xi32, #tpu.memory_space<vmem>>, vector<16xi32>,
        %sub3A_931 = arith.constant 9 : i32
        %sub3A_932 = vector.broadcast %sub3A_931 : i32 to vector<16xi32>
        %sub3A_933 = arith.subi %sub3A_932, %min3A_830 : vector<16xi32>
        %mul3A_934 = arith.constant 2 : i32
        %mul3A_935 = vector.broadcast %mul3A_934 : i32 to vector<16xi32>
        %mul3A_936 = arith.muli %mul3A_935, %min3A_830 : vector<16xi32>
        %sub3A_937 = arith.constant 18 : i32
        %sub3A_938 = vector.broadcast %sub3A_937 : i32 to vector<16xi32>
        %sub3A_939 = arith.subi %sub3A_938, %mul3A_936 : vector<16xi32>
        %shift_left3A_940 = arith.constant 1 : i32
        %shift_left3A_941 = vector.broadcast %shift_left3A_940 : i32 to vector<16xi32>
        %shift_left3A_942 = arith.shli %shift_left3A_941, %sub3A_933 : vector<16xi32>
        %sub3A_943 = arith.constant 1 : i32
        %sub3A_944 = vector.broadcast %sub3A_943 : i32 to vector<16xi32>
        %sub3A_945 = arith.subi %shift_left3A_942, %sub3A_944 : vector<16xi32>
        %convert_element_type3A_946 = arith.sitofp %shift_left3A_942 : vector<16xi32> to vector<16xf32>
        %mul3A_947 = arith.mulf %mul3A_777, %convert_element_type3A_946 : vector<16xf32>
        %sub3A_948 = arith.constant 5.000000e-01 : f32
        %sub3A_949 = vector.broadcast %sub3A_948 : f32 to vector<16xf32>
        %sub3A_950 = arith.subf %mul3A_947, %sub3A_949 : vector<16xf32>
        %mul3A_951 = arith.mulf %mul3A_784, %convert_element_type3A_946 : vector<16xf32>
        %sub3A_952 = arith.constant 5.000000e-01 : f32
        %sub3A_953 = vector.broadcast %sub3A_952 : f32 to vector<16xf32>
        %sub3A_954 = arith.subf %mul3A_951, %sub3A_953 : vector<16xf32>
        %convert_element_type3A_955 = arith.fptosi %sub3A_950 : vector<16xf32> to vector<16xi32>
        %jit3A_956 = arith.constant 0 : i32
        %max3A_957 = vector.broadcast %jit3A_956 : i32 to vector<16xi32>
        %max3A_958 = arith.maxsi %max3A_957, %convert_element_type3A_955 : vector<16xi32>
        %min3A_959 = arith.minsi %sub3A_945, %max3A_958 : vector<16xi32>
        %convert_element_type3A_960 = arith.fptosi %sub3A_954 : vector<16xf32> to vector<16xi32>
        %jit3A_961 = arith.constant 0 : i32
        %max3A_962 = vector.broadcast %jit3A_961 : i32 to vector<16xi32>
        %max3A_963 = arith.maxsi %max3A_962, %convert_element_type3A_960 : vector<16xi32>
        %min3A_964 = arith.minsi %sub3A_945, %max3A_963 : vector<16xi32>
        %add3A_965 = arith.constant 1 : i32
        %add3A_966 = vector.broadcast %add3A_965 : i32 to vector<16xi32>
        %add3A_967 = arith.addi %min3A_959, %add3A_966 : vector<16xi32>
        %min3A_968 = arith.minsi %add3A_967, %sub3A_945 : vector<16xi32>
        %sub3A_969 = arith.subi %min3A_968, %min3A_959 : vector<16xi32>
        %add3A_970 = arith.constant 1 : i32
        %add3A_971 = vector.broadcast %add3A_970 : i32 to vector<16xi32>
        %add3A_972 = arith.addi %min3A_964, %add3A_971 : vector<16xi32>
        %min3A_973 = arith.minsi %add3A_972, %sub3A_945 : vector<16xi32>
        %sub3A_974 = arith.subi %min3A_973, %min3A_964 : vector<16xi32>
        %convert_element_type3A_975 = arith.sitofp %min3A_959 : vector<16xi32> to vector<16xf32>
        %sub3A_976 = arith.subf %sub3A_950, %convert_element_type3A_975 : vector<16xf32>
        %jit3A_977 = arith.constant 0.000000e+00 : f32
        %jit3A_978 = arith.constant 1.000000e+00 : f32
        %max3A_979 = vector.broadcast %jit3A_977 : f32 to vector<16xf32>
        %max3A_980 = arith.maximumf %max3A_979, %sub3A_976 : vector<16xf32>
        %min3A_981 = vector.broadcast %jit3A_978 : f32 to vector<16xf32>
        %min3A_982 = arith.minimumf %min3A_981, %max3A_980 : vector<16xf32>
        %convert_element_type3A_983 = arith.sitofp %min3A_964 : vector<16xi32> to vector<16xf32>
        %sub3A_984 = arith.subf %sub3A_954, %convert_element_type3A_983 : vector<16xf32>
        %jit3A_985 = arith.constant 0.000000e+00 : f32
        %jit3A_986 = arith.constant 1.000000e+00 : f32
        %max3A_987 = vector.broadcast %jit3A_985 : f32 to vector<16xf32>
        %max3A_988 = arith.maximumf %max3A_987, %sub3A_984 : vector<16xf32>
        %min3A_989 = vector.broadcast %jit3A_986 : f32 to vector<16xf32>
        %min3A_990 = arith.minimumf %min3A_989, %max3A_988 : vector<16xf32>
        %mul3A_991 = arith.constant 2 : i32
        %mul3A_992 = vector.broadcast %mul3A_991 : i32 to vector<16xi32>
        %mul3A_993 = arith.muli %mul3A_992, %min3A_830 : vector<16xi32>
        %shift_right_arithmetic3A_994 = arith.constant 2097152 : i32
        %shift_right_arithmetic3A_995 = vector.broadcast %shift_right_arithmetic3A_994 : i32 to vector<16xi32>
        %shift_right_arithmetic3A_996 = arith.shrsi %shift_right_arithmetic3A_995, %mul3A_993 : vector<16xi32>
        %sub3A_997 = arith.constant 2097152 : i32
        %sub3A_998 = vector.broadcast %sub3A_997 : i32 to vector<16xi32>
        %sub3A_999 = arith.subi %sub3A_998, %shift_right_arithmetic3A_996 : vector<16xi32>
        %shift_left3A_1000 = arith.shli %select_n3A_739, %sub3A_939 : vector<16xi32>
        %add3A_1001 = arith.addi %sub3A_999, %shift_left3A_1000 : vector<16xi32>
        %shift_left3A_1002 = arith.shli %min3A_964, %sub3A_933 : vector<16xi32>
        %add3A_1003 = arith.addi %add3A_1001, %shift_left3A_1002 : vector<16xi32>
        %add3A_1004 = arith.addi %add3A_1003, %min3A_959 : vector<16xi32>
        %add3A_1005 = arith.addi %add3A_1004, %sub3A_969 : vector<16xi32>
        %shift_left3A_1006 = arith.shli %sub3A_974, %sub3A_933 : vector<16xi32>
        %add3A_1007 = arith.addi %add3A_1004, %shift_left3A_1006 : vector<16xi32>
        %add3A_1008 = arith.addi %add3A_1007, %sub3A_969 : vector<16xi32>
        %add3A_1009 = arith.constant 2048 : i32
        %add3A_1010 = arith.addi %add3A_1009, %mul3A_483 : i32
        %swap3A_1011 = arith.index_cast %add3A_1010 : i32 to index
        %swap3A_1012 = tpu.vector_load %arg10[%swap3A_1011] {strides = array<i32>} : memref<3072xi32, #tpu.memory_space<vmem>>, vector<16xi32>,
        %swap3A_1013 = vector.shape_cast %swap3A_1012 : vector<16xi32> to vector<16xi32>
        %swap3A_1014 = vector.shape_cast %add3A_1004 : vector<16xi32> to vector<16xi32>
        tpu.vector_store %arg10[%swap3A_1011], %swap3A_1014 {strides = array<i32>} : memref<3072xi32, #tpu.memory_space<vmem>>, vector<16xi32>,
        %add3A_1015 = arith.constant 2304 : i32
        %add3A_1016 = arith.addi %add3A_1015, %mul3A_483 : i32
        %swap3A_1017 = arith.index_cast %add3A_1016 : i32 to index
        %swap3A_1018 = tpu.vector_load %arg10[%swap3A_1017] {strides = array<i32>} : memref<3072xi32, #tpu.memory_space<vmem>>, vector<16xi32>,
        %swap3A_1019 = vector.shape_cast %swap3A_1018 : vector<16xi32> to vector<16xi32>
        %swap3A_1020 = vector.shape_cast %add3A_1005 : vector<16xi32> to vector<16xi32>
        tpu.vector_store %arg10[%swap3A_1017], %swap3A_1020 {strides = array<i32>} : memref<3072xi32, #tpu.memory_space<vmem>>, vector<16xi32>,
        %add3A_1021 = arith.constant 2560 : i32
        %add3A_1022 = arith.addi %add3A_1021, %mul3A_483 : i32
        %swap3A_1023 = arith.index_cast %add3A_1022 : i32 to index
        %swap3A_1024 = tpu.vector_load %arg10[%swap3A_1023] {strides = array<i32>} : memref<3072xi32, #tpu.memory_space<vmem>>, vector<16xi32>,
        %swap3A_1025 = vector.shape_cast %swap3A_1024 : vector<16xi32> to vector<16xi32>
        %swap3A_1026 = vector.shape_cast %add3A_1007 : vector<16xi32> to vector<16xi32>
        tpu.vector_store %arg10[%swap3A_1023], %swap3A_1026 {strides = array<i32>} : memref<3072xi32, #tpu.memory_space<vmem>>, vector<16xi32>,
        %add3A_1027 = arith.constant 2816 : i32
        %add3A_1028 = arith.addi %add3A_1027, %mul3A_483 : i32
        %swap3A_1029 = arith.index_cast %add3A_1028 : i32 to index
        %swap3A_1030 = tpu.vector_load %arg10[%swap3A_1029] {strides = array<i32>} : memref<3072xi32, #tpu.memory_space<vmem>>, vector<16xi32>,
        %swap3A_1031 = vector.shape_cast %swap3A_1030 : vector<16xi32> to vector<16xi32>
        %swap3A_1032 = vector.shape_cast %add3A_1008 : vector<16xi32> to vector<16xi32>
        tpu.vector_store %arg10[%swap3A_1029], %swap3A_1032 {strides = array<i32>} : memref<3072xi32, #tpu.memory_space<vmem>>, vector<16xi32>,
        %swap3A_1033 = arith.constant 2 : i32
        %swap3A_1034 = arith.index_cast %swap3A_1033 : i32 to index
        %swap3A_1035 = arith.index_cast %mul3A_483 : i32 to index
        %swap3A_1036 = tpu.vector_load %arg14[%swap3A_1034, %swap3A_1035] {strides = array<i32>} : memref<7x256xf32, #tpu.memory_space<vmem>>, vector<1x16xf32>,
        %swap3A_1037 = vector.shape_cast %swap3A_1036 : vector<1x16xf32> to vector<16xf32>
        %swap3A_1038 = vector.shape_cast %min3A_881 : vector<16xf32> to vector<1x16xf32>
        tpu.vector_store %arg14[%swap3A_1034, %swap3A_1035], %swap3A_1038 {strides = array<i32>} : memref<7x256xf32, #tpu.memory_space<vmem>>, vector<1x16xf32>,
        %swap3A_1039 = arith.constant 3 : i32
        %swap3A_1040 = arith.index_cast %swap3A_1039 : i32 to index
        %swap3A_1041 = arith.index_cast %mul3A_483 : i32 to index
        %swap3A_1042 = tpu.vector_load %arg14[%swap3A_1040, %swap3A_1041] {strides = array<i32>} : memref<7x256xf32, #tpu.memory_space<vmem>>, vector<1x16xf32>,
        %swap3A_1043 = vector.shape_cast %swap3A_1042 : vector<1x16xf32> to vector<16xf32>
        %swap3A_1044 = vector.shape_cast %min3A_889 : vector<16xf32> to vector<1x16xf32>
        tpu.vector_store %arg14[%swap3A_1040, %swap3A_1041], %swap3A_1044 {strides = array<i32>} : memref<7x256xf32, #tpu.memory_space<vmem>>, vector<1x16xf32>,
        %swap3A_1045 = arith.constant 4 : i32
        %swap3A_1046 = arith.index_cast %swap3A_1045 : i32 to index
        %swap3A_1047 = arith.index_cast %mul3A_483 : i32 to index
        %swap3A_1048 = tpu.vector_load %arg14[%swap3A_1046, %swap3A_1047] {strides = array<i32>} : memref<7x256xf32, #tpu.memory_space<vmem>>, vector<1x16xf32>,
        %swap3A_1049 = vector.shape_cast %swap3A_1048 : vector<1x16xf32> to vector<16xf32>
        %swap3A_1050 = vector.shape_cast %min3A_982 : vector<16xf32> to vector<1x16xf32>
        tpu.vector_store %arg14[%swap3A_1046, %swap3A_1047], %swap3A_1050 {strides = array<i32>} : memref<7x256xf32, #tpu.memory_space<vmem>>, vector<1x16xf32>,
        %swap3A_1051 = arith.constant 5 : i32
        %swap3A_1052 = arith.index_cast %swap3A_1051 : i32 to index
        %swap3A_1053 = arith.index_cast %mul3A_483 : i32 to index
        %swap3A_1054 = tpu.vector_load %arg14[%swap3A_1052, %swap3A_1053] {strides = array<i32>} : memref<7x256xf32, #tpu.memory_space<vmem>>, vector<1x16xf32>,
        %swap3A_1055 = vector.shape_cast %swap3A_1054 : vector<1x16xf32> to vector<16xf32>
        %swap3A_1056 = vector.shape_cast %min3A_990 : vector<16xf32> to vector<1x16xf32>
        tpu.vector_store %arg14[%swap3A_1052, %swap3A_1053], %swap3A_1056 {strides = array<i32>} : memref<7x256xf32, #tpu.memory_space<vmem>>, vector<1x16xf32>,
        %swap3A_1057 = arith.constant 6 : i32
        %swap3A_1058 = arith.index_cast %swap3A_1057 : i32 to index
        %swap3A_1059 = arith.index_cast %mul3A_483 : i32 to index
        %swap3A_1060 = tpu.vector_load %arg14[%swap3A_1058, %swap3A_1059] {strides = array<i32>} : memref<7x256xf32, #tpu.memory_space<vmem>>, vector<1x16xf32>,
        %swap3A_1061 = vector.shape_cast %swap3A_1060 : vector<1x16xf32> to vector<16xf32>
        %swap3A_1062 = vector.shape_cast %sub3A_824 : vector<16xf32> to vector<1x16xf32>
        tpu.vector_store %arg14[%swap3A_1058, %swap3A_1059], %swap3A_1062 {strides = array<i32>} : memref<7x256xf32, #tpu.memory_space<vmem>>, vector<1x16xf32>,
      }
      %scan3A_137 = arith.constant 16 : i32
      %dma_start3A_138 = arith.constant 0 : i32
      %dma_start3A_139 = tpu.memref_slice %arg12[%dma_start3A_138] : memref<9216xf32, #tpu.memory_space<vmem>> -> memref<512xf32, #tpu.memory_space<vmem>>
      %dma_start3A_140 = arith.constant 0 : i32
      %dma_start3A_141 = tpu.memref_slice %arg10[%dma_start3A_140] : memref<3072xi32, #tpu.memory_space<vmem>> -> memref<512xi32, #tpu.memory_space<vmem>>
      %dma_start3A_142 = arith.constant 0 : i32
      %dma_start3A_143 = tpu.memref_slice %arg3[%dma_start3A_142] : memref<2098176xf32, #tpu.memory_space<hbm>> -> memref<2098176xf32, #tpu.memory_space<hbm>>
      tpu.enqueue_indirect_dma source(%dma_start3A_143 : memref<2098176xf32, #tpu.memory_space<hbm>>) target(%dma_start3A_139 : memref<512xf32, #tpu.memory_space<vmem>>) offsets(%dma_start3A_141 : memref<512xi32, #tpu.memory_space<vmem>>) semaphore(%arg18 : memref<!tpu.dma_semaphore, #tpu.memory_space<semaphore_mem>>)
      %dma_start3A_144 = arith.constant 512 : i32
      %dma_start3A_145 = tpu.memref_slice %arg12[%dma_start3A_144] : memref<9216xf32, #tpu.memory_space<vmem>> -> memref<512xf32, #tpu.memory_space<vmem>>
      %dma_start3A_146 = arith.constant 512 : i32
      %dma_start3A_147 = tpu.memref_slice %arg10[%dma_start3A_146] : memref<3072xi32, #tpu.memory_space<vmem>> -> memref<512xi32, #tpu.memory_space<vmem>>
      %dma_start3A_148 = arith.constant 0 : i32
      %dma_start3A_149 = tpu.memref_slice %arg3[%dma_start3A_148] : memref<2098176xf32, #tpu.memory_space<hbm>> -> memref<2098176xf32, #tpu.memory_space<hbm>>
      tpu.enqueue_indirect_dma source(%dma_start3A_149 : memref<2098176xf32, #tpu.memory_space<hbm>>) target(%dma_start3A_145 : memref<512xf32, #tpu.memory_space<vmem>>) offsets(%dma_start3A_147 : memref<512xi32, #tpu.memory_space<vmem>>) semaphore(%arg18 : memref<!tpu.dma_semaphore, #tpu.memory_space<semaphore_mem>>)
      %dma_start3A_150 = arith.constant 1024 : i32
      %dma_start3A_151 = tpu.memref_slice %arg12[%dma_start3A_150] : memref<9216xf32, #tpu.memory_space<vmem>> -> memref<512xf32, #tpu.memory_space<vmem>>
      %dma_start3A_152 = arith.constant 1024 : i32
      %dma_start3A_153 = tpu.memref_slice %arg10[%dma_start3A_152] : memref<3072xi32, #tpu.memory_space<vmem>> -> memref<512xi32, #tpu.memory_space<vmem>>
      %dma_start3A_154 = arith.constant 0 : i32
      %dma_start3A_155 = tpu.memref_slice %arg3[%dma_start3A_154] : memref<2098176xf32, #tpu.memory_space<hbm>> -> memref<2098176xf32, #tpu.memory_space<hbm>>
      tpu.enqueue_indirect_dma source(%dma_start3A_155 : memref<2098176xf32, #tpu.memory_space<hbm>>) target(%dma_start3A_151 : memref<512xf32, #tpu.memory_space<vmem>>) offsets(%dma_start3A_153 : memref<512xi32, #tpu.memory_space<vmem>>) semaphore(%arg18 : memref<!tpu.dma_semaphore, #tpu.memory_space<semaphore_mem>>)
      %dma_start3A_156 = arith.constant 1536 : i32
      %dma_start3A_157 = tpu.memref_slice %arg12[%dma_start3A_156] : memref<9216xf32, #tpu.memory_space<vmem>> -> memref<512xf32, #tpu.memory_space<vmem>>
      %dma_start3A_158 = arith.constant 1536 : i32
      %dma_start3A_159 = tpu.memref_slice %arg10[%dma_start3A_158] : memref<3072xi32, #tpu.memory_space<vmem>> -> memref<512xi32, #tpu.memory_space<vmem>>
      %dma_start3A_160 = arith.constant 0 : i32
      %dma_start3A_161 = tpu.memref_slice %arg3[%dma_start3A_160] : memref<2098176xf32, #tpu.memory_space<hbm>> -> memref<2098176xf32, #tpu.memory_space<hbm>>
      tpu.enqueue_indirect_dma source(%dma_start3A_161 : memref<2098176xf32, #tpu.memory_space<hbm>>) target(%dma_start3A_157 : memref<512xf32, #tpu.memory_space<vmem>>) offsets(%dma_start3A_159 : memref<512xi32, #tpu.memory_space<vmem>>) semaphore(%arg18 : memref<!tpu.dma_semaphore, #tpu.memory_space<semaphore_mem>>)
      %dma_start3A_162 = arith.constant 2048 : i32
      %dma_start3A_163 = tpu.memref_slice %arg12[%dma_start3A_162] : memref<9216xf32, #tpu.memory_space<vmem>> -> memref<512xf32, #tpu.memory_space<vmem>>
      %dma_start3A_164 = arith.constant 2048 : i32
      %dma_start3A_165 = tpu.memref_slice %arg10[%dma_start3A_164] : memref<3072xi32, #tpu.memory_space<vmem>> -> memref<512xi32, #tpu.memory_space<vmem>>
      %dma_start3A_166 = arith.constant 0 : i32
      %dma_start3A_167 = tpu.memref_slice %arg3[%dma_start3A_166] : memref<2098176xf32, #tpu.memory_space<hbm>> -> memref<2098176xf32, #tpu.memory_space<hbm>>
      tpu.enqueue_indirect_dma source(%dma_start3A_167 : memref<2098176xf32, #tpu.memory_space<hbm>>) target(%dma_start3A_163 : memref<512xf32, #tpu.memory_space<vmem>>) offsets(%dma_start3A_165 : memref<512xi32, #tpu.memory_space<vmem>>) semaphore(%arg18 : memref<!tpu.dma_semaphore, #tpu.memory_space<semaphore_mem>>)
      %dma_start3A_168 = arith.constant 2560 : i32
      %dma_start3A_169 = tpu.memref_slice %arg12[%dma_start3A_168] : memref<9216xf32, #tpu.memory_space<vmem>> -> memref<512xf32, #tpu.memory_space<vmem>>
      %dma_start3A_170 = arith.constant 2560 : i32
      %dma_start3A_171 = tpu.memref_slice %arg10[%dma_start3A_170] : memref<3072xi32, #tpu.memory_space<vmem>> -> memref<512xi32, #tpu.memory_space<vmem>>
      %dma_start3A_172 = arith.constant 0 : i32
      %dma_start3A_173 = tpu.memref_slice %arg3[%dma_start3A_172] : memref<2098176xf32, #tpu.memory_space<hbm>> -> memref<2098176xf32, #tpu.memory_space<hbm>>
      tpu.enqueue_indirect_dma source(%dma_start3A_173 : memref<2098176xf32, #tpu.memory_space<hbm>>) target(%dma_start3A_169 : memref<512xf32, #tpu.memory_space<vmem>>) offsets(%dma_start3A_171 : memref<512xi32, #tpu.memory_space<vmem>>) semaphore(%arg18 : memref<!tpu.dma_semaphore, #tpu.memory_space<semaphore_mem>>)
      %dma_start3A_174 = arith.constant 3072 : i32
      %dma_start3A_175 = tpu.memref_slice %arg12[%dma_start3A_174] : memref<9216xf32, #tpu.memory_space<vmem>> -> memref<512xf32, #tpu.memory_space<vmem>>
      %dma_start3A_176 = arith.constant 0 : i32
      %dma_start3A_177 = tpu.memref_slice %arg10[%dma_start3A_176] : memref<3072xi32, #tpu.memory_space<vmem>> -> memref<512xi32, #tpu.memory_space<vmem>>
      %dma_start3A_178 = arith.constant 0 : i32
      %dma_start3A_179 = tpu.memref_slice %arg4[%dma_start3A_178] : memref<2098176xf32, #tpu.memory_space<hbm>> -> memref<2098176xf32, #tpu.memory_space<hbm>>
      tpu.enqueue_indirect_dma source(%dma_start3A_179 : memref<2098176xf32, #tpu.memory_space<hbm>>) target(%dma_start3A_175 : memref<512xf32, #tpu.memory_space<vmem>>) offsets(%dma_start3A_177 : memref<512xi32, #tpu.memory_space<vmem>>) semaphore(%arg18 : memref<!tpu.dma_semaphore, #tpu.memory_space<semaphore_mem>>)
      %dma_start3A_180 = arith.constant 3584 : i32
      %dma_start3A_181 = tpu.memref_slice %arg12[%dma_start3A_180] : memref<9216xf32, #tpu.memory_space<vmem>> -> memref<512xf32, #tpu.memory_space<vmem>>
      %dma_start3A_182 = arith.constant 512 : i32
      %dma_start3A_183 = tpu.memref_slice %arg10[%dma_start3A_182] : memref<3072xi32, #tpu.memory_space<vmem>> -> memref<512xi32, #tpu.memory_space<vmem>>
      %dma_start3A_184 = arith.constant 0 : i32
      %dma_start3A_185 = tpu.memref_slice %arg4[%dma_start3A_184] : memref<2098176xf32, #tpu.memory_space<hbm>> -> memref<2098176xf32, #tpu.memory_space<hbm>>
      tpu.enqueue_indirect_dma source(%dma_start3A_185 : memref<2098176xf32, #tpu.memory_space<hbm>>) target(%dma_start3A_181 : memref<512xf32, #tpu.memory_space<vmem>>) offsets(%dma_start3A_183 : memref<512xi32, #tpu.memory_space<vmem>>) semaphore(%arg18 : memref<!tpu.dma_semaphore, #tpu.memory_space<semaphore_mem>>)
      %dma_start3A_186 = arith.constant 4096 : i32
      %dma_start3A_187 = tpu.memref_slice %arg12[%dma_start3A_186] : memref<9216xf32, #tpu.memory_space<vmem>> -> memref<512xf32, #tpu.memory_space<vmem>>
      %dma_start3A_188 = arith.constant 1024 : i32
      %dma_start3A_189 = tpu.memref_slice %arg10[%dma_start3A_188] : memref<3072xi32, #tpu.memory_space<vmem>> -> memref<512xi32, #tpu.memory_space<vmem>>
      %dma_start3A_190 = arith.constant 0 : i32
      %dma_start3A_191 = tpu.memref_slice %arg4[%dma_start3A_190] : memref<2098176xf32, #tpu.memory_space<hbm>> -> memref<2098176xf32, #tpu.memory_space<hbm>>
      tpu.enqueue_indirect_dma source(%dma_start3A_191 : memref<2098176xf32, #tpu.memory_space<hbm>>) target(%dma_start3A_187 : memref<512xf32, #tpu.memory_space<vmem>>) offsets(%dma_start3A_189 : memref<512xi32, #tpu.memory_space<vmem>>) semaphore(%arg18 : memref<!tpu.dma_semaphore, #tpu.memory_space<semaphore_mem>>)
      %dma_start3A_192 = arith.constant 4608 : i32
      %dma_start3A_193 = tpu.memref_slice %arg12[%dma_start3A_192] : memref<9216xf32, #tpu.memory_space<vmem>> -> memref<512xf32, #tpu.memory_space<vmem>>
      %dma_start3A_194 = arith.constant 1536 : i32
      %dma_start3A_195 = tpu.memref_slice %arg10[%dma_start3A_194] : memref<3072xi32, #tpu.memory_space<vmem>> -> memref<512xi32, #tpu.memory_space<vmem>>
      %dma_start3A_196 = arith.constant 0 : i32
      %dma_start3A_197 = tpu.memref_slice %arg4[%dma_start3A_196] : memref<2098176xf32, #tpu.memory_space<hbm>> -> memref<2098176xf32, #tpu.memory_space<hbm>>
      tpu.enqueue_indirect_dma source(%dma_start3A_197 : memref<2098176xf32, #tpu.memory_space<hbm>>) target(%dma_start3A_193 : memref<512xf32, #tpu.memory_space<vmem>>) offsets(%dma_start3A_195 : memref<512xi32, #tpu.memory_space<vmem>>) semaphore(%arg18 : memref<!tpu.dma_semaphore, #tpu.memory_space<semaphore_mem>>)
      %dma_start3A_198 = arith.constant 5120 : i32
      %dma_start3A_199 = tpu.memref_slice %arg12[%dma_start3A_198] : memref<9216xf32, #tpu.memory_space<vmem>> -> memref<512xf32, #tpu.memory_space<vmem>>
      %dma_start3A_200 = arith.constant 2048 : i32
      %dma_start3A_201 = tpu.memref_slice %arg10[%dma_start3A_200] : memref<3072xi32, #tpu.memory_space<vmem>> -> memref<512xi32, #tpu.memory_space<vmem>>
      %dma_start3A_202 = arith.constant 0 : i32
      %dma_start3A_203 = tpu.memref_slice %arg4[%dma_start3A_202] : memref<2098176xf32, #tpu.memory_space<hbm>> -> memref<2098176xf32, #tpu.memory_space<hbm>>
      tpu.enqueue_indirect_dma source(%dma_start3A_203 : memref<2098176xf32, #tpu.memory_space<hbm>>) target(%dma_start3A_199 : memref<512xf32, #tpu.memory_space<vmem>>) offsets(%dma_start3A_201 : memref<512xi32, #tpu.memory_space<vmem>>) semaphore(%arg18 : memref<!tpu.dma_semaphore, #tpu.memory_space<semaphore_mem>>)
      %dma_start3A_204 = arith.constant 5632 : i32
      %dma_start3A_205 = tpu.memref_slice %arg12[%dma_start3A_204] : memref<9216xf32, #tpu.memory_space<vmem>> -> memref<512xf32, #tpu.memory_space<vmem>>
      %dma_start3A_206 = arith.constant 2560 : i32
      %dma_start3A_207 = tpu.memref_slice %arg10[%dma_start3A_206] : memref<3072xi32, #tpu.memory_space<vmem>> -> memref<512xi32, #tpu.memory_space<vmem>>
      %dma_start3A_208 = arith.constant 0 : i32
      %dma_start3A_209 = tpu.memref_slice %arg4[%dma_start3A_208] : memref<2098176xf32, #tpu.memory_space<hbm>> -> memref<2098176xf32, #tpu.memory_space<hbm>>
      tpu.enqueue_indirect_dma source(%dma_start3A_209 : memref<2098176xf32, #tpu.memory_space<hbm>>) target(%dma_start3A_205 : memref<512xf32, #tpu.memory_space<vmem>>) offsets(%dma_start3A_207 : memref<512xi32, #tpu.memory_space<vmem>>) semaphore(%arg18 : memref<!tpu.dma_semaphore, #tpu.memory_space<semaphore_mem>>)
      %dma_start3A_210 = arith.constant 6144 : i32
      %dma_start3A_211 = tpu.memref_slice %arg12[%dma_start3A_210] : memref<9216xf32, #tpu.memory_space<vmem>> -> memref<512xf32, #tpu.memory_space<vmem>>
      %dma_start3A_212 = arith.constant 0 : i32
      %dma_start3A_213 = tpu.memref_slice %arg10[%dma_start3A_212] : memref<3072xi32, #tpu.memory_space<vmem>> -> memref<512xi32, #tpu.memory_space<vmem>>
      %dma_start3A_214 = arith.constant 0 : i32
      %dma_start3A_215 = tpu.memref_slice %arg5[%dma_start3A_214] : memref<2098176xf32, #tpu.memory_space<hbm>> -> memref<2098176xf32, #tpu.memory_space<hbm>>
      tpu.enqueue_indirect_dma source(%dma_start3A_215 : memref<2098176xf32, #tpu.memory_space<hbm>>) target(%dma_start3A_211 : memref<512xf32, #tpu.memory_space<vmem>>) offsets(%dma_start3A_213 : memref<512xi32, #tpu.memory_space<vmem>>) semaphore(%arg18 : memref<!tpu.dma_semaphore, #tpu.memory_space<semaphore_mem>>)
      %dma_start3A_216 = arith.constant 6656 : i32
      %dma_start3A_217 = tpu.memref_slice %arg12[%dma_start3A_216] : memref<9216xf32, #tpu.memory_space<vmem>> -> memref<512xf32, #tpu.memory_space<vmem>>
      %dma_start3A_218 = arith.constant 512 : i32
      %dma_start3A_219 = tpu.memref_slice %arg10[%dma_start3A_218] : memref<3072xi32, #tpu.memory_space<vmem>> -> memref<512xi32, #tpu.memory_space<vmem>>
      %dma_start3A_220 = arith.constant 0 : i32
      %dma_start3A_221 = tpu.memref_slice %arg5[%dma_start3A_220] : memref<2098176xf32, #tpu.memory_space<hbm>> -> memref<2098176xf32, #tpu.memory_space<hbm>>
      tpu.enqueue_indirect_dma source(%dma_start3A_221 : memref<2098176xf32, #tpu.memory_space<hbm>>) target(%dma_start3A_217 : memref<512xf32, #tpu.memory_space<vmem>>) offsets(%dma_start3A_219 : memref<512xi32, #tpu.memory_space<vmem>>) semaphore(%arg18 : memref<!tpu.dma_semaphore, #tpu.memory_space<semaphore_mem>>)
      %dma_start3A_222 = arith.constant 7168 : i32
      %dma_start3A_223 = tpu.memref_slice %arg12[%dma_start3A_222] : memref<9216xf32, #tpu.memory_space<vmem>> -> memref<512xf32, #tpu.memory_space<vmem>>
      %dma_start3A_224 = arith.constant 1024 : i32
      %dma_start3A_225 = tpu.memref_slice %arg10[%dma_start3A_224] : memref<3072xi32, #tpu.memory_space<vmem>> -> memref<512xi32, #tpu.memory_space<vmem>>
      %dma_start3A_226 = arith.constant 0 : i32
      %dma_start3A_227 = tpu.memref_slice %arg5[%dma_start3A_226] : memref<2098176xf32, #tpu.memory_space<hbm>> -> memref<2098176xf32, #tpu.memory_space<hbm>>
      tpu.enqueue_indirect_dma source(%dma_start3A_227 : memref<2098176xf32, #tpu.memory_space<hbm>>) target(%dma_start3A_223 : memref<512xf32, #tpu.memory_space<vmem>>) offsets(%dma_start3A_225 : memref<512xi32, #tpu.memory_space<vmem>>) semaphore(%arg18 : memref<!tpu.dma_semaphore, #tpu.memory_space<semaphore_mem>>)
      %dma_start3A_228 = arith.constant 7680 : i32
      %dma_start3A_229 = tpu.memref_slice %arg12[%dma_start3A_228] : memref<9216xf32, #tpu.memory_space<vmem>> -> memref<512xf32, #tpu.memory_space<vmem>>
      %dma_start3A_230 = arith.constant 1536 : i32
      %dma_start3A_231 = tpu.memref_slice %arg10[%dma_start3A_230] : memref<3072xi32, #tpu.memory_space<vmem>> -> memref<512xi32, #tpu.memory_space<vmem>>
      %dma_start3A_232 = arith.constant 0 : i32
      %dma_start3A_233 = tpu.memref_slice %arg5[%dma_start3A_232] : memref<2098176xf32, #tpu.memory_space<hbm>> -> memref<2098176xf32, #tpu.memory_space<hbm>>
      tpu.enqueue_indirect_dma source(%dma_start3A_233 : memref<2098176xf32, #tpu.memory_space<hbm>>) target(%dma_start3A_229 : memref<512xf32, #tpu.memory_space<vmem>>) offsets(%dma_start3A_231 : memref<512xi32, #tpu.memory_space<vmem>>) semaphore(%arg18 : memref<!tpu.dma_semaphore, #tpu.memory_space<semaphore_mem>>)
      %dma_start3A_234 = arith.constant 8192 : i32
      %dma_start3A_235 = tpu.memref_slice %arg12[%dma_start3A_234] : memref<9216xf32, #tpu.memory_space<vmem>> -> memref<512xf32, #tpu.memory_space<vmem>>
      %dma_start3A_236 = arith.constant 2048 : i32
      %dma_start3A_237 = tpu.memref_slice %arg10[%dma_start3A_236] : memref<3072xi32, #tpu.memory_space<vmem>> -> memref<512xi32, #tpu.memory_space<vmem>>
      %dma_start3A_238 = arith.constant 0 : i32
      %dma_start3A_239 = tpu.memref_slice %arg5[%dma_start3A_238] : memref<2098176xf32, #tpu.memory_space<hbm>> -> memref<2098176xf32, #tpu.memory_space<hbm>>
      tpu.enqueue_indirect_dma source(%dma_start3A_239 : memref<2098176xf32, #tpu.memory_space<hbm>>) target(%dma_start3A_235 : memref<512xf32, #tpu.memory_space<vmem>>) offsets(%dma_start3A_237 : memref<512xi32, #tpu.memory_space<vmem>>) semaphore(%arg18 : memref<!tpu.dma_semaphore, #tpu.memory_space<semaphore_mem>>)
      %dma_start3A_240 = arith.constant 8704 : i32
      %dma_start3A_241 = tpu.memref_slice %arg12[%dma_start3A_240] : memref<9216xf32, #tpu.memory_space<vmem>> -> memref<512xf32, #tpu.memory_space<vmem>>
      %dma_start3A_242 = arith.constant 2560 : i32
      %dma_start3A_243 = tpu.memref_slice %arg10[%dma_start3A_242] : memref<3072xi32, #tpu.memory_space<vmem>> -> memref<512xi32, #tpu.memory_space<vmem>>
      %dma_start3A_244 = arith.constant 0 : i32
      %dma_start3A_245 = tpu.memref_slice %arg5[%dma_start3A_244] : memref<2098176xf32, #tpu.memory_space<hbm>> -> memref<2098176xf32, #tpu.memory_space<hbm>>
      tpu.enqueue_indirect_dma source(%dma_start3A_245 : memref<2098176xf32, #tpu.memory_space<hbm>>) target(%dma_start3A_241 : memref<512xf32, #tpu.memory_space<vmem>>) offsets(%dma_start3A_243 : memref<512xi32, #tpu.memory_space<vmem>>) semaphore(%arg18 : memref<!tpu.dma_semaphore, #tpu.memory_space<semaphore_mem>>)
      %dma_wait3A = arith.constant 0 : i32
      %dma_wait3A_246 = tpu.memref_slice %arg11[%dma_wait3A] : memref<9216xf32, #tpu.memory_space<vmem>> -> memref<512xf32, #tpu.memory_space<vmem>>
      %dma_wait3A_247 = arith.constant 0 : i32
      %dma_wait3A_248 = tpu.memref_slice %arg9[%dma_wait3A_247] : memref<3072xi32, #tpu.memory_space<vmem>> -> memref<512xi32, #tpu.memory_space<vmem>>
      %dma_wait3A_249 = arith.constant 0 : i32
      %dma_wait3A_250 = tpu.memref_slice %arg3[%dma_wait3A_249] : memref<2098176xf32, #tpu.memory_space<hbm>> -> memref<2098176xf32, #tpu.memory_space<hbm>>
      tpu.wait_indirect_dma semaphore(%arg17 : memref<!tpu.dma_semaphore, #tpu.memory_space<semaphore_mem>>) src(%dma_wait3A_250 : memref<2098176xf32, #tpu.memory_space<hbm>>) dst(%dma_wait3A_246 : memref<512xf32, #tpu.memory_space<vmem>>)
      %dma_wait3A_251 = arith.constant 512 : i32
      %dma_wait3A_252 = tpu.memref_slice %arg11[%dma_wait3A_251] : memref<9216xf32, #tpu.memory_space<vmem>> -> memref<512xf32, #tpu.memory_space<vmem>>
      %dma_wait3A_253 = arith.constant 512 : i32
      %dma_wait3A_254 = tpu.memref_slice %arg9[%dma_wait3A_253] : memref<3072xi32, #tpu.memory_space<vmem>> -> memref<512xi32, #tpu.memory_space<vmem>>
      %dma_wait3A_255 = arith.constant 0 : i32
      %dma_wait3A_256 = tpu.memref_slice %arg3[%dma_wait3A_255] : memref<2098176xf32, #tpu.memory_space<hbm>> -> memref<2098176xf32, #tpu.memory_space<hbm>>
      tpu.wait_indirect_dma semaphore(%arg17 : memref<!tpu.dma_semaphore, #tpu.memory_space<semaphore_mem>>) src(%dma_wait3A_256 : memref<2098176xf32, #tpu.memory_space<hbm>>) dst(%dma_wait3A_252 : memref<512xf32, #tpu.memory_space<vmem>>)
      %dma_wait3A_257 = arith.constant 1024 : i32
      %dma_wait3A_258 = tpu.memref_slice %arg11[%dma_wait3A_257] : memref<9216xf32, #tpu.memory_space<vmem>> -> memref<512xf32, #tpu.memory_space<vmem>>
      %dma_wait3A_259 = arith.constant 1024 : i32
      %dma_wait3A_260 = tpu.memref_slice %arg9[%dma_wait3A_259] : memref<3072xi32, #tpu.memory_space<vmem>> -> memref<512xi32, #tpu.memory_space<vmem>>
      %dma_wait3A_261 = arith.constant 0 : i32
      %dma_wait3A_262 = tpu.memref_slice %arg3[%dma_wait3A_261] : memref<2098176xf32, #tpu.memory_space<hbm>> -> memref<2098176xf32, #tpu.memory_space<hbm>>
      tpu.wait_indirect_dma semaphore(%arg17 : memref<!tpu.dma_semaphore, #tpu.memory_space<semaphore_mem>>) src(%dma_wait3A_262 : memref<2098176xf32, #tpu.memory_space<hbm>>) dst(%dma_wait3A_258 : memref<512xf32, #tpu.memory_space<vmem>>)
      %dma_wait3A_263 = arith.constant 1536 : i32
      %dma_wait3A_264 = tpu.memref_slice %arg11[%dma_wait3A_263] : memref<9216xf32, #tpu.memory_space<vmem>> -> memref<512xf32, #tpu.memory_space<vmem>>
      %dma_wait3A_265 = arith.constant 1536 : i32
      %dma_wait3A_266 = tpu.memref_slice %arg9[%dma_wait3A_265] : memref<3072xi32, #tpu.memory_space<vmem>> -> memref<512xi32, #tpu.memory_space<vmem>>
      %dma_wait3A_267 = arith.constant 0 : i32
      %dma_wait3A_268 = tpu.memref_slice %arg3[%dma_wait3A_267] : memref<2098176xf32, #tpu.memory_space<hbm>> -> memref<2098176xf32, #tpu.memory_space<hbm>>
      tpu.wait_indirect_dma semaphore(%arg17 : memref<!tpu.dma_semaphore, #tpu.memory_space<semaphore_mem>>) src(%dma_wait3A_268 : memref<2098176xf32, #tpu.memory_space<hbm>>) dst(%dma_wait3A_264 : memref<512xf32, #tpu.memory_space<vmem>>)
      %dma_wait3A_269 = arith.constant 2048 : i32
      %dma_wait3A_270 = tpu.memref_slice %arg11[%dma_wait3A_269] : memref<9216xf32, #tpu.memory_space<vmem>> -> memref<512xf32, #tpu.memory_space<vmem>>
      %dma_wait3A_271 = arith.constant 2048 : i32
      %dma_wait3A_272 = tpu.memref_slice %arg9[%dma_wait3A_271] : memref<3072xi32, #tpu.memory_space<vmem>> -> memref<512xi32, #tpu.memory_space<vmem>>
      %dma_wait3A_273 = arith.constant 0 : i32
      %dma_wait3A_274 = tpu.memref_slice %arg3[%dma_wait3A_273] : memref<2098176xf32, #tpu.memory_space<hbm>> -> memref<2098176xf32, #tpu.memory_space<hbm>>
      tpu.wait_indirect_dma semaphore(%arg17 : memref<!tpu.dma_semaphore, #tpu.memory_space<semaphore_mem>>) src(%dma_wait3A_274 : memref<2098176xf32, #tpu.memory_space<hbm>>) dst(%dma_wait3A_270 : memref<512xf32, #tpu.memory_space<vmem>>)
      %dma_wait3A_275 = arith.constant 2560 : i32
      %dma_wait3A_276 = tpu.memref_slice %arg11[%dma_wait3A_275] : memref<9216xf32, #tpu.memory_space<vmem>> -> memref<512xf32, #tpu.memory_space<vmem>>
      %dma_wait3A_277 = arith.constant 2560 : i32
      %dma_wait3A_278 = tpu.memref_slice %arg9[%dma_wait3A_277] : memref<3072xi32, #tpu.memory_space<vmem>> -> memref<512xi32, #tpu.memory_space<vmem>>
      %dma_wait3A_279 = arith.constant 0 : i32
      %dma_wait3A_280 = tpu.memref_slice %arg3[%dma_wait3A_279] : memref<2098176xf32, #tpu.memory_space<hbm>> -> memref<2098176xf32, #tpu.memory_space<hbm>>
      tpu.wait_indirect_dma semaphore(%arg17 : memref<!tpu.dma_semaphore, #tpu.memory_space<semaphore_mem>>) src(%dma_wait3A_280 : memref<2098176xf32, #tpu.memory_space<hbm>>) dst(%dma_wait3A_276 : memref<512xf32, #tpu.memory_space<vmem>>)
      %dma_wait3A_281 = arith.constant 3072 : i32
      %dma_wait3A_282 = tpu.memref_slice %arg11[%dma_wait3A_281] : memref<9216xf32, #tpu.memory_space<vmem>> -> memref<512xf32, #tpu.memory_space<vmem>>
      %dma_wait3A_283 = arith.constant 0 : i32
      %dma_wait3A_284 = tpu.memref_slice %arg9[%dma_wait3A_283] : memref<3072xi32, #tpu.memory_space<vmem>> -> memref<512xi32, #tpu.memory_space<vmem>>
      %dma_wait3A_285 = arith.constant 0 : i32
      %dma_wait3A_286 = tpu.memref_slice %arg4[%dma_wait3A_285] : memref<2098176xf32, #tpu.memory_space<hbm>> -> memref<2098176xf32, #tpu.memory_space<hbm>>
      tpu.wait_indirect_dma semaphore(%arg17 : memref<!tpu.dma_semaphore, #tpu.memory_space<semaphore_mem>>) src(%dma_wait3A_286 : memref<2098176xf32, #tpu.memory_space<hbm>>) dst(%dma_wait3A_282 : memref<512xf32, #tpu.memory_space<vmem>>)
      %dma_wait3A_287 = arith.constant 3584 : i32
      %dma_wait3A_288 = tpu.memref_slice %arg11[%dma_wait3A_287] : memref<9216xf32, #tpu.memory_space<vmem>> -> memref<512xf32, #tpu.memory_space<vmem>>
      %dma_wait3A_289 = arith.constant 512 : i32
      %dma_wait3A_290 = tpu.memref_slice %arg9[%dma_wait3A_289] : memref<3072xi32, #tpu.memory_space<vmem>> -> memref<512xi32, #tpu.memory_space<vmem>>
      %dma_wait3A_291 = arith.constant 0 : i32
      %dma_wait3A_292 = tpu.memref_slice %arg4[%dma_wait3A_291] : memref<2098176xf32, #tpu.memory_space<hbm>> -> memref<2098176xf32, #tpu.memory_space<hbm>>
      tpu.wait_indirect_dma semaphore(%arg17 : memref<!tpu.dma_semaphore, #tpu.memory_space<semaphore_mem>>) src(%dma_wait3A_292 : memref<2098176xf32, #tpu.memory_space<hbm>>) dst(%dma_wait3A_288 : memref<512xf32, #tpu.memory_space<vmem>>)
      %dma_wait3A_293 = arith.constant 4096 : i32
      %dma_wait3A_294 = tpu.memref_slice %arg11[%dma_wait3A_293] : memref<9216xf32, #tpu.memory_space<vmem>> -> memref<512xf32, #tpu.memory_space<vmem>>
      %dma_wait3A_295 = arith.constant 1024 : i32
      %dma_wait3A_296 = tpu.memref_slice %arg9[%dma_wait3A_295] : memref<3072xi32, #tpu.memory_space<vmem>> -> memref<512xi32, #tpu.memory_space<vmem>>
      %dma_wait3A_297 = arith.constant 0 : i32
      %dma_wait3A_298 = tpu.memref_slice %arg4[%dma_wait3A_297] : memref<2098176xf32, #tpu.memory_space<hbm>> -> memref<2098176xf32, #tpu.memory_space<hbm>>
      tpu.wait_indirect_dma semaphore(%arg17 : memref<!tpu.dma_semaphore, #tpu.memory_space<semaphore_mem>>) src(%dma_wait3A_298 : memref<2098176xf32, #tpu.memory_space<hbm>>) dst(%dma_wait3A_294 : memref<512xf32, #tpu.memory_space<vmem>>)
      %dma_wait3A_299 = arith.constant 4608 : i32
      %dma_wait3A_300 = tpu.memref_slice %arg11[%dma_wait3A_299] : memref<9216xf32, #tpu.memory_space<vmem>> -> memref<512xf32, #tpu.memory_space<vmem>>
      %dma_wait3A_301 = arith.constant 1536 : i32
      %dma_wait3A_302 = tpu.memref_slice %arg9[%dma_wait3A_301] : memref<3072xi32, #tpu.memory_space<vmem>> -> memref<512xi32, #tpu.memory_space<vmem>>
      %dma_wait3A_303 = arith.constant 0 : i32
      %dma_wait3A_304 = tpu.memref_slice %arg4[%dma_wait3A_303] : memref<2098176xf32, #tpu.memory_space<hbm>> -> memref<2098176xf32, #tpu.memory_space<hbm>>
      tpu.wait_indirect_dma semaphore(%arg17 : memref<!tpu.dma_semaphore, #tpu.memory_space<semaphore_mem>>) src(%dma_wait3A_304 : memref<2098176xf32, #tpu.memory_space<hbm>>) dst(%dma_wait3A_300 : memref<512xf32, #tpu.memory_space<vmem>>)
      %dma_wait3A_305 = arith.constant 5120 : i32
      %dma_wait3A_306 = tpu.memref_slice %arg11[%dma_wait3A_305] : memref<9216xf32, #tpu.memory_space<vmem>> -> memref<512xf32, #tpu.memory_space<vmem>>
      %dma_wait3A_307 = arith.constant 2048 : i32
      %dma_wait3A_308 = tpu.memref_slice %arg9[%dma_wait3A_307] : memref<3072xi32, #tpu.memory_space<vmem>> -> memref<512xi32, #tpu.memory_space<vmem>>
      %dma_wait3A_309 = arith.constant 0 : i32
      %dma_wait3A_310 = tpu.memref_slice %arg4[%dma_wait3A_309] : memref<2098176xf32, #tpu.memory_space<hbm>> -> memref<2098176xf32, #tpu.memory_space<hbm>>
      tpu.wait_indirect_dma semaphore(%arg17 : memref<!tpu.dma_semaphore, #tpu.memory_space<semaphore_mem>>) src(%dma_wait3A_310 : memref<2098176xf32, #tpu.memory_space<hbm>>) dst(%dma_wait3A_306 : memref<512xf32, #tpu.memory_space<vmem>>)
      %dma_wait3A_311 = arith.constant 5632 : i32
      %dma_wait3A_312 = tpu.memref_slice %arg11[%dma_wait3A_311] : memref<9216xf32, #tpu.memory_space<vmem>> -> memref<512xf32, #tpu.memory_space<vmem>>
      %dma_wait3A_313 = arith.constant 2560 : i32
      %dma_wait3A_314 = tpu.memref_slice %arg9[%dma_wait3A_313] : memref<3072xi32, #tpu.memory_space<vmem>> -> memref<512xi32, #tpu.memory_space<vmem>>
      %dma_wait3A_315 = arith.constant 0 : i32
      %dma_wait3A_316 = tpu.memref_slice %arg4[%dma_wait3A_315] : memref<2098176xf32, #tpu.memory_space<hbm>> -> memref<2098176xf32, #tpu.memory_space<hbm>>
      tpu.wait_indirect_dma semaphore(%arg17 : memref<!tpu.dma_semaphore, #tpu.memory_space<semaphore_mem>>) src(%dma_wait3A_316 : memref<2098176xf32, #tpu.memory_space<hbm>>) dst(%dma_wait3A_312 : memref<512xf32, #tpu.memory_space<vmem>>)
      %dma_wait3A_317 = arith.constant 6144 : i32
      %dma_wait3A_318 = tpu.memref_slice %arg11[%dma_wait3A_317] : memref<9216xf32, #tpu.memory_space<vmem>> -> memref<512xf32, #tpu.memory_space<vmem>>
      %dma_wait3A_319 = arith.constant 0 : i32
      %dma_wait3A_320 = tpu.memref_slice %arg9[%dma_wait3A_319] : memref<3072xi32, #tpu.memory_space<vmem>> -> memref<512xi32, #tpu.memory_space<vmem>>
      %dma_wait3A_321 = arith.constant 0 : i32
      %dma_wait3A_322 = tpu.memref_slice %arg5[%dma_wait3A_321] : memref<2098176xf32, #tpu.memory_space<hbm>> -> memref<2098176xf32, #tpu.memory_space<hbm>>
      tpu.wait_indirect_dma semaphore(%arg17 : memref<!tpu.dma_semaphore, #tpu.memory_space<semaphore_mem>>) src(%dma_wait3A_322 : memref<2098176xf32, #tpu.memory_space<hbm>>) dst(%dma_wait3A_318 : memref<512xf32, #tpu.memory_space<vmem>>)
      %dma_wait3A_323 = arith.constant 6656 : i32
      %dma_wait3A_324 = tpu.memref_slice %arg11[%dma_wait3A_323] : memref<9216xf32, #tpu.memory_space<vmem>> -> memref<512xf32, #tpu.memory_space<vmem>>
      %dma_wait3A_325 = arith.constant 512 : i32
      %dma_wait3A_326 = tpu.memref_slice %arg9[%dma_wait3A_325] : memref<3072xi32, #tpu.memory_space<vmem>> -> memref<512xi32, #tpu.memory_space<vmem>>
      %dma_wait3A_327 = arith.constant 0 : i32
      %dma_wait3A_328 = tpu.memref_slice %arg5[%dma_wait3A_327] : memref<2098176xf32, #tpu.memory_space<hbm>> -> memref<2098176xf32, #tpu.memory_space<hbm>>
      tpu.wait_indirect_dma semaphore(%arg17 : memref<!tpu.dma_semaphore, #tpu.memory_space<semaphore_mem>>) src(%dma_wait3A_328 : memref<2098176xf32, #tpu.memory_space<hbm>>) dst(%dma_wait3A_324 : memref<512xf32, #tpu.memory_space<vmem>>)
      %dma_wait3A_329 = arith.constant 7168 : i32
      %dma_wait3A_330 = tpu.memref_slice %arg11[%dma_wait3A_329] : memref<9216xf32, #tpu.memory_space<vmem>> -> memref<512xf32, #tpu.memory_space<vmem>>
      %dma_wait3A_331 = arith.constant 1024 : i32
      %dma_wait3A_332 = tpu.memref_slice %arg9[%dma_wait3A_331] : memref<3072xi32, #tpu.memory_space<vmem>> -> memref<512xi32, #tpu.memory_space<vmem>>
      %dma_wait3A_333 = arith.constant 0 : i32
      %dma_wait3A_334 = tpu.memref_slice %arg5[%dma_wait3A_333] : memref<2098176xf32, #tpu.memory_space<hbm>> -> memref<2098176xf32, #tpu.memory_space<hbm>>
      tpu.wait_indirect_dma semaphore(%arg17 : memref<!tpu.dma_semaphore, #tpu.memory_space<semaphore_mem>>) src(%dma_wait3A_334 : memref<2098176xf32, #tpu.memory_space<hbm>>) dst(%dma_wait3A_330 : memref<512xf32, #tpu.memory_space<vmem>>)
      %dma_wait3A_335 = arith.constant 7680 : i32
      %dma_wait3A_336 = tpu.memref_slice %arg11[%dma_wait3A_335] : memref<9216xf32, #tpu.memory_space<vmem>> -> memref<512xf32, #tpu.memory_space<vmem>>
      %dma_wait3A_337 = arith.constant 1536 : i32
      %dma_wait3A_338 = tpu.memref_slice %arg9[%dma_wait3A_337] : memref<3072xi32, #tpu.memory_space<vmem>> -> memref<512xi32, #tpu.memory_space<vmem>>
      %dma_wait3A_339 = arith.constant 0 : i32
      %dma_wait3A_340 = tpu.memref_slice %arg5[%dma_wait3A_339] : memref<2098176xf32, #tpu.memory_space<hbm>> -> memref<2098176xf32, #tpu.memory_space<hbm>>
      tpu.wait_indirect_dma semaphore(%arg17 : memref<!tpu.dma_semaphore, #tpu.memory_space<semaphore_mem>>) src(%dma_wait3A_340 : memref<2098176xf32, #tpu.memory_space<hbm>>) dst(%dma_wait3A_336 : memref<512xf32, #tpu.memory_space<vmem>>)
      %dma_wait3A_341 = arith.constant 8192 : i32
      %dma_wait3A_342 = tpu.memref_slice %arg11[%dma_wait3A_341] : memref<9216xf32, #tpu.memory_space<vmem>> -> memref<512xf32, #tpu.memory_space<vmem>>
      %dma_wait3A_343 = arith.constant 2048 : i32
      %dma_wait3A_344 = tpu.memref_slice %arg9[%dma_wait3A_343] : memref<3072xi32, #tpu.memory_space<vmem>> -> memref<512xi32, #tpu.memory_space<vmem>>
      %dma_wait3A_345 = arith.constant 0 : i32
      %dma_wait3A_346 = tpu.memref_slice %arg5[%dma_wait3A_345] : memref<2098176xf32, #tpu.memory_space<hbm>> -> memref<2098176xf32, #tpu.memory_space<hbm>>
      tpu.wait_indirect_dma semaphore(%arg17 : memref<!tpu.dma_semaphore, #tpu.memory_space<semaphore_mem>>) src(%dma_wait3A_346 : memref<2098176xf32, #tpu.memory_space<hbm>>) dst(%dma_wait3A_342 : memref<512xf32, #tpu.memory_space<vmem>>)
      %dma_wait3A_347 = arith.constant 8704 : i32
      %dma_wait3A_348 = tpu.memref_slice %arg11[%dma_wait3A_347] : memref<9216xf32, #tpu.memory_space<vmem>> -> memref<512xf32, #tpu.memory_space<vmem>>
      %dma_wait3A_349 = arith.constant 2560 : i32
      %dma_wait3A_350 = tpu.memref_slice %arg9[%dma_wait3A_349] : memref<3072xi32, #tpu.memory_space<vmem>> -> memref<512xi32, #tpu.memory_space<vmem>>
      %dma_wait3A_351 = arith.constant 0 : i32
      %dma_wait3A_352 = tpu.memref_slice %arg5[%dma_wait3A_351] : memref<2098176xf32, #tpu.memory_space<hbm>> -> memref<2098176xf32, #tpu.memory_space<hbm>>
      tpu.wait_indirect_dma semaphore(%arg17 : memref<!tpu.dma_semaphore, #tpu.memory_space<semaphore_mem>>) src(%dma_wait3A_352 : memref<2098176xf32, #tpu.memory_space<hbm>>) dst(%dma_wait3A_348 : memref<512xf32, #tpu.memory_space<vmem>>)
      %scan3A_353 = arith.constant 0 : i32
      %scan3A_354 = arith.constant 0 : i32
      %scan3A_355 = arith.constant 16 : i32
      %scan3A_356 = arith.addi %scan3A_354, %scan3A_355 : i32
      %scan3A_357 = arith.constant 1 : i32
      scf.for %scan3A_481 = %scan3A_354 to %scan3A_356 step %scan3A_357  : i32 {
        %mul3A_482 = arith.constant 16 : i32
        %mul3A_483 = arith.muli %scan3A_481, %mul3A_482 : i32
        %get3A = arith.constant 0 : i32
        %get3A_484 = arith.index_cast %get3A : i32 to index
        %get3A_485 = arith.index_cast %mul3A_483 : i32 to index
        %get3A_486 = tpu.vector_load %arg13[%get3A_484, %get3A_485] {strides = array<i32>} : memref<7x256xf32, #tpu.memory_space<vmem>>, vector<1x16xf32>,
        %get3A_487 = vector.shape_cast %get3A_486 : vector<1x16xf32> to vector<16xf32>
        %get3A_488 = arith.constant 1 : i32
        %get3A_489 = arith.index_cast %get3A_488 : i32 to index
        %get3A_490 = arith.index_cast %mul3A_483 : i32 to index
        %get3A_491 = tpu.vector_load %arg13[%get3A_489, %get3A_490] {strides = array<i32>} : memref<7x256xf32, #tpu.memory_space<vmem>>, vector<1x16xf32>,
        %get3A_492 = vector.shape_cast %get3A_491 : vector<1x16xf32> to vector<16xf32>
        %get3A_493 = arith.constant 2 : i32
        %get3A_494 = arith.index_cast %get3A_493 : i32 to index
        %get3A_495 = arith.index_cast %mul3A_483 : i32 to index
        %get3A_496 = tpu.vector_load %arg13[%get3A_494, %get3A_495] {strides = array<i32>} : memref<7x256xf32, #tpu.memory_space<vmem>>, vector<1x16xf32>,
        %get3A_497 = vector.shape_cast %get3A_496 : vector<1x16xf32> to vector<16xf32>
        %get3A_498 = arith.constant 3 : i32
        %get3A_499 = arith.index_cast %get3A_498 : i32 to index
        %get3A_500 = arith.index_cast %mul3A_483 : i32 to index
        %get3A_501 = tpu.vector_load %arg13[%get3A_499, %get3A_500] {strides = array<i32>} : memref<7x256xf32, #tpu.memory_space<vmem>>, vector<1x16xf32>,
        %get3A_502 = vector.shape_cast %get3A_501 : vector<1x16xf32> to vector<16xf32>
        %get3A_503 = arith.constant 4 : i32
        %get3A_504 = arith.index_cast %get3A_503 : i32 to index
        %get3A_505 = arith.index_cast %mul3A_483 : i32 to index
        %get3A_506 = tpu.vector_load %arg13[%get3A_504, %get3A_505] {strides = array<i32>} : memref<7x256xf32, #tpu.memory_space<vmem>>, vector<1x16xf32>,
        %get3A_507 = vector.shape_cast %get3A_506 : vector<1x16xf32> to vector<16xf32>
        %get3A_508 = arith.constant 5 : i32
        %get3A_509 = arith.index_cast %get3A_508 : i32 to index
        %get3A_510 = arith.index_cast %mul3A_483 : i32 to index
        %get3A_511 = tpu.vector_load %arg13[%get3A_509, %get3A_510] {strides = array<i32>} : memref<7x256xf32, #tpu.memory_space<vmem>>, vector<1x16xf32>,
        %get3A_512 = vector.shape_cast %get3A_511 : vector<1x16xf32> to vector<16xf32>
        %get3A_513 = arith.constant 6 : i32
        %get3A_514 = arith.index_cast %get3A_513 : i32 to index
        %get3A_515 = arith.index_cast %mul3A_483 : i32 to index
        %get3A_516 = tpu.vector_load %arg13[%get3A_514, %get3A_515] {strides = array<i32>} : memref<7x256xf32, #tpu.memory_space<vmem>>, vector<1x16xf32>,
        %get3A_517 = vector.shape_cast %get3A_516 : vector<1x16xf32> to vector<16xf32>
        %add3A_518 = arith.constant 0 : i32
        %add3A_519 = arith.addi %add3A_518, %mul3A_483 : i32
        %get3A_520 = arith.index_cast %add3A_519 : i32 to index
        %get3A_521 = tpu.vector_load %arg11[%get3A_520] {strides = array<i32>} : memref<9216xf32, #tpu.memory_space<vmem>>, vector<16xf32>,
        %get3A_522 = vector.shape_cast %get3A_521 : vector<16xf32> to vector<16xf32>
        %add3A_523 = arith.constant 256 : i32
        %add3A_524 = arith.addi %add3A_523, %mul3A_483 : i32
        %get3A_525 = arith.index_cast %add3A_524 : i32 to index
        %get3A_526 = tpu.vector_load %arg11[%get3A_525] {strides = array<i32>} : memref<9216xf32, #tpu.memory_space<vmem>>, vector<16xf32>,
        %get3A_527 = vector.shape_cast %get3A_526 : vector<16xf32> to vector<16xf32>
        %add3A_528 = arith.constant 512 : i32
        %add3A_529 = arith.addi %add3A_528, %mul3A_483 : i32
        %get3A_530 = arith.index_cast %add3A_529 : i32 to index
        %get3A_531 = tpu.vector_load %arg11[%get3A_530] {strides = array<i32>} : memref<9216xf32, #tpu.memory_space<vmem>>, vector<16xf32>,
        %get3A_532 = vector.shape_cast %get3A_531 : vector<16xf32> to vector<16xf32>
        %add3A_533 = arith.constant 768 : i32
        %add3A_534 = arith.addi %add3A_533, %mul3A_483 : i32
        %get3A_535 = arith.index_cast %add3A_534 : i32 to index
        %get3A_536 = tpu.vector_load %arg11[%get3A_535] {strides = array<i32>} : memref<9216xf32, #tpu.memory_space<vmem>>, vector<16xf32>,
        %get3A_537 = vector.shape_cast %get3A_536 : vector<16xf32> to vector<16xf32>
        %sub3A = arith.constant 1.000000e+00 : f32
        %sub3A_538 = vector.broadcast %sub3A : f32 to vector<16xf32>
        %sub3A_539 = arith.subf %sub3A_538, %get3A_487 : vector<16xf32>
        %mul3A_540 = arith.mulf %get3A_522, %sub3A_539 : vector<16xf32>
        %mul3A_541 = arith.mulf %get3A_527, %get3A_487 : vector<16xf32>
        %add3A_542 = arith.addf %mul3A_540, %mul3A_541 : vector<16xf32>
        %sub3A_543 = arith.constant 1.000000e+00 : f32
        %sub3A_544 = vector.broadcast %sub3A_543 : f32 to vector<16xf32>
        %sub3A_545 = arith.subf %sub3A_544, %get3A_487 : vector<16xf32>
        %mul3A_546 = arith.mulf %get3A_532, %sub3A_545 : vector<16xf32>
        %mul3A_547 = arith.mulf %get3A_537, %get3A_487 : vector<16xf32>
        %add3A_548 = arith.addf %mul3A_546, %mul3A_547 : vector<16xf32>
        %sub3A_549 = arith.constant 1.000000e+00 : f32
        %sub3A_550 = vector.broadcast %sub3A_549 : f32 to vector<16xf32>
        %sub3A_551 = arith.subf %sub3A_550, %get3A_492 : vector<16xf32>
        %mul3A_552 = arith.mulf %add3A_542, %sub3A_551 : vector<16xf32>
        %mul3A_553 = arith.mulf %add3A_548, %get3A_492 : vector<16xf32>
        %add3A_554 = arith.addf %mul3A_552, %mul3A_553 : vector<16xf32>
        %swap3A = arith.constant 0 : i32
        %swap3A_555 = arith.index_cast %swap3A : i32 to index
        %swap3A_556 = arith.index_cast %mul3A_483 : i32 to index
        %swap3A_557 = tpu.vector_load %arg15[%swap3A_555, %swap3A_556] {strides = array<i32>} : memref<6x256xf32, #tpu.memory_space<vmem>>, vector<1x16xf32>,
        %swap3A_558 = vector.shape_cast %swap3A_557 : vector<1x16xf32> to vector<16xf32>
        %swap3A_559 = vector.shape_cast %add3A_554 : vector<16xf32> to vector<1x16xf32>
        tpu.vector_store %arg15[%swap3A_555, %swap3A_556], %swap3A_559 {strides = array<i32>} : memref<6x256xf32, #tpu.memory_space<vmem>>, vector<1x16xf32>,
        %add3A_560 = arith.constant 1024 : i32
        %add3A_561 = arith.addi %add3A_560, %mul3A_483 : i32
        %get3A_562 = arith.index_cast %add3A_561 : i32 to index
        %get3A_563 = tpu.vector_load %arg11[%get3A_562] {strides = array<i32>} : memref<9216xf32, #tpu.memory_space<vmem>>, vector<16xf32>,
        %get3A_564 = vector.shape_cast %get3A_563 : vector<16xf32> to vector<16xf32>
        %add3A_565 = arith.constant 1280 : i32
        %add3A_566 = arith.addi %add3A_565, %mul3A_483 : i32
        %get3A_567 = arith.index_cast %add3A_566 : i32 to index
        %get3A_568 = tpu.vector_load %arg11[%get3A_567] {strides = array<i32>} : memref<9216xf32, #tpu.memory_space<vmem>>, vector<16xf32>,
        %get3A_569 = vector.shape_cast %get3A_568 : vector<16xf32> to vector<16xf32>
        %add3A_570 = arith.constant 1536 : i32
        %add3A_571 = arith.addi %add3A_570, %mul3A_483 : i32
        %get3A_572 = arith.index_cast %add3A_571 : i32 to index
        %get3A_573 = tpu.vector_load %arg11[%get3A_572] {strides = array<i32>} : memref<9216xf32, #tpu.memory_space<vmem>>, vector<16xf32>,
        %get3A_574 = vector.shape_cast %get3A_573 : vector<16xf32> to vector<16xf32>
        %add3A_575 = arith.constant 1792 : i32
        %add3A_576 = arith.addi %add3A_575, %mul3A_483 : i32
        %get3A_577 = arith.index_cast %add3A_576 : i32 to index
        %get3A_578 = tpu.vector_load %arg11[%get3A_577] {strides = array<i32>} : memref<9216xf32, #tpu.memory_space<vmem>>, vector<16xf32>,
        %get3A_579 = vector.shape_cast %get3A_578 : vector<16xf32> to vector<16xf32>
        %sub3A_580 = arith.constant 1.000000e+00 : f32
        %sub3A_581 = vector.broadcast %sub3A_580 : f32 to vector<16xf32>
        %sub3A_582 = arith.subf %sub3A_581, %get3A_497 : vector<16xf32>
        %mul3A_583 = arith.mulf %get3A_564, %sub3A_582 : vector<16xf32>
        %mul3A_584 = arith.mulf %get3A_569, %get3A_497 : vector<16xf32>
        %add3A_585 = arith.addf %mul3A_583, %mul3A_584 : vector<16xf32>
        %sub3A_586 = arith.constant 1.000000e+00 : f32
        %sub3A_587 = vector.broadcast %sub3A_586 : f32 to vector<16xf32>
        %sub3A_588 = arith.subf %sub3A_587, %get3A_497 : vector<16xf32>
        %mul3A_589 = arith.mulf %get3A_574, %sub3A_588 : vector<16xf32>
        %mul3A_590 = arith.mulf %get3A_579, %get3A_497 : vector<16xf32>
        %add3A_591 = arith.addf %mul3A_589, %mul3A_590 : vector<16xf32>
        %sub3A_592 = arith.constant 1.000000e+00 : f32
        %sub3A_593 = vector.broadcast %sub3A_592 : f32 to vector<16xf32>
        %sub3A_594 = arith.subf %sub3A_593, %get3A_502 : vector<16xf32>
        %mul3A_595 = arith.mulf %add3A_585, %sub3A_594 : vector<16xf32>
        %mul3A_596 = arith.mulf %add3A_591, %get3A_502 : vector<16xf32>
        %add3A_597 = arith.addf %mul3A_595, %mul3A_596 : vector<16xf32>
        %add3A_598 = arith.constant 2048 : i32
        %add3A_599 = arith.addi %add3A_598, %mul3A_483 : i32
        %get3A_600 = arith.index_cast %add3A_599 : i32 to index
        %get3A_601 = tpu.vector_load %arg11[%get3A_600] {strides = array<i32>} : memref<9216xf32, #tpu.memory_space<vmem>>, vector<16xf32>,
        %get3A_602 = vector.shape_cast %get3A_601 : vector<16xf32> to vector<16xf32>
        %add3A_603 = arith.constant 2304 : i32
        %add3A_604 = arith.addi %add3A_603, %mul3A_483 : i32
        %get3A_605 = arith.index_cast %add3A_604 : i32 to index
        %get3A_606 = tpu.vector_load %arg11[%get3A_605] {strides = array<i32>} : memref<9216xf32, #tpu.memory_space<vmem>>, vector<16xf32>,
        %get3A_607 = vector.shape_cast %get3A_606 : vector<16xf32> to vector<16xf32>
        %add3A_608 = arith.constant 2560 : i32
        %add3A_609 = arith.addi %add3A_608, %mul3A_483 : i32
        %get3A_610 = arith.index_cast %add3A_609 : i32 to index
        %get3A_611 = tpu.vector_load %arg11[%get3A_610] {strides = array<i32>} : memref<9216xf32, #tpu.memory_space<vmem>>, vector<16xf32>,
        %get3A_612 = vector.shape_cast %get3A_611 : vector<16xf32> to vector<16xf32>
        %add3A_613 = arith.constant 2816 : i32
        %add3A_614 = arith.addi %add3A_613, %mul3A_483 : i32
        %get3A_615 = arith.index_cast %add3A_614 : i32 to index
        %get3A_616 = tpu.vector_load %arg11[%get3A_615] {strides = array<i32>} : memref<9216xf32, #tpu.memory_space<vmem>>, vector<16xf32>,
        %get3A_617 = vector.shape_cast %get3A_616 : vector<16xf32> to vector<16xf32>
        %sub3A_618 = arith.constant 1.000000e+00 : f32
        %sub3A_619 = vector.broadcast %sub3A_618 : f32 to vector<16xf32>
        %sub3A_620 = arith.subf %sub3A_619, %get3A_507 : vector<16xf32>
        %mul3A_621 = arith.mulf %get3A_602, %sub3A_620 : vector<16xf32>
        %mul3A_622 = arith.mulf %get3A_607, %get3A_507 : vector<16xf32>
        %add3A_623 = arith.addf %mul3A_621, %mul3A_622 : vector<16xf32>
        %sub3A_624 = arith.constant 1.000000e+00 : f32
        %sub3A_625 = vector.broadcast %sub3A_624 : f32 to vector<16xf32>
        %sub3A_626 = arith.subf %sub3A_625, %get3A_507 : vector<16xf32>
        %mul3A_627 = arith.mulf %get3A_612, %sub3A_626 : vector<16xf32>
        %mul3A_628 = arith.mulf %get3A_617, %get3A_507 : vector<16xf32>
        %add3A_629 = arith.addf %mul3A_627, %mul3A_628 : vector<16xf32>
        %sub3A_630 = arith.constant 1.000000e+00 : f32
        %sub3A_631 = vector.broadcast %sub3A_630 : f32 to vector<16xf32>
        %sub3A_632 = arith.subf %sub3A_631, %get3A_512 : vector<16xf32>
        %mul3A_633 = arith.mulf %add3A_623, %sub3A_632 : vector<16xf32>
        %mul3A_634 = arith.mulf %add3A_629, %get3A_512 : vector<16xf32>
        %add3A_635 = arith.addf %mul3A_633, %mul3A_634 : vector<16xf32>
        %sub3A_636 = arith.constant 1.000000e+00 : f32
        %sub3A_637 = vector.broadcast %sub3A_636 : f32 to vector<16xf32>
        %sub3A_638 = arith.subf %sub3A_637, %get3A_517 : vector<16xf32>
        %mul3A_639 = arith.mulf %add3A_597, %sub3A_638 : vector<16xf32>
        %mul3A_640 = arith.mulf %add3A_635, %get3A_517 : vector<16xf32>
        %add3A_641 = arith.addf %mul3A_639, %mul3A_640 : vector<16xf32>
        %swap3A_642 = arith.constant 3 : i32
        %swap3A_643 = arith.index_cast %swap3A_642 : i32 to index
        %swap3A_644 = arith.index_cast %mul3A_483 : i32 to index
        %swap3A_645 = tpu.vector_load %arg15[%swap3A_643, %swap3A_644] {strides = array<i32>} : memref<6x256xf32, #tpu.memory_space<vmem>>, vector<1x16xf32>,
        %swap3A_646 = vector.shape_cast %swap3A_645 : vector<1x16xf32> to vector<16xf32>
        %swap3A_647 = vector.shape_cast %add3A_641 : vector<16xf32> to vector<1x16xf32>
        tpu.vector_store %arg15[%swap3A_643, %swap3A_644], %swap3A_647 {strides = array<i32>} : memref<6x256xf32, #tpu.memory_space<vmem>>, vector<1x16xf32>,
        %add3A_648 = arith.constant 3072 : i32
        %add3A_649 = arith.addi %add3A_648, %mul3A_483 : i32
        %get3A_650 = arith.index_cast %add3A_649 : i32 to index
        %get3A_651 = tpu.vector_load %arg11[%get3A_650] {strides = array<i32>} : memref<9216xf32, #tpu.memory_space<vmem>>, vector<16xf32>,
        %get3A_652 = vector.shape_cast %get3A_651 : vector<16xf32> to vector<16xf32>
        %add3A_653 = arith.constant 3328 : i32
        %add3A_654 = arith.addi %add3A_653, %mul3A_483 : i32
        %get3A_655 = arith.index_cast %add3A_654 : i32 to index
        %get3A_656 = tpu.vector_load %arg11[%get3A_655] {strides = array<i32>} : memref<9216xf32, #tpu.memory_space<vmem>>, vector<16xf32>,
        %get3A_657 = vector.shape_cast %get3A_656 : vector<16xf32> to vector<16xf32>
        %add3A_658 = arith.constant 3584 : i32
        %add3A_659 = arith.addi %add3A_658, %mul3A_483 : i32
        %get3A_660 = arith.index_cast %add3A_659 : i32 to index
        %get3A_661 = tpu.vector_load %arg11[%get3A_660] {strides = array<i32>} : memref<9216xf32, #tpu.memory_space<vmem>>, vector<16xf32>,
        %get3A_662 = vector.shape_cast %get3A_661 : vector<16xf32> to vector<16xf32>
        %add3A_663 = arith.constant 3840 : i32
        %add3A_664 = arith.addi %add3A_663, %mul3A_483 : i32
        %get3A_665 = arith.index_cast %add3A_664 : i32 to index
        %get3A_666 = tpu.vector_load %arg11[%get3A_665] {strides = array<i32>} : memref<9216xf32, #tpu.memory_space<vmem>>, vector<16xf32>,
        %get3A_667 = vector.shape_cast %get3A_666 : vector<16xf32> to vector<16xf32>
        %sub3A_668 = arith.constant 1.000000e+00 : f32
        %sub3A_669 = vector.broadcast %sub3A_668 : f32 to vector<16xf32>
        %sub3A_670 = arith.subf %sub3A_669, %get3A_487 : vector<16xf32>
        %mul3A_671 = arith.mulf %get3A_652, %sub3A_670 : vector<16xf32>
        %mul3A_672 = arith.mulf %get3A_657, %get3A_487 : vector<16xf32>
        %add3A_673 = arith.addf %mul3A_671, %mul3A_672 : vector<16xf32>
        %sub3A_674 = arith.constant 1.000000e+00 : f32
        %sub3A_675 = vector.broadcast %sub3A_674 : f32 to vector<16xf32>
        %sub3A_676 = arith.subf %sub3A_675, %get3A_487 : vector<16xf32>
        %mul3A_677 = arith.mulf %get3A_662, %sub3A_676 : vector<16xf32>
        %mul3A_678 = arith.mulf %get3A_667, %get3A_487 : vector<16xf32>
        %add3A_679 = arith.addf %mul3A_677, %mul3A_678 : vector<16xf32>
        %sub3A_680 = arith.constant 1.000000e+00 : f32
        %sub3A_681 = vector.broadcast %sub3A_680 : f32 to vector<16xf32>
        %sub3A_682 = arith.subf %sub3A_681, %get3A_492 : vector<16xf32>
        %mul3A_683 = arith.mulf %add3A_673, %sub3A_682 : vector<16xf32>
        %mul3A_684 = arith.mulf %add3A_679, %get3A_492 : vector<16xf32>
        %add3A_685 = arith.addf %mul3A_683, %mul3A_684 : vector<16xf32>
        %swap3A_686 = arith.constant 1 : i32
        %swap3A_687 = arith.index_cast %swap3A_686 : i32 to index
        %swap3A_688 = arith.index_cast %mul3A_483 : i32 to index
        %swap3A_689 = tpu.vector_load %arg15[%swap3A_687, %swap3A_688] {strides = array<i32>} : memref<6x256xf32, #tpu.memory_space<vmem>>, vector<1x16xf32>,
        %swap3A_690 = vector.shape_cast %swap3A_689 : vector<1x16xf32> to vector<16xf32>
        %swap3A_691 = vector.shape_cast %add3A_685 : vector<16xf32> to vector<1x16xf32>
        tpu.vector_store %arg15[%swap3A_687, %swap3A_688], %swap3A_691 {strides = array<i32>} : memref<6x256xf32, #tpu.memory_space<vmem>>, vector<1x16xf32>,
        %add3A_692 = arith.constant 4096 : i32
        %add3A_693 = arith.addi %add3A_692, %mul3A_483 : i32
        %get3A_694 = arith.index_cast %add3A_693 : i32 to index
        %get3A_695 = tpu.vector_load %arg11[%get3A_694] {strides = array<i32>} : memref<9216xf32, #tpu.memory_space<vmem>>, vector<16xf32>,
        %get3A_696 = vector.shape_cast %get3A_695 : vector<16xf32> to vector<16xf32>
        %add3A_697 = arith.constant 4352 : i32
        %add3A_698 = arith.addi %add3A_697, %mul3A_483 : i32
        %get3A_699 = arith.index_cast %add3A_698 : i32 to index
        %get3A_700 = tpu.vector_load %arg11[%get3A_699] {strides = array<i32>} : memref<9216xf32, #tpu.memory_space<vmem>>, vector<16xf32>,
        %get3A_701 = vector.shape_cast %get3A_700 : vector<16xf32> to vector<16xf32>
        %add3A_702 = arith.constant 4608 : i32
        %add3A_703 = arith.addi %add3A_702, %mul3A_483 : i32
        %get3A_704 = arith.index_cast %add3A_703 : i32 to index
        %get3A_705 = tpu.vector_load %arg11[%get3A_704] {strides = array<i32>} : memref<9216xf32, #tpu.memory_space<vmem>>, vector<16xf32>,
        %get3A_706 = vector.shape_cast %get3A_705 : vector<16xf32> to vector<16xf32>
        %add3A_707 = arith.constant 4864 : i32
        %add3A_708 = arith.addi %add3A_707, %mul3A_483 : i32
        %get3A_709 = arith.index_cast %add3A_708 : i32 to index
        %get3A_710 = tpu.vector_load %arg11[%get3A_709] {strides = array<i32>} : memref<9216xf32, #tpu.memory_space<vmem>>, vector<16xf32>,
        %get3A_711 = vector.shape_cast %get3A_710 : vector<16xf32> to vector<16xf32>
        %sub3A_712 = arith.constant 1.000000e+00 : f32
        %sub3A_713 = vector.broadcast %sub3A_712 : f32 to vector<16xf32>
        %sub3A_714 = arith.subf %sub3A_713, %get3A_497 : vector<16xf32>
        %mul3A_715 = arith.mulf %get3A_696, %sub3A_714 : vector<16xf32>
        %mul3A_716 = arith.mulf %get3A_701, %get3A_497 : vector<16xf32>
        %add3A_717 = arith.addf %mul3A_715, %mul3A_716 : vector<16xf32>
        %sub3A_718 = arith.constant 1.000000e+00 : f32
        %sub3A_719 = vector.broadcast %sub3A_718 : f32 to vector<16xf32>
        %sub3A_720 = arith.subf %sub3A_719, %get3A_497 : vector<16xf32>
        %mul3A_721 = arith.mulf %get3A_706, %sub3A_720 : vector<16xf32>
        %mul3A_722 = arith.mulf %get3A_711, %get3A_497 : vector<16xf32>
        %add3A_723 = arith.addf %mul3A_721, %mul3A_722 : vector<16xf32>
        %sub3A_724 = arith.constant 1.000000e+00 : f32
        %sub3A_725 = vector.broadcast %sub3A_724 : f32 to vector<16xf32>
        %sub3A_726 = arith.subf %sub3A_725, %get3A_502 : vector<16xf32>
        %mul3A_727 = arith.mulf %add3A_717, %sub3A_726 : vector<16xf32>
        %mul3A_728 = arith.mulf %add3A_723, %get3A_502 : vector<16xf32>
        %add3A_729 = arith.addf %mul3A_727, %mul3A_728 : vector<16xf32>
        %add3A_730 = arith.constant 5120 : i32
        %add3A_731 = arith.addi %add3A_730, %mul3A_483 : i32
        %get3A_732 = arith.index_cast %add3A_731 : i32 to index
        %get3A_733 = tpu.vector_load %arg11[%get3A_732] {strides = array<i32>} : memref<9216xf32, #tpu.memory_space<vmem>>, vector<16xf32>,
        %get3A_734 = vector.shape_cast %get3A_733 : vector<16xf32> to vector<16xf32>
        %add3A_735 = arith.constant 5376 : i32
        %add3A_736 = arith.addi %add3A_735, %mul3A_483 : i32
        %get3A_737 = arith.index_cast %add3A_736 : i32 to index
        %get3A_738 = tpu.vector_load %arg11[%get3A_737] {strides = array<i32>} : memref<9216xf32, #tpu.memory_space<vmem>>, vector<16xf32>,
        %get3A_739 = vector.shape_cast %get3A_738 : vector<16xf32> to vector<16xf32>
        %add3A_740 = arith.constant 5632 : i32
        %add3A_741 = arith.addi %add3A_740, %mul3A_483 : i32
        %get3A_742 = arith.index_cast %add3A_741 : i32 to index
        %get3A_743 = tpu.vector_load %arg11[%get3A_742] {strides = array<i32>} : memref<9216xf32, #tpu.memory_space<vmem>>, vector<16xf32>,
        %get3A_744 = vector.shape_cast %get3A_743 : vector<16xf32> to vector<16xf32>
        %add3A_745 = arith.constant 5888 : i32
        %add3A_746 = arith.addi %add3A_745, %mul3A_483 : i32
        %get3A_747 = arith.index_cast %add3A_746 : i32 to index
        %get3A_748 = tpu.vector_load %arg11[%get3A_747] {strides = array<i32>} : memref<9216xf32, #tpu.memory_space<vmem>>, vector<16xf32>,
        %get3A_749 = vector.shape_cast %get3A_748 : vector<16xf32> to vector<16xf32>
        %sub3A_750 = arith.constant 1.000000e+00 : f32
        %sub3A_751 = vector.broadcast %sub3A_750 : f32 to vector<16xf32>
        %sub3A_752 = arith.subf %sub3A_751, %get3A_507 : vector<16xf32>
        %mul3A_753 = arith.mulf %get3A_734, %sub3A_752 : vector<16xf32>
        %mul3A_754 = arith.mulf %get3A_739, %get3A_507 : vector<16xf32>
        %add3A_755 = arith.addf %mul3A_753, %mul3A_754 : vector<16xf32>
        %sub3A_756 = arith.constant 1.000000e+00 : f32
        %sub3A_757 = vector.broadcast %sub3A_756 : f32 to vector<16xf32>
        %sub3A_758 = arith.subf %sub3A_757, %get3A_507 : vector<16xf32>
        %mul3A_759 = arith.mulf %get3A_744, %sub3A_758 : vector<16xf32>
        %mul3A_760 = arith.mulf %get3A_749, %get3A_507 : vector<16xf32>
        %add3A_761 = arith.addf %mul3A_759, %mul3A_760 : vector<16xf32>
        %sub3A_762 = arith.constant 1.000000e+00 : f32
        %sub3A_763 = vector.broadcast %sub3A_762 : f32 to vector<16xf32>
        %sub3A_764 = arith.subf %sub3A_763, %get3A_512 : vector<16xf32>
        %mul3A_765 = arith.mulf %add3A_755, %sub3A_764 : vector<16xf32>
        %mul3A_766 = arith.mulf %add3A_761, %get3A_512 : vector<16xf32>
        %add3A_767 = arith.addf %mul3A_765, %mul3A_766 : vector<16xf32>
        %sub3A_768 = arith.constant 1.000000e+00 : f32
        %sub3A_769 = vector.broadcast %sub3A_768 : f32 to vector<16xf32>
        %sub3A_770 = arith.subf %sub3A_769, %get3A_517 : vector<16xf32>
        %mul3A_771 = arith.mulf %add3A_729, %sub3A_770 : vector<16xf32>
        %mul3A_772 = arith.mulf %add3A_767, %get3A_517 : vector<16xf32>
        %add3A_773 = arith.addf %mul3A_771, %mul3A_772 : vector<16xf32>
        %swap3A_774 = arith.constant 4 : i32
        %swap3A_775 = arith.index_cast %swap3A_774 : i32 to index
        %swap3A_776 = arith.index_cast %mul3A_483 : i32 to index
        %swap3A_777 = tpu.vector_load %arg15[%swap3A_775, %swap3A_776] {strides = array<i32>} : memref<6x256xf32, #tpu.memory_space<vmem>>, vector<1x16xf32>,
        %swap3A_778 = vector.shape_cast %swap3A_777 : vector<1x16xf32> to vector<16xf32>
        %swap3A_779 = vector.shape_cast %add3A_773 : vector<16xf32> to vector<1x16xf32>
        tpu.vector_store %arg15[%swap3A_775, %swap3A_776], %swap3A_779 {strides = array<i32>} : memref<6x256xf32, #tpu.memory_space<vmem>>, vector<1x16xf32>,
        %add3A_780 = arith.constant 6144 : i32
        %add3A_781 = arith.addi %add3A_780, %mul3A_483 : i32
        %get3A_782 = arith.index_cast %add3A_781 : i32 to index
        %get3A_783 = tpu.vector_load %arg11[%get3A_782] {strides = array<i32>} : memref<9216xf32, #tpu.memory_space<vmem>>, vector<16xf32>,
        %get3A_784 = vector.shape_cast %get3A_783 : vector<16xf32> to vector<16xf32>
        %add3A_785 = arith.constant 6400 : i32
        %add3A_786 = arith.addi %add3A_785, %mul3A_483 : i32
        %get3A_787 = arith.index_cast %add3A_786 : i32 to index
        %get3A_788 = tpu.vector_load %arg11[%get3A_787] {strides = array<i32>} : memref<9216xf32, #tpu.memory_space<vmem>>, vector<16xf32>,
        %get3A_789 = vector.shape_cast %get3A_788 : vector<16xf32> to vector<16xf32>
        %add3A_790 = arith.constant 6656 : i32
        %add3A_791 = arith.addi %add3A_790, %mul3A_483 : i32
        %get3A_792 = arith.index_cast %add3A_791 : i32 to index
        %get3A_793 = tpu.vector_load %arg11[%get3A_792] {strides = array<i32>} : memref<9216xf32, #tpu.memory_space<vmem>>, vector<16xf32>,
        %get3A_794 = vector.shape_cast %get3A_793 : vector<16xf32> to vector<16xf32>
        %add3A_795 = arith.constant 6912 : i32
        %add3A_796 = arith.addi %add3A_795, %mul3A_483 : i32
        %get3A_797 = arith.index_cast %add3A_796 : i32 to index
        %get3A_798 = tpu.vector_load %arg11[%get3A_797] {strides = array<i32>} : memref<9216xf32, #tpu.memory_space<vmem>>, vector<16xf32>,
        %get3A_799 = vector.shape_cast %get3A_798 : vector<16xf32> to vector<16xf32>
        %sub3A_800 = arith.constant 1.000000e+00 : f32
        %sub3A_801 = vector.broadcast %sub3A_800 : f32 to vector<16xf32>
        %sub3A_802 = arith.subf %sub3A_801, %get3A_487 : vector<16xf32>
        %mul3A_803 = arith.mulf %get3A_784, %sub3A_802 : vector<16xf32>
        %mul3A_804 = arith.mulf %get3A_789, %get3A_487 : vector<16xf32>
        %add3A_805 = arith.addf %mul3A_803, %mul3A_804 : vector<16xf32>
        %sub3A_806 = arith.constant 1.000000e+00 : f32
        %sub3A_807 = vector.broadcast %sub3A_806 : f32 to vector<16xf32>
        %sub3A_808 = arith.subf %sub3A_807, %get3A_487 : vector<16xf32>
        %mul3A_809 = arith.mulf %get3A_794, %sub3A_808 : vector<16xf32>
        %mul3A_810 = arith.mulf %get3A_799, %get3A_487 : vector<16xf32>
        %add3A_811 = arith.addf %mul3A_809, %mul3A_810 : vector<16xf32>
        %sub3A_812 = arith.constant 1.000000e+00 : f32
        %sub3A_813 = vector.broadcast %sub3A_812 : f32 to vector<16xf32>
        %sub3A_814 = arith.subf %sub3A_813, %get3A_492 : vector<16xf32>
        %mul3A_815 = arith.mulf %add3A_805, %sub3A_814 : vector<16xf32>
        %mul3A_816 = arith.mulf %add3A_811, %get3A_492 : vector<16xf32>
        %add3A_817 = arith.addf %mul3A_815, %mul3A_816 : vector<16xf32>
        %swap3A_818 = arith.constant 2 : i32
        %swap3A_819 = arith.index_cast %swap3A_818 : i32 to index
        %swap3A_820 = arith.index_cast %mul3A_483 : i32 to index
        %swap3A_821 = tpu.vector_load %arg15[%swap3A_819, %swap3A_820] {strides = array<i32>} : memref<6x256xf32, #tpu.memory_space<vmem>>, vector<1x16xf32>,
        %swap3A_822 = vector.shape_cast %swap3A_821 : vector<1x16xf32> to vector<16xf32>
        %swap3A_823 = vector.shape_cast %add3A_817 : vector<16xf32> to vector<1x16xf32>
        tpu.vector_store %arg15[%swap3A_819, %swap3A_820], %swap3A_823 {strides = array<i32>} : memref<6x256xf32, #tpu.memory_space<vmem>>, vector<1x16xf32>,
        %add3A_824 = arith.constant 7168 : i32
        %add3A_825 = arith.addi %add3A_824, %mul3A_483 : i32
        %get3A_826 = arith.index_cast %add3A_825 : i32 to index
        %get3A_827 = tpu.vector_load %arg11[%get3A_826] {strides = array<i32>} : memref<9216xf32, #tpu.memory_space<vmem>>, vector<16xf32>,
        %get3A_828 = vector.shape_cast %get3A_827 : vector<16xf32> to vector<16xf32>
        %add3A_829 = arith.constant 7424 : i32
        %add3A_830 = arith.addi %add3A_829, %mul3A_483 : i32
        %get3A_831 = arith.index_cast %add3A_830 : i32 to index
        %get3A_832 = tpu.vector_load %arg11[%get3A_831] {strides = array<i32>} : memref<9216xf32, #tpu.memory_space<vmem>>, vector<16xf32>,
        %get3A_833 = vector.shape_cast %get3A_832 : vector<16xf32> to vector<16xf32>
        %add3A_834 = arith.constant 7680 : i32
        %add3A_835 = arith.addi %add3A_834, %mul3A_483 : i32
        %get3A_836 = arith.index_cast %add3A_835 : i32 to index
        %get3A_837 = tpu.vector_load %arg11[%get3A_836] {strides = array<i32>} : memref<9216xf32, #tpu.memory_space<vmem>>, vector<16xf32>,
        %get3A_838 = vector.shape_cast %get3A_837 : vector<16xf32> to vector<16xf32>
        %add3A_839 = arith.constant 7936 : i32
        %add3A_840 = arith.addi %add3A_839, %mul3A_483 : i32
        %get3A_841 = arith.index_cast %add3A_840 : i32 to index
        %get3A_842 = tpu.vector_load %arg11[%get3A_841] {strides = array<i32>} : memref<9216xf32, #tpu.memory_space<vmem>>, vector<16xf32>,
        %get3A_843 = vector.shape_cast %get3A_842 : vector<16xf32> to vector<16xf32>
        %sub3A_844 = arith.constant 1.000000e+00 : f32
        %sub3A_845 = vector.broadcast %sub3A_844 : f32 to vector<16xf32>
        %sub3A_846 = arith.subf %sub3A_845, %get3A_497 : vector<16xf32>
        %mul3A_847 = arith.mulf %get3A_828, %sub3A_846 : vector<16xf32>
        %mul3A_848 = arith.mulf %get3A_833, %get3A_497 : vector<16xf32>
        %add3A_849 = arith.addf %mul3A_847, %mul3A_848 : vector<16xf32>
        %sub3A_850 = arith.constant 1.000000e+00 : f32
        %sub3A_851 = vector.broadcast %sub3A_850 : f32 to vector<16xf32>
        %sub3A_852 = arith.subf %sub3A_851, %get3A_497 : vector<16xf32>
        %mul3A_853 = arith.mulf %get3A_838, %sub3A_852 : vector<16xf32>
        %mul3A_854 = arith.mulf %get3A_843, %get3A_497 : vector<16xf32>
        %add3A_855 = arith.addf %mul3A_853, %mul3A_854 : vector<16xf32>
        %sub3A_856 = arith.constant 1.000000e+00 : f32
        %sub3A_857 = vector.broadcast %sub3A_856 : f32 to vector<16xf32>
        %sub3A_858 = arith.subf %sub3A_857, %get3A_502 : vector<16xf32>
        %mul3A_859 = arith.mulf %add3A_849, %sub3A_858 : vector<16xf32>
        %mul3A_860 = arith.mulf %add3A_855, %get3A_502 : vector<16xf32>
        %add3A_861 = arith.addf %mul3A_859, %mul3A_860 : vector<16xf32>
        %add3A_862 = arith.constant 8192 : i32
        %add3A_863 = arith.addi %add3A_862, %mul3A_483 : i32
        %get3A_864 = arith.index_cast %add3A_863 : i32 to index
        %get3A_865 = tpu.vector_load %arg11[%get3A_864] {strides = array<i32>} : memref<9216xf32, #tpu.memory_space<vmem>>, vector<16xf32>,
        %get3A_866 = vector.shape_cast %get3A_865 : vector<16xf32> to vector<16xf32>
        %add3A_867 = arith.constant 8448 : i32
        %add3A_868 = arith.addi %add3A_867, %mul3A_483 : i32
        %get3A_869 = arith.index_cast %add3A_868 : i32 to index
        %get3A_870 = tpu.vector_load %arg11[%get3A_869] {strides = array<i32>} : memref<9216xf32, #tpu.memory_space<vmem>>, vector<16xf32>,
        %get3A_871 = vector.shape_cast %get3A_870 : vector<16xf32> to vector<16xf32>
        %add3A_872 = arith.constant 8704 : i32
        %add3A_873 = arith.addi %add3A_872, %mul3A_483 : i32
        %get3A_874 = arith.index_cast %add3A_873 : i32 to index
        %get3A_875 = tpu.vector_load %arg11[%get3A_874] {strides = array<i32>} : memref<9216xf32, #tpu.memory_space<vmem>>, vector<16xf32>,
        %get3A_876 = vector.shape_cast %get3A_875 : vector<16xf32> to vector<16xf32>
        %add3A_877 = arith.constant 8960 : i32
        %add3A_878 = arith.addi %add3A_877, %mul3A_483 : i32
        %get3A_879 = arith.index_cast %add3A_878 : i32 to index
        %get3A_880 = tpu.vector_load %arg11[%get3A_879] {strides = array<i32>} : memref<9216xf32, #tpu.memory_space<vmem>>, vector<16xf32>,
        %get3A_881 = vector.shape_cast %get3A_880 : vector<16xf32> to vector<16xf32>
        %sub3A_882 = arith.constant 1.000000e+00 : f32
        %sub3A_883 = vector.broadcast %sub3A_882 : f32 to vector<16xf32>
        %sub3A_884 = arith.subf %sub3A_883, %get3A_507 : vector<16xf32>
        %mul3A_885 = arith.mulf %get3A_866, %sub3A_884 : vector<16xf32>
        %mul3A_886 = arith.mulf %get3A_871, %get3A_507 : vector<16xf32>
        %add3A_887 = arith.addf %mul3A_885, %mul3A_886 : vector<16xf32>
        %sub3A_888 = arith.constant 1.000000e+00 : f32
        %sub3A_889 = vector.broadcast %sub3A_888 : f32 to vector<16xf32>
        %sub3A_890 = arith.subf %sub3A_889, %get3A_507 : vector<16xf32>
        %mul3A_891 = arith.mulf %get3A_876, %sub3A_890 : vector<16xf32>
        %mul3A_892 = arith.mulf %get3A_881, %get3A_507 : vector<16xf32>
        %add3A_893 = arith.addf %mul3A_891, %mul3A_892 : vector<16xf32>
        %sub3A_894 = arith.constant 1.000000e+00 : f32
        %sub3A_895 = vector.broadcast %sub3A_894 : f32 to vector<16xf32>
        %sub3A_896 = arith.subf %sub3A_895, %get3A_512 : vector<16xf32>
        %mul3A_897 = arith.mulf %add3A_887, %sub3A_896 : vector<16xf32>
        %mul3A_898 = arith.mulf %add3A_893, %get3A_512 : vector<16xf32>
        %add3A_899 = arith.addf %mul3A_897, %mul3A_898 : vector<16xf32>
        %sub3A_900 = arith.constant 1.000000e+00 : f32
        %sub3A_901 = vector.broadcast %sub3A_900 : f32 to vector<16xf32>
        %sub3A_902 = arith.subf %sub3A_901, %get3A_517 : vector<16xf32>
        %mul3A_903 = arith.mulf %add3A_861, %sub3A_902 : vector<16xf32>
        %mul3A_904 = arith.mulf %add3A_899, %get3A_517 : vector<16xf32>
        %add3A_905 = arith.addf %mul3A_903, %mul3A_904 : vector<16xf32>
        %swap3A_906 = arith.constant 5 : i32
        %swap3A_907 = arith.index_cast %swap3A_906 : i32 to index
        %swap3A_908 = arith.index_cast %mul3A_483 : i32 to index
        %swap3A_909 = tpu.vector_load %arg15[%swap3A_907, %swap3A_908] {strides = array<i32>} : memref<6x256xf32, #tpu.memory_space<vmem>>, vector<1x16xf32>,
        %swap3A_910 = vector.shape_cast %swap3A_909 : vector<1x16xf32> to vector<16xf32>
        %swap3A_911 = vector.shape_cast %add3A_905 : vector<16xf32> to vector<1x16xf32>
        tpu.vector_store %arg15[%swap3A_907, %swap3A_908], %swap3A_911 {strides = array<i32>} : memref<6x256xf32, #tpu.memory_space<vmem>>, vector<1x16xf32>,
      }
      %scan3A_358 = arith.constant 16 : i32
      %mul3A_359 = arith.constant 256 : i32
      %mul3A_360 = arith.muli %mul3A_10, %mul3A_359 : i32
      %add3A_361 = arith.addi %mul3A_2, %mul3A_360 : i32
      "tpu.region"() ({
        %run_scoped3A = tpu.sem_alloc : memref<!tpu.dma_semaphore, #tpu.memory_space<semaphore_mem>>
        %dma_start3A_481 = arith.constant 0 : i32
        %dma_start3A_482 = tpu.memref_slice %arg6[%dma_start3A_481, %add3A_361] : memref<6x262144xf32, #tpu.memory_space<hbm>> -> memref<6x256xf32, #tpu.memory_space<hbm>>
        %dma_start3A_483 = arith.constant 0 : i32
        %dma_start3A_484 = tpu.memref_slice %arg6[%dma_start3A_483, %add3A_361] : memref<6x262144xf32, #tpu.memory_space<hbm>> -> memref<6x256xf32, #tpu.memory_space<hbm>>
        tpu.enqueue_dma source(%arg15 : memref<6x256xf32, #tpu.memory_space<vmem>>) target(%dma_start3A_484 : memref<6x256xf32, #tpu.memory_space<hbm>>) target_semaphore(%run_scoped3A : memref<!tpu.dma_semaphore, #tpu.memory_space<semaphore_mem>>)
        %dma_wait3A_485 = arith.constant 0 : i32
        %dma_wait3A_486 = tpu.memref_slice %arg6[%dma_wait3A_485, %add3A_361] : memref<6x262144xf32, #tpu.memory_space<hbm>> -> memref<6x256xf32, #tpu.memory_space<hbm>>
        %dma_wait3A_487 = arith.constant 0 : i32
        %dma_wait3A_488 = tpu.memref_slice %arg6[%dma_wait3A_487, %add3A_361] : memref<6x262144xf32, #tpu.memory_space<hbm>> -> memref<6x256xf32, #tpu.memory_space<hbm>>
        tpu.wait_dma2 semaphore(%run_scoped3A : memref<!tpu.dma_semaphore, #tpu.memory_space<semaphore_mem>>) src(%arg15 : memref<6x256xf32, #tpu.memory_space<vmem>>) dst(%dma_wait3A_488 : memref<6x256xf32, #tpu.memory_space<hbm>>)
        tpu.yield
      }) : () -> ()
      %dma_wait3A_362 = arith.constant 0 : i32
      %dma_wait3A_363 = tpu.memref_slice %arg12[%dma_wait3A_362] : memref<9216xf32, #tpu.memory_space<vmem>> -> memref<512xf32, #tpu.memory_space<vmem>>
      %dma_wait3A_364 = arith.constant 0 : i32
      %dma_wait3A_365 = tpu.memref_slice %arg10[%dma_wait3A_364] : memref<3072xi32, #tpu.memory_space<vmem>> -> memref<512xi32, #tpu.memory_space<vmem>>
      %dma_wait3A_366 = arith.constant 0 : i32
      %dma_wait3A_367 = tpu.memref_slice %arg3[%dma_wait3A_366] : memref<2098176xf32, #tpu.memory_space<hbm>> -> memref<2098176xf32, #tpu.memory_space<hbm>>
      tpu.wait_indirect_dma semaphore(%arg18 : memref<!tpu.dma_semaphore, #tpu.memory_space<semaphore_mem>>) src(%dma_wait3A_367 : memref<2098176xf32, #tpu.memory_space<hbm>>) dst(%dma_wait3A_363 : memref<512xf32, #tpu.memory_space<vmem>>)
      %dma_wait3A_368 = arith.constant 512 : i32
      %dma_wait3A_369 = tpu.memref_slice %arg12[%dma_wait3A_368] : memref<9216xf32, #tpu.memory_space<vmem>> -> memref<512xf32, #tpu.memory_space<vmem>>
      %dma_wait3A_370 = arith.constant 512 : i32
      %dma_wait3A_371 = tpu.memref_slice %arg10[%dma_wait3A_370] : memref<3072xi32, #tpu.memory_space<vmem>> -> memref<512xi32, #tpu.memory_space<vmem>>
      %dma_wait3A_372 = arith.constant 0 : i32
      %dma_wait3A_373 = tpu.memref_slice %arg3[%dma_wait3A_372] : memref<2098176xf32, #tpu.memory_space<hbm>> -> memref<2098176xf32, #tpu.memory_space<hbm>>
      tpu.wait_indirect_dma semaphore(%arg18 : memref<!tpu.dma_semaphore, #tpu.memory_space<semaphore_mem>>) src(%dma_wait3A_373 : memref<2098176xf32, #tpu.memory_space<hbm>>) dst(%dma_wait3A_369 : memref<512xf32, #tpu.memory_space<vmem>>)
      %dma_wait3A_374 = arith.constant 1024 : i32
      %dma_wait3A_375 = tpu.memref_slice %arg12[%dma_wait3A_374] : memref<9216xf32, #tpu.memory_space<vmem>> -> memref<512xf32, #tpu.memory_space<vmem>>
      %dma_wait3A_376 = arith.constant 1024 : i32
      %dma_wait3A_377 = tpu.memref_slice %arg10[%dma_wait3A_376] : memref<3072xi32, #tpu.memory_space<vmem>> -> memref<512xi32, #tpu.memory_space<vmem>>
      %dma_wait3A_378 = arith.constant 0 : i32
      %dma_wait3A_379 = tpu.memref_slice %arg3[%dma_wait3A_378] : memref<2098176xf32, #tpu.memory_space<hbm>> -> memref<2098176xf32, #tpu.memory_space<hbm>>
      tpu.wait_indirect_dma semaphore(%arg18 : memref<!tpu.dma_semaphore, #tpu.memory_space<semaphore_mem>>) src(%dma_wait3A_379 : memref<2098176xf32, #tpu.memory_space<hbm>>) dst(%dma_wait3A_375 : memref<512xf32, #tpu.memory_space<vmem>>)
      %dma_wait3A_380 = arith.constant 1536 : i32
      %dma_wait3A_381 = tpu.memref_slice %arg12[%dma_wait3A_380] : memref<9216xf32, #tpu.memory_space<vmem>> -> memref<512xf32, #tpu.memory_space<vmem>>
      %dma_wait3A_382 = arith.constant 1536 : i32
      %dma_wait3A_383 = tpu.memref_slice %arg10[%dma_wait3A_382] : memref<3072xi32, #tpu.memory_space<vmem>> -> memref<512xi32, #tpu.memory_space<vmem>>
      %dma_wait3A_384 = arith.constant 0 : i32
      %dma_wait3A_385 = tpu.memref_slice %arg3[%dma_wait3A_384] : memref<2098176xf32, #tpu.memory_space<hbm>> -> memref<2098176xf32, #tpu.memory_space<hbm>>
      tpu.wait_indirect_dma semaphore(%arg18 : memref<!tpu.dma_semaphore, #tpu.memory_space<semaphore_mem>>) src(%dma_wait3A_385 : memref<2098176xf32, #tpu.memory_space<hbm>>) dst(%dma_wait3A_381 : memref<512xf32, #tpu.memory_space<vmem>>)
      %dma_wait3A_386 = arith.constant 2048 : i32
      %dma_wait3A_387 = tpu.memref_slice %arg12[%dma_wait3A_386] : memref<9216xf32, #tpu.memory_space<vmem>> -> memref<512xf32, #tpu.memory_space<vmem>>
      %dma_wait3A_388 = arith.constant 2048 : i32
      %dma_wait3A_389 = tpu.memref_slice %arg10[%dma_wait3A_388] : memref<3072xi32, #tpu.memory_space<vmem>> -> memref<512xi32, #tpu.memory_space<vmem>>
      %dma_wait3A_390 = arith.constant 0 : i32
      %dma_wait3A_391 = tpu.memref_slice %arg3[%dma_wait3A_390] : memref<2098176xf32, #tpu.memory_space<hbm>> -> memref<2098176xf32, #tpu.memory_space<hbm>>
      tpu.wait_indirect_dma semaphore(%arg18 : memref<!tpu.dma_semaphore, #tpu.memory_space<semaphore_mem>>) src(%dma_wait3A_391 : memref<2098176xf32, #tpu.memory_space<hbm>>) dst(%dma_wait3A_387 : memref<512xf32, #tpu.memory_space<vmem>>)
      %dma_wait3A_392 = arith.constant 2560 : i32
      %dma_wait3A_393 = tpu.memref_slice %arg12[%dma_wait3A_392] : memref<9216xf32, #tpu.memory_space<vmem>> -> memref<512xf32, #tpu.memory_space<vmem>>
      %dma_wait3A_394 = arith.constant 2560 : i32
      %dma_wait3A_395 = tpu.memref_slice %arg10[%dma_wait3A_394] : memref<3072xi32, #tpu.memory_space<vmem>> -> memref<512xi32, #tpu.memory_space<vmem>>
      %dma_wait3A_396 = arith.constant 0 : i32
      %dma_wait3A_397 = tpu.memref_slice %arg3[%dma_wait3A_396] : memref<2098176xf32, #tpu.memory_space<hbm>> -> memref<2098176xf32, #tpu.memory_space<hbm>>
      tpu.wait_indirect_dma semaphore(%arg18 : memref<!tpu.dma_semaphore, #tpu.memory_space<semaphore_mem>>) src(%dma_wait3A_397 : memref<2098176xf32, #tpu.memory_space<hbm>>) dst(%dma_wait3A_393 : memref<512xf32, #tpu.memory_space<vmem>>)
      %dma_wait3A_398 = arith.constant 3072 : i32
      %dma_wait3A_399 = tpu.memref_slice %arg12[%dma_wait3A_398] : memref<9216xf32, #tpu.memory_space<vmem>> -> memref<512xf32, #tpu.memory_space<vmem>>
      %dma_wait3A_400 = arith.constant 0 : i32
      %dma_wait3A_401 = tpu.memref_slice %arg10[%dma_wait3A_400] : memref<3072xi32, #tpu.memory_space<vmem>> -> memref<512xi32, #tpu.memory_space<vmem>>
      %dma_wait3A_402 = arith.constant 0 : i32
      %dma_wait3A_403 = tpu.memref_slice %arg4[%dma_wait3A_402] : memref<2098176xf32, #tpu.memory_space<hbm>> -> memref<2098176xf32, #tpu.memory_space<hbm>>
      tpu.wait_indirect_dma semaphore(%arg18 : memref<!tpu.dma_semaphore, #tpu.memory_space<semaphore_mem>>) src(%dma_wait3A_403 : memref<2098176xf32, #tpu.memory_space<hbm>>) dst(%dma_wait3A_399 : memref<512xf32, #tpu.memory_space<vmem>>)
      %dma_wait3A_404 = arith.constant 3584 : i32
      %dma_wait3A_405 = tpu.memref_slice %arg12[%dma_wait3A_404] : memref<9216xf32, #tpu.memory_space<vmem>> -> memref<512xf32, #tpu.memory_space<vmem>>
      %dma_wait3A_406 = arith.constant 512 : i32
      %dma_wait3A_407 = tpu.memref_slice %arg10[%dma_wait3A_406] : memref<3072xi32, #tpu.memory_space<vmem>> -> memref<512xi32, #tpu.memory_space<vmem>>
      %dma_wait3A_408 = arith.constant 0 : i32
      %dma_wait3A_409 = tpu.memref_slice %arg4[%dma_wait3A_408] : memref<2098176xf32, #tpu.memory_space<hbm>> -> memref<2098176xf32, #tpu.memory_space<hbm>>
      tpu.wait_indirect_dma semaphore(%arg18 : memref<!tpu.dma_semaphore, #tpu.memory_space<semaphore_mem>>) src(%dma_wait3A_409 : memref<2098176xf32, #tpu.memory_space<hbm>>) dst(%dma_wait3A_405 : memref<512xf32, #tpu.memory_space<vmem>>)
      %dma_wait3A_410 = arith.constant 4096 : i32
      %dma_wait3A_411 = tpu.memref_slice %arg12[%dma_wait3A_410] : memref<9216xf32, #tpu.memory_space<vmem>> -> memref<512xf32, #tpu.memory_space<vmem>>
      %dma_wait3A_412 = arith.constant 1024 : i32
      %dma_wait3A_413 = tpu.memref_slice %arg10[%dma_wait3A_412] : memref<3072xi32, #tpu.memory_space<vmem>> -> memref<512xi32, #tpu.memory_space<vmem>>
      %dma_wait3A_414 = arith.constant 0 : i32
      %dma_wait3A_415 = tpu.memref_slice %arg4[%dma_wait3A_414] : memref<2098176xf32, #tpu.memory_space<hbm>> -> memref<2098176xf32, #tpu.memory_space<hbm>>
      tpu.wait_indirect_dma semaphore(%arg18 : memref<!tpu.dma_semaphore, #tpu.memory_space<semaphore_mem>>) src(%dma_wait3A_415 : memref<2098176xf32, #tpu.memory_space<hbm>>) dst(%dma_wait3A_411 : memref<512xf32, #tpu.memory_space<vmem>>)
      %dma_wait3A_416 = arith.constant 4608 : i32
      %dma_wait3A_417 = tpu.memref_slice %arg12[%dma_wait3A_416] : memref<9216xf32, #tpu.memory_space<vmem>> -> memref<512xf32, #tpu.memory_space<vmem>>
      %dma_wait3A_418 = arith.constant 1536 : i32
      %dma_wait3A_419 = tpu.memref_slice %arg10[%dma_wait3A_418] : memref<3072xi32, #tpu.memory_space<vmem>> -> memref<512xi32, #tpu.memory_space<vmem>>
      %dma_wait3A_420 = arith.constant 0 : i32
      %dma_wait3A_421 = tpu.memref_slice %arg4[%dma_wait3A_420] : memref<2098176xf32, #tpu.memory_space<hbm>> -> memref<2098176xf32, #tpu.memory_space<hbm>>
      tpu.wait_indirect_dma semaphore(%arg18 : memref<!tpu.dma_semaphore, #tpu.memory_space<semaphore_mem>>) src(%dma_wait3A_421 : memref<2098176xf32, #tpu.memory_space<hbm>>) dst(%dma_wait3A_417 : memref<512xf32, #tpu.memory_space<vmem>>)
      %dma_wait3A_422 = arith.constant 5120 : i32
      %dma_wait3A_423 = tpu.memref_slice %arg12[%dma_wait3A_422] : memref<9216xf32, #tpu.memory_space<vmem>> -> memref<512xf32, #tpu.memory_space<vmem>>
      %dma_wait3A_424 = arith.constant 2048 : i32
      %dma_wait3A_425 = tpu.memref_slice %arg10[%dma_wait3A_424] : memref<3072xi32, #tpu.memory_space<vmem>> -> memref<512xi32, #tpu.memory_space<vmem>>
      %dma_wait3A_426 = arith.constant 0 : i32
      %dma_wait3A_427 = tpu.memref_slice %arg4[%dma_wait3A_426] : memref<2098176xf32, #tpu.memory_space<hbm>> -> memref<2098176xf32, #tpu.memory_space<hbm>>
      tpu.wait_indirect_dma semaphore(%arg18 : memref<!tpu.dma_semaphore, #tpu.memory_space<semaphore_mem>>) src(%dma_wait3A_427 : memref<2098176xf32, #tpu.memory_space<hbm>>) dst(%dma_wait3A_423 : memref<512xf32, #tpu.memory_space<vmem>>)
      %dma_wait3A_428 = arith.constant 5632 : i32
      %dma_wait3A_429 = tpu.memref_slice %arg12[%dma_wait3A_428] : memref<9216xf32, #tpu.memory_space<vmem>> -> memref<512xf32, #tpu.memory_space<vmem>>
      %dma_wait3A_430 = arith.constant 2560 : i32
      %dma_wait3A_431 = tpu.memref_slice %arg10[%dma_wait3A_430] : memref<3072xi32, #tpu.memory_space<vmem>> -> memref<512xi32, #tpu.memory_space<vmem>>
      %dma_wait3A_432 = arith.constant 0 : i32
      %dma_wait3A_433 = tpu.memref_slice %arg4[%dma_wait3A_432] : memref<2098176xf32, #tpu.memory_space<hbm>> -> memref<2098176xf32, #tpu.memory_space<hbm>>
      tpu.wait_indirect_dma semaphore(%arg18 : memref<!tpu.dma_semaphore, #tpu.memory_space<semaphore_mem>>) src(%dma_wait3A_433 : memref<2098176xf32, #tpu.memory_space<hbm>>) dst(%dma_wait3A_429 : memref<512xf32, #tpu.memory_space<vmem>>)
      %dma_wait3A_434 = arith.constant 6144 : i32
      %dma_wait3A_435 = tpu.memref_slice %arg12[%dma_wait3A_434] : memref<9216xf32, #tpu.memory_space<vmem>> -> memref<512xf32, #tpu.memory_space<vmem>>
      %dma_wait3A_436 = arith.constant 0 : i32
      %dma_wait3A_437 = tpu.memref_slice %arg10[%dma_wait3A_436] : memref<3072xi32, #tpu.memory_space<vmem>> -> memref<512xi32, #tpu.memory_space<vmem>>
      %dma_wait3A_438 = arith.constant 0 : i32
      %dma_wait3A_439 = tpu.memref_slice %arg5[%dma_wait3A_438] : memref<2098176xf32, #tpu.memory_space<hbm>> -> memref<2098176xf32, #tpu.memory_space<hbm>>
      tpu.wait_indirect_dma semaphore(%arg18 : memref<!tpu.dma_semaphore, #tpu.memory_space<semaphore_mem>>) src(%dma_wait3A_439 : memref<2098176xf32, #tpu.memory_space<hbm>>) dst(%dma_wait3A_435 : memref<512xf32, #tpu.memory_space<vmem>>)
      %dma_wait3A_440 = arith.constant 6656 : i32
      %dma_wait3A_441 = tpu.memref_slice %arg12[%dma_wait3A_440] : memref<9216xf32, #tpu.memory_space<vmem>> -> memref<512xf32, #tpu.memory_space<vmem>>
      %dma_wait3A_442 = arith.constant 512 : i32
      %dma_wait3A_443 = tpu.memref_slice %arg10[%dma_wait3A_442] : memref<3072xi32, #tpu.memory_space<vmem>> -> memref<512xi32, #tpu.memory_space<vmem>>
      %dma_wait3A_444 = arith.constant 0 : i32
      %dma_wait3A_445 = tpu.memref_slice %arg5[%dma_wait3A_444] : memref<2098176xf32, #tpu.memory_space<hbm>> -> memref<2098176xf32, #tpu.memory_space<hbm>>
      tpu.wait_indirect_dma semaphore(%arg18 : memref<!tpu.dma_semaphore, #tpu.memory_space<semaphore_mem>>) src(%dma_wait3A_445 : memref<2098176xf32, #tpu.memory_space<hbm>>) dst(%dma_wait3A_441 : memref<512xf32, #tpu.memory_space<vmem>>)
      %dma_wait3A_446 = arith.constant 7168 : i32
      %dma_wait3A_447 = tpu.memref_slice %arg12[%dma_wait3A_446] : memref<9216xf32, #tpu.memory_space<vmem>> -> memref<512xf32, #tpu.memory_space<vmem>>
      %dma_wait3A_448 = arith.constant 1024 : i32
      %dma_wait3A_449 = tpu.memref_slice %arg10[%dma_wait3A_448] : memref<3072xi32, #tpu.memory_space<vmem>> -> memref<512xi32, #tpu.memory_space<vmem>>
      %dma_wait3A_450 = arith.constant 0 : i32
      %dma_wait3A_451 = tpu.memref_slice %arg5[%dma_wait3A_450] : memref<2098176xf32, #tpu.memory_space<hbm>> -> memref<2098176xf32, #tpu.memory_space<hbm>>
      tpu.wait_indirect_dma semaphore(%arg18 : memref<!tpu.dma_semaphore, #tpu.memory_space<semaphore_mem>>) src(%dma_wait3A_451 : memref<2098176xf32, #tpu.memory_space<hbm>>) dst(%dma_wait3A_447 : memref<512xf32, #tpu.memory_space<vmem>>)
      %dma_wait3A_452 = arith.constant 7680 : i32
      %dma_wait3A_453 = tpu.memref_slice %arg12[%dma_wait3A_452] : memref<9216xf32, #tpu.memory_space<vmem>> -> memref<512xf32, #tpu.memory_space<vmem>>
      %dma_wait3A_454 = arith.constant 1536 : i32
      %dma_wait3A_455 = tpu.memref_slice %arg10[%dma_wait3A_454] : memref<3072xi32, #tpu.memory_space<vmem>> -> memref<512xi32, #tpu.memory_space<vmem>>
      %dma_wait3A_456 = arith.constant 0 : i32
      %dma_wait3A_457 = tpu.memref_slice %arg5[%dma_wait3A_456] : memref<2098176xf32, #tpu.memory_space<hbm>> -> memref<2098176xf32, #tpu.memory_space<hbm>>
      tpu.wait_indirect_dma semaphore(%arg18 : memref<!tpu.dma_semaphore, #tpu.memory_space<semaphore_mem>>) src(%dma_wait3A_457 : memref<2098176xf32, #tpu.memory_space<hbm>>) dst(%dma_wait3A_453 : memref<512xf32, #tpu.memory_space<vmem>>)
      %dma_wait3A_458 = arith.constant 8192 : i32
      %dma_wait3A_459 = tpu.memref_slice %arg12[%dma_wait3A_458] : memref<9216xf32, #tpu.memory_space<vmem>> -> memref<512xf32, #tpu.memory_space<vmem>>
      %dma_wait3A_460 = arith.constant 2048 : i32
      %dma_wait3A_461 = tpu.memref_slice %arg10[%dma_wait3A_460] : memref<3072xi32, #tpu.memory_space<vmem>> -> memref<512xi32, #tpu.memory_space<vmem>>
      %dma_wait3A_462 = arith.constant 0 : i32
      %dma_wait3A_463 = tpu.memref_slice %arg5[%dma_wait3A_462] : memref<2098176xf32, #tpu.memory_space<hbm>> -> memref<2098176xf32, #tpu.memory_space<hbm>>
      tpu.wait_indirect_dma semaphore(%arg18 : memref<!tpu.dma_semaphore, #tpu.memory_space<semaphore_mem>>) src(%dma_wait3A_463 : memref<2098176xf32, #tpu.memory_space<hbm>>) dst(%dma_wait3A_459 : memref<512xf32, #tpu.memory_space<vmem>>)
      %dma_wait3A_464 = arith.constant 8704 : i32
      %dma_wait3A_465 = tpu.memref_slice %arg12[%dma_wait3A_464] : memref<9216xf32, #tpu.memory_space<vmem>> -> memref<512xf32, #tpu.memory_space<vmem>>
      %dma_wait3A_466 = arith.constant 2560 : i32
      %dma_wait3A_467 = tpu.memref_slice %arg10[%dma_wait3A_466] : memref<3072xi32, #tpu.memory_space<vmem>> -> memref<512xi32, #tpu.memory_space<vmem>>
      %dma_wait3A_468 = arith.constant 0 : i32
      %dma_wait3A_469 = tpu.memref_slice %arg5[%dma_wait3A_468] : memref<2098176xf32, #tpu.memory_space<hbm>> -> memref<2098176xf32, #tpu.memory_space<hbm>>
      tpu.wait_indirect_dma semaphore(%arg18 : memref<!tpu.dma_semaphore, #tpu.memory_space<semaphore_mem>>) src(%dma_wait3A_469 : memref<2098176xf32, #tpu.memory_space<hbm>>) dst(%dma_wait3A_465 : memref<512xf32, #tpu.memory_space<vmem>>)
      %scan3A_470 = arith.constant 0 : i32
      %scan3A_471 = arith.constant 0 : i32
      %scan3A_472 = arith.constant 16 : i32
      %scan3A_473 = arith.addi %scan3A_471, %scan3A_472 : i32
      %scan3A_474 = arith.constant 1 : i32
      scf.for %scan3A_481 = %scan3A_471 to %scan3A_473 step %scan3A_474  : i32 {
        %mul3A_482 = arith.constant 16 : i32
        %mul3A_483 = arith.muli %scan3A_481, %mul3A_482 : i32
        %get3A = arith.constant 0 : i32
        %get3A_484 = arith.index_cast %get3A : i32 to index
        %get3A_485 = arith.index_cast %mul3A_483 : i32 to index
        %get3A_486 = tpu.vector_load %arg14[%get3A_484, %get3A_485] {strides = array<i32>} : memref<7x256xf32, #tpu.memory_space<vmem>>, vector<1x16xf32>,
        %get3A_487 = vector.shape_cast %get3A_486 : vector<1x16xf32> to vector<16xf32>
        %get3A_488 = arith.constant 1 : i32
        %get3A_489 = arith.index_cast %get3A_488 : i32 to index
        %get3A_490 = arith.index_cast %mul3A_483 : i32 to index
        %get3A_491 = tpu.vector_load %arg14[%get3A_489, %get3A_490] {strides = array<i32>} : memref<7x256xf32, #tpu.memory_space<vmem>>, vector<1x16xf32>,
        %get3A_492 = vector.shape_cast %get3A_491 : vector<1x16xf32> to vector<16xf32>
        %get3A_493 = arith.constant 2 : i32
        %get3A_494 = arith.index_cast %get3A_493 : i32 to index
        %get3A_495 = arith.index_cast %mul3A_483 : i32 to index
        %get3A_496 = tpu.vector_load %arg14[%get3A_494, %get3A_495] {strides = array<i32>} : memref<7x256xf32, #tpu.memory_space<vmem>>, vector<1x16xf32>,
        %get3A_497 = vector.shape_cast %get3A_496 : vector<1x16xf32> to vector<16xf32>
        %get3A_498 = arith.constant 3 : i32
        %get3A_499 = arith.index_cast %get3A_498 : i32 to index
        %get3A_500 = arith.index_cast %mul3A_483 : i32 to index
        %get3A_501 = tpu.vector_load %arg14[%get3A_499, %get3A_500] {strides = array<i32>} : memref<7x256xf32, #tpu.memory_space<vmem>>, vector<1x16xf32>,
        %get3A_502 = vector.shape_cast %get3A_501 : vector<1x16xf32> to vector<16xf32>
        %get3A_503 = arith.constant 4 : i32
        %get3A_504 = arith.index_cast %get3A_503 : i32 to index
        %get3A_505 = arith.index_cast %mul3A_483 : i32 to index
        %get3A_506 = tpu.vector_load %arg14[%get3A_504, %get3A_505] {strides = array<i32>} : memref<7x256xf32, #tpu.memory_space<vmem>>, vector<1x16xf32>,
        %get3A_507 = vector.shape_cast %get3A_506 : vector<1x16xf32> to vector<16xf32>
        %get3A_508 = arith.constant 5 : i32
        %get3A_509 = arith.index_cast %get3A_508 : i32 to index
        %get3A_510 = arith.index_cast %mul3A_483 : i32 to index
        %get3A_511 = tpu.vector_load %arg14[%get3A_509, %get3A_510] {strides = array<i32>} : memref<7x256xf32, #tpu.memory_space<vmem>>, vector<1x16xf32>,
        %get3A_512 = vector.shape_cast %get3A_511 : vector<1x16xf32> to vector<16xf32>
        %get3A_513 = arith.constant 6 : i32
        %get3A_514 = arith.index_cast %get3A_513 : i32 to index
        %get3A_515 = arith.index_cast %mul3A_483 : i32 to index
        %get3A_516 = tpu.vector_load %arg14[%get3A_514, %get3A_515] {strides = array<i32>} : memref<7x256xf32, #tpu.memory_space<vmem>>, vector<1x16xf32>,
        %get3A_517 = vector.shape_cast %get3A_516 : vector<1x16xf32> to vector<16xf32>
        %add3A_518 = arith.constant 0 : i32
        %add3A_519 = arith.addi %add3A_518, %mul3A_483 : i32
        %get3A_520 = arith.index_cast %add3A_519 : i32 to index
        %get3A_521 = tpu.vector_load %arg12[%get3A_520] {strides = array<i32>} : memref<9216xf32, #tpu.memory_space<vmem>>, vector<16xf32>,
        %get3A_522 = vector.shape_cast %get3A_521 : vector<16xf32> to vector<16xf32>
        %add3A_523 = arith.constant 256 : i32
        %add3A_524 = arith.addi %add3A_523, %mul3A_483 : i32
        %get3A_525 = arith.index_cast %add3A_524 : i32 to index
        %get3A_526 = tpu.vector_load %arg12[%get3A_525] {strides = array<i32>} : memref<9216xf32, #tpu.memory_space<vmem>>, vector<16xf32>,
        %get3A_527 = vector.shape_cast %get3A_526 : vector<16xf32> to vector<16xf32>
        %add3A_528 = arith.constant 512 : i32
        %add3A_529 = arith.addi %add3A_528, %mul3A_483 : i32
        %get3A_530 = arith.index_cast %add3A_529 : i32 to index
        %get3A_531 = tpu.vector_load %arg12[%get3A_530] {strides = array<i32>} : memref<9216xf32, #tpu.memory_space<vmem>>, vector<16xf32>,
        %get3A_532 = vector.shape_cast %get3A_531 : vector<16xf32> to vector<16xf32>
        %add3A_533 = arith.constant 768 : i32
        %add3A_534 = arith.addi %add3A_533, %mul3A_483 : i32
        %get3A_535 = arith.index_cast %add3A_534 : i32 to index
        %get3A_536 = tpu.vector_load %arg12[%get3A_535] {strides = array<i32>} : memref<9216xf32, #tpu.memory_space<vmem>>, vector<16xf32>,
        %get3A_537 = vector.shape_cast %get3A_536 : vector<16xf32> to vector<16xf32>
        %sub3A = arith.constant 1.000000e+00 : f32
        %sub3A_538 = vector.broadcast %sub3A : f32 to vector<16xf32>
        %sub3A_539 = arith.subf %sub3A_538, %get3A_487 : vector<16xf32>
        %mul3A_540 = arith.mulf %get3A_522, %sub3A_539 : vector<16xf32>
        %mul3A_541 = arith.mulf %get3A_527, %get3A_487 : vector<16xf32>
        %add3A_542 = arith.addf %mul3A_540, %mul3A_541 : vector<16xf32>
        %sub3A_543 = arith.constant 1.000000e+00 : f32
        %sub3A_544 = vector.broadcast %sub3A_543 : f32 to vector<16xf32>
        %sub3A_545 = arith.subf %sub3A_544, %get3A_487 : vector<16xf32>
        %mul3A_546 = arith.mulf %get3A_532, %sub3A_545 : vector<16xf32>
        %mul3A_547 = arith.mulf %get3A_537, %get3A_487 : vector<16xf32>
        %add3A_548 = arith.addf %mul3A_546, %mul3A_547 : vector<16xf32>
        %sub3A_549 = arith.constant 1.000000e+00 : f32
        %sub3A_550 = vector.broadcast %sub3A_549 : f32 to vector<16xf32>
        %sub3A_551 = arith.subf %sub3A_550, %get3A_492 : vector<16xf32>
        %mul3A_552 = arith.mulf %add3A_542, %sub3A_551 : vector<16xf32>
        %mul3A_553 = arith.mulf %add3A_548, %get3A_492 : vector<16xf32>
        %add3A_554 = arith.addf %mul3A_552, %mul3A_553 : vector<16xf32>
        %swap3A = arith.constant 0 : i32
        %swap3A_555 = arith.index_cast %swap3A : i32 to index
        %swap3A_556 = arith.index_cast %mul3A_483 : i32 to index
        %swap3A_557 = tpu.vector_load %arg16[%swap3A_555, %swap3A_556] {strides = array<i32>} : memref<6x256xf32, #tpu.memory_space<vmem>>, vector<1x16xf32>,
        %swap3A_558 = vector.shape_cast %swap3A_557 : vector<1x16xf32> to vector<16xf32>
        %swap3A_559 = vector.shape_cast %add3A_554 : vector<16xf32> to vector<1x16xf32>
        tpu.vector_store %arg16[%swap3A_555, %swap3A_556], %swap3A_559 {strides = array<i32>} : memref<6x256xf32, #tpu.memory_space<vmem>>, vector<1x16xf32>,
        %add3A_560 = arith.constant 1024 : i32
        %add3A_561 = arith.addi %add3A_560, %mul3A_483 : i32
        %get3A_562 = arith.index_cast %add3A_561 : i32 to index
        %get3A_563 = tpu.vector_load %arg12[%get3A_562] {strides = array<i32>} : memref<9216xf32, #tpu.memory_space<vmem>>, vector<16xf32>,
        %get3A_564 = vector.shape_cast %get3A_563 : vector<16xf32> to vector<16xf32>
        %add3A_565 = arith.constant 1280 : i32
        %add3A_566 = arith.addi %add3A_565, %mul3A_483 : i32
        %get3A_567 = arith.index_cast %add3A_566 : i32 to index
        %get3A_568 = tpu.vector_load %arg12[%get3A_567] {strides = array<i32>} : memref<9216xf32, #tpu.memory_space<vmem>>, vector<16xf32>,
        %get3A_569 = vector.shape_cast %get3A_568 : vector<16xf32> to vector<16xf32>
        %add3A_570 = arith.constant 1536 : i32
        %add3A_571 = arith.addi %add3A_570, %mul3A_483 : i32
        %get3A_572 = arith.index_cast %add3A_571 : i32 to index
        %get3A_573 = tpu.vector_load %arg12[%get3A_572] {strides = array<i32>} : memref<9216xf32, #tpu.memory_space<vmem>>, vector<16xf32>,
        %get3A_574 = vector.shape_cast %get3A_573 : vector<16xf32> to vector<16xf32>
        %add3A_575 = arith.constant 1792 : i32
        %add3A_576 = arith.addi %add3A_575, %mul3A_483 : i32
        %get3A_577 = arith.index_cast %add3A_576 : i32 to index
        %get3A_578 = tpu.vector_load %arg12[%get3A_577] {strides = array<i32>} : memref<9216xf32, #tpu.memory_space<vmem>>, vector<16xf32>,
        %get3A_579 = vector.shape_cast %get3A_578 : vector<16xf32> to vector<16xf32>
        %sub3A_580 = arith.constant 1.000000e+00 : f32
        %sub3A_581 = vector.broadcast %sub3A_580 : f32 to vector<16xf32>
        %sub3A_582 = arith.subf %sub3A_581, %get3A_497 : vector<16xf32>
        %mul3A_583 = arith.mulf %get3A_564, %sub3A_582 : vector<16xf32>
        %mul3A_584 = arith.mulf %get3A_569, %get3A_497 : vector<16xf32>
        %add3A_585 = arith.addf %mul3A_583, %mul3A_584 : vector<16xf32>
        %sub3A_586 = arith.constant 1.000000e+00 : f32
        %sub3A_587 = vector.broadcast %sub3A_586 : f32 to vector<16xf32>
        %sub3A_588 = arith.subf %sub3A_587, %get3A_497 : vector<16xf32>
        %mul3A_589 = arith.mulf %get3A_574, %sub3A_588 : vector<16xf32>
        %mul3A_590 = arith.mulf %get3A_579, %get3A_497 : vector<16xf32>
        %add3A_591 = arith.addf %mul3A_589, %mul3A_590 : vector<16xf32>
        %sub3A_592 = arith.constant 1.000000e+00 : f32
        %sub3A_593 = vector.broadcast %sub3A_592 : f32 to vector<16xf32>
        %sub3A_594 = arith.subf %sub3A_593, %get3A_502 : vector<16xf32>
        %mul3A_595 = arith.mulf %add3A_585, %sub3A_594 : vector<16xf32>
        %mul3A_596 = arith.mulf %add3A_591, %get3A_502 : vector<16xf32>
        %add3A_597 = arith.addf %mul3A_595, %mul3A_596 : vector<16xf32>
        %add3A_598 = arith.constant 2048 : i32
        %add3A_599 = arith.addi %add3A_598, %mul3A_483 : i32
        %get3A_600 = arith.index_cast %add3A_599 : i32 to index
        %get3A_601 = tpu.vector_load %arg12[%get3A_600] {strides = array<i32>} : memref<9216xf32, #tpu.memory_space<vmem>>, vector<16xf32>,
        %get3A_602 = vector.shape_cast %get3A_601 : vector<16xf32> to vector<16xf32>
        %add3A_603 = arith.constant 2304 : i32
        %add3A_604 = arith.addi %add3A_603, %mul3A_483 : i32
        %get3A_605 = arith.index_cast %add3A_604 : i32 to index
        %get3A_606 = tpu.vector_load %arg12[%get3A_605] {strides = array<i32>} : memref<9216xf32, #tpu.memory_space<vmem>>, vector<16xf32>,
        %get3A_607 = vector.shape_cast %get3A_606 : vector<16xf32> to vector<16xf32>
        %add3A_608 = arith.constant 2560 : i32
        %add3A_609 = arith.addi %add3A_608, %mul3A_483 : i32
        %get3A_610 = arith.index_cast %add3A_609 : i32 to index
        %get3A_611 = tpu.vector_load %arg12[%get3A_610] {strides = array<i32>} : memref<9216xf32, #tpu.memory_space<vmem>>, vector<16xf32>,
        %get3A_612 = vector.shape_cast %get3A_611 : vector<16xf32> to vector<16xf32>
        %add3A_613 = arith.constant 2816 : i32
        %add3A_614 = arith.addi %add3A_613, %mul3A_483 : i32
        %get3A_615 = arith.index_cast %add3A_614 : i32 to index
        %get3A_616 = tpu.vector_load %arg12[%get3A_615] {strides = array<i32>} : memref<9216xf32, #tpu.memory_space<vmem>>, vector<16xf32>,
        %get3A_617 = vector.shape_cast %get3A_616 : vector<16xf32> to vector<16xf32>
        %sub3A_618 = arith.constant 1.000000e+00 : f32
        %sub3A_619 = vector.broadcast %sub3A_618 : f32 to vector<16xf32>
        %sub3A_620 = arith.subf %sub3A_619, %get3A_507 : vector<16xf32>
        %mul3A_621 = arith.mulf %get3A_602, %sub3A_620 : vector<16xf32>
        %mul3A_622 = arith.mulf %get3A_607, %get3A_507 : vector<16xf32>
        %add3A_623 = arith.addf %mul3A_621, %mul3A_622 : vector<16xf32>
        %sub3A_624 = arith.constant 1.000000e+00 : f32
        %sub3A_625 = vector.broadcast %sub3A_624 : f32 to vector<16xf32>
        %sub3A_626 = arith.subf %sub3A_625, %get3A_507 : vector<16xf32>
        %mul3A_627 = arith.mulf %get3A_612, %sub3A_626 : vector<16xf32>
        %mul3A_628 = arith.mulf %get3A_617, %get3A_507 : vector<16xf32>
        %add3A_629 = arith.addf %mul3A_627, %mul3A_628 : vector<16xf32>
        %sub3A_630 = arith.constant 1.000000e+00 : f32
        %sub3A_631 = vector.broadcast %sub3A_630 : f32 to vector<16xf32>
        %sub3A_632 = arith.subf %sub3A_631, %get3A_512 : vector<16xf32>
        %mul3A_633 = arith.mulf %add3A_623, %sub3A_632 : vector<16xf32>
        %mul3A_634 = arith.mulf %add3A_629, %get3A_512 : vector<16xf32>
        %add3A_635 = arith.addf %mul3A_633, %mul3A_634 : vector<16xf32>
        %sub3A_636 = arith.constant 1.000000e+00 : f32
        %sub3A_637 = vector.broadcast %sub3A_636 : f32 to vector<16xf32>
        %sub3A_638 = arith.subf %sub3A_637, %get3A_517 : vector<16xf32>
        %mul3A_639 = arith.mulf %add3A_597, %sub3A_638 : vector<16xf32>
        %mul3A_640 = arith.mulf %add3A_635, %get3A_517 : vector<16xf32>
        %add3A_641 = arith.addf %mul3A_639, %mul3A_640 : vector<16xf32>
        %swap3A_642 = arith.constant 3 : i32
        %swap3A_643 = arith.index_cast %swap3A_642 : i32 to index
        %swap3A_644 = arith.index_cast %mul3A_483 : i32 to index
        %swap3A_645 = tpu.vector_load %arg16[%swap3A_643, %swap3A_644] {strides = array<i32>} : memref<6x256xf32, #tpu.memory_space<vmem>>, vector<1x16xf32>,
        %swap3A_646 = vector.shape_cast %swap3A_645 : vector<1x16xf32> to vector<16xf32>
        %swap3A_647 = vector.shape_cast %add3A_641 : vector<16xf32> to vector<1x16xf32>
        tpu.vector_store %arg16[%swap3A_643, %swap3A_644], %swap3A_647 {strides = array<i32>} : memref<6x256xf32, #tpu.memory_space<vmem>>, vector<1x16xf32>,
        %add3A_648 = arith.constant 3072 : i32
        %add3A_649 = arith.addi %add3A_648, %mul3A_483 : i32
        %get3A_650 = arith.index_cast %add3A_649 : i32 to index
        %get3A_651 = tpu.vector_load %arg12[%get3A_650] {strides = array<i32>} : memref<9216xf32, #tpu.memory_space<vmem>>, vector<16xf32>,
        %get3A_652 = vector.shape_cast %get3A_651 : vector<16xf32> to vector<16xf32>
        %add3A_653 = arith.constant 3328 : i32
        %add3A_654 = arith.addi %add3A_653, %mul3A_483 : i32
        %get3A_655 = arith.index_cast %add3A_654 : i32 to index
        %get3A_656 = tpu.vector_load %arg12[%get3A_655] {strides = array<i32>} : memref<9216xf32, #tpu.memory_space<vmem>>, vector<16xf32>,
        %get3A_657 = vector.shape_cast %get3A_656 : vector<16xf32> to vector<16xf32>
        %add3A_658 = arith.constant 3584 : i32
        %add3A_659 = arith.addi %add3A_658, %mul3A_483 : i32
        %get3A_660 = arith.index_cast %add3A_659 : i32 to index
        %get3A_661 = tpu.vector_load %arg12[%get3A_660] {strides = array<i32>} : memref<9216xf32, #tpu.memory_space<vmem>>, vector<16xf32>,
        %get3A_662 = vector.shape_cast %get3A_661 : vector<16xf32> to vector<16xf32>
        %add3A_663 = arith.constant 3840 : i32
        %add3A_664 = arith.addi %add3A_663, %mul3A_483 : i32
        %get3A_665 = arith.index_cast %add3A_664 : i32 to index
        %get3A_666 = tpu.vector_load %arg12[%get3A_665] {strides = array<i32>} : memref<9216xf32, #tpu.memory_space<vmem>>, vector<16xf32>,
        %get3A_667 = vector.shape_cast %get3A_666 : vector<16xf32> to vector<16xf32>
        %sub3A_668 = arith.constant 1.000000e+00 : f32
        %sub3A_669 = vector.broadcast %sub3A_668 : f32 to vector<16xf32>
        %sub3A_670 = arith.subf %sub3A_669, %get3A_487 : vector<16xf32>
        %mul3A_671 = arith.mulf %get3A_652, %sub3A_670 : vector<16xf32>
        %mul3A_672 = arith.mulf %get3A_657, %get3A_487 : vector<16xf32>
        %add3A_673 = arith.addf %mul3A_671, %mul3A_672 : vector<16xf32>
        %sub3A_674 = arith.constant 1.000000e+00 : f32
        %sub3A_675 = vector.broadcast %sub3A_674 : f32 to vector<16xf32>
        %sub3A_676 = arith.subf %sub3A_675, %get3A_487 : vector<16xf32>
        %mul3A_677 = arith.mulf %get3A_662, %sub3A_676 : vector<16xf32>
        %mul3A_678 = arith.mulf %get3A_667, %get3A_487 : vector<16xf32>
        %add3A_679 = arith.addf %mul3A_677, %mul3A_678 : vector<16xf32>
        %sub3A_680 = arith.constant 1.000000e+00 : f32
        %sub3A_681 = vector.broadcast %sub3A_680 : f32 to vector<16xf32>
        %sub3A_682 = arith.subf %sub3A_681, %get3A_492 : vector<16xf32>
        %mul3A_683 = arith.mulf %add3A_673, %sub3A_682 : vector<16xf32>
        %mul3A_684 = arith.mulf %add3A_679, %get3A_492 : vector<16xf32>
        %add3A_685 = arith.addf %mul3A_683, %mul3A_684 : vector<16xf32>
        %swap3A_686 = arith.constant 1 : i32
        %swap3A_687 = arith.index_cast %swap3A_686 : i32 to index
        %swap3A_688 = arith.index_cast %mul3A_483 : i32 to index
        %swap3A_689 = tpu.vector_load %arg16[%swap3A_687, %swap3A_688] {strides = array<i32>} : memref<6x256xf32, #tpu.memory_space<vmem>>, vector<1x16xf32>,
        %swap3A_690 = vector.shape_cast %swap3A_689 : vector<1x16xf32> to vector<16xf32>
        %swap3A_691 = vector.shape_cast %add3A_685 : vector<16xf32> to vector<1x16xf32>
        tpu.vector_store %arg16[%swap3A_687, %swap3A_688], %swap3A_691 {strides = array<i32>} : memref<6x256xf32, #tpu.memory_space<vmem>>, vector<1x16xf32>,
        %add3A_692 = arith.constant 4096 : i32
        %add3A_693 = arith.addi %add3A_692, %mul3A_483 : i32
        %get3A_694 = arith.index_cast %add3A_693 : i32 to index
        %get3A_695 = tpu.vector_load %arg12[%get3A_694] {strides = array<i32>} : memref<9216xf32, #tpu.memory_space<vmem>>, vector<16xf32>,
        %get3A_696 = vector.shape_cast %get3A_695 : vector<16xf32> to vector<16xf32>
        %add3A_697 = arith.constant 4352 : i32
        %add3A_698 = arith.addi %add3A_697, %mul3A_483 : i32
        %get3A_699 = arith.index_cast %add3A_698 : i32 to index
        %get3A_700 = tpu.vector_load %arg12[%get3A_699] {strides = array<i32>} : memref<9216xf32, #tpu.memory_space<vmem>>, vector<16xf32>,
        %get3A_701 = vector.shape_cast %get3A_700 : vector<16xf32> to vector<16xf32>
        %add3A_702 = arith.constant 4608 : i32
        %add3A_703 = arith.addi %add3A_702, %mul3A_483 : i32
        %get3A_704 = arith.index_cast %add3A_703 : i32 to index
        %get3A_705 = tpu.vector_load %arg12[%get3A_704] {strides = array<i32>} : memref<9216xf32, #tpu.memory_space<vmem>>, vector<16xf32>,
        %get3A_706 = vector.shape_cast %get3A_705 : vector<16xf32> to vector<16xf32>
        %add3A_707 = arith.constant 4864 : i32
        %add3A_708 = arith.addi %add3A_707, %mul3A_483 : i32
        %get3A_709 = arith.index_cast %add3A_708 : i32 to index
        %get3A_710 = tpu.vector_load %arg12[%get3A_709] {strides = array<i32>} : memref<9216xf32, #tpu.memory_space<vmem>>, vector<16xf32>,
        %get3A_711 = vector.shape_cast %get3A_710 : vector<16xf32> to vector<16xf32>
        %sub3A_712 = arith.constant 1.000000e+00 : f32
        %sub3A_713 = vector.broadcast %sub3A_712 : f32 to vector<16xf32>
        %sub3A_714 = arith.subf %sub3A_713, %get3A_497 : vector<16xf32>
        %mul3A_715 = arith.mulf %get3A_696, %sub3A_714 : vector<16xf32>
        %mul3A_716 = arith.mulf %get3A_701, %get3A_497 : vector<16xf32>
        %add3A_717 = arith.addf %mul3A_715, %mul3A_716 : vector<16xf32>
        %sub3A_718 = arith.constant 1.000000e+00 : f32
        %sub3A_719 = vector.broadcast %sub3A_718 : f32 to vector<16xf32>
        %sub3A_720 = arith.subf %sub3A_719, %get3A_497 : vector<16xf32>
        %mul3A_721 = arith.mulf %get3A_706, %sub3A_720 : vector<16xf32>
        %mul3A_722 = arith.mulf %get3A_711, %get3A_497 : vector<16xf32>
        %add3A_723 = arith.addf %mul3A_721, %mul3A_722 : vector<16xf32>
        %sub3A_724 = arith.constant 1.000000e+00 : f32
        %sub3A_725 = vector.broadcast %sub3A_724 : f32 to vector<16xf32>
        %sub3A_726 = arith.subf %sub3A_725, %get3A_502 : vector<16xf32>
        %mul3A_727 = arith.mulf %add3A_717, %sub3A_726 : vector<16xf32>
        %mul3A_728 = arith.mulf %add3A_723, %get3A_502 : vector<16xf32>
        %add3A_729 = arith.addf %mul3A_727, %mul3A_728 : vector<16xf32>
        %add3A_730 = arith.constant 5120 : i32
        %add3A_731 = arith.addi %add3A_730, %mul3A_483 : i32
        %get3A_732 = arith.index_cast %add3A_731 : i32 to index
        %get3A_733 = tpu.vector_load %arg12[%get3A_732] {strides = array<i32>} : memref<9216xf32, #tpu.memory_space<vmem>>, vector<16xf32>,
        %get3A_734 = vector.shape_cast %get3A_733 : vector<16xf32> to vector<16xf32>
        %add3A_735 = arith.constant 5376 : i32
        %add3A_736 = arith.addi %add3A_735, %mul3A_483 : i32
        %get3A_737 = arith.index_cast %add3A_736 : i32 to index
        %get3A_738 = tpu.vector_load %arg12[%get3A_737] {strides = array<i32>} : memref<9216xf32, #tpu.memory_space<vmem>>, vector<16xf32>,
        %get3A_739 = vector.shape_cast %get3A_738 : vector<16xf32> to vector<16xf32>
        %add3A_740 = arith.constant 5632 : i32
        %add3A_741 = arith.addi %add3A_740, %mul3A_483 : i32
        %get3A_742 = arith.index_cast %add3A_741 : i32 to index
        %get3A_743 = tpu.vector_load %arg12[%get3A_742] {strides = array<i32>} : memref<9216xf32, #tpu.memory_space<vmem>>, vector<16xf32>,
        %get3A_744 = vector.shape_cast %get3A_743 : vector<16xf32> to vector<16xf32>
        %add3A_745 = arith.constant 5888 : i32
        %add3A_746 = arith.addi %add3A_745, %mul3A_483 : i32
        %get3A_747 = arith.index_cast %add3A_746 : i32 to index
        %get3A_748 = tpu.vector_load %arg12[%get3A_747] {strides = array<i32>} : memref<9216xf32, #tpu.memory_space<vmem>>, vector<16xf32>,
        %get3A_749 = vector.shape_cast %get3A_748 : vector<16xf32> to vector<16xf32>
        %sub3A_750 = arith.constant 1.000000e+00 : f32
        %sub3A_751 = vector.broadcast %sub3A_750 : f32 to vector<16xf32>
        %sub3A_752 = arith.subf %sub3A_751, %get3A_507 : vector<16xf32>
        %mul3A_753 = arith.mulf %get3A_734, %sub3A_752 : vector<16xf32>
        %mul3A_754 = arith.mulf %get3A_739, %get3A_507 : vector<16xf32>
        %add3A_755 = arith.addf %mul3A_753, %mul3A_754 : vector<16xf32>
        %sub3A_756 = arith.constant 1.000000e+00 : f32
        %sub3A_757 = vector.broadcast %sub3A_756 : f32 to vector<16xf32>
        %sub3A_758 = arith.subf %sub3A_757, %get3A_507 : vector<16xf32>
        %mul3A_759 = arith.mulf %get3A_744, %sub3A_758 : vector<16xf32>
        %mul3A_760 = arith.mulf %get3A_749, %get3A_507 : vector<16xf32>
        %add3A_761 = arith.addf %mul3A_759, %mul3A_760 : vector<16xf32>
        %sub3A_762 = arith.constant 1.000000e+00 : f32
        %sub3A_763 = vector.broadcast %sub3A_762 : f32 to vector<16xf32>
        %sub3A_764 = arith.subf %sub3A_763, %get3A_512 : vector<16xf32>
        %mul3A_765 = arith.mulf %add3A_755, %sub3A_764 : vector<16xf32>
        %mul3A_766 = arith.mulf %add3A_761, %get3A_512 : vector<16xf32>
        %add3A_767 = arith.addf %mul3A_765, %mul3A_766 : vector<16xf32>
        %sub3A_768 = arith.constant 1.000000e+00 : f32
        %sub3A_769 = vector.broadcast %sub3A_768 : f32 to vector<16xf32>
        %sub3A_770 = arith.subf %sub3A_769, %get3A_517 : vector<16xf32>
        %mul3A_771 = arith.mulf %add3A_729, %sub3A_770 : vector<16xf32>
        %mul3A_772 = arith.mulf %add3A_767, %get3A_517 : vector<16xf32>
        %add3A_773 = arith.addf %mul3A_771, %mul3A_772 : vector<16xf32>
        %swap3A_774 = arith.constant 4 : i32
        %swap3A_775 = arith.index_cast %swap3A_774 : i32 to index
        %swap3A_776 = arith.index_cast %mul3A_483 : i32 to index
        %swap3A_777 = tpu.vector_load %arg16[%swap3A_775, %swap3A_776] {strides = array<i32>} : memref<6x256xf32, #tpu.memory_space<vmem>>, vector<1x16xf32>,
        %swap3A_778 = vector.shape_cast %swap3A_777 : vector<1x16xf32> to vector<16xf32>
        %swap3A_779 = vector.shape_cast %add3A_773 : vector<16xf32> to vector<1x16xf32>
        tpu.vector_store %arg16[%swap3A_775, %swap3A_776], %swap3A_779 {strides = array<i32>} : memref<6x256xf32, #tpu.memory_space<vmem>>, vector<1x16xf32>,
        %add3A_780 = arith.constant 6144 : i32
        %add3A_781 = arith.addi %add3A_780, %mul3A_483 : i32
        %get3A_782 = arith.index_cast %add3A_781 : i32 to index
        %get3A_783 = tpu.vector_load %arg12[%get3A_782] {strides = array<i32>} : memref<9216xf32, #tpu.memory_space<vmem>>, vector<16xf32>,
        %get3A_784 = vector.shape_cast %get3A_783 : vector<16xf32> to vector<16xf32>
        %add3A_785 = arith.constant 6400 : i32
        %add3A_786 = arith.addi %add3A_785, %mul3A_483 : i32
        %get3A_787 = arith.index_cast %add3A_786 : i32 to index
        %get3A_788 = tpu.vector_load %arg12[%get3A_787] {strides = array<i32>} : memref<9216xf32, #tpu.memory_space<vmem>>, vector<16xf32>,
        %get3A_789 = vector.shape_cast %get3A_788 : vector<16xf32> to vector<16xf32>
        %add3A_790 = arith.constant 6656 : i32
        %add3A_791 = arith.addi %add3A_790, %mul3A_483 : i32
        %get3A_792 = arith.index_cast %add3A_791 : i32 to index
        %get3A_793 = tpu.vector_load %arg12[%get3A_792] {strides = array<i32>} : memref<9216xf32, #tpu.memory_space<vmem>>, vector<16xf32>,
        %get3A_794 = vector.shape_cast %get3A_793 : vector<16xf32> to vector<16xf32>
        %add3A_795 = arith.constant 6912 : i32
        %add3A_796 = arith.addi %add3A_795, %mul3A_483 : i32
        %get3A_797 = arith.index_cast %add3A_796 : i32 to index
        %get3A_798 = tpu.vector_load %arg12[%get3A_797] {strides = array<i32>} : memref<9216xf32, #tpu.memory_space<vmem>>, vector<16xf32>,
        %get3A_799 = vector.shape_cast %get3A_798 : vector<16xf32> to vector<16xf32>
        %sub3A_800 = arith.constant 1.000000e+00 : f32
        %sub3A_801 = vector.broadcast %sub3A_800 : f32 to vector<16xf32>
        %sub3A_802 = arith.subf %sub3A_801, %get3A_487 : vector<16xf32>
        %mul3A_803 = arith.mulf %get3A_784, %sub3A_802 : vector<16xf32>
        %mul3A_804 = arith.mulf %get3A_789, %get3A_487 : vector<16xf32>
        %add3A_805 = arith.addf %mul3A_803, %mul3A_804 : vector<16xf32>
        %sub3A_806 = arith.constant 1.000000e+00 : f32
        %sub3A_807 = vector.broadcast %sub3A_806 : f32 to vector<16xf32>
        %sub3A_808 = arith.subf %sub3A_807, %get3A_487 : vector<16xf32>
        %mul3A_809 = arith.mulf %get3A_794, %sub3A_808 : vector<16xf32>
        %mul3A_810 = arith.mulf %get3A_799, %get3A_487 : vector<16xf32>
        %add3A_811 = arith.addf %mul3A_809, %mul3A_810 : vector<16xf32>
        %sub3A_812 = arith.constant 1.000000e+00 : f32
        %sub3A_813 = vector.broadcast %sub3A_812 : f32 to vector<16xf32>
        %sub3A_814 = arith.subf %sub3A_813, %get3A_492 : vector<16xf32>
        %mul3A_815 = arith.mulf %add3A_805, %sub3A_814 : vector<16xf32>
        %mul3A_816 = arith.mulf %add3A_811, %get3A_492 : vector<16xf32>
        %add3A_817 = arith.addf %mul3A_815, %mul3A_816 : vector<16xf32>
        %swap3A_818 = arith.constant 2 : i32
        %swap3A_819 = arith.index_cast %swap3A_818 : i32 to index
        %swap3A_820 = arith.index_cast %mul3A_483 : i32 to index
        %swap3A_821 = tpu.vector_load %arg16[%swap3A_819, %swap3A_820] {strides = array<i32>} : memref<6x256xf32, #tpu.memory_space<vmem>>, vector<1x16xf32>,
        %swap3A_822 = vector.shape_cast %swap3A_821 : vector<1x16xf32> to vector<16xf32>
        %swap3A_823 = vector.shape_cast %add3A_817 : vector<16xf32> to vector<1x16xf32>
        tpu.vector_store %arg16[%swap3A_819, %swap3A_820], %swap3A_823 {strides = array<i32>} : memref<6x256xf32, #tpu.memory_space<vmem>>, vector<1x16xf32>,
        %add3A_824 = arith.constant 7168 : i32
        %add3A_825 = arith.addi %add3A_824, %mul3A_483 : i32
        %get3A_826 = arith.index_cast %add3A_825 : i32 to index
        %get3A_827 = tpu.vector_load %arg12[%get3A_826] {strides = array<i32>} : memref<9216xf32, #tpu.memory_space<vmem>>, vector<16xf32>,
        %get3A_828 = vector.shape_cast %get3A_827 : vector<16xf32> to vector<16xf32>
        %add3A_829 = arith.constant 7424 : i32
        %add3A_830 = arith.addi %add3A_829, %mul3A_483 : i32
        %get3A_831 = arith.index_cast %add3A_830 : i32 to index
        %get3A_832 = tpu.vector_load %arg12[%get3A_831] {strides = array<i32>} : memref<9216xf32, #tpu.memory_space<vmem>>, vector<16xf32>,
        %get3A_833 = vector.shape_cast %get3A_832 : vector<16xf32> to vector<16xf32>
        %add3A_834 = arith.constant 7680 : i32
        %add3A_835 = arith.addi %add3A_834, %mul3A_483 : i32
        %get3A_836 = arith.index_cast %add3A_835 : i32 to index
        %get3A_837 = tpu.vector_load %arg12[%get3A_836] {strides = array<i32>} : memref<9216xf32, #tpu.memory_space<vmem>>, vector<16xf32>,
        %get3A_838 = vector.shape_cast %get3A_837 : vector<16xf32> to vector<16xf32>
        %add3A_839 = arith.constant 7936 : i32
        %add3A_840 = arith.addi %add3A_839, %mul3A_483 : i32
        %get3A_841 = arith.index_cast %add3A_840 : i32 to index
        %get3A_842 = tpu.vector_load %arg12[%get3A_841] {strides = array<i32>} : memref<9216xf32, #tpu.memory_space<vmem>>, vector<16xf32>,
        %get3A_843 = vector.shape_cast %get3A_842 : vector<16xf32> to vector<16xf32>
        %sub3A_844 = arith.constant 1.000000e+00 : f32
        %sub3A_845 = vector.broadcast %sub3A_844 : f32 to vector<16xf32>
        %sub3A_846 = arith.subf %sub3A_845, %get3A_497 : vector<16xf32>
        %mul3A_847 = arith.mulf %get3A_828, %sub3A_846 : vector<16xf32>
        %mul3A_848 = arith.mulf %get3A_833, %get3A_497 : vector<16xf32>
        %add3A_849 = arith.addf %mul3A_847, %mul3A_848 : vector<16xf32>
        %sub3A_850 = arith.constant 1.000000e+00 : f32
        %sub3A_851 = vector.broadcast %sub3A_850 : f32 to vector<16xf32>
        %sub3A_852 = arith.subf %sub3A_851, %get3A_497 : vector<16xf32>
        %mul3A_853 = arith.mulf %get3A_838, %sub3A_852 : vector<16xf32>
        %mul3A_854 = arith.mulf %get3A_843, %get3A_497 : vector<16xf32>
        %add3A_855 = arith.addf %mul3A_853, %mul3A_854 : vector<16xf32>
        %sub3A_856 = arith.constant 1.000000e+00 : f32
        %sub3A_857 = vector.broadcast %sub3A_856 : f32 to vector<16xf32>
        %sub3A_858 = arith.subf %sub3A_857, %get3A_502 : vector<16xf32>
        %mul3A_859 = arith.mulf %add3A_849, %sub3A_858 : vector<16xf32>
        %mul3A_860 = arith.mulf %add3A_855, %get3A_502 : vector<16xf32>
        %add3A_861 = arith.addf %mul3A_859, %mul3A_860 : vector<16xf32>
        %add3A_862 = arith.constant 8192 : i32
        %add3A_863 = arith.addi %add3A_862, %mul3A_483 : i32
        %get3A_864 = arith.index_cast %add3A_863 : i32 to index
        %get3A_865 = tpu.vector_load %arg12[%get3A_864] {strides = array<i32>} : memref<9216xf32, #tpu.memory_space<vmem>>, vector<16xf32>,
        %get3A_866 = vector.shape_cast %get3A_865 : vector<16xf32> to vector<16xf32>
        %add3A_867 = arith.constant 8448 : i32
        %add3A_868 = arith.addi %add3A_867, %mul3A_483 : i32
        %get3A_869 = arith.index_cast %add3A_868 : i32 to index
        %get3A_870 = tpu.vector_load %arg12[%get3A_869] {strides = array<i32>} : memref<9216xf32, #tpu.memory_space<vmem>>, vector<16xf32>,
        %get3A_871 = vector.shape_cast %get3A_870 : vector<16xf32> to vector<16xf32>
        %add3A_872 = arith.constant 8704 : i32
        %add3A_873 = arith.addi %add3A_872, %mul3A_483 : i32
        %get3A_874 = arith.index_cast %add3A_873 : i32 to index
        %get3A_875 = tpu.vector_load %arg12[%get3A_874] {strides = array<i32>} : memref<9216xf32, #tpu.memory_space<vmem>>, vector<16xf32>,
        %get3A_876 = vector.shape_cast %get3A_875 : vector<16xf32> to vector<16xf32>
        %add3A_877 = arith.constant 8960 : i32
        %add3A_878 = arith.addi %add3A_877, %mul3A_483 : i32
        %get3A_879 = arith.index_cast %add3A_878 : i32 to index
        %get3A_880 = tpu.vector_load %arg12[%get3A_879] {strides = array<i32>} : memref<9216xf32, #tpu.memory_space<vmem>>, vector<16xf32>,
        %get3A_881 = vector.shape_cast %get3A_880 : vector<16xf32> to vector<16xf32>
        %sub3A_882 = arith.constant 1.000000e+00 : f32
        %sub3A_883 = vector.broadcast %sub3A_882 : f32 to vector<16xf32>
        %sub3A_884 = arith.subf %sub3A_883, %get3A_507 : vector<16xf32>
        %mul3A_885 = arith.mulf %get3A_866, %sub3A_884 : vector<16xf32>
        %mul3A_886 = arith.mulf %get3A_871, %get3A_507 : vector<16xf32>
        %add3A_887 = arith.addf %mul3A_885, %mul3A_886 : vector<16xf32>
        %sub3A_888 = arith.constant 1.000000e+00 : f32
        %sub3A_889 = vector.broadcast %sub3A_888 : f32 to vector<16xf32>
        %sub3A_890 = arith.subf %sub3A_889, %get3A_507 : vector<16xf32>
        %mul3A_891 = arith.mulf %get3A_876, %sub3A_890 : vector<16xf32>
        %mul3A_892 = arith.mulf %get3A_881, %get3A_507 : vector<16xf32>
        %add3A_893 = arith.addf %mul3A_891, %mul3A_892 : vector<16xf32>
        %sub3A_894 = arith.constant 1.000000e+00 : f32
        %sub3A_895 = vector.broadcast %sub3A_894 : f32 to vector<16xf32>
        %sub3A_896 = arith.subf %sub3A_895, %get3A_512 : vector<16xf32>
        %mul3A_897 = arith.mulf %add3A_887, %sub3A_896 : vector<16xf32>
        %mul3A_898 = arith.mulf %add3A_893, %get3A_512 : vector<16xf32>
        %add3A_899 = arith.addf %mul3A_897, %mul3A_898 : vector<16xf32>
        %sub3A_900 = arith.constant 1.000000e+00 : f32
        %sub3A_901 = vector.broadcast %sub3A_900 : f32 to vector<16xf32>
        %sub3A_902 = arith.subf %sub3A_901, %get3A_517 : vector<16xf32>
        %mul3A_903 = arith.mulf %add3A_861, %sub3A_902 : vector<16xf32>
        %mul3A_904 = arith.mulf %add3A_899, %get3A_517 : vector<16xf32>
        %add3A_905 = arith.addf %mul3A_903, %mul3A_904 : vector<16xf32>
        %swap3A_906 = arith.constant 5 : i32
        %swap3A_907 = arith.index_cast %swap3A_906 : i32 to index
        %swap3A_908 = arith.index_cast %mul3A_483 : i32 to index
        %swap3A_909 = tpu.vector_load %arg16[%swap3A_907, %swap3A_908] {strides = array<i32>} : memref<6x256xf32, #tpu.memory_space<vmem>>, vector<1x16xf32>,
        %swap3A_910 = vector.shape_cast %swap3A_909 : vector<1x16xf32> to vector<16xf32>
        %swap3A_911 = vector.shape_cast %add3A_905 : vector<16xf32> to vector<1x16xf32>
        tpu.vector_store %arg16[%swap3A_907, %swap3A_908], %swap3A_911 {strides = array<i32>} : memref<6x256xf32, #tpu.memory_space<vmem>>, vector<1x16xf32>,
      }
      %scan3A_475 = arith.constant 16 : i32
      %add3A_476 = arith.constant 1 : i32
      %add3A_477 = arith.addi %mul3A_10, %add3A_476 : i32
      %mul3A_478 = arith.constant 256 : i32
      %mul3A_479 = arith.muli %add3A_477, %mul3A_478 : i32
      %add3A_480 = arith.addi %mul3A_2, %mul3A_479 : i32
      "tpu.region"() ({
        %run_scoped3A = tpu.sem_alloc : memref<!tpu.dma_semaphore, #tpu.memory_space<semaphore_mem>>
        %dma_start3A_481 = arith.constant 0 : i32
        %dma_start3A_482 = tpu.memref_slice %arg6[%dma_start3A_481, %add3A_480] : memref<6x262144xf32, #tpu.memory_space<hbm>> -> memref<6x256xf32, #tpu.memory_space<hbm>>
        %dma_start3A_483 = arith.constant 0 : i32
        %dma_start3A_484 = tpu.memref_slice %arg6[%dma_start3A_483, %add3A_480] : memref<6x262144xf32, #tpu.memory_space<hbm>> -> memref<6x256xf32, #tpu.memory_space<hbm>>
        tpu.enqueue_dma source(%arg16 : memref<6x256xf32, #tpu.memory_space<vmem>>) target(%dma_start3A_484 : memref<6x256xf32, #tpu.memory_space<hbm>>) target_semaphore(%run_scoped3A : memref<!tpu.dma_semaphore, #tpu.memory_space<semaphore_mem>>)
        %dma_wait3A_485 = arith.constant 0 : i32
        %dma_wait3A_486 = tpu.memref_slice %arg6[%dma_wait3A_485, %add3A_480] : memref<6x262144xf32, #tpu.memory_space<hbm>> -> memref<6x256xf32, #tpu.memory_space<hbm>>
        %dma_wait3A_487 = arith.constant 0 : i32
        %dma_wait3A_488 = tpu.memref_slice %arg6[%dma_wait3A_487, %add3A_480] : memref<6x262144xf32, #tpu.memory_space<hbm>> -> memref<6x256xf32, #tpu.memory_space<hbm>>
        tpu.wait_dma2 semaphore(%run_scoped3A : memref<!tpu.dma_semaphore, #tpu.memory_space<semaphore_mem>>) src(%arg16 : memref<6x256xf32, #tpu.memory_space<vmem>>) dst(%dma_wait3A_488 : memref<6x256xf32, #tpu.memory_space<hbm>>)
        tpu.yield
      }) : () -> ()
    }
    %scan3A_7 = arith.constant 16 : i32
    return
  }
}

</mosaic_0001>

<sc_bundles>
// kernel: kernel.3.cloned.1.call-start
scs
__scs_entry_jumppad:
0x0: {  	(pc) =	sbr.rel $0x88, $3  }
0x1: {  	(tag) =	ssettag $0x0;
	lr =	simm.s32 $0x1  }
0x2: {  	[smem:$0x3F9D] =	sst lr;
	_ =	strace $0xD0000000  }
0x3: {  	_ = 	snop  }
0x4: {  	_ = 	snop  }
0x5: {  	_ = 	snop  }
0x6: {  	_ = 	snop  }
0x7: {  	_ = 	snop  }
__scs_overlays_trampoline_lowered:
0x8: {  	[smem:$0x3FAC] =	sst s0  }
0x9: {  	[smem:$0x3FAD] =	sst s1  }
0xa: {  	[smem:$0x3FAE] =	sst s2  }
0xb: {  	[smem:$0x3FAF] =	sst s3  }
0xc: {  	[smem:$0x3FB0] =	sst s4  }
0xd: {  	[smem:$0x3FB1] =	sst s5  }
0xe: {  	[smem:$0x3FB2] =	sst s6  }
0xf: {  	[smem:$0x3FB3] =	sst s7  }
0x10: {  	[smem:$0x3FB4] =	sst s8  }
0x11: {  	[smem:$0x3FB5] =	sst s9;
	s0 =	simm.s32 @!p0 $0x0  }
0x12: {  	s1 =	sld [smem:$0x3F9B];
	s0 =	simm.s32 @p0 $0x1  }
0x13: {  	[smem:$0x3FB6] =	sst s0;
	s0 =	simm.s32 @!p1 $0x0  }
0x14: {  	s2 =	sld [smem:$0x3F9A];
	s0 =	simm.s32 @p1 $0x1  }
0x15: {  	[smem:$0x3FB7] =	sst s0;
	s0 =	simm.s32 @!p2 $0x0  }
0x16: {  	s3 =	sld [smem:$0x3FDB];
	s0 =	simm.s32 @p2 $0x1  }
0x17: {  	s4 =	simm.s32 $0x1BF5;
	[smem:$0x3FB9] =	sst s0  }
0x18: {  	s0 =	sld [smem:$0x3F9C];
	_ =	swait.ge [sflag:s4], $0x0  }
0x19: {  	s7 =	sld [smem:$0x3F9D]  }
0x1a: {  	s8 =	sadd.s32 $0xFFFFE003, lr  }
0x1b: {  	s9 =	sadd.s32 $0xFFFFFEF7, lr;
	s5 =	simm.s32 $0xFFFFFFFF;
	p2 =	slt.u32 s8, $0xFFFFF086  }
0x1c: {  	p1 =	slt.u32 s9, $0xF7A;
	s5 =	simm.s32 @!p2 $0x0  }
0x1d: {  	s5 =	simm.s32 @p1 $0x1;
	p0 =	seq.s32 s7, s2  }
0x1e: {  	s7 =	smul.u32 @!p0 $0xF7A, s2;
	p2 =	seq.s32 @!p0 s5, $0x0  }
0x1f: {  	s9 =	smul.u32 $0xF7A, s1;
	s8 =	simm.s32 @!p0 $0x1BF5;
	p2 =	por !p2, p0  }
0x20: {  	[sflag:s8] =	ssyncset.s32 @!p0 $0xFFFFF086;
	s6 =	sadd.s32 @!p0 s3, s7;
	s7 =	simm.s32 @!p0 $0x108  }
0x21: {  	s3 =	sadd.s32 s3, s9;
	s6 =	sadd.s32 @!p0 $0x88, s6;
	s7 =	simm.s32 @p2 $0x1082  }
0x22: {  	[simem:s7], [sflag:s8] =	dma.local @!p0 [hbm:s6], $0xF7A  }
0x23: {  	s9 =	sor.u32 $0xD0000000, s2;
	s6 =	simm.s32 $0x108;
	_ =	swait.ge @!p0 [sflag:s8], $0x0  }
0x24: {  	s3 =	sadd.s32 $0x88, s3;
	s6 =	simm.s32 @!p1 $0x1082;
	[sflag:s4] =	ssyncset.s32 $0xFFFFF086  }
0x25: {  	[simem:s6], [sflag:s4] =	dma.local [hbm:s3], $0xF7A  }
0x26: {  	[smem:$0x3F9D] =	sst s1;
	(tag) =	ssettag s2;
	_ =	strace s9  }
0x27: {  	s1 =	sld [smem:$0x3FAD]  }
0x28: {  	s2 =	sld [smem:$0x3FAE]  }
0x29: {  	s4 =	sld [smem:$0x3FB0]  }
0x2a: {  	p0 =	seq.s32 s5, $0x0;
	s5 =	sld [smem:$0x3FB1]  }
0x2b: {  	s6 =	sld [smem:$0x3FB2]  }
0x2c: {  	s7 =	sld [smem:$0x3FB3]  }
0x2d: {  	s3 =	simm.s32 $0x108;
	s8 =	sld [smem:$0x3FB4]  }
0x2e: {  	s3 =	simm.s32 @!p0 $0x1082;
	s9 =	sld [smem:$0x3FB5]  }
0x2f: {  	lr =	sadd.s32 s0, s3;
	s0 =	sld [smem:$0x3FAC]  }
0x30: {  	s3 =	sld [smem:$0x3FAF]  }
0x31: {  	[smem:$0x3FB8] =	sst s10  }
0x32: {  	s10 =	sld [smem:$0x3FB6];
	_ =	sdelay $0x3  }
0x33: {  	p0 =	seq.s32 s10, $0x1;
	s10 =	sld [smem:$0x3FB8];
	_ =	sdelay $0x3  }
0x34: {  	[smem:$0x3FB8] =	sst s10  }
0x35: {  	s10 =	sld [smem:$0x3FB7];
	_ =	sdelay $0x3  }
0x36: {  	p1 =	seq.s32 s10, $0x1;
	s10 =	sld [smem:$0x3FB8];
	_ =	sdelay $0x3  }
0x37: {  	[smem:$0x3FB8] =	sst s10  }
0x38: {  	s10 =	sld [smem:$0x3FB9]  }
0x39: {  	_ = 	snop;
	(pc) =	sbr.ind lr, $3  }
0x3a: {  	_ = 	snop  }
0x3b: {  	_ = 	snop  }
0x3c: {  	p2 =	seq.s32 s10, $0x1;
	s10 =	sld [smem:$0x3FB8]  }
0x3d: {  	_ =	shalt  }
0x3e: {  	_ =	shalt  }
0x3f: {  	_ =	shalt  }
0x40: {  	_ =	shalt  }
0x41: {  	_ =	shalt  }
0x42: {  	_ =	shalt  }
0x43: {  	_ =	shalt  }
0x44: {  	_ =	shalt  }
0x45: {  	_ =	shalt  }
0x46: {  	_ =	shalt  }
0x47: {  	_ =	shalt  }
0x48: {  	_ =	shalt  }
0x49: {  	_ =	shalt  }
0x4a: {  	_ =	shalt  }
0x4b: {  	_ =	shalt  }
0x4c: {  	_ =	shalt  }
0x4d: {  	_ =	shalt  }
0x4e: {  	_ =	shalt  }
0x4f: {  	_ =	shalt  }
0x50: {  	_ =	shalt  }
0x51: {  	_ =	shalt  }
0x52: {  	_ =	shalt  }
0x53: {  	_ =	shalt  }
0x54: {  	_ =	shalt  }
0x55: {  	_ =	shalt  }
0x56: {  	_ =	shalt  }
0x57: {  	_ =	shalt  }
0x58: {  	_ =	shalt  }
0x59: {  	_ =	shalt  }
0x5a: {  	_ =	shalt  }
0x5b: {  	_ =	shalt  }
0x5c: {  	_ =	shalt  }
0x5d: {  	_ =	shalt  }
0x5e: {  	_ =	shalt  }
0x5f: {  	_ =	shalt  }
0x60: {  	_ =	shalt  }
0x61: {  	_ =	shalt  }
0x62: {  	_ =	shalt  }
0x63: {  	_ =	shalt  }
0x64: {  	_ =	shalt  }
0x65: {  	_ =	shalt  }
0x66: {  	_ =	shalt  }
0x67: {  	_ =	shalt  }
0x68: {  	_ =	shalt  }
0x69: {  	_ =	shalt  }
0x6a: {  	_ =	shalt  }
0x6b: {  	_ =	shalt  }
0x6c: {  	_ =	shalt  }
0x6d: {  	_ =	shalt  }
0x6e: {  	_ =	shalt  }
0x6f: {  	_ =	shalt  }
0x70: {  	_ =	shalt  }
0x71: {  	_ =	shalt  }
0x72: {  	_ =	shalt  }
0x73: {  	_ =	shalt  }
0x74: {  	_ =	shalt  }
0x75: {  	_ =	shalt  }
0x76: {  	_ =	shalt  }
0x77: {  	_ =	shalt  }
0x78: {  	_ =	shalt  }
0x79: {  	_ =	shalt  }
0x7a: {  	_ =	shalt  }
0x7b: {  	_ =	shalt  }
0x7c: {  	_ =	shalt  }
0x7d: {  	_ =	shalt  }
0x7e: {  	_ =	shalt  }
0x7f: {  	_ =	shalt  }
0x80: {  	_ =	shalt  }
0x81: {  	_ =	shalt  }
0x82: {  	_ =	shalt  }
0x83: {  	_ =	shalt  }
0x84: {  	_ =	shalt  }
0x85: {  	_ =	shalt  }
0x86: {  	_ =	shalt  }
0x87: {  	_ =	shalt  }
.Lfunc_end0:
.L_simem_size_0:
called_computation_lowered:
.L_overlay_start_0:
0x88: {  	s2 =	sld [smem:$0x3FD9]  }
0x89: {  	s3 =	sld [smem:$0x3FFE];
	_ =	sdelay $0x1  }
0x8a: {  	s1 =	srdreg.scid  }
0x8b: {  	s0 =	sand.u32 $0x1, s1  }
0x8c: {  	s16 =	sshll.u32 s0, $0xA;
	s2 =	sadd.s32 s3, s2  }
0x8d: {  	s2 =	sadd.s32 s2, s16  }
0x8e: {  	[smem:$0x3FC4] =	sst s2  }
0x8f: {  	_ = 	snop  }
0x90: {  	(tm) =	ssettm $0x1  }
0x91: {  	s17 =	sld [smem:$0x3FFB];
	_ =	sdelay $0x3  }
0x92: {  	_ =	strace s17  }
0x93: {  	s2 =	sld [smem:$0x3FFC];
	_ =	sdelay $0x3  }
0x94: {  	_ =	strace s2  }
0x95: {  	s2 =	sld [smem:$0x3FFD];
	_ =	sdelay $0x3  }
0x96: {  	_ =	strace s2  }
0x97: {  	_ =	strace $0x8FFFFFFF  }
0x98: {  	s18 =	sld [smem:$0x3FDB];
	_ =	sdelay $0x1  }
0x99: {  	s19 =	simm.s32 $_scs_section_size  }
0x9a: {  	s4 =	simm.s32 $_size__tile_overlayer_lowered;
	s5 =	simm.s32 $_tile_overlayer_lowered  }
0x9b: {  	s22 =	simm.s32 $0x1BFF;
	s21 =	sshll.u32 s5, $0x1;
	s2 =	sadd.s32 s19, s18  }
0x9c: {  	s6 =	simm.s32 $0x0;
	s20 =	sshll.u32 s4, $0x1;
	s4 =	sadd.s32 s21, s2  }
0x9d: {  	[timem:s6], [sflag:s22] =	dma.local [hbm:s4], s20  }
0x9e: {  	_ =	swait.ge [sflag:s22], s20  }
0x9f: {  	s3 =	ssub.s32 $0x0, s20;
	[sflag:s22] =	ssyncset.done $0x0  }
0xa0: {  	[sflag:s22] =	ssyncadd.s32 s3;
	_ =	sdelay $0x1  }
0xa1: {  	s23 =	simm.s32 $0x1B8B  }
0xa2: {  	_ =	swait.ge [sflag:s23], $0x1  }
0xa3: {  	[sflag:s23] =	ssyncset.done $0x0  }
0xa4: {  	s25 =	simm.s32 $0x1B8E;
	s24 =	sld [smem:$0x3FFE];
	[sflag:s23] =	ssyncadd.s32 $0xFFFFFFFF  }
0xa5: {  	s26 =	simm.s32 $execute0_lowered;
	[smem:$0x3FD2] =	sst s25  }
0xa6: {  	s4 =	sshll.u32 s26, $0x1;
	_ =	strace $0x80000046;
	[dreg:$0x1] =	wrdreg $0xFFFFFFFF  }
0xa7: {  	s28 =	simm.s32 $_size_execute0_lowered;
	s2 =	sadd.s32 s2, s4;
	[dreg:$0x0] =	wrdreg $0x0  }
0xa8: {  	s4 =	sshll.u32 s28, $0x1;
	[dreg:$0x2] =	wrdreg s2  }
0xa9: {  	[dreg:$0x3] =	wrdreg s4  }
0xaa: {  	[dreg:$0x4] =	wrdreg $0xC0  }
0xab: {  	_ =	task [dreg:s6], $0x5FFFF  }
0xac: {  	[dreg:$0x1] =	wrdreg $0xFFFFFFFF  }
0xad: {  	[dreg:$0x0] =	wrdreg $0x60  }
0xae: {  	[dreg:$0x2] =	wrdreg s24  }
0xaf: {  	[dreg:$0x3] =	wrdreg $0x9  }
0xb0: {  	_ =	task.clear_ibuf [dreg:s6], $0x4FFFF;
	_ =	strace $0x90000046  }
0xb1: {  	s29 =	simm.s32 $0x9;
	_ =	strace $0x80000048  }
0xb2: {  	_ =	swait.ge [sflag:s29], $0x1  }
0xb3: {  	[sflag:s29] =	ssyncadd.s32 $0xFFFFFFFF  }
0xb4: {  	_ =	strace $0x90000048  }
0xb5: {  	_ =	sfence  }
0xb6: {  	s30 =	sld [smem:$0x0];
	_ =	sdelay $0x2  }
0xb7: {  	s31 =	sshll.u32 s1, $0xD;
	s1 =	sshrl.u32 s1, $0x2  }
0xb8: {  	s3 =	sand.u32 $0x4000, s31;
	s1 =	sadd.s32 s1, s30  }
0xb9: {  	s0 =	sor.u32 s3, s0;
	s1 =	sshll.u32 s1, $0x11  }
0xba: {  	s0 =	sor.u32 s1, s0  }
0xbb: {  	s0 =	sadd.s32 $0x8F2B, s0  }
0xbc: {  	[sflag:s0] =	ssyncadd.remote.s32 $0x1  }
0xbd: {  	_ =	sfence.sel $0xFFFF  }
0xbe: {  	[dreg:$0x0] =	wrdreg $0xFFFFFFFF;
	(pc) =	sbr.abs _section_cstart, $3  }
0xbf: {  	[dreg:$0x1] =	wrdreg $0xFFFFFFFF  }
0xc0: {  	_ =	task.clear_ibuf [dreg:s6], $0x2FFFF;
	_ =	strace $0x9FFFFFFF  }
0xc1: {  	(tm) =	ssettm $0x7FFFFFFF  }
tec
execute0_lowered:
.L_overlay_start_1:
0x0: {  	(tag) =	ssettag $0x1  }
0x1: {  	s0 =	simm.s32 $0x0  }
0x2: {  	[smem:$0x7FF] =	sst s0  }
0x3: {  	s1 =	rddreg [dreg:$0x0];
	v0 =	vimm.f32 $4.199999870e-01;
	_ =	strace $0x80000047  }
0x4: {  	(erf) = vrcp.f32 v0;
	v0 =	vimm.f32 $5.000000000e-01  }
0x5: {  	s28 =	srdreg.scid;
	s7 =	stileid.u32;
	s10 =	simm.s32 $0x3;
	(erf) = vrcp.f32 v0  }
0x6: {  	s11 =	simm.s32 $0x200;
	s18 =	simm.s32 $0x1600;
	s20 =	simm.s32 $0x1800  }
0x7: {  	s22 =	simm.s32 $0x1A00;
	s17 =	simm.s32 $0x1C00;
	s21 =	simm.s32 $0x1E00  }
0x8: {  	s24 =	simm.s32 $0x2000;
	s26 =	simm.s32 $0x2200;
	s29 =	simm.s32 $0x2400  }
0x9: {  	s31 =	simm.s32 $0x2600;
	s9 =	simm.s32 $0x1;
	s0 =	sand.u32 $0x1, s28  }
0xa: {  	s13 =	simm.s32 $0x2;
	s4 =	sadd.s32 $0x80400, s1;
	s2 =	ssub.s32 $0x2, s0  }
0xb: {  	s8 =	sshll.u32 s7, $0xE;
	s0 =	sshll.u32 s0, $0xD;
	s3 =	sshrl.u32 s2, $0x1  }
0xc: {  	s5 =	sadd.s32 $0x1C0200, s1;
	s0 =	sor.u32 s0, s8;
	s2 =	ssub.s32 s2, s3  }
0xd: {  	v1 =	vimm.s32 $0x0;
	v2 =	vimm.s32 $0x3;
	s6 =	sadd.s32 $0x40200, s1;
	[dreg:$0x2] =	wrdreg s0;
	s30 =	smax.u32 s2, $0x1;
	v0 =	vpop (erf)  }
0xe: {  	v4 =	vimm.s32 $0x5;
	v5 =	vimm.s32 $0x1;
	v6 =	vimm.s32 $0x200000;
	s7 =	sadd.s32 $0xC0400, s1;
	s2 =	simm.s32 $0x0;
	[dreg:$0x3] =	wrdreg s30;
	v3 =	vpop (erf)  }
.LBB2_1:
0xf: {  	[dreg:$0x4] =	wrdreg s2;
	s19 =	simm.s32 $0x0  }
.LBB2_2:
0x10: {  	s0 =	sshll.u32 s19, $0x9;
	s2 =	rddreg [dreg:$0x2]  }
0x11: {  	s23 =	sor.u32 s2, s0  }
0x12: {  	s28 =	simm.s32 $0x0;
	s0 =	sadd.s32 s4, s23  }
0x13: {  	[tilespmem:s28], [sflag:$0x3] =	stream.linear.gather [hbm4b:s0+s28], $0x800, $0x38;
	[tilespmem:$0x9000] =	vst v63  }
0x14: {  	s12 =	simm.s32 $0x0;
	_ =	swait.ge [sflag:s10], $0x800  }
0x15: {  	s14 =	sand.u32 $0x70, s12;
	s3 =	sand.u32 $0x400, s28;
	[sflag:s10] =	ssyncset.done $0x0  }
0x16: {  	s8 =	sand.u32 $0xFFFFFC00, s28;
	s25 =	sor.u32 s14, s3;
	[sflag:s10] =	ssyncadd.s32 $0xFFFFF800  }
0x17: {  	s15 =	sadd.s32 $0x0, s8;
	v7 =	vld [tilespmem:s25+$0x100]  }
0x18: {  	s16 =	sor.u32 $0x80, s15;
	v8 =	vld [tilespmem:s25+$0x0]  }
0x19: {  	v9 =	vld [tilespmem:s16+$0x0];
	_ =	sdelay $0x4  }
0x1a: {  	v10 =	vand.u32 $0x7FFFFFFF, v7;
	v11 =	vand.u32 $0x7FFFFFFF, v8;
	v12 =	vand.u32 $0x7FFFFFFF, v9  }
0x1b: {  	vm0 =	vlt.f32 v11, v10;
	vm1 =	vge.f32 v11, v12;
	vm2 =	vlt.f32 v11, v12  }
0x1c: {  	vm3 =	vge.f32 v11, v10;
	vm10 =	vge.f32 v12, v10;
	vm0 =	vmor vm2, vm0  }
0x1d: {  	vm4 =	vmneg vm1;
	vm3 =	vmneg vm3;
	vm11 =	vmand vm10, vm0  }
0x1e: {  	vm12 =	vmor vm4, vm3;
	v10 =	vsel vm11, v12, v10  }
0x1f: {  	v10 =	vsel vm12, v10, v11  }
0x20: {  	v10 =	vmax.f32 v10, $9.999999960e-13  }
0x21: {  	(erf) = vrcp.f32 v10;
	_ =	sdelay $0x4  }
0x22: {  	vm13 =	vgt.f32 v7, $0.0e+00;
	vm14 =	vgt.f32 v8, $0.0e+00;
	v10 =	vsub.f32 $0.0e+00, v7  }
0x23: {  	vm15 =	vgt.f32 v9, $0.0e+00;
	v9 =	vsub.f32 $0.0e+00, v9;
	v11 =	vsub.f32 $0.0e+00, v8  }
0x24: {  	vm3 =	vmneg vm14;
	vm5 =	vmor vm11, vm13;
	vm6 =	vmand vm12, vm11  }
0x25: {  	v8 =	vsel vm5, v8, v11;
	v12 =	vsel vm15, v7, v10;
	v7 =	vsel vm3, v7, v10  }
0x26: {  	v9 =	vsel vm6, v12, v9;
	v7 =	vsel vm12, v8, v7;
	v10 =	vpop (erf)  }
0x27: {  	v8 =	vmul.f32 v10, v9;
	v7 =	vmul.f32 v10, v7;
	_ =	sdelay $0x1  }
0x28: {  	v8 =	vadd.f32 $1.000000000e+00, v8;
	v7 =	vadd.f32 $1.000000000e+00, v7;
	_ =	sdelay $0x1  }
0x29: {  	v8 =	vmul.f32 $5.000000000e-01, v8;
	v7 =	vmul.f32 $5.000000000e-01, v7;
	_ =	sdelay $0x1  }
0x2a: {  	v8 =	vmul.f32 $1.600000000e+01, v8;
	v7 =	vmul.f32 $1.600000000e+01, v7;
	_ =	sdelay $0x1  }
0x2b: {  	v8 =	vadd.f32 $-5.000000000e-01, v8;
	v7 =	vadd.f32 $-5.000000000e-01, v7;
	_ =	sdelay $0x1  }
0x2c: {  	v9 =	vtrunc.f32 v8;
	v10 =	vtrunc.f32 v7  }
0x2d: {  	v9 =	vcvt.f32.s32 v9;
	v10 =	vcvt.f32.s32 v10  }
0x2e: {  	v13 =	vsel vm3, $0x1, v1;
	v11 =	vsel vm13, $0x4, v4;
	v12 =	vsel vm15, $0x2, v2  }
0x2f: {  	v11 =	vsel vm11, v12, v11;
	vm5 =	vgt.s32 v9, $0x0;
	vm6 =	vgt.s32 v10, $0x0  }
0x30: {  	v11 =	vsel vm12, v11, v13;
	v9 =	vnsel vm5, $0x0, v9;
	v10 =	vnsel vm6, $0x0, v10  }
0x31: {  	v11 =	vshll.u32 v11, $0x8;
	v12 =	vmin.u32 v9, $0xF;
	v13 =	vmin.u32 v10, $0xE  }
0x32: {  	v9 =	vmin.u32 v9, $0xE;
	v10 =	vmin.u32 v10, $0xF;
	v14 =	vshll.u32 v12, $0x4  }
0x33: {  	v9 =	vsub.s32 v9, v12;
	v12 =	vcvt.s32.f32 v12;
	v11 =	vor.u32 v14, v11  }
0x34: {  	v9 =	vshll.u32 v9, $0x4;
	v14 =	vcvt.s32.f32 v10;
	v11 =	vor.u32 v10, v11  }
0x35: {  	s30 =	simm.s32 $0x1000;
	v10 =	vsub.s32 v13, v10;
	v9 =	vadd.s32 $0x10, v9;
	v11 =	vadd.s32 $0x1FFE00, v11  }
0x36: {  	s0 =	sand.u32 $0xF0, s12;
	v10 =	vadd.s32 $0x1, v10;
	v7 =	vsub.f32 v7, v14;
	v9 =	vadd.s32 v9, v11;
	[tilespmem:s30+$0x0] =	vst v11  }
0x37: {  	v8 =	vsub.f32 v8, v12;
	v13 =	vadd.s32 v10, v9;
	[tilespmem:s0+$0x1200] =	vst v9  }
0x38: {  	v10 =	vadd.s32 v10, v11;
	v7 =	vmax.f32 v7, $0.0e+00;
	[tilespmem:s0+$0x1300] =	vst v13  }
0x39: {  	v8 =	vmax.f32 v8, $0.0e+00;
	v7 =	vmin.f32 v7, $1.000000000e+00;
	[tilespmem:s0+$0x1100] =	vst v10  }
0x3a: {  	v8 =	vmin.f32 v8, $1.000000000e+00;
	[tilespmem:s25+$0x7000] =	vst v7  }
0x3b: {  	[tilespmem:s16+$0x7000] =	vst v8  }
0x3c: {  	s2 =	sor.u32 $0x180, s15;
	v7 =	vld [tilespmem:s25+$0x200]  }
0x3d: {  	s3 =	sor.u32 $0x280, s15;
	v8 =	vld [tilespmem:s2+$0x0]  }
0x3e: {  	v9 =	vld [tilespmem:s3+$0x0]  }
0x3f: {  	v10 =	vld [tilespmem:s25+$0x300];
	_ =	sdelay $0x3  }
0x40: {  	v11 =	vand.u32 $0x7FFFFFFF, v8;
	v12 =	vand.u32 $0x7FFFFFFF, v7  }
0x41: {  	v13 =	vand.u32 $0x7FFFFFFF, v9;
	v14 =	vmax.f32 v10, $7.999999820e-02;
	v15 =	vmax.f32 v10, $5.000000000e-01  }
0x42: {  	vm7 =	vlt.f32 v11, v12;
	vm8 =	vge.f32 v11, v13;
	vm9 =	vlt.f32 v11, v13  }
0x43: {  	vm10 =	vge.f32 v11, v12;
	vm11 =	vge.f32 v12, v13;
	v14 =	vmin.f32 v14, $5.000000000e-01  }
0x44: {  	vm1 =	vmneg vm8;
	vm0 =	vmor vm7, vm9;
	vm3 =	vmneg vm10  }
0x45: {  	v15 =	vmin.f32 v15, $1.000000000e+00;
	vm2 =	vmand vm11, vm0;
	vm12 =	vmor vm3, vm1  }
0x46: {  	v12 =	vsel vm2, v12, v13;
	v13 =	vadd.f32 $-7.999999820e-02, v14;
	v14 =	vadd.f32 $-5.000000000e-01, v15  }
0x47: {  	vm13 =	vgt.f32 v7, $0.0e+00;
	v11 =	vsel vm12, v12, v11  }
0x48: {  	v11 =	vmax.f32 v11, $9.999999960e-13;
	v12 =	vmul.f32 v13, v0;
	v13 =	vmul.f32 v14, v3  }
0x49: {  	vm14 =	vgt.f32 v8, $0.0e+00;
	vm15 =	vgt.f32 v9, $0.0e+00;
	(erf) = vrcp.f32 v11  }
0x4a: {  	v7 =	vsub.f32 $0.0e+00, v7;
	v11 =	vmul.f32 $4.000000000e+00, v12;
	v12 =	vadd.f32 $4.000000000e+00, v13  }
0x4b: {  	v16 =	vsel vm13, $0x2, v2;
	vm8 =	vlt.f32 v10, $5.000000000e-01;
	v10 =	vsub.f32 $0.0e+00, v8  }
0x4c: {  	vm3 =	vmneg vm14;
	vm4 =	vmor vm2, vm15;
	v15 =	vsel vm8, v11, v12  }
0x4d: {  	vm9 =	vmand vm12, vm2;
	v14 =	vsub.f32 $0.0e+00, v9;
	v12 =	vtrunc.f32 v15  }
0x4e: {  	v8 =	vsel vm4, v8, v10;
	v13 =	vsel vm15, $0x4, v4;
	v12 =	vcvt.f32.s32 v12  }
0x4f: {  	v10 =	vsel vm3, $0x1, v1;
	v13 =	vsel vm2, v16, v13;
	v11 =	vsel vm3, v9, v14  }
0x50: {  	v9 =	vsel vm13, v9, v14;
	v16 =	vsel vm12, v13, v10;
	vm10 =	vlt.s32 v12, $0x5  }
0x51: {  	v8 =	vsel vm12, v8, v11;
	vm11 =	vlt.s32 v12, $0x4;
	v10 =	vnsel vm10, $0x5, v12  }
0x52: {  	v9 =	vsel vm9, v9, v7;
	v12 =	vnsel vm11, $0x4, v12;
	v7 =	vsub.s32 $0x9, v10;
	v11 =	vpop (erf)  }
0x53: {  	v18 =	vshll.u32 v10, $0x1;
	v13 =	vmul.f32 v11, v9;
	v14 =	vshll.u32 v5, v7  }
0x54: {  	v8 =	vmul.f32 v11, v8;
	v9 =	vsub.s32 $0x8, v12;
	v12 =	vshll.u32 v12, $0x1  }
0x55: {  	v21 =	vsub.s32 $0x12, v18;
	v18 =	vshrl.u32 v6, v18;
	v13 =	vadd.f32 $1.000000000e+00, v13  }
0x56: {  	v11 =	vcvt.s32.f32 v14;
	v19 =	vshll.u32 v5, v9;
	v8 =	vadd.f32 $1.000000000e+00, v8  }
0x57: {  	v17 =	vadd.s32 $0x2, v12;
	v20 =	vcvt.s32.f32 v19;
	v13 =	vmul.f32 $5.000000000e-01, v13  }
0x58: {  	v12 =	vsub.s32 $0x10, v12;
	v17 =	vshrl.u32 v6, v17;
	v8 =	vmul.f32 $5.000000000e-01, v8  }
0x59: {  	v12 =	vshll.u32 v16, v12;
	v22 =	vmul.f32 v11, v13;
	v13 =	vmul.f32 v20, v13  }
0x5a: {  	v17 =	vsub.s32 v12, v17;
	v11 =	vmul.f32 v11, v8;
	v8 =	vmul.f32 v20, v8  }
0x5b: {  	v20 =	vcvt.s32.f32 v10;
	v12 =	vadd.f32 $-5.000000000e-01, v22;
	v10 =	vadd.f32 $-5.000000000e-01, v13  }
0x5c: {  	v13 =	vadd.s32 $0xFFFFFFFF, v14;
	v14 =	vadd.f32 $-5.000000000e-01, v11;
	v11 =	vadd.f32 $-5.000000000e-01, v8  }
0x5d: {  	v8 =	vsub.f32 v15, v20;
	v15 =	vtrunc.f32 v12;
	v20 =	vtrunc.f32 v10  }
0x5e: {  	v21 =	vshll.u32 v16, v21;
	v15 =	vcvt.f32.s32 v15;
	v20 =	vcvt.f32.s32 v20  }
0x5f: {  	v19 =	vadd.s32 $0xFFFFFFFF, v19;
	v18 =	vsub.s32 v21, v18  }
0x60: {  	v22 =	vtrunc.f32 v14;
	vm12 =	vgt.s32 v15, $0x0;
	vm13 =	vgt.s32 v20, $0x0  }
0x61: {  	v23 =	vtrunc.f32 v11;
	v15 =	vnsel vm12, $0x0, v15;
	v20 =	vnsel vm13, $0x0, v20  }
0x62: {  	v22 =	vcvt.f32.s32 v22;
	v16 =	vmin.u32 v13, v15;
	v15 =	vmin.u32 v19, v20  }
0x63: {  	v20 =	vadd.s32 $0x1, v16;
	v21 =	vshll.u32 v16, v7;
	v25 =	vadd.s32 $0x1, v15  }
0x64: {  	v24 =	vshll.u32 v15, v9;
	vm14 =	vlt.s32 v20, v13;
	vm15 =	vlt.s32 v25, v19  }
0x65: {  	s8 =	simm.s32 $0x80;
	s15 =	simm.s32 $0xFFFFFF00;
	v21 =	vadd.s32 v21, v18;
	v20 =	vsel vm14, v20, v13;
	v18 =	vsel vm15, v25, v19  }
.LBB2_3:
0x66: {  	vm0 =	vgt.s32 v22, $0x0;
	v23 =	vcvt.f32.s32 v23;
	v17 =	vadd.s32 v24, v17;
	s28 =	sadd.s32 $0x10, s28;
	s15 =	sadd.s32 $0x10, s15;
	s30 =	sadd.s32 $0x10, s30  }
0x67: {  	p0 =	sne.s32 s8, $0x780;
	v24 =	vcvt.s32.f32 v16;
	s14 =	smov.u32 s8;
	s8 =	sadd.s32 $0x80, s8;
	v22 =	vnsel vm0, $0x0, v22;
	v17 =	vadd.s32 $0x200000, v17  }
0x68: {  	v25 =	vcvt.s32.f32 v15;
	v22 =	vmin.u32 v13, v22;
	vm0 =	vgt.s32 v23, $0x0  }
0x69: {  	v26 =	vadd.s32 $0x1, v22;
	v27 =	vcvt.s32.f32 v22;
	v23 =	vnsel vm0, $0x0, v23  }
0x6a: {  	v12 =	vsub.f32 v12, v24;
	vm0 =	vlt.s32 v26, v13;
	v23 =	vmin.u32 v19, v23  }
0x6b: {  	v13 =	vsel vm0, v26, v13;
	v14 =	vsub.f32 v14, v27;
	v24 =	vadd.s32 $0x1, v23  }
0x6c: {  	v27 =	vcvt.s32.f32 v23;
	v26 =	vsub.s32 v13, v22;
	vm0 =	vlt.s32 v24, v19  }
0x6d: {  	v12 =	vmax.f32 v12, $0.0e+00;
	v14 =	vmax.f32 v14, $0.0e+00;
	v19 =	vsel vm0, v24, v19  }
0x6e: {  	v11 =	vsub.f32 v11, v27;
	v24 =	vsub.s32 v19, v23;
	v19 =	vadd.s32 v19, v17  }
0x6f: {  	v10 =	vsub.f32 v10, v25;
	[tilespmem:s0+$0x1900] =	vst v19  }
0x70: {  	v11 =	vmax.f32 v11, $0.0e+00  }
0x71: {  	v10 =	vmax.f32 v10, $0.0e+00;
	v17 =	vadd.s32 v23, v17  }
0x72: {  	v16 =	vsub.s32 v20, v16;
	v15 =	vsub.s32 v18, v15;
	v19 =	vadd.s32 $0x200000, v21;
	[tilespmem:s0+$0x1800] =	vst v17  }
0x73: {  	v7 =	vshll.u32 v16, v7;
	v9 =	vshll.u32 v15, v9;
	v18 =	vadd.s32 v22, v19  }
0x74: {  	v9 =	vadd.s32 v17, v9;
	v13 =	vadd.s32 v13, v19;
	v7 =	vadd.s32 v18, v7;
	[tilespmem:s0+$0x1400] =	vst v18  }
0x75: {  	v15 =	vadd.s32 v7, v26;
	[tilespmem:s0+$0x1600] =	vst v7;
	v7 =	vadd.s32 v9, v24  }
0x76: {  	[tilespmem:s0+$0x1500] =	vst v13  }
0x77: {  	[tilespmem:s0+$0x1700] =	vst v15  }
0x78: {  	v13 =	vmin.f32 v14, $1.000000000e+00;
	[tilespmem:s0+$0x1A00] =	vst v9  }
0x79: {  	v9 =	vmin.f32 v12, $1.000000000e+00;
	[tilespmem:s0+$0x1B00] =	vst v7  }
0x7a: {  	v7 =	vmin.f32 v11, $1.000000000e+00;
	[tilespmem:s25+$0x7100] =	vst v13  }
0x7b: {  	s12 =	sand.u32 $0xFFFFFC00, s14;
	v10 =	vmin.f32 v10, $1.000000000e+00;
	s0 =	sadd.s32 $0x100, s15;
	[tilespmem:s2+$0x7000] =	vst v9  }
0x7c: {  	s14 =	sand.u32 $0x400, s14;
	s12 =	sadd.s32 s12, s28;
	s2 =	sand.u32 $0x70, s0;
	[tilespmem:s25+$0x7200] =	vst v7  }
0x7d: {  	s14 =	sor.u32 s2, s14;
	s2 =	sor.u32 $0x80, s12;
	[tilespmem:s3+$0x7000] =	vst v10  }
0x7e: {  	v7 =	vld [tilespmem:s14+$0x100];
	[tilespmem:s25+$0x7300] =	vst v8;
	s25 =	smov.u32 s14  }
0x7f: {  	v8 =	vld [tilespmem:s25+$0x0]  }
0x80: {  	v9 =	vld [tilespmem:s2+$0x0];
	_ =	sdelay $0x2  }
0x81: {  	v10 =	vand.u32 $0x7FFFFFFF, v7;
	vm0 =	vgt.f32 v7, $0.0e+00;
	v11 =	vsub.f32 $0.0e+00, v7  }
0x82: {  	v12 =	vand.u32 $0x7FFFFFFF, v8;
	vm1 =	vgt.f32 v8, $0.0e+00;
	v13 =	vsub.f32 $0.0e+00, v8  }
0x83: {  	v14 =	vand.u32 $0x7FFFFFFF, v9;
	vm2 =	vlt.f32 v12, v10;
	vm1 =	vmneg vm1  }
0x84: {  	vm4 =	vge.f32 v12, v10;
	vm3 =	vge.f32 v12, v14;
	vm5 =	vlt.f32 v12, v14  }
0x85: {  	vm3 =	vmneg vm3;
	vm2 =	vmor vm5, vm2;
	vm5 =	vge.f32 v14, v10  }
0x86: {  	v15 =	vsel vm0, $0x4, v4;
	vm4 =	vmneg vm4;
	vm2 =	vmand vm5, vm2  }
0x87: {  	vm3 =	vmor vm3, vm4;
	v10 =	vsel vm2, v14, v10;
	vm0 =	vmor vm2, vm0  }
0x88: {  	v10 =	vsel vm3, v10, v12;
	v12 =	vsel vm1, v7, v11;
	v8 =	vsel vm0, v8, v13  }
0x89: {  	vm0 =	vgt.f32 v9, $0.0e+00;
	v10 =	vmax.f32 v10, $9.999999960e-13;
	v8 =	vsel vm3, v8, v12  }
0x8a: {  	v12 =	vsel vm0, $0x2, v2;
	v7 =	vsel vm0, v7, v11;
	(erf) = vrcp.f32 v10  }
0x8b: {  	vm0 =	vmand vm3, vm2;
	v10 =	vsel vm1, $0x1, v1;
	v11 =	vsel vm2, v12, v15  }
0x8c: {  	v10 =	vsel vm3, v11, v10;
	_ =	sdelay $0x4  }
0x8d: {  	v11 =	vsub.f32 $0.0e+00, v9;
	_ =	sdelay $0x1  }
0x8e: {  	v7 =	vsel vm0, v7, v11;
	v9 =	vpop (erf)  }
0x8f: {  	v8 =	vmul.f32 v9, v8;
	v7 =	vmul.f32 v9, v7;
	_ =	sdelay $0x1  }
0x90: {  	v8 =	vadd.f32 $1.000000000e+00, v8;
	v7 =	vadd.f32 $1.000000000e+00, v7;
	_ =	sdelay $0x1  }
0x91: {  	v8 =	vmul.f32 $5.000000000e-01, v8;
	v7 =	vmul.f32 $5.000000000e-01, v7;
	_ =	sdelay $0x1  }
0x92: {  	v8 =	vmul.f32 $1.600000000e+01, v8;
	v7 =	vmul.f32 $1.600000000e+01, v7;
	_ =	sdelay $0x1  }
0x93: {  	v8 =	vadd.f32 $-5.000000000e-01, v8;
	v7 =	vadd.f32 $-5.000000000e-01, v7;
	_ =	sdelay $0x1  }
0x94: {  	v9 =	vtrunc.f32 v8;
	v11 =	vtrunc.f32 v7  }
0x95: {  	v9 =	vcvt.f32.s32 v9;
	v11 =	vcvt.f32.s32 v11;
	_ =	sdelay $0x1  }
0x96: {  	vm0 =	vgt.s32 v9, $0x0;
	vm1 =	vgt.s32 v11, $0x0  }
0x97: {  	v10 =	vshll.u32 v10, $0x8;
	v9 =	vnsel vm0, $0x0, v9;
	v11 =	vnsel vm1, $0x0, v11  }
0x98: {  	v12 =	vmin.u32 v11, $0xF;
	v13 =	vmin.u32 v9, $0xE;
	v11 =	vmin.u32 v11, $0xE  }
0x99: {  	v9 =	vmin.u32 v9, $0xF;
	v11 =	vsub.s32 v11, v12;
	v14 =	vshll.u32 v12, $0x4  }
0x9a: {  	v15 =	vcvt.s32.f32 v9;
	v11 =	vshll.u32 v11, $0x4;
	v10 =	vor.u32 v14, v10  }
0x9b: {  	v13 =	vsub.s32 v13, v9;
	v9 =	vor.u32 v9, v10;
	v10 =	vadd.s32 $0x10, v11  }
0x9c: {  	v11 =	vadd.s32 $0x1, v13;
	v8 =	vsub.f32 v8, v15;
	v9 =	vadd.s32 $0x1FFE00, v9  }
0x9d: {  	v12 =	vcvt.s32.f32 v12;
	v13 =	vadd.s32 v11, v9;
	v10 =	vadd.s32 v10, v9  }
0x9e: {  	s0 =	sand.u32 $0xF0, s0;
	v8 =	vmax.f32 v8, $0.0e+00;
	v11 =	vadd.s32 v11, v10;
	[tilespmem:s30+$0x0] =	vst v9  }
0x9f: {  	v7 =	vsub.f32 v7, v12;
	v8 =	vmin.f32 v8, $1.000000000e+00;
	[tilespmem:s0+$0x1300] =	vst v11  }
0xa0: {  	[tilespmem:s0+$0x1200] =	vst v10  }
0xa1: {  	v7 =	vmax.f32 v7, $0.0e+00;
	[tilespmem:s0+$0x1100] =	vst v13  }
0xa2: {  	v7 =	vmin.f32 v7, $1.000000000e+00;
	[tilespmem:s25+$0x7000] =	vst v8  }
0xa3: {  	[tilespmem:s2+$0x7000] =	vst v7  }
0xa4: {  	s2 =	sor.u32 $0x180, s12;
	v7 =	vld [tilespmem:s25+$0x200]  }
0xa5: {  	s3 =	sor.u32 $0x280, s12;
	v8 =	vld [tilespmem:s2+$0x0]  }
0xa6: {  	v9 =	vld [tilespmem:s3+$0x0];
	_ =	sdelay $0x2  }
0xa7: {  	vm0 =	vgt.f32 v7, $0.0e+00  }
0xa8: {  	v11 =	vand.u32 $0x7FFFFFFF, v7;
	v10 =	vand.u32 $0x7FFFFFFF, v8;
	vm1 =	vgt.f32 v8, $0.0e+00  }
0xa9: {  	v12 =	vld [tilespmem:s25+$0x300];
	v13 =	vand.u32 $0x7FFFFFFF, v9;
	vm2 =	vlt.f32 v10, v11;
	vm3 =	vgt.f32 v9, $0.0e+00  }
0xaa: {  	vm4 =	vge.f32 v10, v13;
	vm5 =	vlt.f32 v10, v13;
	v14 =	vsel vm3, $0x4, v4  }
0xab: {  	v15 =	vsub.f32 $0.0e+00, v9;
	vm4 =	vmneg vm4;
	vm2 =	vmor vm2, vm5  }
0xac: {  	vm1 =	vmneg vm1;
	vm6 =	vge.f32 v11, v13;
	vm5 =	vge.f32 v10, v11  }
0xad: {  	v16 =	vsub.f32 $0.0e+00, v8;
	vm5 =	vmneg vm5;
	vm6 =	vmand vm6, vm2  }
0xae: {  	vm2 =	vmor vm5, vm4;
	v17 =	vmax.f32 v12, $7.999999820e-02;
	v18 =	vmax.f32 v12, $5.000000000e-01  }
0xaf: {  	v11 =	vsel vm6, v11, v13;
	v13 =	vmin.f32 v17, $5.000000000e-01;
	v17 =	vmin.f32 v18, $1.000000000e+00  }
0xb0: {  	v10 =	vsel vm2, v11, v10;
	v11 =	vadd.f32 $-7.999999820e-02, v13;
	v13 =	vadd.f32 $-5.000000000e-01, v17  }
0xb1: {  	vm4 =	vmor vm6, vm3;
	vm3 =	vmand vm2, vm6;
	v17 =	vsel vm1, v9, v15  }
0xb2: {  	v10 =	vmax.f32 v10, $9.999999960e-13;
	v11 =	vmul.f32 v11, v0;
	v13 =	vmul.f32 v13, v3  }
0xb3: {  	v18 =	vsel vm0, $0x2, v2;
	v9 =	vsel vm0, v9, v15;
	(erf) = vrcp.f32 v10  }
0xb4: {  	v10 =	vsel vm6, v18, v14;
	v11 =	vmul.f32 $4.000000000e+00, v11;
	v13 =	vadd.f32 $4.000000000e+00, v13  }
0xb5: {  	v8 =	vsel vm4, v8, v16;
	vm0 =	vlt.f32 v12, $5.000000000e-01  }
0xb6: {  	v8 =	vsel vm2, v8, v17;
	v15 =	vsel vm0, v11, v13  }
0xb7: {  	v11 =	vtrunc.f32 v15  }
0xb8: {  	v11 =	vcvt.f32.s32 v11;
	_ =	sdelay $0x1  }
0xb9: {  	v7 =	vsub.f32 $0.0e+00, v7;
	v13 =	vsel vm1, $0x1, v1;
	vm0 =	vlt.s32 v11, $0x5  }
0xba: {  	v16 =	vsel vm2, v10, v13;
	v10 =	vnsel vm0, $0x5, v11;
	vm0 =	vlt.s32 v11, $0x4  }
0xbb: {  	v9 =	vsel vm3, v9, v7;
	v7 =	vsub.s32 $0x9, v10;
	v18 =	vshll.u32 v10, $0x1;
	v12 =	vpop (erf)  }
0xbc: {  	v11 =	vnsel vm0, $0x4, v11;
	v13 =	vmul.f32 v12, v9;
	v14 =	vshll.u32 v5, v7  }
0xbd: {  	v8 =	vmul.f32 v12, v8;
	v9 =	vsub.s32 $0x8, v11;
	v12 =	vcvt.s32.f32 v14  }
0xbe: {  	v11 =	vshll.u32 v11, $0x1;
	v19 =	vshll.u32 v5, v9;
	v13 =	vadd.f32 $1.000000000e+00, v13  }
0xbf: {  	v17 =	vadd.s32 $0x2, v11;
	v8 =	vadd.f32 $1.000000000e+00, v8;
	v20 =	vcvt.s32.f32 v19  }
0xc0: {  	v11 =	vsub.s32 $0x10, v11;
	v17 =	vshrl.u32 v6, v17;
	v13 =	vmul.f32 $5.000000000e-01, v13  }
0xc1: {  	v21 =	vsub.s32 $0x12, v18;
	v11 =	vshll.u32 v16, v11;
	v8 =	vmul.f32 $5.000000000e-01, v8  }
0xc2: {  	v17 =	vsub.s32 v11, v17;
	v22 =	vmul.f32 v12, v13;
	v13 =	vmul.f32 v20, v13  }
0xc3: {  	v11 =	vmul.f32 v12, v8;
	v8 =	vmul.f32 v20, v8  }
0xc4: {  	v20 =	vcvt.s32.f32 v10;
	v12 =	vadd.f32 $-5.000000000e-01, v22;
	v10 =	vadd.f32 $-5.000000000e-01, v13  }
0xc5: {  	v13 =	vadd.s32 $0xFFFFFFFF, v14;
	v14 =	vadd.f32 $-5.000000000e-01, v11;
	v11 =	vadd.f32 $-5.000000000e-01, v8  }
0xc6: {  	v8 =	vsub.f32 v15, v20;
	v15 =	vtrunc.f32 v12;
	v20 =	vtrunc.f32 v10  }
0xc7: {  	v18 =	vshrl.u32 v6, v18;
	v15 =	vcvt.f32.s32 v15;
	v20 =	vcvt.f32.s32 v20  }
0xc8: {  	v21 =	vshll.u32 v16, v21;
	v22 =	vtrunc.f32 v14;
	v23 =	vtrunc.f32 v11  }
0xc9: {  	v22 =	vcvt.f32.s32 v22;
	vm0 =	vgt.s32 v15, $0x0;
	vm1 =	vgt.s32 v20, $0x0  }
.Ltmp0:
0xca: {  	v19 =	vadd.s32 $0xFFFFFFFF, v19;
	v15 =	vnsel vm0, $0x0, v15;
	v20 =	vnsel vm1, $0x0, v20;
	(pc) =	sbr.rel @p0 .LBB2_3-.Ltmp0, $4  }
0xcb: {  	v18 =	vsub.s32 v21, v18;
	v16 =	vmin.u32 v13, v15;
	v15 =	vmin.u32 v19, v20  }
0xcc: {  	v20 =	vadd.s32 $0x1, v16;
	v21 =	vshll.u32 v16, v7;
	v25 =	vadd.s32 $0x1, v15  }
0xcd: {  	v24 =	vshll.u32 v15, v9;
	vm0 =	vlt.s32 v20, v13;
	vm1 =	vlt.s32 v25, v19  }
0xce: {  	v21 =	vadd.s32 v21, v18;
	v20 =	vsel vm0, v20, v13;
	v18 =	vsel vm1, v25, v19  }
0xcf: {  	v23 =	vcvt.f32.s32 v23  }
0xd0: {  	vm6 =	vgt.s32 v22, $0x0  }
0xd1: {  	v17 =	vadd.s32 v24, v17;
	v25 =	vcvt.s32.f32 v16;
	vm0 =	vgt.s32 v23, $0x0  }
0xd2: {  	v26 =	vcvt.s32.f32 v15;
	v16 =	vsub.s32 v20, v16;
	v23 =	vnsel vm0, $0x0, v23  }
0xd3: {  	v20 =	vadd.s32 $0x200000, v21;
	v22 =	vnsel vm6, $0x0, v22;
	v23 =	vmin.u32 v19, v23  }
0xd4: {  	v15 =	vsub.s32 v18, v15;
	v22 =	vmin.u32 v13, v22;
	v24 =	vadd.s32 $0x1, v23  }
0xd5: {  	v7 =	vshll.u32 v16, v7;
	v21 =	vadd.s32 v22, v20;
	vm7 =	vlt.s32 v24, v19  }
0xd6: {  	v17 =	vadd.s32 $0x200000, v17;
	v7 =	vadd.s32 v21, v7;
	[tilespmem:s0+$0x1400] =	vst v21;
	v19 =	vsel vm7, v24, v19  }
0xd7: {  	v27 =	vcvt.s32.f32 v22;
	[tilespmem:s0+$0x1600] =	vst v7;
	v24 =	vadd.s32 $0x1, v22;
	v28 =	vadd.s32 v19, v17  }
0xd8: {  	v9 =	vshll.u32 v15, v9;
	v17 =	vadd.s32 v23, v17;
	vm8 =	vlt.s32 v24, v13;
	[tilespmem:s0+$0x1900] =	vst v28  }
0xd9: {  	v14 =	vsub.f32 v14, v27;
	[tilespmem:s0+$0x1800] =	vst v17;
	v13 =	vsel vm8, v24, v13;
	v9 =	vadd.s32 v17, v9  }
0xda: {  	v18 =	vcvt.s32.f32 v23;
	v16 =	vsub.s32 v13, v22;
	v13 =	vadd.s32 v13, v20;
	[tilespmem:s0+$0x1A00] =	vst v9  }
0xdb: {  	v12 =	vsub.f32 v12, v25;
	v7 =	vadd.s32 v7, v16;
	[tilespmem:s0+$0x1500] =	vst v13;
	v13 =	vsub.s32 v19, v23  }
0xdc: {  	v11 =	vsub.f32 v11, v18;
	[tilespmem:s0+$0x1700] =	vst v7;
	v7 =	vmax.f32 v14, $0.0e+00;
	v13 =	vadd.s32 v9, v13  }
0xdd: {  	v10 =	vsub.f32 v10, v26;
	v9 =	vmax.f32 v12, $0.0e+00;
	v7 =	vmin.f32 v7, $1.000000000e+00;
	[tilespmem:s0+$0x1B00] =	vst v13  }
0xde: {  	v11 =	vmax.f32 v11, $0.0e+00;
	v9 =	vmin.f32 v9, $1.000000000e+00;
	[tilespmem:s25+$0x7100] =	vst v7  }
0xdf: {  	v7 =	vmax.f32 v10, $0.0e+00;
	v10 =	vmin.f32 v11, $1.000000000e+00;
	[tilespmem:s2+$0x7000] =	vst v9  }
0xe0: {  	v7 =	vmin.f32 v7, $1.000000000e+00;
	[tilespmem:s25+$0x7200] =	vst v10  }
0xe1: {  	[tilespmem:s3+$0x7000] =	vst v7  }
0xe2: {  	s8 =	simm.s32 $0x2800;
	s0 =	simm.s32 $0x1000;
	[tilespmem:s25+$0x7300] =	vst v8  }
0xe3: {  	[tilespmem:s8], [sflag:$0x1] =	stream.indirect.gather [hbm4b:s5+s11], $0x1, s0, s11, $0xb8;
	[tilespmem:$0x9000] =	vst v63  }
0xe4: {  	s12 =	simm.s32 $0x2A00;
	s2 =	simm.s32 $0x1200  }
0xe5: {  	[tilespmem:s12], [sflag:$0x1] =	stream.indirect.gather [hbm4b:s5+s11], $0x1, s2, s11, $0xb8;
	[tilespmem:$0x9000] =	vst v63  }
0xe6: {  	s3 =	simm.s32 $0x1400;
	s8 =	simm.s32 $0x2C00  }
0xe7: {  	[tilespmem:s8], [sflag:$0x1] =	stream.indirect.gather [hbm4b:s5+s11], $0x1, s3, s11, $0xb8;
	[tilespmem:$0x9000] =	vst v63  }
0xe8: {  	s14 =	simm.s32 $0x2E00  }
0xe9: {  	[tilespmem:s14], [sflag:$0x1] =	stream.indirect.gather [hbm4b:s5+s11], $0x1, s18, s11, $0xb8;
	[tilespmem:$0x9000] =	vst v63  }
0xea: {  	s15 =	simm.s32 $0x3000  }
0xeb: {  	[tilespmem:s15], [sflag:$0x1] =	stream.indirect.gather [hbm4b:s5+s11], $0x1, s20, s11, $0xb8;
	[tilespmem:$0x9000] =	vst v63  }
0xec: {  	s16 =	simm.s32 $0x3200  }
0xed: {  	[tilespmem:s16], [sflag:$0x1] =	stream.indirect.gather [hbm4b:s5+s11], $0x1, s22, s11, $0xb8;
	[tilespmem:$0x9000] =	vst v63  }
0xee: {  	s25 =	simm.s32 $0x3400  }
0xef: {  	[tilespmem:s25], [sflag:$0x1] =	stream.indirect.gather [hbm4b:s6+s11], $0x1, s0, s11, $0xb8;
	[tilespmem:$0x9000] =	vst v63  }
0xf0: {  	s12 =	simm.s32 $0x3600  }
0xf1: {  	[tilespmem:s12], [sflag:$0x1] =	stream.indirect.gather [hbm4b:s6+s11], $0x1, s2, s11, $0xb8;
	[tilespmem:$0x9000] =	vst v63  }
0xf2: {  	s14 =	simm.s32 $0x3800  }
0xf3: {  	[tilespmem:s14], [sflag:$0x1] =	stream.indirect.gather [hbm4b:s6+s11], $0x1, s3, s11, $0xb8;
	[tilespmem:$0x9000] =	vst v63  }
0xf4: {  	s15 =	simm.s32 $0x3A00  }
0xf5: {  	[tilespmem:s15], [sflag:$0x1] =	stream.indirect.gather [hbm4b:s6+s11], $0x1, s18, s11, $0xb8;
	[tilespmem:$0x9000] =	vst v63  }
0xf6: {  	s16 =	simm.s32 $0x3C00  }
0xf7: {  	[tilespmem:s16], [sflag:$0x1] =	stream.indirect.gather [hbm4b:s6+s11], $0x1, s20, s11, $0xb8;
	[tilespmem:$0x9000] =	vst v63  }
0xf8: {  	s25 =	simm.s32 $0x3E00  }
0xf9: {  	[tilespmem:s25], [sflag:$0x1] =	stream.indirect.gather [hbm4b:s6+s11], $0x1, s22, s11, $0xb8;
	[tilespmem:$0x9000] =	vst v63  }
0xfa: {  	s12 =	simm.s32 $0x4000  }
0xfb: {  	[tilespmem:s12], [sflag:$0x1] =	stream.indirect.gather [hbm4b:s1+s11], $0x1, s0, s11, $0xb8;
	[tilespmem:$0x9000] =	vst v63  }
0xfc: {  	s14 =	simm.s32 $0x4200  }
0xfd: {  	[tilespmem:s14], [sflag:$0x1] =	stream.indirect.gather [hbm4b:s1+s11], $0x1, s2, s11, $0xb8;
	[tilespmem:$0x9000] =	vst v63  }
0xfe: {  	s15 =	simm.s32 $0x4400  }
0xff: {  	[tilespmem:s15], [sflag:$0x1] =	stream.indirect.gather [hbm4b:s1+s11], $0x1, s3, s11, $0xb8;
	[tilespmem:$0x9000] =	vst v63  }
0x100: {  	s16 =	simm.s32 $0x4600  }
0x101: {  	[tilespmem:s16], [sflag:$0x1] =	stream.indirect.gather [hbm4b:s1+s11], $0x1, s18, s11, $0xb8;
	[tilespmem:$0x9000] =	vst v63  }
0x102: {  	s25 =	simm.s32 $0x4800  }
0x103: {  	[tilespmem:s25], [sflag:$0x1] =	stream.indirect.gather [hbm4b:s1+s11], $0x1, s20, s11, $0xb8;
	[tilespmem:$0x9000] =	vst v63  }
0x104: {  	s2 =	simm.s32 $0x4A00;
	s25 =	sor.u32 $0x100, s23  }
0x105: {  	[tilespmem:s2], [sflag:$0x1] =	stream.indirect.gather [hbm4b:s1+s11], $0x1, s22, s11, $0xb8;
	[tilespmem:$0x9000] =	vst v63  }
0x106: {  	s30 =	simm.s32 $0x0;
	s8 =	simm.s32 $0x800;
	s3 =	sadd.s32 s4, s25  }
0x107: {  	[tilespmem:s8], [sflag:$0x3] =	stream.linear.gather [hbm4b:s3+s30], $0x800, $0x38;
	[tilespmem:$0x9000] =	vst v63  }
0x108: {  	s3 =	simm.s32 $0x0;
	_ =	swait.ge [sflag:s10], $0x800  }
0x109: {  	s14 =	sand.u32 $0x400, s30;
	s12 =	sand.u32 $0x70, s3;
	[sflag:s10] =	ssyncset.done $0x0  }
0x10a: {  	s15 =	sand.u32 $0xFFFFFC00, s30;
	s28 =	sor.u32 s12, s14;
	[sflag:s10] =	ssyncadd.s32 $0xFFFFF800  }
0x10b: {  	s16 =	sadd.s32 $0x0, s15;
	v7 =	vld [tilespmem:s28+$0x900]  }
0x10c: {  	s8 =	sor.u32 $0x80, s16;
	v8 =	vld [tilespmem:s28+$0x800]  }
0x10d: {  	v9 =	vld [tilespmem:s8+$0x800];
	_ =	sdelay $0x4  }
0x10e: {  	v10 =	vand.u32 $0x7FFFFFFF, v7;
	v11 =	vand.u32 $0x7FFFFFFF, v8;
	v12 =	vand.u32 $0x7FFFFFFF, v9  }
0x10f: {  	vm9 =	vlt.f32 v11, v10;
	vm1 =	vge.f32 v11, v12;
	vm2 =	vlt.f32 v11, v12  }
0x110: {  	vm3 =	vge.f32 v11, v10;
	vm10 =	vge.f32 v12, v10;
	vm0 =	vmor vm2, vm9  }
0x111: {  	vm4 =	vmneg vm1;
	vm3 =	vmneg vm3;
	vm11 =	vmand vm10, vm0  }
0x112: {  	vm12 =	vmor vm4, vm3;
	v10 =	vsel vm11, v12, v10  }
0x113: {  	v10 =	vsel vm12, v10, v11  }
0x114: {  	v10 =	vmax.f32 v10, $9.999999960e-13  }
0x115: {  	(erf) = vrcp.f32 v10;
	_ =	sdelay $0x4  }
0x116: {  	vm13 =	vgt.f32 v7, $0.0e+00;
	vm14 =	vgt.f32 v8, $0.0e+00;
	v10 =	vsub.f32 $0.0e+00, v7  }
0x117: {  	vm15 =	vgt.f32 v9, $0.0e+00;
	v9 =	vsub.f32 $0.0e+00, v9;
	v11 =	vsub.f32 $0.0e+00, v8  }
0x118: {  	vm3 =	vmneg vm14;
	vm5 =	vmor vm11, vm13;
	vm6 =	vmand vm12, vm11  }
0x119: {  	v8 =	vsel vm5, v8, v11;
	v12 =	vsel vm15, v7, v10;
	v7 =	vsel vm3, v7, v10  }
0x11a: {  	v9 =	vsel vm6, v12, v9;
	v7 =	vsel vm12, v8, v7;
	v10 =	vpop (erf)  }
0x11b: {  	v8 =	vmul.f32 v10, v9;
	v7 =	vmul.f32 v10, v7;
	_ =	sdelay $0x1  }
0x11c: {  	v8 =	vadd.f32 $1.000000000e+00, v8;
	v7 =	vadd.f32 $1.000000000e+00, v7;
	_ =	sdelay $0x1  }
0x11d: {  	v8 =	vmul.f32 $5.000000000e-01, v8;
	v7 =	vmul.f32 $5.000000000e-01, v7;
	_ =	sdelay $0x1  }
0x11e: {  	v8 =	vmul.f32 $1.600000000e+01, v8;
	v7 =	vmul.f32 $1.600000000e+01, v7;
	_ =	sdelay $0x1  }
0x11f: {  	v8 =	vadd.f32 $-5.000000000e-01, v8;
	v7 =	vadd.f32 $-5.000000000e-01, v7;
	_ =	sdelay $0x1  }
0x120: {  	v9 =	vtrunc.f32 v8;
	v10 =	vtrunc.f32 v7  }
0x121: {  	v9 =	vcvt.f32.s32 v9;
	v10 =	vcvt.f32.s32 v10  }
0x122: {  	v13 =	vsel vm3, $0x1, v1;
	v11 =	vsel vm13, $0x4, v4;
	v12 =	vsel vm15, $0x2, v2  }
0x123: {  	v11 =	vsel vm11, v12, v11;
	vm5 =	vgt.s32 v9, $0x0;
	vm6 =	vgt.s32 v10, $0x0  }
0x124: {  	v11 =	vsel vm12, v11, v13;
	v9 =	vnsel vm5, $0x0, v9;
	v10 =	vnsel vm6, $0x0, v10  }
0x125: {  	v11 =	vshll.u32 v11, $0x8;
	v12 =	vmin.u32 v9, $0xF;
	v13 =	vmin.u32 v10, $0xE  }
0x126: {  	v9 =	vmin.u32 v9, $0xE;
	v10 =	vmin.u32 v10, $0xF;
	v14 =	vshll.u32 v12, $0x4  }
0x127: {  	v9 =	vsub.s32 v9, v12;
	v12 =	vcvt.s32.f32 v12;
	v11 =	vor.u32 v14, v11  }
0x128: {  	v9 =	vshll.u32 v9, $0x4;
	v14 =	vcvt.s32.f32 v10;
	v11 =	vor.u32 v10, v11  }
0x129: {  	s0 =	simm.s32 $0x1C00;
	v10 =	vsub.s32 v13, v10;
	v9 =	vadd.s32 $0x10, v9;
	v11 =	vadd.s32 $0x1FFE00, v11  }
0x12a: {  	s3 =	sand.u32 $0xF0, s3;
	v10 =	vadd.s32 $0x1, v10;
	v7 =	vsub.f32 v7, v14;
	v9 =	vadd.s32 v9, v11;
	[tilespmem:s0+$0x0] =	vst v11  }
0x12b: {  	v8 =	vsub.f32 v8, v12;
	v13 =	vadd.s32 v10, v9;
	[tilespmem:s3+$0x1E00] =	vst v9  }
0x12c: {  	v10 =	vadd.s32 v10, v11;
	v7 =	vmax.f32 v7, $0.0e+00;
	[tilespmem:s3+$0x1F00] =	vst v13  }
0x12d: {  	v8 =	vmax.f32 v8, $0.0e+00;
	v7 =	vmin.f32 v7, $1.000000000e+00;
	[tilespmem:s3+$0x1D00] =	vst v10  }
0x12e: {  	v8 =	vmin.f32 v8, $1.000000000e+00;
	[tilespmem:s28+$0x7800] =	vst v7  }
0x12f: {  	[tilespmem:s8+$0x7800] =	vst v8  }
0x130: {  	s15 =	sor.u32 $0x180, s16;
	v7 =	vld [tilespmem:s28+$0xA00]  }
0x131: {  	s2 =	sor.u32 $0x280, s16;
	v8 =	vld [tilespmem:s15+$0x800]  }
0x132: {  	v9 =	vld [tilespmem:s2+$0x800]  }
0x133: {  	v10 =	vld [tilespmem:s28+$0xB00];
	_ =	sdelay $0x3  }
0x134: {  	v11 =	vand.u32 $0x7FFFFFFF, v8;
	v12 =	vand.u32 $0x7FFFFFFF, v7  }
0x135: {  	v13 =	vand.u32 $0x7FFFFFFF, v9;
	v14 =	vmax.f32 v10, $7.999999820e-02;
	v15 =	vmax.f32 v10, $5.000000000e-01  }
0x136: {  	vm7 =	vlt.f32 v11, v12;
	vm8 =	vge.f32 v11, v13;
	vm9 =	vlt.f32 v11, v13  }
0x137: {  	vm10 =	vge.f32 v11, v12;
	vm11 =	vge.f32 v12, v13;
	v14 =	vmin.f32 v14, $5.000000000e-01  }
0x138: {  	vm1 =	vmneg vm8;
	vm0 =	vmor vm7, vm9;
	vm3 =	vmneg vm10  }
0x139: {  	v15 =	vmin.f32 v15, $1.000000000e+00;
	vm2 =	vmand vm11, vm0;
	vm12 =	vmor vm3, vm1  }
0x13a: {  	v12 =	vsel vm2, v12, v13;
	v13 =	vadd.f32 $-7.999999820e-02, v14;
	v14 =	vadd.f32 $-5.000000000e-01, v15  }
0x13b: {  	vm13 =	vgt.f32 v7, $0.0e+00;
	v11 =	vsel vm12, v12, v11  }
0x13c: {  	v11 =	vmax.f32 v11, $9.999999960e-13;
	v12 =	vmul.f32 v13, v0;
	v13 =	vmul.f32 v14, v3  }
0x13d: {  	vm14 =	vgt.f32 v8, $0.0e+00;
	vm15 =	vgt.f32 v9, $0.0e+00;
	(erf) = vrcp.f32 v11  }
0x13e: {  	v7 =	vsub.f32 $0.0e+00, v7;
	v11 =	vmul.f32 $4.000000000e+00, v12;
	v12 =	vadd.f32 $4.000000000e+00, v13  }
0x13f: {  	v16 =	vsel vm13, $0x2, v2;
	vm8 =	vlt.f32 v10, $5.000000000e-01;
	v10 =	vsub.f32 $0.0e+00, v8  }
0x140: {  	vm3 =	vmneg vm14;
	vm4 =	vmor vm2, vm15;
	v15 =	vsel vm8, v11, v12  }
0x141: {  	vm9 =	vmand vm12, vm2;
	v14 =	vsub.f32 $0.0e+00, v9;
	v12 =	vtrunc.f32 v15  }
0x142: {  	v8 =	vsel vm4, v8, v10;
	v13 =	vsel vm15, $0x4, v4;
	v12 =	vcvt.f32.s32 v12  }
0x143: {  	v10 =	vsel vm3, $0x1, v1;
	v13 =	vsel vm2, v16, v13;
	v11 =	vsel vm3, v9, v14  }
0x144: {  	v9 =	vsel vm13, v9, v14;
	v16 =	vsel vm12, v13, v10;
	vm10 =	vlt.s32 v12, $0x5  }
0x145: {  	v8 =	vsel vm12, v8, v11;
	vm11 =	vlt.s32 v12, $0x4;
	v10 =	vnsel vm10, $0x5, v12  }
0x146: {  	v9 =	vsel vm9, v9, v7;
	v12 =	vnsel vm11, $0x4, v12;
	v7 =	vsub.s32 $0x9, v10;
	v11 =	vpop (erf)  }
0x147: {  	v18 =	vshll.u32 v10, $0x1;
	v13 =	vmul.f32 v11, v9;
	v14 =	vshll.u32 v5, v7  }
0x148: {  	v8 =	vmul.f32 v11, v8;
	v9 =	vsub.s32 $0x8, v12;
	v12 =	vshll.u32 v12, $0x1  }
0x149: {  	v21 =	vsub.s32 $0x12, v18;
	v18 =	vshrl.u32 v6, v18;
	v13 =	vadd.f32 $1.000000000e+00, v13  }
0x14a: {  	v11 =	vcvt.s32.f32 v14;
	v19 =	vshll.u32 v5, v9;
	v8 =	vadd.f32 $1.000000000e+00, v8  }
0x14b: {  	v17 =	vadd.s32 $0x2, v12;
	v20 =	vcvt.s32.f32 v19;
	v13 =	vmul.f32 $5.000000000e-01, v13  }
0x14c: {  	v12 =	vsub.s32 $0x10, v12;
	v17 =	vshrl.u32 v6, v17;
	v8 =	vmul.f32 $5.000000000e-01, v8  }
0x14d: {  	v12 =	vshll.u32 v16, v12;
	v22 =	vmul.f32 v11, v13;
	v13 =	vmul.f32 v20, v13  }
0x14e: {  	v17 =	vsub.s32 v12, v17;
	v11 =	vmul.f32 v11, v8;
	v8 =	vmul.f32 v20, v8  }
0x14f: {  	v20 =	vcvt.s32.f32 v10;
	v12 =	vadd.f32 $-5.000000000e-01, v22;
	v10 =	vadd.f32 $-5.000000000e-01, v13  }
0x150: {  	v13 =	vadd.s32 $0xFFFFFFFF, v14;
	v14 =	vadd.f32 $-5.000000000e-01, v11;
	v11 =	vadd.f32 $-5.000000000e-01, v8  }
0x151: {  	v8 =	vsub.f32 v15, v20;
	v15 =	vtrunc.f32 v12;
	v20 =	vtrunc.f32 v10  }
0x152: {  	v21 =	vshll.u32 v16, v21;
	v15 =	vcvt.f32.s32 v15;
	v20 =	vcvt.f32.s32 v20  }
0x153: {  	v19 =	vadd.s32 $0xFFFFFFFF, v19;
	v18 =	vsub.s32 v21, v18  }
0x154: {  	v22 =	vtrunc.f32 v14;
	vm12 =	vgt.s32 v15, $0x0;
	vm13 =	vgt.s32 v20, $0x0  }
0x155: {  	v23 =	vtrunc.f32 v11;
	v15 =	vnsel vm12, $0x0, v15;
	v20 =	vnsel vm13, $0x0, v20  }
0x156: {  	v22 =	vcvt.f32.s32 v22;
	v16 =	vmin.u32 v13, v15;
	v15 =	vmin.u32 v19, v20  }
0x157: {  	v20 =	vadd.s32 $0x1, v16;
	v21 =	vshll.u32 v16, v7;
	v25 =	vadd.s32 $0x1, v15  }
0x158: {  	v24 =	vshll.u32 v15, v9;
	vm14 =	vlt.s32 v20, v13;
	vm15 =	vlt.s32 v25, v19  }
0x159: {  	s12 =	simm.s32 $0x80;
	s8 =	simm.s32 $0xFFFFFF00;
	v21 =	vadd.s32 v21, v18;
	v20 =	vsel vm14, v20, v13;
	v18 =	vsel vm15, v25, v19  }
.LBB2_5:
0x15a: {  	vm0 =	vgt.s32 v22, $0x0;
	v23 =	vcvt.f32.s32 v23;
	v17 =	vadd.s32 v24, v17;
	s30 =	sadd.s32 $0x10, s30;
	s8 =	sadd.s32 $0x10, s8;
	s0 =	sadd.s32 $0x10, s0  }
0x15b: {  	p0 =	sne.s32 s12, $0x780;
	v24 =	vcvt.s32.f32 v16;
	s16 =	smov.u32 s12;
	s12 =	sadd.s32 $0x80, s12;
	v22 =	vnsel vm0, $0x0, v22;
	v17 =	vadd.s32 $0x200000, v17  }
0x15c: {  	v25 =	vcvt.s32.f32 v15;
	v22 =	vmin.u32 v13, v22;
	vm0 =	vgt.s32 v23, $0x0  }
0x15d: {  	v26 =	vadd.s32 $0x1, v22;
	v27 =	vcvt.s32.f32 v22;
	v23 =	vnsel vm0, $0x0, v23  }
0x15e: {  	v12 =	vsub.f32 v12, v24;
	vm0 =	vlt.s32 v26, v13;
	v23 =	vmin.u32 v19, v23  }
0x15f: {  	v13 =	vsel vm0, v26, v13;
	v14 =	vsub.f32 v14, v27;
	v24 =	vadd.s32 $0x1, v23  }
0x160: {  	v27 =	vcvt.s32.f32 v23;
	v26 =	vsub.s32 v13, v22;
	vm0 =	vlt.s32 v24, v19  }
0x161: {  	v12 =	vmax.f32 v12, $0.0e+00;
	v14 =	vmax.f32 v14, $0.0e+00;
	v19 =	vsel vm0, v24, v19  }
0x162: {  	v11 =	vsub.f32 v11, v27;
	v24 =	vsub.s32 v19, v23;
	v19 =	vadd.s32 v19, v17  }
0x163: {  	v10 =	vsub.f32 v10, v25;
	[tilespmem:s3+$0x2500] =	vst v19  }
0x164: {  	v11 =	vmax.f32 v11, $0.0e+00  }
0x165: {  	v10 =	vmax.f32 v10, $0.0e+00;
	v17 =	vadd.s32 v23, v17  }
0x166: {  	v16 =	vsub.s32 v20, v16;
	v15 =	vsub.s32 v18, v15;
	v19 =	vadd.s32 $0x200000, v21;
	[tilespmem:s3+$0x2400] =	vst v17  }
0x167: {  	v7 =	vshll.u32 v16, v7;
	v9 =	vshll.u32 v15, v9;
	v18 =	vadd.s32 v22, v19  }
0x168: {  	v9 =	vadd.s32 v17, v9;
	v13 =	vadd.s32 v13, v19;
	v7 =	vadd.s32 v18, v7;
	[tilespmem:s3+$0x2000] =	vst v18  }
0x169: {  	v15 =	vadd.s32 v7, v26;
	[tilespmem:s3+$0x2200] =	vst v7;
	v7 =	vadd.s32 v9, v24  }
0x16a: {  	[tilespmem:s3+$0x2100] =	vst v13  }
0x16b: {  	[tilespmem:s3+$0x2300] =	vst v15  }
0x16c: {  	v13 =	vmin.f32 v14, $1.000000000e+00;
	[tilespmem:s3+$0x2600] =	vst v9  }
0x16d: {  	v9 =	vmin.f32 v12, $1.000000000e+00;
	[tilespmem:s3+$0x2700] =	vst v7  }
0x16e: {  	v7 =	vmin.f32 v11, $1.000000000e+00;
	[tilespmem:s28+$0x7900] =	vst v13  }
0x16f: {  	s14 =	sand.u32 $0xFFFFFC00, s16;
	v10 =	vmin.f32 v10, $1.000000000e+00;
	s3 =	sadd.s32 $0x100, s8;
	[tilespmem:s15+$0x7800] =	vst v9  }
0x170: {  	s16 =	sand.u32 $0x400, s16;
	s14 =	sadd.s32 s14, s30;
	s15 =	sand.u32 $0x70, s3;
	[tilespmem:s28+$0x7A00] =	vst v7  }
0x171: {  	s16 =	sor.u32 s15, s16;
	s15 =	sor.u32 $0x80, s14;
	[tilespmem:s2+$0x7800] =	vst v10  }
0x172: {  	v7 =	vld [tilespmem:s16+$0x900];
	[tilespmem:s28+$0x7B00] =	vst v8;
	s28 =	smov.u32 s16  }
0x173: {  	v8 =	vld [tilespmem:s28+$0x800]  }
0x174: {  	v9 =	vld [tilespmem:s15+$0x800];
	_ =	sdelay $0x2  }
0x175: {  	v10 =	vand.u32 $0x7FFFFFFF, v7;
	vm0 =	vgt.f32 v7, $0.0e+00;
	v11 =	vsub.f32 $0.0e+00, v7  }
0x176: {  	v12 =	vand.u32 $0x7FFFFFFF, v8;
	vm1 =	vgt.f32 v8, $0.0e+00;
	v13 =	vsub.f32 $0.0e+00, v8  }
0x177: {  	v14 =	vand.u32 $0x7FFFFFFF, v9;
	vm2 =	vlt.f32 v12, v10;
	vm1 =	vmneg vm1  }
0x178: {  	vm4 =	vge.f32 v12, v10;
	vm3 =	vge.f32 v12, v14;
	vm5 =	vlt.f32 v12, v14  }
0x179: {  	vm3 =	vmneg vm3;
	vm2 =	vmor vm5, vm2;
	vm5 =	vge.f32 v14, v10  }
0x17a: {  	v15 =	vsel vm0, $0x4, v4;
	vm4 =	vmneg vm4;
	vm2 =	vmand vm5, vm2  }
0x17b: {  	vm3 =	vmor vm3, vm4;
	v10 =	vsel vm2, v14, v10;
	vm0 =	vmor vm2, vm0  }
0x17c: {  	v10 =	vsel vm3, v10, v12;
	v12 =	vsel vm1, v7, v11;
	v8 =	vsel vm0, v8, v13  }
0x17d: {  	vm0 =	vgt.f32 v9, $0.0e+00;
	v10 =	vmax.f32 v10, $9.999999960e-13;
	v8 =	vsel vm3, v8, v12  }
0x17e: {  	v12 =	vsel vm0, $0x2, v2;
	v7 =	vsel vm0, v7, v11;
	(erf) = vrcp.f32 v10  }
0x17f: {  	vm0 =	vmand vm3, vm2;
	v10 =	vsel vm1, $0x1, v1;
	v11 =	vsel vm2, v12, v15  }
0x180: {  	v10 =	vsel vm3, v11, v10;
	_ =	sdelay $0x4  }
0x181: {  	v11 =	vsub.f32 $0.0e+00, v9;
	_ =	sdelay $0x1  }
0x182: {  	v7 =	vsel vm0, v7, v11;
	v9 =	vpop (erf)  }
0x183: {  	v8 =	vmul.f32 v9, v8;
	v7 =	vmul.f32 v9, v7;
	_ =	sdelay $0x1  }
0x184: {  	v8 =	vadd.f32 $1.000000000e+00, v8;
	v7 =	vadd.f32 $1.000000000e+00, v7;
	_ =	sdelay $0x1  }
0x185: {  	v8 =	vmul.f32 $5.000000000e-01, v8;
	v7 =	vmul.f32 $5.000000000e-01, v7;
	_ =	sdelay $0x1  }
0x186: {  	v8 =	vmul.f32 $1.600000000e+01, v8;
	v7 =	vmul.f32 $1.600000000e+01, v7;
	_ =	sdelay $0x1  }
0x187: {  	v8 =	vadd.f32 $-5.000000000e-01, v8;
	v7 =	vadd.f32 $-5.000000000e-01, v7;
	_ =	sdelay $0x1  }
0x188: {  	v9 =	vtrunc.f32 v8;
	v11 =	vtrunc.f32 v7  }
0x189: {  	v9 =	vcvt.f32.s32 v9;
	v11 =	vcvt.f32.s32 v11;
	_ =	sdelay $0x1  }
0x18a: {  	vm0 =	vgt.s32 v9, $0x0;
	vm1 =	vgt.s32 v11, $0x0  }
0x18b: {  	v10 =	vshll.u32 v10, $0x8;
	v9 =	vnsel vm0, $0x0, v9;
	v11 =	vnsel vm1, $0x0, v11  }
0x18c: {  	v12 =	vmin.u32 v11, $0xF;
	v13 =	vmin.u32 v9, $0xE;
	v11 =	vmin.u32 v11, $0xE  }
0x18d: {  	v9 =	vmin.u32 v9, $0xF;
	v11 =	vsub.s32 v11, v12;
	v14 =	vshll.u32 v12, $0x4  }
0x18e: {  	v15 =	vcvt.s32.f32 v9;
	v11 =	vshll.u32 v11, $0x4;
	v10 =	vor.u32 v14, v10  }
0x18f: {  	v13 =	vsub.s32 v13, v9;
	v9 =	vor.u32 v9, v10;
	v10 =	vadd.s32 $0x10, v11  }
0x190: {  	v11 =	vadd.s32 $0x1, v13;
	v8 =	vsub.f32 v8, v15;
	v9 =	vadd.s32 $0x1FFE00, v9  }
0x191: {  	v12 =	vcvt.s32.f32 v12;
	v13 =	vadd.s32 v11, v9;
	v10 =	vadd.s32 v10, v9  }
0x192: {  	s3 =	sand.u32 $0xF0, s3;
	v8 =	vmax.f32 v8, $0.0e+00;
	v11 =	vadd.s32 v11, v10;
	[tilespmem:s0+$0x0] =	vst v9  }
0x193: {  	v7 =	vsub.f32 v7, v12;
	v8 =	vmin.f32 v8, $1.000000000e+00;
	[tilespmem:s3+$0x1F00] =	vst v11  }
0x194: {  	[tilespmem:s3+$0x1E00] =	vst v10  }
0x195: {  	v7 =	vmax.f32 v7, $0.0e+00;
	[tilespmem:s3+$0x1D00] =	vst v13  }
0x196: {  	v7 =	vmin.f32 v7, $1.000000000e+00;
	[tilespmem:s28+$0x7800] =	vst v8  }
0x197: {  	[tilespmem:s15+$0x7800] =	vst v7  }
0x198: {  	s15 =	sor.u32 $0x180, s14;
	v7 =	vld [tilespmem:s28+$0xA00]  }
0x199: {  	s2 =	sor.u32 $0x280, s14;
	v8 =	vld [tilespmem:s15+$0x800]  }
0x19a: {  	v9 =	vld [tilespmem:s2+$0x800];
	_ =	sdelay $0x2  }
0x19b: {  	vm0 =	vgt.f32 v7, $0.0e+00  }
0x19c: {  	v11 =	vand.u32 $0x7FFFFFFF, v7;
	v10 =	vand.u32 $0x7FFFFFFF, v8;
	vm1 =	vgt.f32 v8, $0.0e+00  }
0x19d: {  	v12 =	vld [tilespmem:s28+$0xB00];
	v13 =	vand.u32 $0x7FFFFFFF, v9;
	vm2 =	vlt.f32 v10, v11;
	vm3 =	vgt.f32 v9, $0.0e+00  }
0x19e: {  	vm4 =	vge.f32 v10, v13;
	vm5 =	vlt.f32 v10, v13;
	v14 =	vsel vm3, $0x4, v4  }
0x19f: {  	v15 =	vsub.f32 $0.0e+00, v9;
	vm4 =	vmneg vm4;
	vm2 =	vmor vm2, vm5  }
0x1a0: {  	vm1 =	vmneg vm1;
	vm6 =	vge.f32 v11, v13;
	vm5 =	vge.f32 v10, v11  }
0x1a1: {  	v16 =	vsub.f32 $0.0e+00, v8;
	vm5 =	vmneg vm5;
	vm6 =	vmand vm6, vm2  }
0x1a2: {  	vm2 =	vmor vm5, vm4;
	v17 =	vmax.f32 v12, $7.999999820e-02;
	v18 =	vmax.f32 v12, $5.000000000e-01  }
0x1a3: {  	v11 =	vsel vm6, v11, v13;
	v13 =	vmin.f32 v17, $5.000000000e-01;
	v17 =	vmin.f32 v18, $1.000000000e+00  }
0x1a4: {  	v10 =	vsel vm2, v11, v10;
	v11 =	vadd.f32 $-7.999999820e-02, v13;
	v13 =	vadd.f32 $-5.000000000e-01, v17  }
0x1a5: {  	vm4 =	vmor vm6, vm3;
	vm3 =	vmand vm2, vm6;
	v17 =	vsel vm1, v9, v15  }
0x1a6: {  	v10 =	vmax.f32 v10, $9.999999960e-13;
	v11 =	vmul.f32 v11, v0;
	v13 =	vmul.f32 v13, v3  }
0x1a7: {  	v18 =	vsel vm0, $0x2, v2;
	v9 =	vsel vm0, v9, v15;
	(erf) = vrcp.f32 v10  }
0x1a8: {  	v10 =	vsel vm6, v18, v14;
	v11 =	vmul.f32 $4.000000000e+00, v11;
	v13 =	vadd.f32 $4.000000000e+00, v13  }
0x1a9: {  	v8 =	vsel vm4, v8, v16;
	vm0 =	vlt.f32 v12, $5.000000000e-01  }
0x1aa: {  	v8 =	vsel vm2, v8, v17;
	v15 =	vsel vm0, v11, v13  }
0x1ab: {  	v11 =	vtrunc.f32 v15  }
0x1ac: {  	v11 =	vcvt.f32.s32 v11;
	_ =	sdelay $0x1  }
0x1ad: {  	v7 =	vsub.f32 $0.0e+00, v7;
	v13 =	vsel vm1, $0x1, v1;
	vm0 =	vlt.s32 v11, $0x5  }
0x1ae: {  	v16 =	vsel vm2, v10, v13;
	v10 =	vnsel vm0, $0x5, v11;
	vm0 =	vlt.s32 v11, $0x4  }
0x1af: {  	v9 =	vsel vm3, v9, v7;
	v7 =	vsub.s32 $0x9, v10;
	v18 =	vshll.u32 v10, $0x1;
	v12 =	vpop (erf)  }
0x1b0: {  	v11 =	vnsel vm0, $0x4, v11;
	v13 =	vmul.f32 v12, v9;
	v14 =	vshll.u32 v5, v7  }
0x1b1: {  	v8 =	vmul.f32 v12, v8;
	v9 =	vsub.s32 $0x8, v11;
	v12 =	vcvt.s32.f32 v14  }
0x1b2: {  	v11 =	vshll.u32 v11, $0x1;
	v19 =	vshll.u32 v5, v9;
	v13 =	vadd.f32 $1.000000000e+00, v13  }
0x1b3: {  	v17 =	vadd.s32 $0x2, v11;
	v8 =	vadd.f32 $1.000000000e+00, v8;
	v20 =	vcvt.s32.f32 v19  }
0x1b4: {  	v11 =	vsub.s32 $0x10, v11;
	v17 =	vshrl.u32 v6, v17;
	v13 =	vmul.f32 $5.000000000e-01, v13  }
0x1b5: {  	v21 =	vsub.s32 $0x12, v18;
	v11 =	vshll.u32 v16, v11;
	v8 =	vmul.f32 $5.000000000e-01, v8  }
0x1b6: {  	v17 =	vsub.s32 v11, v17;
	v22 =	vmul.f32 v12, v13;
	v13 =	vmul.f32 v20, v13  }
0x1b7: {  	v11 =	vmul.f32 v12, v8;
	v8 =	vmul.f32 v20, v8  }
0x1b8: {  	v20 =	vcvt.s32.f32 v10;
	v12 =	vadd.f32 $-5.000000000e-01, v22;
	v10 =	vadd.f32 $-5.000000000e-01, v13  }
0x1b9: {  	v13 =	vadd.s32 $0xFFFFFFFF, v14;
	v14 =	vadd.f32 $-5.000000000e-01, v11;
	v11 =	vadd.f32 $-5.000000000e-01, v8  }
0x1ba: {  	v8 =	vsub.f32 v15, v20;
	v15 =	vtrunc.f32 v12;
	v20 =	vtrunc.f32 v10  }
0x1bb: {  	v18 =	vshrl.u32 v6, v18;
	v15 =	vcvt.f32.s32 v15;
	v20 =	vcvt.f32.s32 v20  }
0x1bc: {  	v21 =	vshll.u32 v16, v21;
	v22 =	vtrunc.f32 v14;
	v23 =	vtrunc.f32 v11  }
0x1bd: {  	v22 =	vcvt.f32.s32 v22;
	vm0 =	vgt.s32 v15, $0x0;
	vm1 =	vgt.s32 v20, $0x0  }
.Ltmp1:
0x1be: {  	v19 =	vadd.s32 $0xFFFFFFFF, v19;
	v15 =	vnsel vm0, $0x0, v15;
	v20 =	vnsel vm1, $0x0, v20;
	(pc) =	sbr.rel @p0 .LBB2_5-.Ltmp1, $4  }
0x1bf: {  	v18 =	vsub.s32 v21, v18;
	v16 =	vmin.u32 v13, v15;
	v15 =	vmin.u32 v19, v20  }
0x1c0: {  	v20 =	vadd.s32 $0x1, v16;
	v21 =	vshll.u32 v16, v7;
	v25 =	vadd.s32 $0x1, v15  }
0x1c1: {  	v24 =	vshll.u32 v15, v9;
	vm0 =	vlt.s32 v20, v13;
	vm1 =	vlt.s32 v25, v19  }
0x1c2: {  	v21 =	vadd.s32 v21, v18;
	v20 =	vsel vm0, v20, v13;
	v18 =	vsel vm1, v25, v19  }
0x1c3: {  	v23 =	vcvt.f32.s32 v23;
	vm13 =	vgt.s32 v22, $0x0;
	v17 =	vadd.s32 v24, v17  }
0x1c4: {  	v25 =	vcvt.s32.f32 v16;
	v26 =	vcvt.s32.f32 v15;
	v16 =	vsub.s32 v20, v16  }
0x1c5: {  	v20 =	vadd.s32 $0x200000, v21;
	v15 =	vsub.s32 v18, v15;
	v22 =	vnsel vm13, $0x0, v22  }
0x1c6: {  	v17 =	vadd.s32 $0x200000, v17;
	vm0 =	vgt.s32 v23, $0x0;
	v22 =	vmin.u32 v13, v22  }
0x1c7: {  	v7 =	vshll.u32 v16, v7;
	v23 =	vnsel vm0, $0x0, v23;
	v53 =	vadd.s32 $0x1, v22  }
0x1c8: {  	v21 =	vadd.s32 v22, v20;
	v23 =	vmin.u32 v19, v23;
	vm15 =	vlt.s32 v53, v13  }
0x1c9: {  	v7 =	vadd.s32 v21, v7;
	[tilespmem:s3+$0x2000] =	vst v21;
	v52 =	vadd.s32 $0x1, v23;
	v13 =	vsel vm15, v53, v13  }
0x1ca: {  	[tilespmem:s3+$0x2200] =	vst v7;
	vm14 =	vlt.s32 v52, v19;
	v16 =	vsub.s32 v13, v22;
	v13 =	vadd.s32 v13, v20  }
0x1cb: {  	v27 =	vcvt.s32.f32 v22;
	v19 =	vsel vm14, v52, v19;
	v7 =	vadd.s32 v7, v16;
	[tilespmem:s3+$0x2100] =	vst v13  }
0x1cc: {  	v9 =	vshll.u32 v15, v9;
	v28 =	vadd.s32 v19, v17;
	[tilespmem:s3+$0x2300] =	vst v7  }
0x1cd: {  	v14 =	vsub.f32 v14, v27;
	v18 =	vcvt.s32.f32 v23;
	v17 =	vadd.s32 v23, v17;
	[tilespmem:s3+$0x2500] =	vst v28  }
0x1ce: {  	v12 =	vsub.f32 v12, v25;
	v13 =	vsub.s32 v19, v23;
	[tilespmem:s3+$0x2400] =	vst v17;
	v9 =	vadd.s32 v17, v9  }
0x1cf: {  	v11 =	vsub.f32 v11, v18;
	v7 =	vmax.f32 v14, $0.0e+00;
	v13 =	vadd.s32 v9, v13;
	[tilespmem:s3+$0x2600] =	vst v9  }
0x1d0: {  	v10 =	vsub.f32 v10, v26;
	v7 =	vmin.f32 v7, $1.000000000e+00;
	v9 =	vmax.f32 v12, $0.0e+00;
	[tilespmem:s3+$0x2700] =	vst v13  }
0x1d1: {  	v11 =	vmax.f32 v11, $0.0e+00;
	v9 =	vmin.f32 v9, $1.000000000e+00;
	[tilespmem:s28+$0x7900] =	vst v7  }
0x1d2: {  	v7 =	vmax.f32 v10, $0.0e+00;
	v10 =	vmin.f32 v11, $1.000000000e+00;
	[tilespmem:s15+$0x7800] =	vst v9  }
0x1d3: {  	v7 =	vmin.f32 v7, $1.000000000e+00;
	[tilespmem:s28+$0x7A00] =	vst v10  }
0x1d4: {  	[tilespmem:s2+$0x7800] =	vst v7  }
0x1d5: {  	s0 =	simm.s32 $0x4C00;
	[tilespmem:s28+$0x7B00] =	vst v8  }
0x1d6: {  	[tilespmem:s0], [sflag:$0x2] =	stream.indirect.gather [hbm4b:s5+s11], $0x1, s17, s11, $0xb8;
	[tilespmem:$0x9000] =	vst v63  }
0x1d7: {  	s12 =	simm.s32 $0x4E00  }
0x1d8: {  	[tilespmem:s12], [sflag:$0x2] =	stream.indirect.gather [hbm4b:s5+s11], $0x1, s21, s11, $0xb8;
	[tilespmem:$0x9000] =	vst v63  }
0x1d9: {  	s14 =	simm.s32 $0x5000  }
0x1da: {  	[tilespmem:s14], [sflag:$0x2] =	stream.indirect.gather [hbm4b:s5+s11], $0x1, s24, s11, $0xb8;
	[tilespmem:$0x9000] =	vst v63  }
0x1db: {  	s15 =	simm.s32 $0x5200  }
0x1dc: {  	[tilespmem:s15], [sflag:$0x2] =	stream.indirect.gather [hbm4b:s5+s11], $0x1, s26, s11, $0xb8;
	[tilespmem:$0x9000] =	vst v63  }
0x1dd: {  	s16 =	simm.s32 $0x5400  }
0x1de: {  	[tilespmem:s16], [sflag:$0x2] =	stream.indirect.gather [hbm4b:s5+s11], $0x1, s29, s11, $0xb8;
	[tilespmem:$0x9000] =	vst v63  }
0x1df: {  	s30 =	simm.s32 $0x5600  }
0x1e0: {  	[tilespmem:s30], [sflag:$0x2] =	stream.indirect.gather [hbm4b:s5+s11], $0x1, s31, s11, $0xb8;
	[tilespmem:$0x9000] =	vst v63  }
0x1e1: {  	s2 =	simm.s32 $0x5800  }
0x1e2: {  	[tilespmem:s2], [sflag:$0x2] =	stream.indirect.gather [hbm4b:s6+s11], $0x1, s17, s11, $0xb8;
	[tilespmem:$0x9000] =	vst v63  }
0x1e3: {  	s3 =	simm.s32 $0x5A00  }
0x1e4: {  	[tilespmem:s3], [sflag:$0x2] =	stream.indirect.gather [hbm4b:s6+s11], $0x1, s21, s11, $0xb8;
	[tilespmem:$0x9000] =	vst v63  }
0x1e5: {  	s8 =	simm.s32 $0x5C00  }
0x1e6: {  	[tilespmem:s8], [sflag:$0x2] =	stream.indirect.gather [hbm4b:s6+s11], $0x1, s24, s11, $0xb8;
	[tilespmem:$0x9000] =	vst v63  }
0x1e7: {  	s12 =	simm.s32 $0x5E00  }
0x1e8: {  	[tilespmem:s12], [sflag:$0x2] =	stream.indirect.gather [hbm4b:s6+s11], $0x1, s26, s11, $0xb8;
	[tilespmem:$0x9000] =	vst v63  }
0x1e9: {  	s14 =	simm.s32 $0x6000  }
0x1ea: {  	[tilespmem:s14], [sflag:$0x2] =	stream.indirect.gather [hbm4b:s6+s11], $0x1, s29, s11, $0xb8;
	[tilespmem:$0x9000] =	vst v63  }
0x1eb: {  	s15 =	simm.s32 $0x6200  }
0x1ec: {  	[tilespmem:s15], [sflag:$0x2] =	stream.indirect.gather [hbm4b:s6+s11], $0x1, s31, s11, $0xb8;
	[tilespmem:$0x9000] =	vst v63  }
0x1ed: {  	s16 =	simm.s32 $0x6400  }
0x1ee: {  	[tilespmem:s16], [sflag:$0x2] =	stream.indirect.gather [hbm4b:s1+s11], $0x1, s17, s11, $0xb8;
	[tilespmem:$0x9000] =	vst v63  }
0x1ef: {  	s30 =	simm.s32 $0x6600  }
0x1f0: {  	[tilespmem:s30], [sflag:$0x2] =	stream.indirect.gather [hbm4b:s1+s11], $0x1, s21, s11, $0xb8;
	[tilespmem:$0x9000] =	vst v63  }
0x1f1: {  	s2 =	simm.s32 $0x6800  }
0x1f2: {  	[tilespmem:s2], [sflag:$0x2] =	stream.indirect.gather [hbm4b:s1+s11], $0x1, s24, s11, $0xb8;
	[tilespmem:$0x9000] =	vst v63  }
0x1f3: {  	s3 =	simm.s32 $0x6A00  }
0x1f4: {  	[tilespmem:s3], [sflag:$0x2] =	stream.indirect.gather [hbm4b:s1+s11], $0x1, s26, s11, $0xb8;
	[tilespmem:$0x9000] =	vst v63  }
0x1f5: {  	s8 =	simm.s32 $0x6C00  }
0x1f6: {  	[tilespmem:s8], [sflag:$0x2] =	stream.indirect.gather [hbm4b:s1+s11], $0x1, s29, s11, $0xb8;
	[tilespmem:$0x9000] =	vst v63  }
0x1f7: {  	s12 =	simm.s32 $0x6E00  }
0x1f8: {  	[tilespmem:s12], [sflag:$0x2] =	stream.indirect.gather [hbm4b:s1+s11], $0x1, s31, s11, $0xb8;
	[tilespmem:$0x9000] =	vst v63  }
0x1f9: {  	_ =	swait.ge [sflag:s9], $0x200  }
0x1fa: {  	[sflag:s9] =	ssyncset.done $0x0  }
0x1fb: {  	[sflag:s9] =	ssyncadd.s32 $0xFFFFFE00  }
0x1fc: {  	_ =	swait.ge [sflag:s9], $0x200  }
0x1fd: {  	[sflag:s9] =	ssyncset.done $0x0  }
0x1fe: {  	[sflag:s9] =	ssyncadd.s32 $0xFFFFFE00  }
0x1ff: {  	_ =	swait.ge [sflag:s9], $0x200  }
0x200: {  	[sflag:s9] =	ssyncset.done $0x0  }
0x201: {  	[sflag:s9] =	ssyncadd.s32 $0xFFFFFE00  }
0x202: {  	_ =	swait.ge [sflag:s9], $0x200  }
0x203: {  	[sflag:s9] =	ssyncset.done $0x0  }
0x204: {  	[sflag:s9] =	ssyncadd.s32 $0xFFFFFE00  }
0x205: {  	_ =	swait.ge [sflag:s9], $0x200  }
0x206: {  	[sflag:s9] =	ssyncset.done $0x0  }
0x207: {  	[sflag:s9] =	ssyncadd.s32 $0xFFFFFE00  }
0x208: {  	_ =	swait.ge [sflag:s9], $0x200  }
0x209: {  	[sflag:s9] =	ssyncset.done $0x0  }
0x20a: {  	[sflag:s9] =	ssyncadd.s32 $0xFFFFFE00  }
0x20b: {  	_ =	swait.ge [sflag:s9], $0x200  }
0x20c: {  	[sflag:s9] =	ssyncset.done $0x0  }
0x20d: {  	[sflag:s9] =	ssyncadd.s32 $0xFFFFFE00  }
0x20e: {  	_ =	swait.ge [sflag:s9], $0x200  }
0x20f: {  	[sflag:s9] =	ssyncset.done $0x0  }
0x210: {  	[sflag:s9] =	ssyncadd.s32 $0xFFFFFE00  }
0x211: {  	_ =	swait.ge [sflag:s9], $0x200  }
0x212: {  	[sflag:s9] =	ssyncset.done $0x0  }
0x213: {  	[sflag:s9] =	ssyncadd.s32 $0xFFFFFE00  }
0x214: {  	_ =	swait.ge [sflag:s9], $0x200  }
0x215: {  	[sflag:s9] =	ssyncset.done $0x0  }
0x216: {  	[sflag:s9] =	ssyncadd.s32 $0xFFFFFE00  }
0x217: {  	_ =	swait.ge [sflag:s9], $0x200  }
0x218: {  	[sflag:s9] =	ssyncset.done $0x0  }
0x219: {  	[sflag:s9] =	ssyncadd.s32 $0xFFFFFE00  }
0x21a: {  	_ =	swait.ge [sflag:s9], $0x200  }
0x21b: {  	[sflag:s9] =	ssyncset.done $0x0  }
0x21c: {  	[sflag:s9] =	ssyncadd.s32 $0xFFFFFE00  }
0x21d: {  	_ =	swait.ge [sflag:s9], $0x200  }
0x21e: {  	[sflag:s9] =	ssyncset.done $0x0  }
0x21f: {  	[sflag:s9] =	ssyncadd.s32 $0xFFFFFE00  }
0x220: {  	_ =	swait.ge [sflag:s9], $0x200  }
0x221: {  	[sflag:s9] =	ssyncset.done $0x0  }
0x222: {  	[sflag:s9] =	ssyncadd.s32 $0xFFFFFE00  }
0x223: {  	_ =	swait.ge [sflag:s9], $0x200  }
0x224: {  	[sflag:s9] =	ssyncset.done $0x0  }
0x225: {  	[sflag:s9] =	ssyncadd.s32 $0xFFFFFE00  }
0x226: {  	_ =	swait.ge [sflag:s9], $0x200  }
0x227: {  	[sflag:s9] =	ssyncset.done $0x0  }
0x228: {  	[sflag:s9] =	ssyncadd.s32 $0xFFFFFE00  }
0x229: {  	_ =	swait.ge [sflag:s9], $0x200  }
0x22a: {  	[sflag:s9] =	ssyncset.done $0x0  }
0x22b: {  	[sflag:s9] =	ssyncadd.s32 $0xFFFFFE00  }
0x22c: {  	_ =	swait.ge [sflag:s9], $0x200  }
0x22d: {  	s14 =	simm.s32 $0x0;
	[sflag:s9] =	ssyncset.done $0x0  }
0x22e: {  	s0 =	simm.s32 $0x0;
	s8 =	sand.u32 $0xF0, s14;
	[sflag:s9] =	ssyncadd.s32 $0xFFFFFE00  }
0x22f: {  	s15 =	sand.u32 $0x400, s0;
	s2 =	sand.u32 $0x70, s14;
	v7 =	vld [tilespmem:s8+$0x2900]  }
0x230: {  	s12 =	sor.u32 s2, s15;
	v8 =	vld [tilespmem:s8+$0x2A00]  }
0x231: {  	s16 =	sand.u32 $0xFFFFFC00, s0;
	v12 =	vld [tilespmem:s12+$0x7000]  }
0x232: {  	s3 =	sadd.s32 $0x0, s16;
	s2 =	simm.s32 $0x2800;
	v9 =	vld [tilespmem:s8+$0x2B00]  }
0x233: {  	s14 =	sor.u32 $0x80, s3;
	v10 =	vld [tilespmem:s2+$0x0]  }
0x234: {  	v11 =	vld [tilespmem:s14+$0x7000];
	_ =	sdelay $0x1  }
0x235: {  	v17 =	vsub.f32 $1.000000000e+00, v12  }
0x236: {  	v7 =	vmul.f32 v7, v12;
	v9 =	vmul.f32 v9, v12  }
0x237: {  	v10 =	vmul.f32 v10, v17;
	v8 =	vmul.f32 v8, v17  }
0x238: {  	v18 =	vsub.f32 $1.000000000e+00, v11  }
0x239: {  	v7 =	vadd.f32 v7, v10;
	v8 =	vadd.f32 v9, v8;
	_ =	sdelay $0x1  }
0x23a: {  	v10 =	vmul.f32 v7, v18;
	v13 =	vmul.f32 v8, v11  }
0x23b: {  	s30 =	sor.u32 $0x180, s3;
	v9 =	vld [tilespmem:s12+$0x7100]  }
0x23c: {  	s3 =	sor.u32 $0x280, s3;
	v7 =	vld [tilespmem:s30+$0x7000];
	v13 =	vadd.f32 v13, v10  }
0x23d: {  	v8 =	vld [tilespmem:s3+$0x7000]  }
0x23e: {  	v10 =	vld [tilespmem:s12+$0x7200];
	[tilespmem:s12+$0x8000] =	vst v13  }
0x23f: {  	v14 =	vld [tilespmem:s8+$0x2C00]  }
0x240: {  	v15 =	vld [tilespmem:s8+$0x3300]  }
0x241: {  	v19 =	vld [tilespmem:s8+$0x2E00]  }
0x242: {  	v20 =	vld [tilespmem:s8+$0x2F00]  }
0x243: {  	v21 =	vld [tilespmem:s8+$0x2D00]  }
0x244: {  	v22 =	vld [tilespmem:s8+$0x3000]  }
0x245: {  	v23 =	vld [tilespmem:s8+$0x3200]  }
0x246: {  	v13 =	vsub.f32 $1.000000000e+00, v9;
	v54 =	vld [tilespmem:s8+$0x3100];
	_ =	sdelay $0x1  }
0x247: {  	v16 =	vsub.f32 $1.000000000e+00, v10;
	v55 =	vmul.f32 v14, v13;
	v56 =	vmul.f32 v15, v10  }
0x248: {  	v19 =	vmul.f32 v19, v13;
	v20 =	vmul.f32 v20, v9  }
0x249: {  	v15 =	vsub.f32 $1.000000000e+00, v8;
	v21 =	vmul.f32 v21, v9;
	v22 =	vmul.f32 v22, v16  }
0x24a: {  	v14 =	vld [tilespmem:s12+$0x7300];
	v23 =	vmul.f32 v23, v16;
	v24 =	vmul.f32 v54, v10;
	v19 =	vadd.f32 v20, v19  }
0x24b: {  	v20 =	vsub.f32 $1.000000000e+00, v7;
	v21 =	vadd.f32 v21, v55  }
0x24c: {  	v23 =	vadd.f32 v56, v23;
	v22 =	vadd.f32 v24, v22  }
0x24d: {  	v57 =	vmul.f32 v19, v7;
	v21 =	vmul.f32 v21, v20  }
0x24e: {  	v23 =	vmul.f32 v23, v8;
	v22 =	vmul.f32 v22, v15  }
0x24f: {  	v19 =	vsub.f32 $1.000000000e+00, v14  }
0x250: {  	v21 =	vadd.f32 v57, v21;
	v22 =	vadd.f32 v23, v22;
	_ =	sdelay $0x1  }
0x251: {  	v21 =	vmul.f32 v21, v19;
	v22 =	vmul.f32 v22, v14;
	_ =	sdelay $0x1  }
0x252: {  	v21 =	vadd.f32 v22, v21;
	_ =	sdelay $0x1  }
0x253: {  	[tilespmem:s30+$0x8000] =	vst v21  }
0x254: {  	v21 =	vld [tilespmem:s8+$0x3400]  }
0x255: {  	v22 =	vld [tilespmem:s8+$0x3500]  }
0x256: {  	v23 =	vld [tilespmem:s8+$0x3600]  }
0x257: {  	v58 =	vld [tilespmem:s8+$0x3700];
	_ =	sdelay $0x3  }
0x258: {  	v21 =	vmul.f32 v21, v17;
	v22 =	vmul.f32 v22, v12  }
0x259: {  	v23 =	vmul.f32 v23, v17;
	v24 =	vmul.f32 v58, v12;
	_ =	sdelay $0x1  }
0x25a: {  	v21 =	vadd.f32 v22, v21;
	v22 =	vadd.f32 v24, v23;
	_ =	sdelay $0x1  }
0x25b: {  	v21 =	vmul.f32 v21, v18;
	v22 =	vmul.f32 v22, v11;
	_ =	sdelay $0x1  }
0x25c: {  	v21 =	vadd.f32 v22, v21;
	_ =	sdelay $0x1  }
0x25d: {  	[tilespmem:s14+$0x8000] =	vst v21  }
0x25e: {  	v21 =	vld [tilespmem:s8+$0x3B00]  }
0x25f: {  	v22 =	vld [tilespmem:s8+$0x3F00]  }
0x260: {  	v23 =	vld [tilespmem:s8+$0x3E00]  }
0x261: {  	v59 =	vld [tilespmem:s8+$0x3D00]  }
0x262: {  	v60 =	vld [tilespmem:s8+$0x3900]  }
0x263: {  	v61 =	vld [tilespmem:s8+$0x3800]  }
0x264: {  	v62 =	vld [tilespmem:s8+$0x3A00]  }
0x265: {  	v63 =	vld [tilespmem:s8+$0x3C00];
	_ =	sdelay $0x1  }
0x266: {  	v22 =	vmul.f32 v22, v10;
	v23 =	vmul.f32 v23, v16  }
0x267: {  	v21 =	vmul.f32 v21, v9;
	v25 =	vmul.f32 v60, v9  }
0x268: {  	v26 =	vmul.f32 v61, v13;
	v27 =	vmul.f32 v62, v13  }
0x269: {  	v24 =	vmul.f32 v59, v10;
	v28 =	vmul.f32 v63, v16  }
0x26a: {  	v25 =	vadd.f32 v25, v26;
	v21 =	vadd.f32 v21, v27  }
0x26b: {  	v24 =	vadd.f32 v24, v28;
	v22 =	vadd.f32 v22, v23  }
0x26c: {  	v23 =	vmul.f32 v25, v20;
	v21 =	vmul.f32 v21, v7  }
0x26d: {  	v24 =	vmul.f32 v24, v15;
	v22 =	vmul.f32 v22, v8;
	_ =	sdelay $0x1  }
0x26e: {  	v21 =	vadd.f32 v21, v23;
	v22 =	vadd.f32 v22, v24;
	_ =	sdelay $0x1  }
0x26f: {  	v21 =	vmul.f32 v21, v19;
	v22 =	vmul.f32 v22, v14;
	_ =	sdelay $0x1  }
0x270: {  	v21 =	vadd.f32 v22, v21;
	_ =	sdelay $0x1  }
0x271: {  	[tilespmem:s12+$0x8200] =	vst v21  }
0x272: {  	v22 =	vld [tilespmem:s8+$0x4000]  }
0x273: {  	v21 =	vld [tilespmem:s8+$0x4100]  }
0x274: {  	s28 =	simm.s32 $0x80;
	s15 =	simm.s32 $0xFFFFFF00;
	v23 =	vld [tilespmem:s8+$0x4300]  }
.LBB2_7:
0x275: {  	_ = 	snop  }
0x276: {  	v24 =	vld [tilespmem:s8+$0x4200];
	s0 =	sadd.s32 $0x10, s0;
	s15 =	sadd.s32 $0x10, s15;
	s2 =	sadd.s32 $0x10, s2  }
0x277: {  	p0 =	sne.s32 s28, $0x780;
	s14 =	smov.u32 s28;
	s28 =	sadd.s32 $0x80, s28;
	v22 =	vmul.f32 v22, v17  }
0x278: {  	v21 =	vmul.f32 v21, v12  }
0x279: {  	v12 =	vmul.f32 v23, v12  }
0x27a: {  	v21 =	vadd.f32 v21, v22  }
0x27b: {  	v17 =	vmul.f32 v24, v17  }
0x27c: {  	v18 =	vmul.f32 v21, v18  }
0x27d: {  	v12 =	vadd.f32 v12, v17;
	_ =	sdelay $0x1  }
0x27e: {  	v11 =	vmul.f32 v12, v11;
	_ =	sdelay $0x1  }
0x27f: {  	v11 =	vadd.f32 v11, v18;
	_ =	sdelay $0x1  }
0x280: {  	[tilespmem:s12+$0x8100] =	vst v11  }
0x281: {  	v11 =	vld [tilespmem:s8+$0x4400]  }
0x282: {  	v12 =	vld [tilespmem:s8+$0x4500]  }
0x283: {  	v17 =	vld [tilespmem:s8+$0x4700]  }
0x284: {  	v18 =	vld [tilespmem:s8+$0x4800]  }
0x285: {  	v21 =	vld [tilespmem:s8+$0x4900]  }
0x286: {  	v11 =	vmul.f32 v11, v13;
	v22 =	vld [tilespmem:s8+$0x4A00]  }
0x287: {  	v12 =	vmul.f32 v12, v9;
	v23 =	vld [tilespmem:s8+$0x4B00]  }
0x288: {  	v24 =	vld [tilespmem:s8+$0x4600];
	v9 =	vmul.f32 v17, v9  }
0x289: {  	v11 =	vadd.f32 v12, v11;
	v12 =	vmul.f32 v18, v16  }
0x28a: {  	v17 =	vmul.f32 v21, v10  }
0x28b: {  	v11 =	vmul.f32 v11, v20;
	v16 =	vmul.f32 v22, v16  }
0x28c: {  	v12 =	vadd.f32 v17, v12;
	v10 =	vmul.f32 v23, v10  }
0x28d: {  	v13 =	vmul.f32 v24, v13  }
0x28e: {  	v10 =	vadd.f32 v10, v16;
	v12 =	vmul.f32 v12, v15  }
0x28f: {  	v9 =	vadd.f32 v9, v13  }
0x290: {  	v8 =	vmul.f32 v10, v8  }
0x291: {  	v7 =	vmul.f32 v9, v7  }
0x292: {  	v8 =	vadd.f32 v8, v12  }
0x293: {  	v7 =	vadd.f32 v7, v11  }
0x294: {  	s8 =	sadd.s32 $0x100, s15;
	v8 =	vmul.f32 v8, v14  }
0x295: {  	s16 =	sand.u32 $0x400, s14;
	s12 =	sand.u32 $0x70, s8;
	v7 =	vmul.f32 v7, v19  }
0x296: {  	s12 =	sor.u32 s12, s16  }
0x297: {  	s8 =	sand.u32 $0xF0, s8;
	v7 =	vadd.f32 v8, v7;
	_ =	sdelay $0x1  }
0x298: {  	s14 =	sand.u32 $0xFFFFFC00, s14;
	[tilespmem:s3+$0x8000] =	vst v7  }
0x299: {  	s3 =	sadd.s32 s14, s0;
	v7 =	vld [tilespmem:s8+$0x2900]  }
0x29a: {  	s14 =	sor.u32 $0x80, s3;
	v8 =	vld [tilespmem:s8+$0x2A00]  }
0x29b: {  	v11 =	vld [tilespmem:s14+$0x7000]  }
0x29c: {  	v12 =	vld [tilespmem:s12+$0x7000]  }
0x29d: {  	v9 =	vld [tilespmem:s8+$0x2B00]  }
0x29e: {  	v10 =	vld [tilespmem:s2+$0x0];
	_ =	sdelay $0x2  }
0x29f: {  	v18 =	vsub.f32 $1.000000000e+00, v11;
	v17 =	vsub.f32 $1.000000000e+00, v12;
	v7 =	vmul.f32 v7, v12  }
0x2a0: {  	v13 =	vmul.f32 v9, v12  }
0x2a1: {  	v10 =	vmul.f32 v10, v17;
	v8 =	vmul.f32 v8, v17;
	_ =	sdelay $0x1  }
0x2a2: {  	s16 =	sor.u32 $0x180, s3;
	s3 =	sor.u32 $0x280, s3;
	v9 =	vld [tilespmem:s12+$0x7100];
	v10 =	vadd.f32 v7, v10;
	v13 =	vadd.f32 v13, v8  }
0x2a3: {  	v7 =	vld [tilespmem:s16+$0x7000]  }
0x2a4: {  	v8 =	vld [tilespmem:s3+$0x7000];
	v14 =	vmul.f32 v10, v18;
	v13 =	vmul.f32 v13, v11  }
0x2a5: {  	v10 =	vld [tilespmem:s12+$0x7200]  }
0x2a6: {  	v13 =	vadd.f32 v13, v14;
	_ =	sdelay $0x1  }
0x2a7: {  	[tilespmem:s12+$0x8000] =	vst v13  }
0x2a8: {  	v14 =	vld [tilespmem:s8+$0x2C00]  }
0x2a9: {  	v19 =	vld [tilespmem:s8+$0x3300];
	v16 =	vsub.f32 $1.000000000e+00, v10  }
0x2aa: {  	v13 =	vsub.f32 $1.000000000e+00, v9;
	v20 =	vld [tilespmem:s8+$0x2E00]  }
0x2ab: {  	v21 =	vld [tilespmem:s8+$0x2F00]  }
0x2ac: {  	v15 =	vsub.f32 $1.000000000e+00, v8;
	v22 =	vld [tilespmem:s8+$0x2D00]  }
0x2ad: {  	v23 =	vmul.f32 v14, v13;
	v24 =	vld [tilespmem:s8+$0x3000]  }
0x2ae: {  	v25 =	vld [tilespmem:s8+$0x3200];
	v19 =	vmul.f32 v19, v10  }
0x2af: {  	v20 =	vmul.f32 v20, v13;
	v26 =	vld [tilespmem:s8+$0x3100]  }
0x2b0: {  	v21 =	vmul.f32 v21, v9  }
0x2b1: {  	v14 =	vld [tilespmem:s12+$0x7300];
	v22 =	vmul.f32 v22, v9  }
0x2b2: {  	v21 =	vadd.f32 v21, v20;
	v20 =	vsub.f32 $1.000000000e+00, v7;
	v24 =	vmul.f32 v24, v16  }
0x2b3: {  	v22 =	vadd.f32 v22, v23;
	v23 =	vmul.f32 v25, v16  }
0x2b4: {  	v21 =	vmul.f32 v21, v7;
	v25 =	vmul.f32 v26, v10  }
0x2b5: {  	v22 =	vmul.f32 v22, v20;
	v23 =	vadd.f32 v19, v23  }
0x2b6: {  	v24 =	vadd.f32 v25, v24;
	v19 =	vsub.f32 $1.000000000e+00, v14  }
0x2b7: {  	v21 =	vadd.f32 v21, v22;
	v22 =	vmul.f32 v23, v8  }
0x2b8: {  	v23 =	vmul.f32 v24, v15;
	_ =	sdelay $0x1  }
0x2b9: {  	v22 =	vadd.f32 v22, v23;
	_ =	sdelay $0x1  }
0x2ba: {  	v21 =	vmul.f32 v21, v19;
	v22 =	vmul.f32 v22, v14;
	_ =	sdelay $0x1  }
0x2bb: {  	v21 =	vadd.f32 v22, v21;
	_ =	sdelay $0x1  }
0x2bc: {  	[tilespmem:s16+$0x8000] =	vst v21  }
0x2bd: {  	v21 =	vld [tilespmem:s8+$0x3400]  }
0x2be: {  	v22 =	vld [tilespmem:s8+$0x3500]  }
0x2bf: {  	v23 =	vld [tilespmem:s8+$0x3600];
	_ =	sdelay $0x2  }
0x2c0: {  	v24 =	vld [tilespmem:s8+$0x3700];
	v21 =	vmul.f32 v21, v17  }
0x2c1: {  	v22 =	vmul.f32 v22, v12  }
0x2c2: {  	v23 =	vmul.f32 v23, v17  }
0x2c3: {  	v21 =	vadd.f32 v22, v21;
	_ =	sdelay $0x1  }
0x2c4: {  	v22 =	vmul.f32 v24, v12;
	v21 =	vmul.f32 v21, v18;
	_ =	sdelay $0x1  }
0x2c5: {  	v22 =	vadd.f32 v22, v23;
	_ =	sdelay $0x1  }
0x2c6: {  	v22 =	vmul.f32 v22, v11;
	_ =	sdelay $0x1  }
0x2c7: {  	v21 =	vadd.f32 v22, v21;
	_ =	sdelay $0x1  }
0x2c8: {  	[tilespmem:s14+$0x8000] =	vst v21  }
0x2c9: {  	v21 =	vld [tilespmem:s8+$0x3B00]  }
0x2ca: {  	v22 =	vld [tilespmem:s8+$0x3F00]  }
0x2cb: {  	v23 =	vld [tilespmem:s8+$0x3E00]  }
0x2cc: {  	v24 =	vld [tilespmem:s8+$0x3D00]  }
0x2cd: {  	v25 =	vld [tilespmem:s8+$0x3900]  }
0x2ce: {  	v26 =	vld [tilespmem:s8+$0x3800]  }
0x2cf: {  	v27 =	vld [tilespmem:s8+$0x3A00];
	v22 =	vmul.f32 v22, v10  }
0x2d0: {  	v23 =	vmul.f32 v23, v16  }
0x2d1: {  	v21 =	vmul.f32 v21, v9;
	v24 =	vmul.f32 v24, v10  }
0x2d2: {  	v25 =	vmul.f32 v25, v9;
	v28 =	vld [tilespmem:s8+$0x3C00]  }
0x2d3: {  	v26 =	vmul.f32 v26, v13  }
0x2d4: {  	v27 =	vmul.f32 v27, v13  }
0x2d5: {  	v25 =	vadd.f32 v25, v26  }
0x2d6: {  	v21 =	vadd.f32 v21, v27  }
0x2d7: {  	v25 =	vmul.f32 v25, v20;
	v26 =	vmul.f32 v28, v16  }
0x2d8: {  	v21 =	vmul.f32 v21, v7  }
0x2d9: {  	v22 =	vadd.f32 v22, v23;
	v24 =	vadd.f32 v24, v26  }
0x2da: {  	v21 =	vadd.f32 v21, v25  }
0x2db: {  	v22 =	vmul.f32 v22, v8;
	v23 =	vmul.f32 v24, v15  }
0x2dc: {  	v21 =	vmul.f32 v21, v19  }
0x2dd: {  	v22 =	vadd.f32 v22, v23;
	_ =	sdelay $0x1  }
0x2de: {  	v22 =	vmul.f32 v22, v14;
	_ =	sdelay $0x1  }
0x2df: {  	v21 =	vadd.f32 v22, v21  }
.Ltmp2:
0x2e0: {  	(pc) =	sbr.rel @p0 .LBB2_7-.Ltmp2, $4  }
0x2e1: {  	[tilespmem:s12+$0x8200] =	vst v21  }
0x2e2: {  	v22 =	vld [tilespmem:s8+$0x4000]  }
0x2e3: {  	v21 =	vld [tilespmem:s8+$0x4100]  }
0x2e4: {  	v23 =	vld [tilespmem:s8+$0x4300]  }
0x2e5: {  	v24 =	vld [tilespmem:s8+$0x4200];
	_ =	sdelay $0x3  }
0x2e6: {  	v22 =	vmul.f32 v22, v17;
	v21 =	vmul.f32 v21, v12  }
0x2e7: {  	v12 =	vmul.f32 v23, v12;
	v17 =	vmul.f32 v24, v17;
	_ =	sdelay $0x1  }
0x2e8: {  	v21 =	vadd.f32 v21, v22;
	v12 =	vadd.f32 v12, v17;
	_ =	sdelay $0x1  }
0x2e9: {  	v17 =	vmul.f32 v21, v18;
	v11 =	vmul.f32 v12, v11;
	_ =	sdelay $0x1  }
0x2ea: {  	v11 =	vadd.f32 v11, v17;
	_ =	sdelay $0x1  }
0x2eb: {  	[tilespmem:s12+$0x8100] =	vst v11  }
0x2ec: {  	v11 =	vld [tilespmem:s8+$0x4400]  }
0x2ed: {  	v12 =	vld [tilespmem:s8+$0x4500]  }
0x2ee: {  	v17 =	vld [tilespmem:s8+$0x4700]  }
0x2ef: {  	v18 =	vld [tilespmem:s8+$0x4800]  }
0x2f0: {  	v21 =	vld [tilespmem:s8+$0x4900]  }
0x2f1: {  	v22 =	vld [tilespmem:s8+$0x4A00]  }
0x2f2: {  	v23 =	vld [tilespmem:s8+$0x4B00]  }
0x2f3: {  	v57 =	vld [tilespmem:s8+$0x4600];
	_ =	sdelay $0x1  }
0x2f4: {  	v11 =	vmul.f32 v11, v13;
	v12 =	vmul.f32 v12, v9  }
0x2f5: {  	v9 =	vmul.f32 v17, v9;
	v17 =	vmul.f32 v18, v16  }
0x2f6: {  	v18 =	vmul.f32 v21, v10;
	v16 =	vmul.f32 v22, v16  }
0x2f7: {  	v10 =	vmul.f32 v23, v10;
	v13 =	vmul.f32 v57, v13  }
0x2f8: {  	v11 =	vadd.f32 v12, v11;
	v12 =	vadd.f32 v18, v17  }
0x2f9: {  	v10 =	vadd.f32 v10, v16;
	v9 =	vadd.f32 v9, v13  }
0x2fa: {  	v11 =	vmul.f32 v11, v20;
	v12 =	vmul.f32 v12, v15  }
0x2fb: {  	v8 =	vmul.f32 v10, v8;
	v7 =	vmul.f32 v9, v7;
	_ =	sdelay $0x1  }
0x2fc: {  	v8 =	vadd.f32 v8, v12;
	v7 =	vadd.f32 v7, v11;
	_ =	sdelay $0x1  }
0x2fd: {  	v8 =	vmul.f32 v8, v14;
	v7 =	vmul.f32 v7, v19;
	_ =	sdelay $0x1  }
0x2fe: {  	v7 =	vadd.f32 v8, v7;
	_ =	sdelay $0x1  }
0x2ff: {  	s2 =	sadd.s32 s7, s23;
	s0 =	simm.s32 $0x0;
	s16 =	simm.s32 $0x8000;
	[tilespmem:s3+$0x8000] =	vst v7  }
0x300: {  	[hbm4b:s2+s0] =	stream.linear.scatter [tilespmem:s16], [sflag:$0x3], $0x800, $0x38;
	[tilespmem:$0x9000] =	vst v63  }
0x301: {  	_ =	swait.ge [sflag:s10], $0x800  }
0x302: {  	[sflag:s10] =	ssyncset.done $0x0  }
0x303: {  	[sflag:s10] =	ssyncadd.s32 $0xFFFFF800  }
0x304: {  	_ =	swait.ge [sflag:s13], $0x200  }
0x305: {  	[sflag:s13] =	ssyncset.done $0x0  }
0x306: {  	[sflag:s13] =	ssyncadd.s32 $0xFFFFFE00  }
0x307: {  	_ =	swait.ge [sflag:s13], $0x200  }
0x308: {  	[sflag:s13] =	ssyncset.done $0x0  }
0x309: {  	[sflag:s13] =	ssyncadd.s32 $0xFFFFFE00  }
0x30a: {  	_ =	swait.ge [sflag:s13], $0x200  }
0x30b: {  	[sflag:s13] =	ssyncset.done $0x0  }
0x30c: {  	[sflag:s13] =	ssyncadd.s32 $0xFFFFFE00  }
0x30d: {  	_ =	swait.ge [sflag:s13], $0x200  }
0x30e: {  	[sflag:s13] =	ssyncset.done $0x0  }
0x30f: {  	[sflag:s13] =	ssyncadd.s32 $0xFFFFFE00  }
0x310: {  	_ =	swait.ge [sflag:s13], $0x200  }
0x311: {  	[sflag:s13] =	ssyncset.done $0x0  }
0x312: {  	[sflag:s13] =	ssyncadd.s32 $0xFFFFFE00  }
0x313: {  	_ =	swait.ge [sflag:s13], $0x200  }
0x314: {  	[sflag:s13] =	ssyncset.done $0x0  }
0x315: {  	[sflag:s13] =	ssyncadd.s32 $0xFFFFFE00  }
0x316: {  	_ =	swait.ge [sflag:s13], $0x200  }
0x317: {  	[sflag:s13] =	ssyncset.done $0x0  }
0x318: {  	[sflag:s13] =	ssyncadd.s32 $0xFFFFFE00  }
0x319: {  	_ =	swait.ge [sflag:s13], $0x200  }
0x31a: {  	[sflag:s13] =	ssyncset.done $0x0  }
0x31b: {  	[sflag:s13] =	ssyncadd.s32 $0xFFFFFE00  }
0x31c: {  	_ =	swait.ge [sflag:s13], $0x200  }
0x31d: {  	[sflag:s13] =	ssyncset.done $0x0  }
0x31e: {  	[sflag:s13] =	ssyncadd.s32 $0xFFFFFE00  }
0x31f: {  	_ =	swait.ge [sflag:s13], $0x200  }
0x320: {  	[sflag:s13] =	ssyncset.done $0x0  }
0x321: {  	[sflag:s13] =	ssyncadd.s32 $0xFFFFFE00  }
0x322: {  	_ =	swait.ge [sflag:s13], $0x200  }
0x323: {  	[sflag:s13] =	ssyncset.done $0x0  }
0x324: {  	[sflag:s13] =	ssyncadd.s32 $0xFFFFFE00  }
0x325: {  	_ =	swait.ge [sflag:s13], $0x200  }
0x326: {  	[sflag:s13] =	ssyncset.done $0x0  }
0x327: {  	[sflag:s13] =	ssyncadd.s32 $0xFFFFFE00  }
0x328: {  	_ =	swait.ge [sflag:s13], $0x200  }
0x329: {  	[sflag:s13] =	ssyncset.done $0x0  }
0x32a: {  	[sflag:s13] =	ssyncadd.s32 $0xFFFFFE00  }
0x32b: {  	_ =	swait.ge [sflag:s13], $0x200  }
0x32c: {  	[sflag:s13] =	ssyncset.done $0x0  }
0x32d: {  	[sflag:s13] =	ssyncadd.s32 $0xFFFFFE00  }
0x32e: {  	_ =	swait.ge [sflag:s13], $0x200  }
0x32f: {  	[sflag:s13] =	ssyncset.done $0x0  }
0x330: {  	[sflag:s13] =	ssyncadd.s32 $0xFFFFFE00  }
0x331: {  	_ =	swait.ge [sflag:s13], $0x200  }
0x332: {  	[sflag:s13] =	ssyncset.done $0x0  }
0x333: {  	[sflag:s13] =	ssyncadd.s32 $0xFFFFFE00  }
0x334: {  	_ =	swait.ge [sflag:s13], $0x200  }
0x335: {  	[sflag:s13] =	ssyncset.done $0x0  }
0x336: {  	[sflag:s13] =	ssyncadd.s32 $0xFFFFFE00  }
0x337: {  	_ =	swait.ge [sflag:s13], $0x200  }
0x338: {  	s23 =	simm.s32 $0x0;
	[sflag:s13] =	ssyncset.done $0x0  }
0x339: {  	s8 =	sand.u32 $0xF0, s23;
	[sflag:s13] =	ssyncadd.s32 $0xFFFFFE00  }
0x33a: {  	s28 =	sand.u32 $0x400, s0;
	s2 =	sand.u32 $0x70, s23;
	v7 =	vld [tilespmem:s8+$0x4D00]  }
0x33b: {  	s12 =	sor.u32 s2, s28;
	v8 =	vld [tilespmem:s8+$0x4E00]  }
0x33c: {  	s30 =	sand.u32 $0xFFFFFC00, s0;
	v12 =	vld [tilespmem:s12+$0x7800]  }
0x33d: {  	s3 =	sadd.s32 $0x0, s30;
	s2 =	simm.s32 $0x4C00;
	v9 =	vld [tilespmem:s8+$0x4F00]  }
0x33e: {  	s14 =	sor.u32 $0x80, s3;
	v10 =	vld [tilespmem:s2+$0x0]  }
0x33f: {  	v11 =	vld [tilespmem:s14+$0x7800];
	_ =	sdelay $0x1  }
0x340: {  	v17 =	vsub.f32 $1.000000000e+00, v12  }
0x341: {  	v7 =	vmul.f32 v7, v12;
	v9 =	vmul.f32 v9, v12  }
0x342: {  	v10 =	vmul.f32 v10, v17;
	v8 =	vmul.f32 v8, v17  }
0x343: {  	v18 =	vsub.f32 $1.000000000e+00, v11  }
0x344: {  	v7 =	vadd.f32 v7, v10;
	v8 =	vadd.f32 v9, v8;
	_ =	sdelay $0x1  }
0x345: {  	v10 =	vmul.f32 v7, v18;
	v13 =	vmul.f32 v8, v11  }
0x346: {  	s15 =	sor.u32 $0x180, s3;
	v9 =	vld [tilespmem:s12+$0x7900]  }
0x347: {  	s3 =	sor.u32 $0x280, s3;
	v7 =	vld [tilespmem:s15+$0x7800];
	v13 =	vadd.f32 v13, v10  }
0x348: {  	v8 =	vld [tilespmem:s3+$0x7800]  }
0x349: {  	v10 =	vld [tilespmem:s12+$0x7A00];
	[tilespmem:s12+$0x8800] =	vst v13  }
0x34a: {  	v14 =	vld [tilespmem:s8+$0x5000]  }
0x34b: {  	v15 =	vld [tilespmem:s8+$0x5700]  }
0x34c: {  	v19 =	vld [tilespmem:s8+$0x5200]  }
0x34d: {  	v20 =	vld [tilespmem:s8+$0x5300]  }
0x34e: {  	v21 =	vld [tilespmem:s8+$0x5100]  }
0x34f: {  	v22 =	vld [tilespmem:s8+$0x5400]  }
0x350: {  	v23 =	vld [tilespmem:s8+$0x5600]  }
0x351: {  	v13 =	vsub.f32 $1.000000000e+00, v9;
	v58 =	vld [tilespmem:s8+$0x5500];
	_ =	sdelay $0x1  }
0x352: {  	v16 =	vsub.f32 $1.000000000e+00, v10;
	v25 =	vmul.f32 v14, v13;
	v26 =	vmul.f32 v15, v10  }
0x353: {  	v19 =	vmul.f32 v19, v13;
	v20 =	vmul.f32 v20, v9  }
0x354: {  	v15 =	vsub.f32 $1.000000000e+00, v8;
	v21 =	vmul.f32 v21, v9;
	v22 =	vmul.f32 v22, v16  }
0x355: {  	v14 =	vld [tilespmem:s12+$0x7B00];
	v23 =	vmul.f32 v23, v16;
	v24 =	vmul.f32 v58, v10;
	v19 =	vadd.f32 v20, v19  }
0x356: {  	v20 =	vsub.f32 $1.000000000e+00, v7;
	v21 =	vadd.f32 v21, v25  }
0x357: {  	v23 =	vadd.f32 v26, v23;
	v22 =	vadd.f32 v24, v22  }
0x358: {  	v59 =	vmul.f32 v19, v7;
	v21 =	vmul.f32 v21, v20  }
0x359: {  	v23 =	vmul.f32 v23, v8;
	v22 =	vmul.f32 v22, v15  }
0x35a: {  	v19 =	vsub.f32 $1.000000000e+00, v14  }
0x35b: {  	v21 =	vadd.f32 v59, v21;
	v22 =	vadd.f32 v23, v22;
	_ =	sdelay $0x1  }
0x35c: {  	v21 =	vmul.f32 v21, v19;
	v22 =	vmul.f32 v22, v14;
	_ =	sdelay $0x1  }
0x35d: {  	v21 =	vadd.f32 v22, v21;
	_ =	sdelay $0x1  }
0x35e: {  	[tilespmem:s15+$0x8800] =	vst v21  }
0x35f: {  	v21 =	vld [tilespmem:s8+$0x5800]  }
0x360: {  	v22 =	vld [tilespmem:s8+$0x5900]  }
0x361: {  	v23 =	vld [tilespmem:s8+$0x5A00]  }
0x362: {  	v60 =	vld [tilespmem:s8+$0x5B00];
	_ =	sdelay $0x3  }
0x363: {  	v21 =	vmul.f32 v21, v17;
	v22 =	vmul.f32 v22, v12  }
0x364: {  	v23 =	vmul.f32 v23, v17;
	v24 =	vmul.f32 v60, v12;
	_ =	sdelay $0x1  }
0x365: {  	v21 =	vadd.f32 v22, v21;
	v22 =	vadd.f32 v24, v23;
	_ =	sdelay $0x1  }
0x366: {  	v21 =	vmul.f32 v21, v18;
	v22 =	vmul.f32 v22, v11;
	_ =	sdelay $0x1  }
0x367: {  	v21 =	vadd.f32 v22, v21;
	_ =	sdelay $0x1  }
0x368: {  	[tilespmem:s14+$0x8800] =	vst v21  }
0x369: {  	v21 =	vld [tilespmem:s8+$0x5F00]  }
0x36a: {  	v22 =	vld [tilespmem:s8+$0x6300]  }
0x36b: {  	v23 =	vld [tilespmem:s8+$0x6200]  }
0x36c: {  	v61 =	vld [tilespmem:s8+$0x6100]  }
0x36d: {  	v62 =	vld [tilespmem:s8+$0x5D00]  }
0x36e: {  	v63 =	vld [tilespmem:s8+$0x5C00]  }
0x36f: {  	v27 =	vld [tilespmem:s8+$0x5E00]  }
0x370: {  	v28 =	vld [tilespmem:s8+$0x6000];
	_ =	sdelay $0x1  }
0x371: {  	v22 =	vmul.f32 v22, v10;
	v23 =	vmul.f32 v23, v16  }
0x372: {  	v21 =	vmul.f32 v21, v9;
	v25 =	vmul.f32 v62, v9  }
0x373: {  	v26 =	vmul.f32 v63, v13;
	v27 =	vmul.f32 v27, v13  }
0x374: {  	v24 =	vmul.f32 v61, v10;
	v28 =	vmul.f32 v28, v16  }
0x375: {  	v25 =	vadd.f32 v25, v26;
	v21 =	vadd.f32 v21, v27  }
0x376: {  	v24 =	vadd.f32 v24, v28;
	v22 =	vadd.f32 v22, v23  }
0x377: {  	v23 =	vmul.f32 v25, v20;
	v21 =	vmul.f32 v21, v7  }
0x378: {  	v24 =	vmul.f32 v24, v15;
	v22 =	vmul.f32 v22, v8;
	_ =	sdelay $0x1  }
0x379: {  	v21 =	vadd.f32 v21, v23;
	v22 =	vadd.f32 v22, v24;
	_ =	sdelay $0x1  }
0x37a: {  	v21 =	vmul.f32 v21, v19;
	v22 =	vmul.f32 v22, v14;
	_ =	sdelay $0x1  }
0x37b: {  	v21 =	vadd.f32 v22, v21;
	_ =	sdelay $0x1  }
0x37c: {  	[tilespmem:s12+$0x8A00] =	vst v21  }
0x37d: {  	v22 =	vld [tilespmem:s8+$0x6400]  }
0x37e: {  	v21 =	vld [tilespmem:s8+$0x6500]  }
0x37f: {  	s23 =	simm.s32 $0x80;
	s15 =	simm.s32 $0xFFFFFF00;
	v23 =	vld [tilespmem:s8+$0x6700]  }
.LBB2_9:
0x380: {  	_ = 	snop  }
0x381: {  	v24 =	vld [tilespmem:s8+$0x6600];
	s0 =	sadd.s32 $0x10, s0;
	s15 =	sadd.s32 $0x10, s15;
	s2 =	sadd.s32 $0x10, s2  }
0x382: {  	p0 =	sne.s32 s23, $0x780;
	s14 =	smov.u32 s23;
	s23 =	sadd.s32 $0x80, s23;
	v22 =	vmul.f32 v22, v17  }
0x383: {  	v21 =	vmul.f32 v21, v12  }
0x384: {  	v12 =	vmul.f32 v23, v12  }
0x385: {  	v21 =	vadd.f32 v21, v22  }
0x386: {  	v17 =	vmul.f32 v24, v17  }
0x387: {  	v18 =	vmul.f32 v21, v18  }
0x388: {  	v12 =	vadd.f32 v12, v17;
	_ =	sdelay $0x1  }
0x389: {  	v11 =	vmul.f32 v12, v11;
	_ =	sdelay $0x1  }
0x38a: {  	v11 =	vadd.f32 v11, v18;
	_ =	sdelay $0x1  }
0x38b: {  	[tilespmem:s12+$0x8900] =	vst v11  }
0x38c: {  	v11 =	vld [tilespmem:s8+$0x6800]  }
0x38d: {  	v12 =	vld [tilespmem:s8+$0x6900]  }
0x38e: {  	v17 =	vld [tilespmem:s8+$0x6B00]  }
0x38f: {  	v18 =	vld [tilespmem:s8+$0x6C00]  }
0x390: {  	v21 =	vld [tilespmem:s8+$0x6D00]  }
0x391: {  	v11 =	vmul.f32 v11, v13;
	v22 =	vld [tilespmem:s8+$0x6E00]  }
0x392: {  	v12 =	vmul.f32 v12, v9;
	v23 =	vld [tilespmem:s8+$0x6F00]  }
0x393: {  	v24 =	vld [tilespmem:s8+$0x6A00];
	v9 =	vmul.f32 v17, v9  }
0x394: {  	v11 =	vadd.f32 v12, v11;
	v12 =	vmul.f32 v18, v16  }
0x395: {  	v17 =	vmul.f32 v21, v10  }
0x396: {  	v11 =	vmul.f32 v11, v20;
	v16 =	vmul.f32 v22, v16  }
0x397: {  	v12 =	vadd.f32 v17, v12;
	v10 =	vmul.f32 v23, v10  }
0x398: {  	v13 =	vmul.f32 v24, v13  }
0x399: {  	v10 =	vadd.f32 v10, v16;
	v12 =	vmul.f32 v12, v15  }
0x39a: {  	v9 =	vadd.f32 v9, v13  }
0x39b: {  	v8 =	vmul.f32 v10, v8  }
0x39c: {  	v7 =	vmul.f32 v9, v7  }
0x39d: {  	v8 =	vadd.f32 v8, v12  }
0x39e: {  	v7 =	vadd.f32 v7, v11  }
0x39f: {  	s8 =	sadd.s32 $0x100, s15;
	v8 =	vmul.f32 v8, v14  }
0x3a0: {  	s16 =	sand.u32 $0x400, s14;
	s12 =	sand.u32 $0x70, s8;
	v7 =	vmul.f32 v7, v19  }
0x3a1: {  	s12 =	sor.u32 s12, s16  }
0x3a2: {  	s8 =	sand.u32 $0xF0, s8;
	v7 =	vadd.f32 v8, v7;
	_ =	sdelay $0x1  }
0x3a3: {  	s14 =	sand.u32 $0xFFFFFC00, s14;
	[tilespmem:s3+$0x8800] =	vst v7  }
0x3a4: {  	s3 =	sadd.s32 s14, s0;
	v7 =	vld [tilespmem:s8+$0x4D00]  }
0x3a5: {  	s14 =	sor.u32 $0x80, s3;
	v8 =	vld [tilespmem:s8+$0x4E00]  }
0x3a6: {  	v11 =	vld [tilespmem:s14+$0x7800]  }
0x3a7: {  	v12 =	vld [tilespmem:s12+$0x7800]  }
0x3a8: {  	v9 =	vld [tilespmem:s8+$0x4F00]  }
0x3a9: {  	v10 =	vld [tilespmem:s2+$0x0];
	_ =	sdelay $0x2  }
0x3aa: {  	v18 =	vsub.f32 $1.000000000e+00, v11;
	v17 =	vsub.f32 $1.000000000e+00, v12;
	v7 =	vmul.f32 v7, v12  }
0x3ab: {  	v13 =	vmul.f32 v9, v12  }
0x3ac: {  	v10 =	vmul.f32 v10, v17;
	v8 =	vmul.f32 v8, v17;
	_ =	sdelay $0x1  }
0x3ad: {  	s16 =	sor.u32 $0x180, s3;
	s3 =	sor.u32 $0x280, s3;
	v9 =	vld [tilespmem:s12+$0x7900];
	v10 =	vadd.f32 v7, v10;
	v13 =	vadd.f32 v13, v8  }
0x3ae: {  	v7 =	vld [tilespmem:s16+$0x7800]  }
0x3af: {  	v8 =	vld [tilespmem:s3+$0x7800];
	v14 =	vmul.f32 v10, v18;
	v13 =	vmul.f32 v13, v11  }
0x3b0: {  	v10 =	vld [tilespmem:s12+$0x7A00]  }
0x3b1: {  	v13 =	vadd.f32 v13, v14;
	_ =	sdelay $0x1  }
0x3b2: {  	[tilespmem:s12+$0x8800] =	vst v13  }
0x3b3: {  	v14 =	vld [tilespmem:s8+$0x5000]  }
0x3b4: {  	v19 =	vld [tilespmem:s8+$0x5700];
	v16 =	vsub.f32 $1.000000000e+00, v10  }
0x3b5: {  	v13 =	vsub.f32 $1.000000000e+00, v9;
	v20 =	vld [tilespmem:s8+$0x5200]  }
0x3b6: {  	v21 =	vld [tilespmem:s8+$0x5300]  }
0x3b7: {  	v15 =	vsub.f32 $1.000000000e+00, v8;
	v22 =	vld [tilespmem:s8+$0x5100]  }
0x3b8: {  	v23 =	vmul.f32 v14, v13;
	v24 =	vld [tilespmem:s8+$0x5400]  }
0x3b9: {  	v25 =	vld [tilespmem:s8+$0x5600];
	v19 =	vmul.f32 v19, v10  }
0x3ba: {  	v20 =	vmul.f32 v20, v13;
	v26 =	vld [tilespmem:s8+$0x5500]  }
0x3bb: {  	v21 =	vmul.f32 v21, v9  }
0x3bc: {  	v14 =	vld [tilespmem:s12+$0x7B00];
	v22 =	vmul.f32 v22, v9  }
0x3bd: {  	v21 =	vadd.f32 v21, v20;
	v20 =	vsub.f32 $1.000000000e+00, v7;
	v24 =	vmul.f32 v24, v16  }
0x3be: {  	v22 =	vadd.f32 v22, v23;
	v23 =	vmul.f32 v25, v16  }
0x3bf: {  	v21 =	vmul.f32 v21, v7;
	v25 =	vmul.f32 v26, v10  }
0x3c0: {  	v22 =	vmul.f32 v22, v20;
	v23 =	vadd.f32 v19, v23  }
0x3c1: {  	v24 =	vadd.f32 v25, v24;
	v19 =	vsub.f32 $1.000000000e+00, v14  }
0x3c2: {  	v21 =	vadd.f32 v21, v22;
	v22 =	vmul.f32 v23, v8  }
0x3c3: {  	v23 =	vmul.f32 v24, v15;
	_ =	sdelay $0x1  }
0x3c4: {  	v22 =	vadd.f32 v22, v23;
	_ =	sdelay $0x1  }
0x3c5: {  	v21 =	vmul.f32 v21, v19;
	v22 =	vmul.f32 v22, v14;
	_ =	sdelay $0x1  }
0x3c6: {  	v21 =	vadd.f32 v22, v21;
	_ =	sdelay $0x1  }
0x3c7: {  	[tilespmem:s16+$0x8800] =	vst v21  }
0x3c8: {  	v21 =	vld [tilespmem:s8+$0x5800]  }
0x3c9: {  	v22 =	vld [tilespmem:s8+$0x5900]  }
0x3ca: {  	v23 =	vld [tilespmem:s8+$0x5A00];
	_ =	sdelay $0x2  }
0x3cb: {  	v24 =	vld [tilespmem:s8+$0x5B00];
	v21 =	vmul.f32 v21, v17  }
0x3cc: {  	v22 =	vmul.f32 v22, v12  }
0x3cd: {  	v23 =	vmul.f32 v23, v17  }
0x3ce: {  	v21 =	vadd.f32 v22, v21;
	_ =	sdelay $0x1  }
0x3cf: {  	v22 =	vmul.f32 v24, v12;
	v21 =	vmul.f32 v21, v18;
	_ =	sdelay $0x1  }
0x3d0: {  	v22 =	vadd.f32 v22, v23;
	_ =	sdelay $0x1  }
0x3d1: {  	v22 =	vmul.f32 v22, v11;
	_ =	sdelay $0x1  }
0x3d2: {  	v21 =	vadd.f32 v22, v21;
	_ =	sdelay $0x1  }
0x3d3: {  	[tilespmem:s14+$0x8800] =	vst v21  }
0x3d4: {  	v21 =	vld [tilespmem:s8+$0x5F00]  }
0x3d5: {  	v22 =	vld [tilespmem:s8+$0x6300]  }
0x3d6: {  	v23 =	vld [tilespmem:s8+$0x6200]  }
0x3d7: {  	v24 =	vld [tilespmem:s8+$0x6100]  }
0x3d8: {  	v25 =	vld [tilespmem:s8+$0x5D00]  }
0x3d9: {  	v26 =	vld [tilespmem:s8+$0x5C00]  }
0x3da: {  	v27 =	vld [tilespmem:s8+$0x5E00];
	v22 =	vmul.f32 v22, v10  }
0x3db: {  	v23 =	vmul.f32 v23, v16  }
0x3dc: {  	v21 =	vmul.f32 v21, v9;
	v24 =	vmul.f32 v24, v10  }
0x3dd: {  	v25 =	vmul.f32 v25, v9;
	v28 =	vld [tilespmem:s8+$0x6000]  }
0x3de: {  	v26 =	vmul.f32 v26, v13  }
0x3df: {  	v27 =	vmul.f32 v27, v13  }
0x3e0: {  	v25 =	vadd.f32 v25, v26  }
0x3e1: {  	v21 =	vadd.f32 v21, v27  }
0x3e2: {  	v25 =	vmul.f32 v25, v20;
	v26 =	vmul.f32 v28, v16  }
0x3e3: {  	v21 =	vmul.f32 v21, v7  }
0x3e4: {  	v22 =	vadd.f32 v22, v23;
	v24 =	vadd.f32 v24, v26  }
0x3e5: {  	v21 =	vadd.f32 v21, v25  }
0x3e6: {  	v22 =	vmul.f32 v22, v8;
	v23 =	vmul.f32 v24, v15  }
0x3e7: {  	v21 =	vmul.f32 v21, v19  }
0x3e8: {  	v22 =	vadd.f32 v22, v23;
	_ =	sdelay $0x1  }
0x3e9: {  	v22 =	vmul.f32 v22, v14;
	_ =	sdelay $0x1  }
0x3ea: {  	v21 =	vadd.f32 v22, v21  }
.Ltmp3:
0x3eb: {  	(pc) =	sbr.rel @p0 .LBB2_9-.Ltmp3, $4  }
0x3ec: {  	[tilespmem:s12+$0x8A00] =	vst v21  }
0x3ed: {  	v22 =	vld [tilespmem:s8+$0x6400]  }
0x3ee: {  	v21 =	vld [tilespmem:s8+$0x6500]  }
0x3ef: {  	v23 =	vld [tilespmem:s8+$0x6700]  }
0x3f0: {  	v24 =	vld [tilespmem:s8+$0x6600];
	_ =	sdelay $0x3  }
0x3f1: {  	v22 =	vmul.f32 v22, v17;
	v21 =	vmul.f32 v21, v12  }
0x3f2: {  	v47 =	vmul.f32 v23, v12;
	v48 =	vmul.f32 v24, v17;
	_ =	sdelay $0x1  }
0x3f3: {  	v21 =	vadd.f32 v21, v22;
	v12 =	vadd.f32 v47, v48;
	_ =	sdelay $0x1  }
0x3f4: {  	v49 =	vmul.f32 v21, v18;
	v11 =	vmul.f32 v12, v11;
	_ =	sdelay $0x1  }
0x3f5: {  	v11 =	vadd.f32 v11, v49;
	_ =	sdelay $0x1  }
0x3f6: {  	[tilespmem:s12+$0x8900] =	vst v11  }
0x3f7: {  	v11 =	vld [tilespmem:s8+$0x6800]  }
0x3f8: {  	v50 =	vld [tilespmem:s8+$0x6900]  }
0x3f9: {  	v51 =	vld [tilespmem:s8+$0x6B00]  }
0x3fa: {  	v52 =	vld [tilespmem:s8+$0x6C00]  }
0x3fb: {  	v53 =	vld [tilespmem:s8+$0x6D00]  }
0x3fc: {  	v54 =	vld [tilespmem:s8+$0x6E00]  }
0x3fd: {  	v55 =	vld [tilespmem:s8+$0x6F00]  }
0x3fe: {  	v56 =	vld [tilespmem:s8+$0x6A00];
	_ =	sdelay $0x1  }
0x3ff: {  	v11 =	vmul.f32 v11, v13;
	v12 =	vmul.f32 v50, v9  }
0x400: {  	v57 =	vmul.f32 v51, v9;
	v58 =	vmul.f32 v52, v16  }
0x401: {  	v59 =	vmul.f32 v53, v10;
	v60 =	vmul.f32 v54, v16  }
0x402: {  	v61 =	vmul.f32 v55, v10;
	v62 =	vmul.f32 v56, v13  }
0x403: {  	v11 =	vadd.f32 v12, v11;
	v63 =	vadd.f32 v59, v58  }
0x404: {  	v10 =	vadd.f32 v61, v60;
	v9 =	vadd.f32 v57, v62  }
0x405: {  	v11 =	vmul.f32 v11, v20;
	v12 =	vmul.f32 v63, v15  }
0x406: {  	v8 =	vmul.f32 v10, v8;
	v7 =	vmul.f32 v9, v7;
	_ =	sdelay $0x1  }
0x407: {  	v8 =	vadd.f32 v8, v12;
	v7 =	vadd.f32 v7, v11;
	_ =	sdelay $0x1  }
0x408: {  	v8 =	vmul.f32 v8, v14;
	v7 =	vmul.f32 v7, v19;
	_ =	sdelay $0x1  }
0x409: {  	s19 =	sadd.s32 $0x1, s19;
	v7 =	vadd.f32 v8, v7  }
0x40a: {  	s0 =	sadd.s32 s7, s25;
	p0 =	sne.s32 s19, $0x10  }
.Ltmp4:
0x40b: {  	s2 =	simm.s32 $0x0;
	s30 =	simm.s32 $0x8800;
	[tilespmem:s3+$0x8800] =	vst v7;
	(pc) =	sbr.rel @p0 .LBB2_2-.Ltmp4, $4  }
0x40c: {  	[hbm4b:s0+s2] =	stream.linear.scatter [tilespmem:s30], [sflag:$0x3], $0x800, $0x38;
	[tilespmem:$0x9000] =	vst v63  }
0x40d: {  	_ =	swait.ge [sflag:s10], $0x800  }
0x40e: {  	[sflag:s10] =	ssyncset.done $0x0  }
0x40f: {  	[sflag:s10] =	ssyncadd.s32 $0xFFFFF800  }
0x410: {  	s2 =	rddreg [dreg:$0x4]  }
0x411: {  	s0 =	rddreg [dreg:$0x3];
	s2 =	sadd.s32 $0x1, s2  }
0x412: {  	p0 =	sne.s32 s2, s0  }
.Ltmp5:
0x413: {  	_ = 	snop;
	(pc) =	sbr.rel @p0 .LBB2_1-.Ltmp5, $1  }
0x414: {  	_ =	sdelay $0x3  }
0x415: {  	_ =	sfence.sel $0x180000  }
0x416: {  	[bflag:$0x0] =	sbarrier.arrive $0xFFFF  }
0x417: {  	_ =	strace $0x90000047  }
0x418: {  	s0 =	stileid.u32;
	[bflag:$0x2] =	sbarrier.arrive $0xFFFF  }
0x419: {  	p0 =	sne.s32 s0, $0x0;
	s0 =	rddreg [dreg:$0x1]  }
0x41a: {  	s0 =	sadd.s32 @!p0 $0x100000, s0  }
0x41b: {  	[sflag:s0] =	ssyncadd.tile.s32 @!p0 $0x1;
	_ =	shalt  }
.Lfunc_end2:
_tile_overlayer_lowered:
.L_overlay_start_2:
0x41c: {  	(tag) =	ssettag $0x2  }
0x41d: {  	s0 =	rddreg [dreg:$0x0];
	s2 =	stileid.u32  }
0x41e: {  	s1 =	rddreg [dreg:$0x1];
	p0 =	sne.s32 s2, $0x0  }
0x41f: {  	s3 =	rddreg [dreg:$0x2];
	[bflag:$0x3] =	sbarrier.arrive $0xFFFF;
	s2 =	simm.s32 @!p0 $0x1C03  }
0x420: {  	[timem:s3], [sflag:s2] =	dma.local @!p0 [hbm:s0], s1  }
0x421: {  	s0 =	simm.s32 @!p0 $0x3  }
0x422: {  	_ =	swait.ge @!p0 [sflag:s0], s1  }
0x423: {  	s1 =	ssub.s32 @!p0 $0x0, s1;
	[sflag:s0] =	ssyncset.done @!p0 $0x0  }
0x424: {  	[sflag:s0] =	ssyncadd.s32 @!p0 s1  }
0x425: {  	[bflag:$0x3] =	sbarrier.arrive $0xFFFF  }
0x426: {  	_ =	shalt  }

</sc_bundles>
